<compile_context>
chip_gen: v7x
topology: tpu7x:2x2x1
jax: 0.10.2.dev20260603
libtpu: 0.0.44.dev20260713+nightly
codegen_flags: <defaults>
</compile_context>

<pallas_src>
import functools

import jax
import jax.numpy as jnp
from jax import lax
from jax.experimental import pallas as pl
from jax.experimental.pallas import tpu as pltpu
from jax.experimental.pallas import tpu_sc as plsc

_N = 10000
_E = 320000
_D = 128
_H = 4
_NC = 2
_NS = 16
_DSL = _D // _NS
_C = 256
_SCH = 16
_NSUP = 80
_NCH = _NSUP * _SCH
_EP = _NCH * _C

_f32 = jnp.float32
_i32 = jnp.int32


def _tc_encode(x, Wc, Apack, attn_pad):
    bN = 1000
    nb = _N // bN

    def body(x_ref, wc_ref, ap_ref, ab_ref, h0_ref, h1_ref, h2_ref, h3_ref,
             sc_ref, mx_ref):
        h = jnp.dot(x_ref[...], wc_ref[...], preferred_element_type=_f32)
        for hd, href in enumerate((h0_ref, h1_ref, h2_ref, h3_ref)):
            href[...] = h[:, hd * _D:(hd + 1) * _D]
        sc = jnp.dot(h, ap_ref[...], preferred_element_type=_f32) + ab_ref[0:1, :]
        sc_ref[...] = sc
        bmax = jnp.broadcast_to(jnp.max(sc, axis=0, keepdims=True), (8, 128))

        @pl.when(pl.program_id(0) == 0)
        def _():
            mx_ref[...] = bmax

        @pl.when(pl.program_id(0) != 0)
        def _():
            mx_ref[...] = jnp.maximum(mx_ref[...], bmax)

    hspec = pl.BlockSpec((bN, _D), lambda i: (i, 0))
    return pl.pallas_call(
        body,
        grid=(nb,),
        in_specs=[
            pl.BlockSpec((bN, _D), lambda i: (i, 0)),
            pl.BlockSpec((_D, _H * _D), lambda i: (0, 0)),
            pl.BlockSpec((_H * _D, 128), lambda i: (0, 0)),
            pl.BlockSpec((8, 128), lambda i: (0, 0)),
        ],
        out_specs=[hspec, hspec, hspec, hspec,
                   pl.BlockSpec((bN, 128), lambda i: (i, 0)),
                   pl.BlockSpec((8, 128), lambda i: (0, 0))],
        out_shape=[jax.ShapeDtypeStruct((_N, _D), _f32)] * _H + [
            jax.ShapeDtypeStruct((_N, 128), _f32),
            jax.ShapeDtypeStruct((8, 128), _f32),
        ],
    )(x, Wc, Apack, attn_pad)


def _sc_edge(hsl, tabs, row2d, col2d, shift16):
    mesh = plsc.VectorSubcoreMesh(core_axis_name="c", subcore_axis_name="s",
                                  num_cores=_NC, num_subcores=_NS)

    @functools.partial(
        pl.kernel,
        out_type=[jax.ShapeDtypeStruct((_H * _NS, _N, _DSL), _f32),
                  jax.ShapeDtypeStruct((_H * _N,), _f32),
                  jax.ShapeDtypeStruct((_H * _NCH, _C), _f32)],
        mesh=mesh,
        compiler_params=pltpu.CompilerParams(needs_layout_passes=False,
                                             use_tc_tiling_on_sc=False),
        scratch_types=[
            pltpu.VMEM((_SCH, _C), _i32),
            pltpu.VMEM((_SCH, _C), _i32),
            pltpu.VMEM((2 * _N,), _f32),
            pltpu.VMEM((_C, _DSL), _f32),
            pltpu.VMEM((_C, _DSL), _f32),
            pltpu.VMEM((_N, _DSL), _f32),
            pltpu.VMEM((_N,), _f32),
            pltpu.VMEM((_SCH, _C), _f32),
            pltpu.VMEM((16,), _f32),
            pltpu.SemaphoreType.DMA,
            pltpu.SemaphoreType.DMA,
        ],
    )
    def kfn(hsl_r, tab_r, row_r, col_r, shift_r, acc_o, den_o, exw_o,
            row_v, col_v, tab_v, hs0_v, hs1_v, acc_v, den_v, exs_v, shift_v,
            sem0, sem1):
        c = lax.axis_index("c")
        s = lax.axis_index("s")
        pltpu.sync_copy(shift_r, shift_v)
        lane = lax.iota(_i32, 16)
        zero16 = jnp.zeros((16,), _f32)
        cds = [jnp.full((16,), d, _i32) for d in range(_DSL)]

        for hg in range(_H):

            @pl.when(c == hg // 2)
            def _(hg=hg):
                pltpu.sync_copy(tab_r.at[pl.ds(hg * 2 * _N, 2 * _N)], tab_v)

                def zacc(i, carry):
                    n16 = i * 16 + lane
                    for d in range(_DSL):
                        plsc.store_scatter(acc_v, [n16, cds[d]], zero16)
                    return carry

                def zden(i, carry):
                    den_v[pl.ds(i * 16, 16)] = zero16
                    return carry

                lax.fori_loop(0, _N // 16, zacc, 0)
                lax.fori_loop(0, _N // 16, zden, 0)

                shift_vec = shift_v[...]
                view = hsl_r.at[pl.ds((hg * _NS + s) * _N, _N)]

                slab0 = s * (_NCH // _NS)

                def p1_sup(u1, carry):
                    base_ch = slab0 + u1 * _SCH
                    pltpu.sync_copy(row_r.at[pl.ds(base_ch, _SCH)], row_v)
                    pltpu.sync_copy(col_r.at[pl.ds(base_ch, _SCH)], col_v)

                    def p1_chunk(k, c1):
                        eid0 = (base_ch + k) * _C + lane

                        def p1_group(g, c2):
                            row16 = row_v[k, pl.ds(g * 16, 16)]
                            col16 = col_v[k, pl.ds(g * 16, 16)]
                            sd = plsc.load_gather(tab_v, [row16])
                            ss = plsc.load_gather(tab_v, [col16 + _N])
                            e = sd + ss
                            e = jnp.maximum(e, e * 0.2)
                            ex = jnp.exp(e - shift_vec)
                            exs_v[k, pl.ds(g * 16, 16)] = jnp.where(
                                eid0 + g * 16 < _E, ex, zero16)
                            return c2

                        lax.fori_loop(0, _C // 16, p1_group, 0)
                        return c1

                    lax.fori_loop(0, _SCH, p1_chunk, 0)
                    pltpu.sync_copy(
                        exs_v, exw_o.at[pl.ds(hg * _NCH + base_ch, _SCH)])
                    return carry

                lax.fori_loop(0, _NCH // _NS // _SCH, p1_sup, 0)
                plsc.subcore_barrier()

                def compute_chunk(u, k, hs):
                    def group_one(g, c2):
                        row16 = row_v[k, pl.ds(g * 16, 16)]
                        ex = exs_v[k, pl.ds(g * 16, 16)]

                        @pl.when(s == 0)
                        def _():
                            plsc.addupdate_scatter(den_v, [row16], ex)

                        e16 = g * 16 + lane
                        for d in range(_DSL):
                            vals = plsc.load_gather(hs, [e16, cds[d]])
                            plsc.addupdate_scatter(
                                acc_v, [row16, cds[d]], vals * ex)
                        return c2

                    def group_body(q, c2):
                        for j in range(4):
                            group_one(q * 4 + j, c2)
                        return c2

                    lax.fori_loop(0, _C // 64, group_body, 0)

                def sup_body(u, carry):
                    pltpu.sync_copy(row_r.at[pl.ds(u * _SCH, _SCH)], row_v)
                    pltpu.sync_copy(col_r.at[pl.ds(u * _SCH, _SCH)], col_v)
                    pltpu.sync_copy(
                        exw_o.at[pl.ds(hg * _NCH + u * _SCH, _SCH)], exs_v)
                    pltpu.async_copy(view.at[col_v.at[0]], hs0_v, sem0)

                    def pair_body(i, c1):
                        k0 = i * 2
                        pltpu.async_copy(view.at[col_v.at[k0 + 1]], hs1_v, sem1)
                        pltpu.make_async_copy(
                            view.at[col_v.at[k0]], hs0_v, sem0).wait()
                        compute_chunk(u, k0, hs0_v)

                        @pl.when(i < _SCH // 2 - 1)
                        def _():
                            pltpu.async_copy(
                                view.at[col_v.at[k0 + 2]], hs0_v, sem0)

                        pltpu.make_async_copy(
                            view.at[col_v.at[k0 + 1]], hs1_v, sem1).wait()
                        compute_chunk(u, k0 + 1, hs1_v)
                        return c1

                    lax.fori_loop(0, _SCH // 2, pair_body, 0)
                    return carry

                lax.fori_loop(0, _NSUP, sup_body, 0)

                pltpu.sync_copy(acc_v, acc_o.at[hg * _NS + s])

                @pl.when(s == 0)
                def _():
                    pltpu.sync_copy(den_v, den_o.at[pl.ds(hg * _N, _N)])

    return kfn(hsl, tabs, row2d, col2d, shift16)


def _tc_finalize(acc2, den8, bias2d):
    bN = 1000
    nb = _N // bN

    def body(acc_ref, den_ref, b_ref, o_ref):
        parts = []
        for hd in range(_H):
            a = acc_ref[:, hd * _D:(hd + 1) * _D]
            d = den_ref[:, hd:hd + 1]
            safe = jnp.where(d > 0, d, 1.0)
            parts.append(jnp.where(d > 0, jnp.maximum(a / safe, 0.0), 0.0))
        o_ref[...] = jnp.concatenate(parts, axis=1) + b_ref[0:1, :]

    return pl.pallas_call(
        body,
        grid=(nb,),
        in_specs=[
            pl.BlockSpec((bN, _H * _D), lambda i: (i, 0)),
            pl.BlockSpec((bN, 8), lambda i: (i, 0)),
            pl.BlockSpec((8, _H * _D), lambda i: (0, 0)),
        ],
        out_specs=pl.BlockSpec((bN, _H * _D), lambda i: (i, 0)),
        out_shape=jax.ShapeDtypeStruct((_N, _H * _D), _f32),
    )(acc2, den8, bias2d)


def kernel(x, edge_index, W, a, attn_b, model_bias):
    Wc = W.transpose(1, 0, 2).reshape(_D, _H * _D)
    av = a[:, :, 0]
    Apack = jnp.zeros((_H * _D, 128), _f32)
    attn_pad = jnp.zeros((8, 128), _f32)
    for hd in range(_H):
        ccol = (hd // 2) * 4 + (hd % 2)
        scol = (hd // 2) * 4 + 2 + (hd % 2)
        Apack = Apack.at[hd * _D:(hd + 1) * _D, ccol].set(av[hd, :_D])
        Apack = Apack.at[hd * _D:(hd + 1) * _D, scol].set(av[hd, _D:])
        attn_pad = attn_pad.at[0, ccol].set(attn_b[hd, 0])

    h0, h1, h2, h3, scores, smax = _tc_encode(x, Wc, Apack, attn_pad)

    m = smax[0]
    sraw = jnp.stack([m[(hd // 2) * 4 + (hd % 2)] + m[(hd // 2) * 4 + 2 + (hd % 2)]
                      for hd in range(_H)]).max()
    shift = jnp.maximum(sraw, 0.2 * sraw)
    shift16 = jnp.full((16,), shift, _f32)

    tabs = jnp.concatenate([
        jnp.concatenate([scores[:, (hd // 2) * 4 + (hd % 2)],
                         scores[:, (hd // 2) * 4 + 2 + (hd % 2)]])
        for hd in range(_H)])

    hsl = (jnp.stack([h0, h1, h2, h3])
           .reshape(_H, _N, _NS, _DSL)
           .transpose(0, 2, 1, 3)
           .reshape(_H * _NS * _N, _DSL))

    pad = jnp.zeros((_EP - _E,), _i32)
    row2d = jnp.concatenate([edge_index[0], pad]).reshape(_NCH, _C)
    col2d = jnp.concatenate([edge_index[1], pad]).reshape(_NCH, _C)

    acc, den, _ = _sc_edge(hsl, tabs, row2d, col2d, shift16)

    acc2 = (acc.reshape(_H, _NS, _N, _DSL)
            .transpose(2, 0, 1, 3)
            .reshape(_N, _H * _D))
    denT = den.reshape(_H, _N).T
    den8 = jnp.concatenate([denT, denT], axis=1)
    bias2d = jnp.broadcast_to(model_bias[None, :], (8, _H * _D))
    return _tc_finalize(acc2, den8, bias2d)

# --- scband reference (transcript-rebuilt; emitter-appended) ---
"""Pipeline reference for scband-graph-attention-5377299054622 (READ-ONLY COPY).

The authoritative reference and input builder live on the scoring server;
editing this copy changes nothing except your own understanding.
"""

import jax, jax.numpy as jnp
import numpy as np

N = 10000
E = 320000
D_IN = 128
D_OUT = 128
H = 4


def setup_inputs(seed: int = 0) -> dict:
    key = jax.random.key(seed)
    k1, k2, k3, k4 = jax.random.split(key, 4)
    x = jax.random.normal(k1, (N, D_IN), dtype=jnp.float32)
    edge_index = jax.random.randint(k2, (2, E), 0, N, dtype=jnp.int32)
    # glorot-init encoder weights per head
    W = jax.random.normal(k3, (H, D_IN, D_OUT), dtype=jnp.float32) * np.sqrt(2.0 / (D_IN + D_OUT))
    a = jax.random.normal(k4, (H, 2 * D_OUT, 1), dtype=jnp.float32) * np.sqrt(2.0 / (2 * D_OUT + 1))
    attn_b = jnp.zeros((H, 1), dtype=jnp.float32)
    model_bias = jnp.zeros((H * D_OUT,), dtype=jnp.float32)
    return {"x": x, "edge_index": edge_index, "W": W, "a": a, "attn_b": attn_b, "model_bias": model_bias}


def reference(x, edge_index, W, a, attn_b, model_bias):
    # adj.indices[:, 0] = row (dst), adj.indices[:, 1] = col (src)
    row = edge_index[0]
    col = edge_index[1]
    head_outputs = []
    for i in range(H):
        # transformed_features = x @ encoder_weights_i
        h = x @ W[i]  # [N, D_OUT]
        # pairwise features: concat(gather(h, row), gather(h, col))
        pair = jnp.concatenate([h[row], h[col]], axis=1)  # [E, 2*D_OUT]
        e = (pair @ a[i]).reshape(-1) + attn_b[i][0]  # attention_bias added
        e = jax.nn.leaky_relu(e, negative_slope=0.2)
        # sparse softmax over rows (dst nodes)
        m = jax.ops.segment_max(e, row, num_segments=N)
        m = jnp.where(jnp.isfinite(m), m, 0.0)
        ex = jnp.exp(e - m[row])
        denom = jax.ops.segment_sum(ex, row, num_segments=N)
        alpha = ex / denom[row]
        # sparse matmul: out[row] += alpha * h[col]
        out = jax.ops.segment_sum(alpha[:, None] * h[col], row, num_segments=N)
        # average_heads=False -> apply act per head
        head_outputs.append(jax.nn.relu(out))
    output = jnp.concatenate(head_outputs, axis=1)  # [N, H*D_OUT]
    output = output + model_bias  # bias=True
    return output

if __name__ == "__main__":
    import jax
    _d = setup_inputs()
    print(jax.jit(kernel)(*tuple(_d.values())))

</pallas_src>

<mosaic_0001>
#map = affine_map<(d0, d1) -> (0, 0)>
#map1 = affine_map<(d0, d1) -> (0)>
#map2 = affine_map<(d0, d1) -> (0, 0, 0)>
module attributes {stable_mosaic.version = 14 : i64} {
  func.func @kfn(%arg0: i32, %arg1: i32, %arg2: memref<640000x8xf32, #tpu.memory_space<hbm>>, %arg3: memref<80000xf32, #tpu.memory_space<hbm>>, %arg4: memref<1280x256xi32, #tpu.memory_space<hbm>>, %arg5: memref<1280x256xi32, #tpu.memory_space<hbm>>, %arg6: memref<16xf32, #tpu.memory_space<hbm>>, %arg7: memref<64x10000x8xf32, #tpu.memory_space<hbm>>, %arg8: memref<40000xf32, #tpu.memory_space<hbm>>, %arg9: memref<5120x256xf32, #tpu.memory_space<hbm>>, %arg10: memref<16x256xi32, #tpu.memory_space<vmem>>, %arg11: memref<16x256xi32, #tpu.memory_space<vmem>>, %arg12: memref<20000xf32, #tpu.memory_space<vmem>>, %arg13: memref<256x8xf32, #tpu.memory_space<vmem>>, %arg14: memref<256x8xf32, #tpu.memory_space<vmem>>, %arg15: memref<10000x8xf32, #tpu.memory_space<vmem>>, %arg16: memref<10000xf32, #tpu.memory_space<vmem>>, %arg17: memref<16x256xf32, #tpu.memory_space<vmem>>, %arg18: memref<16xf32, #tpu.memory_space<vmem>>, %arg19: memref<!tpu.dma_semaphore, #tpu.memory_space<semaphore_mem>>, %arg20: memref<!tpu.dma_semaphore, #tpu.memory_space<semaphore_mem>>) attributes {dimension_semantics = [#tpu.dimension_semantics<core_parallel>, #tpu.dimension_semantics<subcore_parallel>], iteration_bounds = array<i64: 2, 16>, scalar_prefetch = 0 : i64, scratch_operands = 11 : i64, tpu.core_type = #tpu.core_type<sc_vector_subcore>, window_params = [{transform_indices = #map}, {transform_indices = #map1}, {transform_indices = #map}, {transform_indices = #map}, {transform_indices = #map1}, {transform_indices = #map2}, {transform_indices = #map1}, {transform_indices = #map}]} {
    "tpu.region"() ({
      %run_scoped3A = tpu.sem_alloc : memref<!tpu.dma_semaphore, #tpu.memory_space<semaphore_mem>>
      tpu.enqueue_dma source(%arg6 : memref<16xf32, #tpu.memory_space<hbm>>) target(%arg18 : memref<16xf32, #tpu.memory_space<vmem>>) target_semaphore(%run_scoped3A : memref<!tpu.dma_semaphore, #tpu.memory_space<semaphore_mem>>)
      tpu.wait_dma2 semaphore(%run_scoped3A : memref<!tpu.dma_semaphore, #tpu.memory_space<semaphore_mem>>) src(%arg6 : memref<16xf32, #tpu.memory_space<hbm>>) dst(%arg18 : memref<16xf32, #tpu.memory_space<vmem>>)
      tpu.yield
    }) : () -> ()
    %iota3A = tpu.iota {dimensions = array<i32: 0>} : vector<16xi32>
    %broadcast_in_dim3A = arith.constant 0.000000e+00 : f32
    %broadcast_in_dim3A_0 = vector.broadcast %broadcast_in_dim3A : f32 to vector<16xf32>
    %broadcast_in_dim3A_1 = arith.constant 0 : i32
    %broadcast_in_dim3A_2 = vector.broadcast %broadcast_in_dim3A_1 : i32 to vector<16xi32>
    %broadcast_in_dim3A_3 = arith.constant 1 : i32
    %broadcast_in_dim3A_4 = vector.broadcast %broadcast_in_dim3A_3 : i32 to vector<16xi32>
    %broadcast_in_dim3A_5 = arith.constant 2 : i32
    %broadcast_in_dim3A_6 = vector.broadcast %broadcast_in_dim3A_5 : i32 to vector<16xi32>
    %broadcast_in_dim3A_7 = arith.constant 3 : i32
    %broadcast_in_dim3A_8 = vector.broadcast %broadcast_in_dim3A_7 : i32 to vector<16xi32>
    %broadcast_in_dim3A_9 = arith.constant 4 : i32
    %broadcast_in_dim3A_10 = vector.broadcast %broadcast_in_dim3A_9 : i32 to vector<16xi32>
    %broadcast_in_dim3A_11 = arith.constant 5 : i32
    %broadcast_in_dim3A_12 = vector.broadcast %broadcast_in_dim3A_11 : i32 to vector<16xi32>
    %broadcast_in_dim3A_13 = arith.constant 6 : i32
    %broadcast_in_dim3A_14 = vector.broadcast %broadcast_in_dim3A_13 : i32 to vector<16xi32>
    %broadcast_in_dim3A_15 = arith.constant 7 : i32
    %broadcast_in_dim3A_16 = vector.broadcast %broadcast_in_dim3A_15 : i32 to vector<16xi32>
    %eq3A = arith.constant 0 : i32
    %eq3A_17 = arith.cmpi eq, %arg0, %eq3A : i32
    %convert_element_type3A = arith.extui %eq3A_17 : i1 to i32
    %cond3A = arith.constant 0 : i32
    %cond3A_18 = arith.cmpi ne, %convert_element_type3A, %cond3A : i32
    scf.if %cond3A_18 {
      "tpu.region"() ({
        %run_scoped3A = tpu.sem_alloc : memref<!tpu.dma_semaphore, #tpu.memory_space<semaphore_mem>>
        %dma_start3A = arith.constant 0 : i32
        %dma_start3A_69 = tpu.memref_slice %arg3[%dma_start3A] : memref<80000xf32, #tpu.memory_space<hbm>> -> memref<20000xf32, #tpu.memory_space<hbm>>
        %dma_start3A_70 = arith.constant 0 : i32
        %dma_start3A_71 = tpu.memref_slice %arg3[%dma_start3A_70] : memref<80000xf32, #tpu.memory_space<hbm>> -> memref<20000xf32, #tpu.memory_space<hbm>>
        tpu.enqueue_dma source(%dma_start3A_71 : memref<20000xf32, #tpu.memory_space<hbm>>) target(%arg12 : memref<20000xf32, #tpu.memory_space<vmem>>) target_semaphore(%run_scoped3A : memref<!tpu.dma_semaphore, #tpu.memory_space<semaphore_mem>>)
        %dma_wait3A = arith.constant 0 : i32
        %dma_wait3A_72 = tpu.memref_slice %arg3[%dma_wait3A] : memref<80000xf32, #tpu.memory_space<hbm>> -> memref<20000xf32, #tpu.memory_space<hbm>>
        %dma_wait3A_73 = arith.constant 0 : i32
        %dma_wait3A_74 = tpu.memref_slice %arg3[%dma_wait3A_73] : memref<80000xf32, #tpu.memory_space<hbm>> -> memref<20000xf32, #tpu.memory_space<hbm>>
        tpu.wait_dma2 semaphore(%run_scoped3A : memref<!tpu.dma_semaphore, #tpu.memory_space<semaphore_mem>>) src(%dma_wait3A_74 : memref<20000xf32, #tpu.memory_space<hbm>>) dst(%arg12 : memref<20000xf32, #tpu.memory_space<vmem>>)
        tpu.yield
      }) : () -> ()
      %scan3A = arith.constant 0 : i32
      %scan3A_34 = arith.constant 0 : i32
      %scan3A_35 = arith.constant 625 : i32
      %scan3A_36 = arith.addi %scan3A_34, %scan3A_35 : i32
      %scan3A_37 = arith.constant 1 : i32
      scf.for %scan3A_69 = %scan3A_34 to %scan3A_36 step %scan3A_37  : i32 {
        %mul3A_70 = arith.constant 16 : i32
        %mul3A_71 = arith.muli %scan3A_69, %mul3A_70 : i32
        %add3A_72 = vector.broadcast %mul3A_71 : i32 to vector<16xi32>
        %add3A_73 = arith.addi %add3A_72, %iota3A : vector<16xi32>
        tpu.vector_store_idx %arg15[%add3A_73, %broadcast_in_dim3A_2], %broadcast_in_dim3A_0 : memref<10000x8xf32, #tpu.memory_space<vmem>>[vector<16xi32>, vector<16xi32>], vector<16xf32>,
        tpu.vector_store_idx %arg15[%add3A_73, %broadcast_in_dim3A_4], %broadcast_in_dim3A_0 : memref<10000x8xf32, #tpu.memory_space<vmem>>[vector<16xi32>, vector<16xi32>], vector<16xf32>,
        tpu.vector_store_idx %arg15[%add3A_73, %broadcast_in_dim3A_6], %broadcast_in_dim3A_0 : memref<10000x8xf32, #tpu.memory_space<vmem>>[vector<16xi32>, vector<16xi32>], vector<16xf32>,
        tpu.vector_store_idx %arg15[%add3A_73, %broadcast_in_dim3A_8], %broadcast_in_dim3A_0 : memref<10000x8xf32, #tpu.memory_space<vmem>>[vector<16xi32>, vector<16xi32>], vector<16xf32>,
        tpu.vector_store_idx %arg15[%add3A_73, %broadcast_in_dim3A_10], %broadcast_in_dim3A_0 : memref<10000x8xf32, #tpu.memory_space<vmem>>[vector<16xi32>, vector<16xi32>], vector<16xf32>,
        tpu.vector_store_idx %arg15[%add3A_73, %broadcast_in_dim3A_12], %broadcast_in_dim3A_0 : memref<10000x8xf32, #tpu.memory_space<vmem>>[vector<16xi32>, vector<16xi32>], vector<16xf32>,
        tpu.vector_store_idx %arg15[%add3A_73, %broadcast_in_dim3A_14], %broadcast_in_dim3A_0 : memref<10000x8xf32, #tpu.memory_space<vmem>>[vector<16xi32>, vector<16xi32>], vector<16xf32>,
        tpu.vector_store_idx %arg15[%add3A_73, %broadcast_in_dim3A_16], %broadcast_in_dim3A_0 : memref<10000x8xf32, #tpu.memory_space<vmem>>[vector<16xi32>, vector<16xi32>], vector<16xf32>,
      }
      %scan3A_38 = arith.constant 625 : i32
      %scan3A_39 = arith.constant 0 : i32
      %scan3A_40 = arith.constant 0 : i32
      %scan3A_41 = arith.constant 625 : i32
      %scan3A_42 = arith.addi %scan3A_40, %scan3A_41 : i32
      %scan3A_43 = arith.constant 1 : i32
      scf.for %scan3A_69 = %scan3A_40 to %scan3A_42 step %scan3A_43  : i32 {
        %mul3A_70 = arith.constant 16 : i32
        %mul3A_71 = arith.muli %scan3A_69, %mul3A_70 : i32
        %swap3A = arith.index_cast %mul3A_71 : i32 to index
        %swap3A_72 = tpu.vector_load %arg16[%swap3A] {strides = array<i32>} : memref<10000xf32, #tpu.memory_space<vmem>>, vector<16xf32>,
        tpu.vector_store %arg16[%swap3A], %broadcast_in_dim3A_0 {strides = array<i32>} : memref<10000xf32, #tpu.memory_space<vmem>>, vector<16xf32>,
      }
      %scan3A_44 = arith.constant 625 : i32
      %get3A = arith.constant 0 : index
      %get3A_45 = tpu.vector_load %arg18[%get3A] {strides = array<i32>} : memref<16xf32, #tpu.memory_space<vmem>>, vector<16xf32>,
      %add3A = arith.constant 0 : i32
      %add3A_46 = arith.addi %add3A, %arg1 : i32
      %mul3A = arith.constant 10000 : i32
      %mul3A_47 = arith.muli %add3A_46, %mul3A : i32
      %mul3A_48 = arith.constant 80 : i32
      %mul3A_49 = arith.muli %arg1, %mul3A_48 : i32
      %scan3A_50 = arith.constant 0 : i32
      %scan3A_51 = arith.constant 0 : i32
      %scan3A_52 = arith.constant 5 : i32
      %scan3A_53 = arith.addi %scan3A_51, %scan3A_52 : i32
      %scan3A_54 = arith.constant 1 : i32
      scf.for %scan3A_69 = %scan3A_51 to %scan3A_53 step %scan3A_54  : i32 {
        %mul3A_70 = arith.constant 16 : i32
        %mul3A_71 = arith.muli %scan3A_69, %mul3A_70 : i32
        %add3A_72 = arith.addi %mul3A_49, %mul3A_71 : i32
        "tpu.region"() ({
          %run_scoped3A = tpu.sem_alloc : memref<!tpu.dma_semaphore, #tpu.memory_space<semaphore_mem>>
          %dma_start3A = arith.constant 0 : i32
          %dma_start3A_81 = tpu.memref_slice %arg4[%add3A_72, %dma_start3A] : memref<1280x256xi32, #tpu.memory_space<hbm>> -> memref<16x256xi32, #tpu.memory_space<hbm>>
          %dma_start3A_82 = arith.constant 0 : i32
          %dma_start3A_83 = tpu.memref_slice %arg4[%add3A_72, %dma_start3A_82] : memref<1280x256xi32, #tpu.memory_space<hbm>> -> memref<16x256xi32, #tpu.memory_space<hbm>>
          tpu.enqueue_dma source(%dma_start3A_83 : memref<16x256xi32, #tpu.memory_space<hbm>>) target(%arg10 : memref<16x256xi32, #tpu.memory_space<vmem>>) target_semaphore(%run_scoped3A : memref<!tpu.dma_semaphore, #tpu.memory_space<semaphore_mem>>)
          %dma_wait3A = arith.constant 0 : i32
          %dma_wait3A_84 = tpu.memref_slice %arg4[%add3A_72, %dma_wait3A] : memref<1280x256xi32, #tpu.memory_space<hbm>> -> memref<16x256xi32, #tpu.memory_space<hbm>>
          %dma_wait3A_85 = arith.constant 0 : i32
          %dma_wait3A_86 = tpu.memref_slice %arg4[%add3A_72, %dma_wait3A_85] : memref<1280x256xi32, #tpu.memory_space<hbm>> -> memref<16x256xi32, #tpu.memory_space<hbm>>
          tpu.wait_dma2 semaphore(%run_scoped3A : memref<!tpu.dma_semaphore, #tpu.memory_space<semaphore_mem>>) src(%dma_wait3A_86 : memref<16x256xi32, #tpu.memory_space<hbm>>) dst(%arg10 : memref<16x256xi32, #tpu.memory_space<vmem>>)
          tpu.yield
        }) : () -> ()
        "tpu.region"() ({
          %run_scoped3A = tpu.sem_alloc : memref<!tpu.dma_semaphore, #tpu.memory_space<semaphore_mem>>
          %dma_start3A = arith.constant 0 : i32
          %dma_start3A_81 = tpu.memref_slice %arg5[%add3A_72, %dma_start3A] : memref<1280x256xi32, #tpu.memory_space<hbm>> -> memref<16x256xi32, #tpu.memory_space<hbm>>
          %dma_start3A_82 = arith.constant 0 : i32
          %dma_start3A_83 = tpu.memref_slice %arg5[%add3A_72, %dma_start3A_82] : memref<1280x256xi32, #tpu.memory_space<hbm>> -> memref<16x256xi32, #tpu.memory_space<hbm>>
          tpu.enqueue_dma source(%dma_start3A_83 : memref<16x256xi32, #tpu.memory_space<hbm>>) target(%arg11 : memref<16x256xi32, #tpu.memory_space<vmem>>) target_semaphore(%run_scoped3A : memref<!tpu.dma_semaphore, #tpu.memory_space<semaphore_mem>>)
          %dma_wait3A = arith.constant 0 : i32
          %dma_wait3A_84 = tpu.memref_slice %arg5[%add3A_72, %dma_wait3A] : memref<1280x256xi32, #tpu.memory_space<hbm>> -> memref<16x256xi32, #tpu.memory_space<hbm>>
          %dma_wait3A_85 = arith.constant 0 : i32
          %dma_wait3A_86 = tpu.memref_slice %arg5[%add3A_72, %dma_wait3A_85] : memref<1280x256xi32, #tpu.memory_space<hbm>> -> memref<16x256xi32, #tpu.memory_space<hbm>>
          tpu.wait_dma2 semaphore(%run_scoped3A : memref<!tpu.dma_semaphore, #tpu.memory_space<semaphore_mem>>) src(%dma_wait3A_86 : memref<16x256xi32, #tpu.memory_space<hbm>>) dst(%arg11 : memref<16x256xi32, #tpu.memory_space<vmem>>)
          tpu.yield
        }) : () -> ()
        %scan3A_73 = arith.constant 0 : i32
        %scan3A_74 = arith.constant 0 : i32
        %scan3A_75 = arith.constant 16 : i32
        %scan3A_76 = arith.addi %scan3A_74, %scan3A_75 : i32
        %scan3A_77 = arith.constant 1 : i32
        scf.for %scan3A_81 = %scan3A_74 to %scan3A_76 step %scan3A_77  : i32 {
          %add3A_82 = arith.addi %add3A_72, %scan3A_81 : i32
          %mul3A_83 = arith.constant 256 : i32
          %mul3A_84 = arith.muli %add3A_82, %mul3A_83 : i32
          %add3A_85 = vector.broadcast %mul3A_84 : i32 to vector<16xi32>
          %add3A_86 = arith.addi %add3A_85, %iota3A : vector<16xi32>
          %scan3A_87 = arith.constant 0 : i32
          %scan3A_88 = arith.constant 0 : i32
          %scan3A_89 = arith.constant 16 : i32
          %scan3A_90 = arith.addi %scan3A_88, %scan3A_89 : i32
          %scan3A_91 = arith.constant 1 : i32
          scf.for %scan3A_93 = %scan3A_88 to %scan3A_90 step %scan3A_91  : i32 {
            %mul3A_94 = arith.constant 16 : i32
            %mul3A_95 = arith.muli %scan3A_93, %mul3A_94 : i32
            %get3A_96 = arith.index_cast %scan3A_81 : i32 to index
            %get3A_97 = arith.index_cast %mul3A_95 : i32 to index
            %get3A_98 = tpu.vector_load %arg10[%get3A_96, %get3A_97] {strides = array<i32>} : memref<16x256xi32, #tpu.memory_space<vmem>>, vector<16xi32>,
            %mul3A_99 = arith.constant 16 : i32
            %mul3A_100 = arith.muli %scan3A_93, %mul3A_99 : i32
            %get3A_101 = arith.index_cast %scan3A_81 : i32 to index
            %get3A_102 = arith.index_cast %mul3A_100 : i32 to index
            %get3A_103 = tpu.vector_load %arg11[%get3A_101, %get3A_102] {strides = array<i32>} : memref<16x256xi32, #tpu.memory_space<vmem>>, vector<16xi32>,
            %gather3A = tpu.vector_load_idx %arg12[%get3A_98] : memref<20000xf32, #tpu.memory_space<vmem>>[vector<16xi32>], vector<16xf32>,
            %add3A_104 = arith.constant 10000 : i32
            %add3A_105 = vector.broadcast %add3A_104 : i32 to vector<16xi32>
            %add3A_106 = arith.addi %get3A_103, %add3A_105 : vector<16xi32>
            %gather3A_107 = tpu.vector_load_idx %arg12[%add3A_106] : memref<20000xf32, #tpu.memory_space<vmem>>[vector<16xi32>], vector<16xf32>,
            %add3A_108 = arith.addf %gather3A, %gather3A_107 : vector<16xf32>
            %mul3A_109 = arith.constant 2.000000e-01 : f32
            %mul3A_110 = vector.broadcast %mul3A_109 : f32 to vector<16xf32>
            %mul3A_111 = arith.mulf %add3A_108, %mul3A_110 : vector<16xf32>
            %max3A = arith.maximumf %add3A_108, %mul3A_111 : vector<16xf32>
            %sub3A = arith.subf %max3A, %get3A_45 : vector<16xf32>
            %exp3A = math.exp %sub3A : vector<16xf32>
            %mul3A_112 = arith.constant 16 : i32
            %mul3A_113 = arith.muli %scan3A_93, %mul3A_112 : i32
            %add3A_114 = vector.broadcast %mul3A_113 : i32 to vector<16xi32>
            %add3A_115 = arith.addi %add3A_86, %add3A_114 : vector<16xi32>
            %lt3A = arith.constant 320000 : i32
            %lt3A_116 = vector.broadcast %lt3A : i32 to vector<16xi32>
            %lt3A_117 = arith.cmpi slt, %add3A_115, %lt3A_116 : vector<16xi32>
            %select_n3A = arith.select %lt3A_117, %exp3A, %broadcast_in_dim3A_0 : vector<16xi1>, vector<16xf32>
            %mul3A_118 = arith.constant 16 : i32
            %mul3A_119 = arith.muli %scan3A_93, %mul3A_118 : i32
            %swap3A = arith.index_cast %scan3A_81 : i32 to index
            %swap3A_120 = arith.index_cast %mul3A_119 : i32 to index
            %swap3A_121 = tpu.vector_load %arg17[%swap3A, %swap3A_120] {strides = array<i32>} : memref<16x256xf32, #tpu.memory_space<vmem>>, vector<16xf32>,
            tpu.vector_store %arg17[%swap3A, %swap3A_120], %select_n3A {strides = array<i32>} : memref<16x256xf32, #tpu.memory_space<vmem>>, vector<16xf32>,
          }
          %scan3A_92 = arith.constant 16 : i32
        }
        %scan3A_78 = arith.constant 16 : i32
        %add3A_79 = arith.constant 0 : i32
        %add3A_80 = arith.addi %add3A_79, %add3A_72 : i32
        "tpu.region"() ({
          %run_scoped3A = tpu.sem_alloc : memref<!tpu.dma_semaphore, #tpu.memory_space<semaphore_mem>>
          %dma_start3A = arith.constant 0 : i32
          %dma_start3A_81 = tpu.memref_slice %arg9[%add3A_80, %dma_start3A] : memref<5120x256xf32, #tpu.memory_space<hbm>> -> memref<16x256xf32, #tpu.memory_space<hbm>>
          %dma_start3A_82 = arith.constant 0 : i32
          %dma_start3A_83 = tpu.memref_slice %arg9[%add3A_80, %dma_start3A_82] : memref<5120x256xf32, #tpu.memory_space<hbm>> -> memref<16x256xf32, #tpu.memory_space<hbm>>
          tpu.enqueue_dma source(%arg17 : memref<16x256xf32, #tpu.memory_space<vmem>>) target(%dma_start3A_83 : memref<16x256xf32, #tpu.memory_space<hbm>>) target_semaphore(%run_scoped3A : memref<!tpu.dma_semaphore, #tpu.memory_space<semaphore_mem>>)
          %dma_wait3A = arith.constant 0 : i32
          %dma_wait3A_84 = tpu.memref_slice %arg9[%add3A_80, %dma_wait3A] : memref<5120x256xf32, #tpu.memory_space<hbm>> -> memref<16x256xf32, #tpu.memory_space<hbm>>
          %dma_wait3A_85 = arith.constant 0 : i32
          %dma_wait3A_86 = tpu.memref_slice %arg9[%add3A_80, %dma_wait3A_85] : memref<5120x256xf32, #tpu.memory_space<hbm>> -> memref<16x256xf32, #tpu.memory_space<hbm>>
          tpu.wait_dma2 semaphore(%run_scoped3A : memref<!tpu.dma_semaphore, #tpu.memory_space<semaphore_mem>>) src(%arg17 : memref<16x256xf32, #tpu.memory_space<vmem>>) dst(%dma_wait3A_86 : memref<16x256xf32, #tpu.memory_space<hbm>>)
          tpu.yield
        }) : () -> ()
      }
      %scan3A_55 = arith.constant 5 : i32
      %barrier3A = arith.constant 0 : index
      tpu.barrier barrier_id(%barrier3A)
      %scan3A_56 = arith.constant 0 : i32
      %scan3A_57 = arith.constant 0 : i32
      %scan3A_58 = arith.constant 80 : i32
      %scan3A_59 = arith.addi %scan3A_57, %scan3A_58 : i32
      %scan3A_60 = arith.constant 1 : i32
      scf.for %scan3A_69 = %scan3A_57 to %scan3A_59 step %scan3A_60  : i32 {
        %mul3A_70 = arith.constant 16 : i32
        %mul3A_71 = arith.muli %scan3A_69, %mul3A_70 : i32
        "tpu.region"() ({
          %run_scoped3A = tpu.sem_alloc : memref<!tpu.dma_semaphore, #tpu.memory_space<semaphore_mem>>
          %dma_start3A_92 = arith.constant 0 : i32
          %dma_start3A_93 = tpu.memref_slice %arg4[%mul3A_71, %dma_start3A_92] : memref<1280x256xi32, #tpu.memory_space<hbm>> -> memref<16x256xi32, #tpu.memory_space<hbm>>
          %dma_start3A_94 = arith.constant 0 : i32
          %dma_start3A_95 = tpu.memref_slice %arg4[%mul3A_71, %dma_start3A_94] : memref<1280x256xi32, #tpu.memory_space<hbm>> -> memref<16x256xi32, #tpu.memory_space<hbm>>
          tpu.enqueue_dma source(%dma_start3A_95 : memref<16x256xi32, #tpu.memory_space<hbm>>) target(%arg10 : memref<16x256xi32, #tpu.memory_space<vmem>>) target_semaphore(%run_scoped3A : memref<!tpu.dma_semaphore, #tpu.memory_space<semaphore_mem>>)
          %dma_wait3A = arith.constant 0 : i32
          %dma_wait3A_96 = tpu.memref_slice %arg4[%mul3A_71, %dma_wait3A] : memref<1280x256xi32, #tpu.memory_space<hbm>> -> memref<16x256xi32, #tpu.memory_space<hbm>>
          %dma_wait3A_97 = arith.constant 0 : i32
          %dma_wait3A_98 = tpu.memref_slice %arg4[%mul3A_71, %dma_wait3A_97] : memref<1280x256xi32, #tpu.memory_space<hbm>> -> memref<16x256xi32, #tpu.memory_space<hbm>>
          tpu.wait_dma2 semaphore(%run_scoped3A : memref<!tpu.dma_semaphore, #tpu.memory_space<semaphore_mem>>) src(%dma_wait3A_98 : memref<16x256xi32, #tpu.memory_space<hbm>>) dst(%arg10 : memref<16x256xi32, #tpu.memory_space<vmem>>)
          tpu.yield
        }) : () -> ()
        %mul3A_72 = arith.constant 16 : i32
        %mul3A_73 = arith.muli %scan3A_69, %mul3A_72 : i32
        "tpu.region"() ({
          %run_scoped3A = tpu.sem_alloc : memref<!tpu.dma_semaphore, #tpu.memory_space<semaphore_mem>>
          %dma_start3A_92 = arith.constant 0 : i32
          %dma_start3A_93 = tpu.memref_slice %arg5[%mul3A_73, %dma_start3A_92] : memref<1280x256xi32, #tpu.memory_space<hbm>> -> memref<16x256xi32, #tpu.memory_space<hbm>>
          %dma_start3A_94 = arith.constant 0 : i32
          %dma_start3A_95 = tpu.memref_slice %arg5[%mul3A_73, %dma_start3A_94] : memref<1280x256xi32, #tpu.memory_space<hbm>> -> memref<16x256xi32, #tpu.memory_space<hbm>>
          tpu.enqueue_dma source(%dma_start3A_95 : memref<16x256xi32, #tpu.memory_space<hbm>>) target(%arg11 : memref<16x256xi32, #tpu.memory_space<vmem>>) target_semaphore(%run_scoped3A : memref<!tpu.dma_semaphore, #tpu.memory_space<semaphore_mem>>)
          %dma_wait3A = arith.constant 0 : i32
          %dma_wait3A_96 = tpu.memref_slice %arg5[%mul3A_73, %dma_wait3A] : memref<1280x256xi32, #tpu.memory_space<hbm>> -> memref<16x256xi32, #tpu.memory_space<hbm>>
          %dma_wait3A_97 = arith.constant 0 : i32
          %dma_wait3A_98 = tpu.memref_slice %arg5[%mul3A_73, %dma_wait3A_97] : memref<1280x256xi32, #tpu.memory_space<hbm>> -> memref<16x256xi32, #tpu.memory_space<hbm>>
          tpu.wait_dma2 semaphore(%run_scoped3A : memref<!tpu.dma_semaphore, #tpu.memory_space<semaphore_mem>>) src(%dma_wait3A_98 : memref<16x256xi32, #tpu.memory_space<hbm>>) dst(%arg11 : memref<16x256xi32, #tpu.memory_space<vmem>>)
          tpu.yield
        }) : () -> ()
        %mul3A_74 = arith.constant 16 : i32
        %mul3A_75 = arith.muli %scan3A_69, %mul3A_74 : i32
        %add3A_76 = arith.constant 0 : i32
        %add3A_77 = arith.addi %add3A_76, %mul3A_75 : i32
        "tpu.region"() ({
          %run_scoped3A = tpu.sem_alloc : memref<!tpu.dma_semaphore, #tpu.memory_space<semaphore_mem>>
          %dma_start3A_92 = arith.constant 0 : i32
          %dma_start3A_93 = tpu.memref_slice %arg9[%add3A_77, %dma_start3A_92] : memref<5120x256xf32, #tpu.memory_space<hbm>> -> memref<16x256xf32, #tpu.memory_space<hbm>>
          %dma_start3A_94 = arith.constant 0 : i32
          %dma_start3A_95 = tpu.memref_slice %arg9[%add3A_77, %dma_start3A_94] : memref<5120x256xf32, #tpu.memory_space<hbm>> -> memref<16x256xf32, #tpu.memory_space<hbm>>
          tpu.enqueue_dma source(%dma_start3A_95 : memref<16x256xf32, #tpu.memory_space<hbm>>) target(%arg17 : memref<16x256xf32, #tpu.memory_space<vmem>>) target_semaphore(%run_scoped3A : memref<!tpu.dma_semaphore, #tpu.memory_space<semaphore_mem>>)
          %dma_wait3A = arith.constant 0 : i32
          %dma_wait3A_96 = tpu.memref_slice %arg9[%add3A_77, %dma_wait3A] : memref<5120x256xf32, #tpu.memory_space<hbm>> -> memref<16x256xf32, #tpu.memory_space<hbm>>
          %dma_wait3A_97 = arith.constant 0 : i32
          %dma_wait3A_98 = tpu.memref_slice %arg9[%add3A_77, %dma_wait3A_97] : memref<5120x256xf32, #tpu.memory_space<hbm>> -> memref<16x256xf32, #tpu.memory_space<hbm>>
          tpu.wait_dma2 semaphore(%run_scoped3A : memref<!tpu.dma_semaphore, #tpu.memory_space<semaphore_mem>>) src(%dma_wait3A_98 : memref<16x256xf32, #tpu.memory_space<hbm>>) dst(%arg17 : memref<16x256xf32, #tpu.memory_space<vmem>>)
          tpu.yield
        }) : () -> ()
        %dma_start3A = arith.constant 0 : i32
        %dma_start3A_78 = arith.constant 0 : i32
        %dma_start3A_79 = tpu.memref_slice %arg11[%dma_start3A, %dma_start3A_78] : memref<16x256xi32, #tpu.memory_space<vmem>> -> memref<1x256xi32, #tpu.memory_space<vmem>>
        %dma_start3A_80 = tpu.memref_squeeze %dma_start3A_79 : memref<1x256xi32, #tpu.memory_space<vmem>> -> memref<256xi32, #tpu.memory_space<vmem>>
        %dma_start3A_81 = arith.constant 0 : i32
        %dma_start3A_82 = tpu.memref_slice %arg2[%mul3A_47, %dma_start3A_81] : memref<640000x8xf32, #tpu.memory_space<hbm>> -> memref<10000x8xf32, #tpu.memory_space<hbm>>
        %dma_start3A_83 = arith.constant 0 : i32
        %dma_start3A_84 = arith.constant 0 : i32
        %dma_start3A_85 = tpu.memref_slice %dma_start3A_82[%dma_start3A_83, %dma_start3A_84] : memref<10000x8xf32, #tpu.memory_space<hbm>> -> memref<10000x8xf32, #tpu.memory_space<hbm>>
        tpu.enqueue_indirect_dma source(%dma_start3A_85 : memref<10000x8xf32, #tpu.memory_space<hbm>>) target(%arg13 : memref<256x8xf32, #tpu.memory_space<vmem>>) offsets(%dma_start3A_80 : memref<256xi32, #tpu.memory_space<vmem>>) semaphore(%arg19 : memref<!tpu.dma_semaphore, #tpu.memory_space<semaphore_mem>>)
        %scan3A_86 = arith.constant 0 : i32
        %scan3A_87 = arith.constant 0 : i32
        %scan3A_88 = arith.constant 8 : i32
        %scan3A_89 = arith.addi %scan3A_87, %scan3A_88 : i32
        %scan3A_90 = arith.constant 1 : i32
        scf.for %scan3A_92 = %scan3A_87 to %scan3A_89 step %scan3A_90  : i32 {
          %mul3A_93 = arith.constant 2 : i32
          %mul3A_94 = arith.muli %scan3A_92, %mul3A_93 : i32
          %add3A_95 = arith.constant 1 : i32
          %add3A_96 = arith.addi %mul3A_94, %add3A_95 : i32
          %dma_start3A_97 = arith.constant 0 : i32
          %dma_start3A_98 = tpu.memref_slice %arg11[%add3A_96, %dma_start3A_97] : memref<16x256xi32, #tpu.memory_space<vmem>> -> memref<1x256xi32, #tpu.memory_space<vmem>>
          %dma_start3A_99 = tpu.memref_squeeze %dma_start3A_98 : memref<1x256xi32, #tpu.memory_space<vmem>> -> memref<256xi32, #tpu.memory_space<vmem>>
          %dma_start3A_100 = arith.constant 0 : i32
          %dma_start3A_101 = tpu.memref_slice %arg2[%mul3A_47, %dma_start3A_100] : memref<640000x8xf32, #tpu.memory_space<hbm>> -> memref<10000x8xf32, #tpu.memory_space<hbm>>
          %dma_start3A_102 = arith.constant 0 : i32
          %dma_start3A_103 = arith.constant 0 : i32
          %dma_start3A_104 = tpu.memref_slice %dma_start3A_101[%dma_start3A_102, %dma_start3A_103] : memref<10000x8xf32, #tpu.memory_space<hbm>> -> memref<10000x8xf32, #tpu.memory_space<hbm>>
          tpu.enqueue_indirect_dma source(%dma_start3A_104 : memref<10000x8xf32, #tpu.memory_space<hbm>>) target(%arg14 : memref<256x8xf32, #tpu.memory_space<vmem>>) offsets(%dma_start3A_99 : memref<256xi32, #tpu.memory_space<vmem>>) semaphore(%arg20 : memref<!tpu.dma_semaphore, #tpu.memory_space<semaphore_mem>>)
          %dma_wait3A = arith.constant 0 : i32
          %dma_wait3A_105 = tpu.memref_slice %arg11[%mul3A_94, %dma_wait3A] : memref<16x256xi32, #tpu.memory_space<vmem>> -> memref<1x256xi32, #tpu.memory_space<vmem>>
          %dma_wait3A_106 = tpu.memref_squeeze %dma_wait3A_105 : memref<1x256xi32, #tpu.memory_space<vmem>> -> memref<256xi32, #tpu.memory_space<vmem>>
          %dma_wait3A_107 = arith.constant 0 : i32
          %dma_wait3A_108 = tpu.memref_slice %arg2[%mul3A_47, %dma_wait3A_107] : memref<640000x8xf32, #tpu.memory_space<hbm>> -> memref<10000x8xf32, #tpu.memory_space<hbm>>
          %dma_wait3A_109 = arith.constant 0 : i32
          %dma_wait3A_110 = arith.constant 0 : i32
          %dma_wait3A_111 = tpu.memref_slice %dma_wait3A_108[%dma_wait3A_109, %dma_wait3A_110] : memref<10000x8xf32, #tpu.memory_space<hbm>> -> memref<10000x8xf32, #tpu.memory_space<hbm>>
          tpu.wait_indirect_dma semaphore(%arg19 : memref<!tpu.dma_semaphore, #tpu.memory_space<semaphore_mem>>) src(%dma_wait3A_111 : memref<10000x8xf32, #tpu.memory_space<hbm>>) dst(%arg13 : memref<256x8xf32, #tpu.memory_space<vmem>>)
          %scan3A_112 = arith.constant 0 : i32
          %scan3A_113 = arith.constant 0 : i32
          %scan3A_114 = arith.constant 4 : i32
          %scan3A_115 = arith.addi %scan3A_113, %scan3A_114 : i32
          %scan3A_116 = arith.constant 1 : i32
          scf.for %scan3A_140 = %scan3A_113 to %scan3A_115 step %scan3A_116  : i32 {
            %mul3A_141 = arith.constant 4 : i32
            %mul3A_142 = arith.muli %scan3A_140, %mul3A_141 : i32
            %add3A_143 = arith.constant 0 : i32
            %add3A_144 = arith.addi %mul3A_142, %add3A_143 : i32
            %mul3A_145 = arith.constant 16 : i32
            %mul3A_146 = arith.muli %add3A_144, %mul3A_145 : i32
            %get3A_147 = arith.index_cast %mul3A_94 : i32 to index
            %get3A_148 = arith.index_cast %mul3A_146 : i32 to index
            %get3A_149 = tpu.vector_load %arg10[%get3A_147, %get3A_148] {strides = array<i32>} : memref<16x256xi32, #tpu.memory_space<vmem>>, vector<16xi32>,
            %mul3A_150 = arith.constant 16 : i32
            %mul3A_151 = arith.muli %add3A_144, %mul3A_150 : i32
            %get3A_152 = arith.index_cast %mul3A_94 : i32 to index
            %get3A_153 = arith.index_cast %mul3A_151 : i32 to index
            %get3A_154 = tpu.vector_load %arg17[%get3A_152, %get3A_153] {strides = array<i32>} : memref<16x256xf32, #tpu.memory_space<vmem>>, vector<16xf32>,
            %eq3A_155 = arith.constant 0 : i32
            %eq3A_156 = arith.cmpi eq, %arg1, %eq3A_155 : i32
            %convert_element_type3A_157 = arith.extui %eq3A_156 : i1 to i32
            %cond3A_158 = arith.constant 0 : i32
            %cond3A_159 = arith.cmpi ne, %convert_element_type3A_157, %cond3A_158 : i32
            scf.if %cond3A_159 {
              tpu.vector_store_idx %arg16[%get3A_149], %get3A_154 {add = true} : memref<10000xf32, #tpu.memory_space<vmem>>[vector<16xi32>], vector<16xf32>,
            } else {
            }
            %mul3A_160 = arith.constant 16 : i32
            %mul3A_161 = arith.muli %add3A_144, %mul3A_160 : i32
            %add3A_162 = vector.broadcast %mul3A_161 : i32 to vector<16xi32>
            %add3A_163 = arith.addi %add3A_162, %iota3A : vector<16xi32>
            %gather3A = tpu.vector_load_idx %arg13[%add3A_163, %broadcast_in_dim3A_2] : memref<256x8xf32, #tpu.memory_space<vmem>>[vector<16xi32>, vector<16xi32>], vector<16xf32>,
            %mul3A_164 = arith.mulf %gather3A, %get3A_154 : vector<16xf32>
            tpu.vector_store_idx %arg15[%get3A_149, %broadcast_in_dim3A_2], %mul3A_164 {add = true} : memref<10000x8xf32, #tpu.memory_space<vmem>>[vector<16xi32>, vector<16xi32>], vector<16xf32>,
            %gather3A_165 = tpu.vector_load_idx %arg13[%add3A_163, %broadcast_in_dim3A_4] : memref<256x8xf32, #tpu.memory_space<vmem>>[vector<16xi32>, vector<16xi32>], vector<16xf32>,
            %mul3A_166 = arith.mulf %gather3A_165, %get3A_154 : vector<16xf32>
            tpu.vector_store_idx %arg15[%get3A_149, %broadcast_in_dim3A_4], %mul3A_166 {add = true} : memref<10000x8xf32, #tpu.memory_space<vmem>>[vector<16xi32>, vector<16xi32>], vector<16xf32>,
            %gather3A_167 = tpu.vector_load_idx %arg13[%add3A_163, %broadcast_in_dim3A_6] : memref<256x8xf32, #tpu.memory_space<vmem>>[vector<16xi32>, vector<16xi32>], vector<16xf32>,
            %mul3A_168 = arith.mulf %gather3A_167, %get3A_154 : vector<16xf32>
            tpu.vector_store_idx %arg15[%get3A_149, %broadcast_in_dim3A_6], %mul3A_168 {add = true} : memref<10000x8xf32, #tpu.memory_space<vmem>>[vector<16xi32>, vector<16xi32>], vector<16xf32>,
            %gather3A_169 = tpu.vector_load_idx %arg13[%add3A_163, %broadcast_in_dim3A_8] : memref<256x8xf32, #tpu.memory_space<vmem>>[vector<16xi32>, vector<16xi32>], vector<16xf32>,
            %mul3A_170 = arith.mulf %gather3A_169, %get3A_154 : vector<16xf32>
            tpu.vector_store_idx %arg15[%get3A_149, %broadcast_in_dim3A_8], %mul3A_170 {add = true} : memref<10000x8xf32, #tpu.memory_space<vmem>>[vector<16xi32>, vector<16xi32>], vector<16xf32>,
            %gather3A_171 = tpu.vector_load_idx %arg13[%add3A_163, %broadcast_in_dim3A_10] : memref<256x8xf32, #tpu.memory_space<vmem>>[vector<16xi32>, vector<16xi32>], vector<16xf32>,
            %mul3A_172 = arith.mulf %gather3A_171, %get3A_154 : vector<16xf32>
            tpu.vector_store_idx %arg15[%get3A_149, %broadcast_in_dim3A_10], %mul3A_172 {add = true} : memref<10000x8xf32, #tpu.memory_space<vmem>>[vector<16xi32>, vector<16xi32>], vector<16xf32>,
            %gather3A_173 = tpu.vector_load_idx %arg13[%add3A_163, %broadcast_in_dim3A_12] : memref<256x8xf32, #tpu.memory_space<vmem>>[vector<16xi32>, vector<16xi32>], vector<16xf32>,
            %mul3A_174 = arith.mulf %gather3A_173, %get3A_154 : vector<16xf32>
            tpu.vector_store_idx %arg15[%get3A_149, %broadcast_in_dim3A_12], %mul3A_174 {add = true} : memref<10000x8xf32, #tpu.memory_space<vmem>>[vector<16xi32>, vector<16xi32>], vector<16xf32>,
            %gather3A_175 = tpu.vector_load_idx %arg13[%add3A_163, %broadcast_in_dim3A_14] : memref<256x8xf32, #tpu.memory_space<vmem>>[vector<16xi32>, vector<16xi32>], vector<16xf32>,
            %mul3A_176 = arith.mulf %gather3A_175, %get3A_154 : vector<16xf32>
            tpu.vector_store_idx %arg15[%get3A_149, %broadcast_in_dim3A_14], %mul3A_176 {add = true} : memref<10000x8xf32, #tpu.memory_space<vmem>>[vector<16xi32>, vector<16xi32>], vector<16xf32>,
            %gather3A_177 = tpu.vector_load_idx %arg13[%add3A_163, %broadcast_in_dim3A_16] : memref<256x8xf32, #tpu.memory_space<vmem>>[vector<16xi32>, vector<16xi32>], vector<16xf32>,
            %mul3A_178 = arith.mulf %gather3A_177, %get3A_154 : vector<16xf32>
            tpu.vector_store_idx %arg15[%get3A_149, %broadcast_in_dim3A_16], %mul3A_178 {add = true} : memref<10000x8xf32, #tpu.memory_space<vmem>>[vector<16xi32>, vector<16xi32>], vector<16xf32>,
            %mul3A_179 = arith.constant 4 : i32
            %mul3A_180 = arith.muli %scan3A_140, %mul3A_179 : i32
            %add3A_181 = arith.constant 1 : i32
            %add3A_182 = arith.addi %mul3A_180, %add3A_181 : i32
            %mul3A_183 = arith.constant 16 : i32
            %mul3A_184 = arith.muli %add3A_182, %mul3A_183 : i32
            %get3A_185 = arith.index_cast %mul3A_94 : i32 to index
            %get3A_186 = arith.index_cast %mul3A_184 : i32 to index
            %get3A_187 = tpu.vector_load %arg10[%get3A_185, %get3A_186] {strides = array<i32>} : memref<16x256xi32, #tpu.memory_space<vmem>>, vector<16xi32>,
            %mul3A_188 = arith.constant 16 : i32
            %mul3A_189 = arith.muli %add3A_182, %mul3A_188 : i32
            %get3A_190 = arith.index_cast %mul3A_94 : i32 to index
            %get3A_191 = arith.index_cast %mul3A_189 : i32 to index
            %get3A_192 = tpu.vector_load %arg17[%get3A_190, %get3A_191] {strides = array<i32>} : memref<16x256xf32, #tpu.memory_space<vmem>>, vector<16xf32>,
            %eq3A_193 = arith.constant 0 : i32
            %eq3A_194 = arith.cmpi eq, %arg1, %eq3A_193 : i32
            %convert_element_type3A_195 = arith.extui %eq3A_194 : i1 to i32
            %cond3A_196 = arith.constant 0 : i32
            %cond3A_197 = arith.cmpi ne, %convert_element_type3A_195, %cond3A_196 : i32
            scf.if %cond3A_197 {
              tpu.vector_store_idx %arg16[%get3A_187], %get3A_192 {add = true} : memref<10000xf32, #tpu.memory_space<vmem>>[vector<16xi32>], vector<16xf32>,
            } else {
            }
            %mul3A_198 = arith.constant 16 : i32
            %mul3A_199 = arith.muli %add3A_182, %mul3A_198 : i32
            %add3A_200 = vector.broadcast %mul3A_199 : i32 to vector<16xi32>
            %add3A_201 = arith.addi %add3A_200, %iota3A : vector<16xi32>
            %gather3A_202 = tpu.vector_load_idx %arg13[%add3A_201, %broadcast_in_dim3A_2] : memref<256x8xf32, #tpu.memory_space<vmem>>[vector<16xi32>, vector<16xi32>], vector<16xf32>,
            %mul3A_203 = arith.mulf %gather3A_202, %get3A_192 : vector<16xf32>
            tpu.vector_store_idx %arg15[%get3A_187, %broadcast_in_dim3A_2], %mul3A_203 {add = true} : memref<10000x8xf32, #tpu.memory_space<vmem>>[vector<16xi32>, vector<16xi32>], vector<16xf32>,
            %gather3A_204 = tpu.vector_load_idx %arg13[%add3A_201, %broadcast_in_dim3A_4] : memref<256x8xf32, #tpu.memory_space<vmem>>[vector<16xi32>, vector<16xi32>], vector<16xf32>,
            %mul3A_205 = arith.mulf %gather3A_204, %get3A_192 : vector<16xf32>
            tpu.vector_store_idx %arg15[%get3A_187, %broadcast_in_dim3A_4], %mul3A_205 {add = true} : memref<10000x8xf32, #tpu.memory_space<vmem>>[vector<16xi32>, vector<16xi32>], vector<16xf32>,
            %gather3A_206 = tpu.vector_load_idx %arg13[%add3A_201, %broadcast_in_dim3A_6] : memref<256x8xf32, #tpu.memory_space<vmem>>[vector<16xi32>, vector<16xi32>], vector<16xf32>,
            %mul3A_207 = arith.mulf %gather3A_206, %get3A_192 : vector<16xf32>
            tpu.vector_store_idx %arg15[%get3A_187, %broadcast_in_dim3A_6], %mul3A_207 {add = true} : memref<10000x8xf32, #tpu.memory_space<vmem>>[vector<16xi32>, vector<16xi32>], vector<16xf32>,
            %gather3A_208 = tpu.vector_load_idx %arg13[%add3A_201, %broadcast_in_dim3A_8] : memref<256x8xf32, #tpu.memory_space<vmem>>[vector<16xi32>, vector<16xi32>], vector<16xf32>,
            %mul3A_209 = arith.mulf %gather3A_208, %get3A_192 : vector<16xf32>
            tpu.vector_store_idx %arg15[%get3A_187, %broadcast_in_dim3A_8], %mul3A_209 {add = true} : memref<10000x8xf32, #tpu.memory_space<vmem>>[vector<16xi32>, vector<16xi32>], vector<16xf32>,
            %gather3A_210 = tpu.vector_load_idx %arg13[%add3A_201, %broadcast_in_dim3A_10] : memref<256x8xf32, #tpu.memory_space<vmem>>[vector<16xi32>, vector<16xi32>], vector<16xf32>,
            %mul3A_211 = arith.mulf %gather3A_210, %get3A_192 : vector<16xf32>
            tpu.vector_store_idx %arg15[%get3A_187, %broadcast_in_dim3A_10], %mul3A_211 {add = true} : memref<10000x8xf32, #tpu.memory_space<vmem>>[vector<16xi32>, vector<16xi32>], vector<16xf32>,
            %gather3A_212 = tpu.vector_load_idx %arg13[%add3A_201, %broadcast_in_dim3A_12] : memref<256x8xf32, #tpu.memory_space<vmem>>[vector<16xi32>, vector<16xi32>], vector<16xf32>,
            %mul3A_213 = arith.mulf %gather3A_212, %get3A_192 : vector<16xf32>
            tpu.vector_store_idx %arg15[%get3A_187, %broadcast_in_dim3A_12], %mul3A_213 {add = true} : memref<10000x8xf32, #tpu.memory_space<vmem>>[vector<16xi32>, vector<16xi32>], vector<16xf32>,
            %gather3A_214 = tpu.vector_load_idx %arg13[%add3A_201, %broadcast_in_dim3A_14] : memref<256x8xf32, #tpu.memory_space<vmem>>[vector<16xi32>, vector<16xi32>], vector<16xf32>,
            %mul3A_215 = arith.mulf %gather3A_214, %get3A_192 : vector<16xf32>
            tpu.vector_store_idx %arg15[%get3A_187, %broadcast_in_dim3A_14], %mul3A_215 {add = true} : memref<10000x8xf32, #tpu.memory_space<vmem>>[vector<16xi32>, vector<16xi32>], vector<16xf32>,
            %gather3A_216 = tpu.vector_load_idx %arg13[%add3A_201, %broadcast_in_dim3A_16] : memref<256x8xf32, #tpu.memory_space<vmem>>[vector<16xi32>, vector<16xi32>], vector<16xf32>,
            %mul3A_217 = arith.mulf %gather3A_216, %get3A_192 : vector<16xf32>
            tpu.vector_store_idx %arg15[%get3A_187, %broadcast_in_dim3A_16], %mul3A_217 {add = true} : memref<10000x8xf32, #tpu.memory_space<vmem>>[vector<16xi32>, vector<16xi32>], vector<16xf32>,
            %mul3A_218 = arith.constant 4 : i32
            %mul3A_219 = arith.muli %scan3A_140, %mul3A_218 : i32
            %add3A_220 = arith.constant 2 : i32
            %add3A_221 = arith.addi %mul3A_219, %add3A_220 : i32
            %mul3A_222 = arith.constant 16 : i32
            %mul3A_223 = arith.muli %add3A_221, %mul3A_222 : i32
            %get3A_224 = arith.index_cast %mul3A_94 : i32 to index
            %get3A_225 = arith.index_cast %mul3A_223 : i32 to index
            %get3A_226 = tpu.vector_load %arg10[%get3A_224, %get3A_225] {strides = array<i32>} : memref<16x256xi32, #tpu.memory_space<vmem>>, vector<16xi32>,
            %mul3A_227 = arith.constant 16 : i32
            %mul3A_228 = arith.muli %add3A_221, %mul3A_227 : i32
            %get3A_229 = arith.index_cast %mul3A_94 : i32 to index
            %get3A_230 = arith.index_cast %mul3A_228 : i32 to index
            %get3A_231 = tpu.vector_load %arg17[%get3A_229, %get3A_230] {strides = array<i32>} : memref<16x256xf32, #tpu.memory_space<vmem>>, vector<16xf32>,
            %eq3A_232 = arith.constant 0 : i32
            %eq3A_233 = arith.cmpi eq, %arg1, %eq3A_232 : i32
            %convert_element_type3A_234 = arith.extui %eq3A_233 : i1 to i32
            %cond3A_235 = arith.constant 0 : i32
            %cond3A_236 = arith.cmpi ne, %convert_element_type3A_234, %cond3A_235 : i32
            scf.if %cond3A_236 {
              tpu.vector_store_idx %arg16[%get3A_226], %get3A_231 {add = true} : memref<10000xf32, #tpu.memory_space<vmem>>[vector<16xi32>], vector<16xf32>,
            } else {
            }
            %mul3A_237 = arith.constant 16 : i32
            %mul3A_238 = arith.muli %add3A_221, %mul3A_237 : i32
            %add3A_239 = vector.broadcast %mul3A_238 : i32 to vector<16xi32>
            %add3A_240 = arith.addi %add3A_239, %iota3A : vector<16xi32>
            %gather3A_241 = tpu.vector_load_idx %arg13[%add3A_240, %broadcast_in_dim3A_2] : memref<256x8xf32, #tpu.memory_space<vmem>>[vector<16xi32>, vector<16xi32>], vector<16xf32>,
            %mul3A_242 = arith.mulf %gather3A_241, %get3A_231 : vector<16xf32>
            tpu.vector_store_idx %arg15[%get3A_226, %broadcast_in_dim3A_2], %mul3A_242 {add = true} : memref<10000x8xf32, #tpu.memory_space<vmem>>[vector<16xi32>, vector<16xi32>], vector<16xf32>,
            %gather3A_243 = tpu.vector_load_idx %arg13[%add3A_240, %broadcast_in_dim3A_4] : memref<256x8xf32, #tpu.memory_space<vmem>>[vector<16xi32>, vector<16xi32>], vector<16xf32>,
            %mul3A_244 = arith.mulf %gather3A_243, %get3A_231 : vector<16xf32>
            tpu.vector_store_idx %arg15[%get3A_226, %broadcast_in_dim3A_4], %mul3A_244 {add = true} : memref<10000x8xf32, #tpu.memory_space<vmem>>[vector<16xi32>, vector<16xi32>], vector<16xf32>,
            %gather3A_245 = tpu.vector_load_idx %arg13[%add3A_240, %broadcast_in_dim3A_6] : memref<256x8xf32, #tpu.memory_space<vmem>>[vector<16xi32>, vector<16xi32>], vector<16xf32>,
            %mul3A_246 = arith.mulf %gather3A_245, %get3A_231 : vector<16xf32>
            tpu.vector_store_idx %arg15[%get3A_226, %broadcast_in_dim3A_6], %mul3A_246 {add = true} : memref<10000x8xf32, #tpu.memory_space<vmem>>[vector<16xi32>, vector<16xi32>], vector<16xf32>,
            %gather3A_247 = tpu.vector_load_idx %arg13[%add3A_240, %broadcast_in_dim3A_8] : memref<256x8xf32, #tpu.memory_space<vmem>>[vector<16xi32>, vector<16xi32>], vector<16xf32>,
            %mul3A_248 = arith.mulf %gather3A_247, %get3A_231 : vector<16xf32>
            tpu.vector_store_idx %arg15[%get3A_226, %broadcast_in_dim3A_8], %mul3A_248 {add = true} : memref<10000x8xf32, #tpu.memory_space<vmem>>[vector<16xi32>, vector<16xi32>], vector<16xf32>,
            %gather3A_249 = tpu.vector_load_idx %arg13[%add3A_240, %broadcast_in_dim3A_10] : memref<256x8xf32, #tpu.memory_space<vmem>>[vector<16xi32>, vector<16xi32>], vector<16xf32>,
            %mul3A_250 = arith.mulf %gather3A_249, %get3A_231 : vector<16xf32>
            tpu.vector_store_idx %arg15[%get3A_226, %broadcast_in_dim3A_10], %mul3A_250 {add = true} : memref<10000x8xf32, #tpu.memory_space<vmem>>[vector<16xi32>, vector<16xi32>], vector<16xf32>,
            %gather3A_251 = tpu.vector_load_idx %arg13[%add3A_240, %broadcast_in_dim3A_12] : memref<256x8xf32, #tpu.memory_space<vmem>>[vector<16xi32>, vector<16xi32>], vector<16xf32>,
            %mul3A_252 = arith.mulf %gather3A_251, %get3A_231 : vector<16xf32>
            tpu.vector_store_idx %arg15[%get3A_226, %broadcast_in_dim3A_12], %mul3A_252 {add = true} : memref<10000x8xf32, #tpu.memory_space<vmem>>[vector<16xi32>, vector<16xi32>], vector<16xf32>,
            %gather3A_253 = tpu.vector_load_idx %arg13[%add3A_240, %broadcast_in_dim3A_14] : memref<256x8xf32, #tpu.memory_space<vmem>>[vector<16xi32>, vector<16xi32>], vector<16xf32>,
            %mul3A_254 = arith.mulf %gather3A_253, %get3A_231 : vector<16xf32>
            tpu.vector_store_idx %arg15[%get3A_226, %broadcast_in_dim3A_14], %mul3A_254 {add = true} : memref<10000x8xf32, #tpu.memory_space<vmem>>[vector<16xi32>, vector<16xi32>], vector<16xf32>,
            %gather3A_255 = tpu.vector_load_idx %arg13[%add3A_240, %broadcast_in_dim3A_16] : memref<256x8xf32, #tpu.memory_space<vmem>>[vector<16xi32>, vector<16xi32>], vector<16xf32>,
            %mul3A_256 = arith.mulf %gather3A_255, %get3A_231 : vector<16xf32>
            tpu.vector_store_idx %arg15[%get3A_226, %broadcast_in_dim3A_16], %mul3A_256 {add = true} : memref<10000x8xf32, #tpu.memory_space<vmem>>[vector<16xi32>, vector<16xi32>], vector<16xf32>,
            %mul3A_257 = arith.constant 4 : i32
            %mul3A_258 = arith.muli %scan3A_140, %mul3A_257 : i32
            %add3A_259 = arith.constant 3 : i32
            %add3A_260 = arith.addi %mul3A_258, %add3A_259 : i32
            %mul3A_261 = arith.constant 16 : i32
            %mul3A_262 = arith.muli %add3A_260, %mul3A_261 : i32
            %get3A_263 = arith.index_cast %mul3A_94 : i32 to index
            %get3A_264 = arith.index_cast %mul3A_262 : i32 to index
            %get3A_265 = tpu.vector_load %arg10[%get3A_263, %get3A_264] {strides = array<i32>} : memref<16x256xi32, #tpu.memory_space<vmem>>, vector<16xi32>,
            %mul3A_266 = arith.constant 16 : i32
            %mul3A_267 = arith.muli %add3A_260, %mul3A_266 : i32
            %get3A_268 = arith.index_cast %mul3A_94 : i32 to index
            %get3A_269 = arith.index_cast %mul3A_267 : i32 to index
            %get3A_270 = tpu.vector_load %arg17[%get3A_268, %get3A_269] {strides = array<i32>} : memref<16x256xf32, #tpu.memory_space<vmem>>, vector<16xf32>,
            %eq3A_271 = arith.constant 0 : i32
            %eq3A_272 = arith.cmpi eq, %arg1, %eq3A_271 : i32
            %convert_element_type3A_273 = arith.extui %eq3A_272 : i1 to i32
            %cond3A_274 = arith.constant 0 : i32
            %cond3A_275 = arith.cmpi ne, %convert_element_type3A_273, %cond3A_274 : i32
            scf.if %cond3A_275 {
              tpu.vector_store_idx %arg16[%get3A_265], %get3A_270 {add = true} : memref<10000xf32, #tpu.memory_space<vmem>>[vector<16xi32>], vector<16xf32>,
            } else {
            }
            %mul3A_276 = arith.constant 16 : i32
            %mul3A_277 = arith.muli %add3A_260, %mul3A_276 : i32
            %add3A_278 = vector.broadcast %mul3A_277 : i32 to vector<16xi32>
            %add3A_279 = arith.addi %add3A_278, %iota3A : vector<16xi32>
            %gather3A_280 = tpu.vector_load_idx %arg13[%add3A_279, %broadcast_in_dim3A_2] : memref<256x8xf32, #tpu.memory_space<vmem>>[vector<16xi32>, vector<16xi32>], vector<16xf32>,
            %mul3A_281 = arith.mulf %gather3A_280, %get3A_270 : vector<16xf32>
            tpu.vector_store_idx %arg15[%get3A_265, %broadcast_in_dim3A_2], %mul3A_281 {add = true} : memref<10000x8xf32, #tpu.memory_space<vmem>>[vector<16xi32>, vector<16xi32>], vector<16xf32>,
            %gather3A_282 = tpu.vector_load_idx %arg13[%add3A_279, %broadcast_in_dim3A_4] : memref<256x8xf32, #tpu.memory_space<vmem>>[vector<16xi32>, vector<16xi32>], vector<16xf32>,
            %mul3A_283 = arith.mulf %gather3A_282, %get3A_270 : vector<16xf32>
            tpu.vector_store_idx %arg15[%get3A_265, %broadcast_in_dim3A_4], %mul3A_283 {add = true} : memref<10000x8xf32, #tpu.memory_space<vmem>>[vector<16xi32>, vector<16xi32>], vector<16xf32>,
            %gather3A_284 = tpu.vector_load_idx %arg13[%add3A_279, %broadcast_in_dim3A_6] : memref<256x8xf32, #tpu.memory_space<vmem>>[vector<16xi32>, vector<16xi32>], vector<16xf32>,
            %mul3A_285 = arith.mulf %gather3A_284, %get3A_270 : vector<16xf32>
            tpu.vector_store_idx %arg15[%get3A_265, %broadcast_in_dim3A_6], %mul3A_285 {add = true} : memref<10000x8xf32, #tpu.memory_space<vmem>>[vector<16xi32>, vector<16xi32>], vector<16xf32>,
            %gather3A_286 = tpu.vector_load_idx %arg13[%add3A_279, %broadcast_in_dim3A_8] : memref<256x8xf32, #tpu.memory_space<vmem>>[vector<16xi32>, vector<16xi32>], vector<16xf32>,
            %mul3A_287 = arith.mulf %gather3A_286, %get3A_270 : vector<16xf32>
            tpu.vector_store_idx %arg15[%get3A_265, %broadcast_in_dim3A_8], %mul3A_287 {add = true} : memref<10000x8xf32, #tpu.memory_space<vmem>>[vector<16xi32>, vector<16xi32>], vector<16xf32>,
            %gather3A_288 = tpu.vector_load_idx %arg13[%add3A_279, %broadcast_in_dim3A_10] : memref<256x8xf32, #tpu.memory_space<vmem>>[vector<16xi32>, vector<16xi32>], vector<16xf32>,
            %mul3A_289 = arith.mulf %gather3A_288, %get3A_270 : vector<16xf32>
            tpu.vector_store_idx %arg15[%get3A_265, %broadcast_in_dim3A_10], %mul3A_289 {add = true} : memref<10000x8xf32, #tpu.memory_space<vmem>>[vector<16xi32>, vector<16xi32>], vector<16xf32>,
            %gather3A_290 = tpu.vector_load_idx %arg13[%add3A_279, %broadcast_in_dim3A_12] : memref<256x8xf32, #tpu.memory_space<vmem>>[vector<16xi32>, vector<16xi32>], vector<16xf32>,
            %mul3A_291 = arith.mulf %gather3A_290, %get3A_270 : vector<16xf32>
            tpu.vector_store_idx %arg15[%get3A_265, %broadcast_in_dim3A_12], %mul3A_291 {add = true} : memref<10000x8xf32, #tpu.memory_space<vmem>>[vector<16xi32>, vector<16xi32>], vector<16xf32>,
            %gather3A_292 = tpu.vector_load_idx %arg13[%add3A_279, %broadcast_in_dim3A_14] : memref<256x8xf32, #tpu.memory_space<vmem>>[vector<16xi32>, vector<16xi32>], vector<16xf32>,
            %mul3A_293 = arith.mulf %gather3A_292, %get3A_270 : vector<16xf32>
            tpu.vector_store_idx %arg15[%get3A_265, %broadcast_in_dim3A_14], %mul3A_293 {add = true} : memref<10000x8xf32, #tpu.memory_space<vmem>>[vector<16xi32>, vector<16xi32>], vector<16xf32>,
            %gather3A_294 = tpu.vector_load_idx %arg13[%add3A_279, %broadcast_in_dim3A_16] : memref<256x8xf32, #tpu.memory_space<vmem>>[vector<16xi32>, vector<16xi32>], vector<16xf32>,
            %mul3A_295 = arith.mulf %gather3A_294, %get3A_270 : vector<16xf32>
            tpu.vector_store_idx %arg15[%get3A_265, %broadcast_in_dim3A_16], %mul3A_295 {add = true} : memref<10000x8xf32, #tpu.memory_space<vmem>>[vector<16xi32>, vector<16xi32>], vector<16xf32>,
          }
          %scan3A_117 = arith.constant 4 : i32
          %lt3A = arith.constant 7 : i32
          %lt3A_118 = arith.cmpi slt, %scan3A_92, %lt3A : i32
          %convert_element_type3A_119 = arith.extui %lt3A_118 : i1 to i32
          %cond3A_120 = arith.constant 0 : i32
          %cond3A_121 = arith.cmpi ne, %convert_element_type3A_119, %cond3A_120 : i32
          scf.if %cond3A_121 {
            %add3A_140 = arith.constant 2 : i32
            %add3A_141 = arith.addi %mul3A_94, %add3A_140 : i32
            %dma_start3A_142 = arith.constant 0 : i32
            %dma_start3A_143 = tpu.memref_slice %arg11[%add3A_141, %dma_start3A_142] : memref<16x256xi32, #tpu.memory_space<vmem>> -> memref<1x256xi32, #tpu.memory_space<vmem>>
            %dma_start3A_144 = tpu.memref_squeeze %dma_start3A_143 : memref<1x256xi32, #tpu.memory_space<vmem>> -> memref<256xi32, #tpu.memory_space<vmem>>
            %dma_start3A_145 = arith.constant 0 : i32
            %dma_start3A_146 = tpu.memref_slice %arg2[%mul3A_47, %dma_start3A_145] : memref<640000x8xf32, #tpu.memory_space<hbm>> -> memref<10000x8xf32, #tpu.memory_space<hbm>>
            %dma_start3A_147 = arith.constant 0 : i32
            %dma_start3A_148 = arith.constant 0 : i32
            %dma_start3A_149 = tpu.memref_slice %dma_start3A_146[%dma_start3A_147, %dma_start3A_148] : memref<10000x8xf32, #tpu.memory_space<hbm>> -> memref<10000x8xf32, #tpu.memory_space<hbm>>
            tpu.enqueue_indirect_dma source(%dma_start3A_149 : memref<10000x8xf32, #tpu.memory_space<hbm>>) target(%arg13 : memref<256x8xf32, #tpu.memory_space<vmem>>) offsets(%dma_start3A_144 : memref<256xi32, #tpu.memory_space<vmem>>) semaphore(%arg19 : memref<!tpu.dma_semaphore, #tpu.memory_space<semaphore_mem>>)
          } else {
          }
          %add3A_122 = arith.constant 1 : i32
          %add3A_123 = arith.addi %mul3A_94, %add3A_122 : i32
          %dma_wait3A_124 = arith.constant 0 : i32
          %dma_wait3A_125 = tpu.memref_slice %arg11[%add3A_123, %dma_wait3A_124] : memref<16x256xi32, #tpu.memory_space<vmem>> -> memref<1x256xi32, #tpu.memory_space<vmem>>
          %dma_wait3A_126 = tpu.memref_squeeze %dma_wait3A_125 : memref<1x256xi32, #tpu.memory_space<vmem>> -> memref<256xi32, #tpu.memory_space<vmem>>
          %dma_wait3A_127 = arith.constant 0 : i32
          %dma_wait3A_128 = tpu.memref_slice %arg2[%mul3A_47, %dma_wait3A_127] : memref<640000x8xf32, #tpu.memory_space<hbm>> -> memref<10000x8xf32, #tpu.memory_space<hbm>>
          %dma_wait3A_129 = arith.constant 0 : i32
          %dma_wait3A_130 = arith.constant 0 : i32
          %dma_wait3A_131 = tpu.memref_slice %dma_wait3A_128[%dma_wait3A_129, %dma_wait3A_130] : memref<10000x8xf32, #tpu.memory_space<hbm>> -> memref<10000x8xf32, #tpu.memory_space<hbm>>
          tpu.wait_indirect_dma semaphore(%arg20 : memref<!tpu.dma_semaphore, #tpu.memory_space<semaphore_mem>>) src(%dma_wait3A_131 : memref<10000x8xf32, #tpu.memory_space<hbm>>) dst(%arg14 : memref<256x8xf32, #tpu.memory_space<vmem>>)
          %add3A_132 = arith.constant 1 : i32
          %add3A_133 = arith.addi %mul3A_94, %add3A_132 : i32
          %scan3A_134 = arith.constant 0 : i32
          %scan3A_135 = arith.constant 0 : i32
          %scan3A_136 = arith.constant 4 : i32
          %scan3A_137 = arith.addi %scan3A_135, %scan3A_136 : i32
          %scan3A_138 = arith.constant 1 : i32
          scf.for %scan3A_140 = %scan3A_135 to %scan3A_137 step %scan3A_138  : i32 {
            %mul3A_141 = arith.constant 4 : i32
            %mul3A_142 = arith.muli %scan3A_140, %mul3A_141 : i32
            %add3A_143 = arith.constant 0 : i32
            %add3A_144 = arith.addi %mul3A_142, %add3A_143 : i32
            %mul3A_145 = arith.constant 16 : i32
            %mul3A_146 = arith.muli %add3A_144, %mul3A_145 : i32
            %get3A_147 = arith.index_cast %add3A_133 : i32 to index
            %get3A_148 = arith.index_cast %mul3A_146 : i32 to index
            %get3A_149 = tpu.vector_load %arg10[%get3A_147, %get3A_148] {strides = array<i32>} : memref<16x256xi32, #tpu.memory_space<vmem>>, vector<16xi32>,
            %mul3A_150 = arith.constant 16 : i32
            %mul3A_151 = arith.muli %add3A_144, %mul3A_150 : i32
            %get3A_152 = arith.index_cast %add3A_133 : i32 to index
            %get3A_153 = arith.index_cast %mul3A_151 : i32 to index
            %get3A_154 = tpu.vector_load %arg17[%get3A_152, %get3A_153] {strides = array<i32>} : memref<16x256xf32, #tpu.memory_space<vmem>>, vector<16xf32>,
            %eq3A_155 = arith.constant 0 : i32
            %eq3A_156 = arith.cmpi eq, %arg1, %eq3A_155 : i32
            %convert_element_type3A_157 = arith.extui %eq3A_156 : i1 to i32
            %cond3A_158 = arith.constant 0 : i32
            %cond3A_159 = arith.cmpi ne, %convert_element_type3A_157, %cond3A_158 : i32
            scf.if %cond3A_159 {
              tpu.vector_store_idx %arg16[%get3A_149], %get3A_154 {add = true} : memref<10000xf32, #tpu.memory_space<vmem>>[vector<16xi32>], vector<16xf32>,
            } else {
            }
            %mul3A_160 = arith.constant 16 : i32
            %mul3A_161 = arith.muli %add3A_144, %mul3A_160 : i32
            %add3A_162 = vector.broadcast %mul3A_161 : i32 to vector<16xi32>
            %add3A_163 = arith.addi %add3A_162, %iota3A : vector<16xi32>
            %gather3A = tpu.vector_load_idx %arg14[%add3A_163, %broadcast_in_dim3A_2] : memref<256x8xf32, #tpu.memory_space<vmem>>[vector<16xi32>, vector<16xi32>], vector<16xf32>,
            %mul3A_164 = arith.mulf %gather3A, %get3A_154 : vector<16xf32>
            tpu.vector_store_idx %arg15[%get3A_149, %broadcast_in_dim3A_2], %mul3A_164 {add = true} : memref<10000x8xf32, #tpu.memory_space<vmem>>[vector<16xi32>, vector<16xi32>], vector<16xf32>,
            %gather3A_165 = tpu.vector_load_idx %arg14[%add3A_163, %broadcast_in_dim3A_4] : memref<256x8xf32, #tpu.memory_space<vmem>>[vector<16xi32>, vector<16xi32>], vector<16xf32>,
            %mul3A_166 = arith.mulf %gather3A_165, %get3A_154 : vector<16xf32>
            tpu.vector_store_idx %arg15[%get3A_149, %broadcast_in_dim3A_4], %mul3A_166 {add = true} : memref<10000x8xf32, #tpu.memory_space<vmem>>[vector<16xi32>, vector<16xi32>], vector<16xf32>,
            %gather3A_167 = tpu.vector_load_idx %arg14[%add3A_163, %broadcast_in_dim3A_6] : memref<256x8xf32, #tpu.memory_space<vmem>>[vector<16xi32>, vector<16xi32>], vector<16xf32>,
            %mul3A_168 = arith.mulf %gather3A_167, %get3A_154 : vector<16xf32>
            tpu.vector_store_idx %arg15[%get3A_149, %broadcast_in_dim3A_6], %mul3A_168 {add = true} : memref<10000x8xf32, #tpu.memory_space<vmem>>[vector<16xi32>, vector<16xi32>], vector<16xf32>,
            %gather3A_169 = tpu.vector_load_idx %arg14[%add3A_163, %broadcast_in_dim3A_8] : memref<256x8xf32, #tpu.memory_space<vmem>>[vector<16xi32>, vector<16xi32>], vector<16xf32>,
            %mul3A_170 = arith.mulf %gather3A_169, %get3A_154 : vector<16xf32>
            tpu.vector_store_idx %arg15[%get3A_149, %broadcast_in_dim3A_8], %mul3A_170 {add = true} : memref<10000x8xf32, #tpu.memory_space<vmem>>[vector<16xi32>, vector<16xi32>], vector<16xf32>,
            %gather3A_171 = tpu.vector_load_idx %arg14[%add3A_163, %broadcast_in_dim3A_10] : memref<256x8xf32, #tpu.memory_space<vmem>>[vector<16xi32>, vector<16xi32>], vector<16xf32>,
            %mul3A_172 = arith.mulf %gather3A_171, %get3A_154 : vector<16xf32>
            tpu.vector_store_idx %arg15[%get3A_149, %broadcast_in_dim3A_10], %mul3A_172 {add = true} : memref<10000x8xf32, #tpu.memory_space<vmem>>[vector<16xi32>, vector<16xi32>], vector<16xf32>,
            %gather3A_173 = tpu.vector_load_idx %arg14[%add3A_163, %broadcast_in_dim3A_12] : memref<256x8xf32, #tpu.memory_space<vmem>>[vector<16xi32>, vector<16xi32>], vector<16xf32>,
            %mul3A_174 = arith.mulf %gather3A_173, %get3A_154 : vector<16xf32>
            tpu.vector_store_idx %arg15[%get3A_149, %broadcast_in_dim3A_12], %mul3A_174 {add = true} : memref<10000x8xf32, #tpu.memory_space<vmem>>[vector<16xi32>, vector<16xi32>], vector<16xf32>,
            %gather3A_175 = tpu.vector_load_idx %arg14[%add3A_163, %broadcast_in_dim3A_14] : memref<256x8xf32, #tpu.memory_space<vmem>>[vector<16xi32>, vector<16xi32>], vector<16xf32>,
            %mul3A_176 = arith.mulf %gather3A_175, %get3A_154 : vector<16xf32>
            tpu.vector_store_idx %arg15[%get3A_149, %broadcast_in_dim3A_14], %mul3A_176 {add = true} : memref<10000x8xf32, #tpu.memory_space<vmem>>[vector<16xi32>, vector<16xi32>], vector<16xf32>,
            %gather3A_177 = tpu.vector_load_idx %arg14[%add3A_163, %broadcast_in_dim3A_16] : memref<256x8xf32, #tpu.memory_space<vmem>>[vector<16xi32>, vector<16xi32>], vector<16xf32>,
            %mul3A_178 = arith.mulf %gather3A_177, %get3A_154 : vector<16xf32>
            tpu.vector_store_idx %arg15[%get3A_149, %broadcast_in_dim3A_16], %mul3A_178 {add = true} : memref<10000x8xf32, #tpu.memory_space<vmem>>[vector<16xi32>, vector<16xi32>], vector<16xf32>,
            %mul3A_179 = arith.constant 4 : i32
            %mul3A_180 = arith.muli %scan3A_140, %mul3A_179 : i32
            %add3A_181 = arith.constant 1 : i32
            %add3A_182 = arith.addi %mul3A_180, %add3A_181 : i32
            %mul3A_183 = arith.constant 16 : i32
            %mul3A_184 = arith.muli %add3A_182, %mul3A_183 : i32
            %get3A_185 = arith.index_cast %add3A_133 : i32 to index
            %get3A_186 = arith.index_cast %mul3A_184 : i32 to index
            %get3A_187 = tpu.vector_load %arg10[%get3A_185, %get3A_186] {strides = array<i32>} : memref<16x256xi32, #tpu.memory_space<vmem>>, vector<16xi32>,
            %mul3A_188 = arith.constant 16 : i32
            %mul3A_189 = arith.muli %add3A_182, %mul3A_188 : i32
            %get3A_190 = arith.index_cast %add3A_133 : i32 to index
            %get3A_191 = arith.index_cast %mul3A_189 : i32 to index
            %get3A_192 = tpu.vector_load %arg17[%get3A_190, %get3A_191] {strides = array<i32>} : memref<16x256xf32, #tpu.memory_space<vmem>>, vector<16xf32>,
            %eq3A_193 = arith.constant 0 : i32
            %eq3A_194 = arith.cmpi eq, %arg1, %eq3A_193 : i32
            %convert_element_type3A_195 = arith.extui %eq3A_194 : i1 to i32
            %cond3A_196 = arith.constant 0 : i32
            %cond3A_197 = arith.cmpi ne, %convert_element_type3A_195, %cond3A_196 : i32
            scf.if %cond3A_197 {
              tpu.vector_store_idx %arg16[%get3A_187], %get3A_192 {add = true} : memref<10000xf32, #tpu.memory_space<vmem>>[vector<16xi32>], vector<16xf32>,
            } else {
            }
            %mul3A_198 = arith.constant 16 : i32
            %mul3A_199 = arith.muli %add3A_182, %mul3A_198 : i32
            %add3A_200 = vector.broadcast %mul3A_199 : i32 to vector<16xi32>
            %add3A_201 = arith.addi %add3A_200, %iota3A : vector<16xi32>
            %gather3A_202 = tpu.vector_load_idx %arg14[%add3A_201, %broadcast_in_dim3A_2] : memref<256x8xf32, #tpu.memory_space<vmem>>[vector<16xi32>, vector<16xi32>], vector<16xf32>,
            %mul3A_203 = arith.mulf %gather3A_202, %get3A_192 : vector<16xf32>
            tpu.vector_store_idx %arg15[%get3A_187, %broadcast_in_dim3A_2], %mul3A_203 {add = true} : memref<10000x8xf32, #tpu.memory_space<vmem>>[vector<16xi32>, vector<16xi32>], vector<16xf32>,
            %gather3A_204 = tpu.vector_load_idx %arg14[%add3A_201, %broadcast_in_dim3A_4] : memref<256x8xf32, #tpu.memory_space<vmem>>[vector<16xi32>, vector<16xi32>], vector<16xf32>,
            %mul3A_205 = arith.mulf %gather3A_204, %get3A_192 : vector<16xf32>
            tpu.vector_store_idx %arg15[%get3A_187, %broadcast_in_dim3A_4], %mul3A_205 {add = true} : memref<10000x8xf32, #tpu.memory_space<vmem>>[vector<16xi32>, vector<16xi32>], vector<16xf32>,
            %gather3A_206 = tpu.vector_load_idx %arg14[%add3A_201, %broadcast_in_dim3A_6] : memref<256x8xf32, #tpu.memory_space<vmem>>[vector<16xi32>, vector<16xi32>], vector<16xf32>,
            %mul3A_207 = arith.mulf %gather3A_206, %get3A_192 : vector<16xf32>
            tpu.vector_store_idx %arg15[%get3A_187, %broadcast_in_dim3A_6], %mul3A_207 {add = true} : memref<10000x8xf32, #tpu.memory_space<vmem>>[vector<16xi32>, vector<16xi32>], vector<16xf32>,
            %gather3A_208 = tpu.vector_load_idx %arg14[%add3A_201, %broadcast_in_dim3A_8] : memref<256x8xf32, #tpu.memory_space<vmem>>[vector<16xi32>, vector<16xi32>], vector<16xf32>,
            %mul3A_209 = arith.mulf %gather3A_208, %get3A_192 : vector<16xf32>
            tpu.vector_store_idx %arg15[%get3A_187, %broadcast_in_dim3A_8], %mul3A_209 {add = true} : memref<10000x8xf32, #tpu.memory_space<vmem>>[vector<16xi32>, vector<16xi32>], vector<16xf32>,
            %gather3A_210 = tpu.vector_load_idx %arg14[%add3A_201, %broadcast_in_dim3A_10] : memref<256x8xf32, #tpu.memory_space<vmem>>[vector<16xi32>, vector<16xi32>], vector<16xf32>,
            %mul3A_211 = arith.mulf %gather3A_210, %get3A_192 : vector<16xf32>
            tpu.vector_store_idx %arg15[%get3A_187, %broadcast_in_dim3A_10], %mul3A_211 {add = true} : memref<10000x8xf32, #tpu.memory_space<vmem>>[vector<16xi32>, vector<16xi32>], vector<16xf32>,
            %gather3A_212 = tpu.vector_load_idx %arg14[%add3A_201, %broadcast_in_dim3A_12] : memref<256x8xf32, #tpu.memory_space<vmem>>[vector<16xi32>, vector<16xi32>], vector<16xf32>,
            %mul3A_213 = arith.mulf %gather3A_212, %get3A_192 : vector<16xf32>
            tpu.vector_store_idx %arg15[%get3A_187, %broadcast_in_dim3A_12], %mul3A_213 {add = true} : memref<10000x8xf32, #tpu.memory_space<vmem>>[vector<16xi32>, vector<16xi32>], vector<16xf32>,
            %gather3A_214 = tpu.vector_load_idx %arg14[%add3A_201, %broadcast_in_dim3A_14] : memref<256x8xf32, #tpu.memory_space<vmem>>[vector<16xi32>, vector<16xi32>], vector<16xf32>,
            %mul3A_215 = arith.mulf %gather3A_214, %get3A_192 : vector<16xf32>
            tpu.vector_store_idx %arg15[%get3A_187, %broadcast_in_dim3A_14], %mul3A_215 {add = true} : memref<10000x8xf32, #tpu.memory_space<vmem>>[vector<16xi32>, vector<16xi32>], vector<16xf32>,
            %gather3A_216 = tpu.vector_load_idx %arg14[%add3A_201, %broadcast_in_dim3A_16] : memref<256x8xf32, #tpu.memory_space<vmem>>[vector<16xi32>, vector<16xi32>], vector<16xf32>,
            %mul3A_217 = arith.mulf %gather3A_216, %get3A_192 : vector<16xf32>
            tpu.vector_store_idx %arg15[%get3A_187, %broadcast_in_dim3A_16], %mul3A_217 {add = true} : memref<10000x8xf32, #tpu.memory_space<vmem>>[vector<16xi32>, vector<16xi32>], vector<16xf32>,
            %mul3A_218 = arith.constant 4 : i32
            %mul3A_219 = arith.muli %scan3A_140, %mul3A_218 : i32
            %add3A_220 = arith.constant 2 : i32
            %add3A_221 = arith.addi %mul3A_219, %add3A_220 : i32
            %mul3A_222 = arith.constant 16 : i32
            %mul3A_223 = arith.muli %add3A_221, %mul3A_222 : i32
            %get3A_224 = arith.index_cast %add3A_133 : i32 to index
            %get3A_225 = arith.index_cast %mul3A_223 : i32 to index
            %get3A_226 = tpu.vector_load %arg10[%get3A_224, %get3A_225] {strides = array<i32>} : memref<16x256xi32, #tpu.memory_space<vmem>>, vector<16xi32>,
            %mul3A_227 = arith.constant 16 : i32
            %mul3A_228 = arith.muli %add3A_221, %mul3A_227 : i32
            %get3A_229 = arith.index_cast %add3A_133 : i32 to index
            %get3A_230 = arith.index_cast %mul3A_228 : i32 to index
            %get3A_231 = tpu.vector_load %arg17[%get3A_229, %get3A_230] {strides = array<i32>} : memref<16x256xf32, #tpu.memory_space<vmem>>, vector<16xf32>,
            %eq3A_232 = arith.constant 0 : i32
            %eq3A_233 = arith.cmpi eq, %arg1, %eq3A_232 : i32
            %convert_element_type3A_234 = arith.extui %eq3A_233 : i1 to i32
            %cond3A_235 = arith.constant 0 : i32
            %cond3A_236 = arith.cmpi ne, %convert_element_type3A_234, %cond3A_235 : i32
            scf.if %cond3A_236 {
              tpu.vector_store_idx %arg16[%get3A_226], %get3A_231 {add = true} : memref<10000xf32, #tpu.memory_space<vmem>>[vector<16xi32>], vector<16xf32>,
            } else {
            }
            %mul3A_237 = arith.constant 16 : i32
            %mul3A_238 = arith.muli %add3A_221, %mul3A_237 : i32
            %add3A_239 = vector.broadcast %mul3A_238 : i32 to vector<16xi32>
            %add3A_240 = arith.addi %add3A_239, %iota3A : vector<16xi32>
            %gather3A_241 = tpu.vector_load_idx %arg14[%add3A_240, %broadcast_in_dim3A_2] : memref<256x8xf32, #tpu.memory_space<vmem>>[vector<16xi32>, vector<16xi32>], vector<16xf32>,
            %mul3A_242 = arith.mulf %gather3A_241, %get3A_231 : vector<16xf32>
            tpu.vector_store_idx %arg15[%get3A_226, %broadcast_in_dim3A_2], %mul3A_242 {add = true} : memref<10000x8xf32, #tpu.memory_space<vmem>>[vector<16xi32>, vector<16xi32>], vector<16xf32>,
            %gather3A_243 = tpu.vector_load_idx %arg14[%add3A_240, %broadcast_in_dim3A_4] : memref<256x8xf32, #tpu.memory_space<vmem>>[vector<16xi32>, vector<16xi32>], vector<16xf32>,
            %mul3A_244 = arith.mulf %gather3A_243, %get3A_231 : vector<16xf32>
            tpu.vector_store_idx %arg15[%get3A_226, %broadcast_in_dim3A_4], %mul3A_244 {add = true} : memref<10000x8xf32, #tpu.memory_space<vmem>>[vector<16xi32>, vector<16xi32>], vector<16xf32>,
            %gather3A_245 = tpu.vector_load_idx %arg14[%add3A_240, %broadcast_in_dim3A_6] : memref<256x8xf32, #tpu.memory_space<vmem>>[vector<16xi32>, vector<16xi32>], vector<16xf32>,
            %mul3A_246 = arith.mulf %gather3A_245, %get3A_231 : vector<16xf32>
            tpu.vector_store_idx %arg15[%get3A_226, %broadcast_in_dim3A_6], %mul3A_246 {add = true} : memref<10000x8xf32, #tpu.memory_space<vmem>>[vector<16xi32>, vector<16xi32>], vector<16xf32>,
            %gather3A_247 = tpu.vector_load_idx %arg14[%add3A_240, %broadcast_in_dim3A_8] : memref<256x8xf32, #tpu.memory_space<vmem>>[vector<16xi32>, vector<16xi32>], vector<16xf32>,
            %mul3A_248 = arith.mulf %gather3A_247, %get3A_231 : vector<16xf32>
            tpu.vector_store_idx %arg15[%get3A_226, %broadcast_in_dim3A_8], %mul3A_248 {add = true} : memref<10000x8xf32, #tpu.memory_space<vmem>>[vector<16xi32>, vector<16xi32>], vector<16xf32>,
            %gather3A_249 = tpu.vector_load_idx %arg14[%add3A_240, %broadcast_in_dim3A_10] : memref<256x8xf32, #tpu.memory_space<vmem>>[vector<16xi32>, vector<16xi32>], vector<16xf32>,
            %mul3A_250 = arith.mulf %gather3A_249, %get3A_231 : vector<16xf32>
            tpu.vector_store_idx %arg15[%get3A_226, %broadcast_in_dim3A_10], %mul3A_250 {add = true} : memref<10000x8xf32, #tpu.memory_space<vmem>>[vector<16xi32>, vector<16xi32>], vector<16xf32>,
            %gather3A_251 = tpu.vector_load_idx %arg14[%add3A_240, %broadcast_in_dim3A_12] : memref<256x8xf32, #tpu.memory_space<vmem>>[vector<16xi32>, vector<16xi32>], vector<16xf32>,
            %mul3A_252 = arith.mulf %gather3A_251, %get3A_231 : vector<16xf32>
            tpu.vector_store_idx %arg15[%get3A_226, %broadcast_in_dim3A_12], %mul3A_252 {add = true} : memref<10000x8xf32, #tpu.memory_space<vmem>>[vector<16xi32>, vector<16xi32>], vector<16xf32>,
            %gather3A_253 = tpu.vector_load_idx %arg14[%add3A_240, %broadcast_in_dim3A_14] : memref<256x8xf32, #tpu.memory_space<vmem>>[vector<16xi32>, vector<16xi32>], vector<16xf32>,
            %mul3A_254 = arith.mulf %gather3A_253, %get3A_231 : vector<16xf32>
            tpu.vector_store_idx %arg15[%get3A_226, %broadcast_in_dim3A_14], %mul3A_254 {add = true} : memref<10000x8xf32, #tpu.memory_space<vmem>>[vector<16xi32>, vector<16xi32>], vector<16xf32>,
            %gather3A_255 = tpu.vector_load_idx %arg14[%add3A_240, %broadcast_in_dim3A_16] : memref<256x8xf32, #tpu.memory_space<vmem>>[vector<16xi32>, vector<16xi32>], vector<16xf32>,
            %mul3A_256 = arith.mulf %gather3A_255, %get3A_231 : vector<16xf32>
            tpu.vector_store_idx %arg15[%get3A_226, %broadcast_in_dim3A_16], %mul3A_256 {add = true} : memref<10000x8xf32, #tpu.memory_space<vmem>>[vector<16xi32>, vector<16xi32>], vector<16xf32>,
            %mul3A_257 = arith.constant 4 : i32
            %mul3A_258 = arith.muli %scan3A_140, %mul3A_257 : i32
            %add3A_259 = arith.constant 3 : i32
            %add3A_260 = arith.addi %mul3A_258, %add3A_259 : i32
            %mul3A_261 = arith.constant 16 : i32
            %mul3A_262 = arith.muli %add3A_260, %mul3A_261 : i32
            %get3A_263 = arith.index_cast %add3A_133 : i32 to index
            %get3A_264 = arith.index_cast %mul3A_262 : i32 to index
            %get3A_265 = tpu.vector_load %arg10[%get3A_263, %get3A_264] {strides = array<i32>} : memref<16x256xi32, #tpu.memory_space<vmem>>, vector<16xi32>,
            %mul3A_266 = arith.constant 16 : i32
            %mul3A_267 = arith.muli %add3A_260, %mul3A_266 : i32
            %get3A_268 = arith.index_cast %add3A_133 : i32 to index
            %get3A_269 = arith.index_cast %mul3A_267 : i32 to index
            %get3A_270 = tpu.vector_load %arg17[%get3A_268, %get3A_269] {strides = array<i32>} : memref<16x256xf32, #tpu.memory_space<vmem>>, vector<16xf32>,
            %eq3A_271 = arith.constant 0 : i32
            %eq3A_272 = arith.cmpi eq, %arg1, %eq3A_271 : i32
            %convert_element_type3A_273 = arith.extui %eq3A_272 : i1 to i32
            %cond3A_274 = arith.constant 0 : i32
            %cond3A_275 = arith.cmpi ne, %convert_element_type3A_273, %cond3A_274 : i32
            scf.if %cond3A_275 {
              tpu.vector_store_idx %arg16[%get3A_265], %get3A_270 {add = true} : memref<10000xf32, #tpu.memory_space<vmem>>[vector<16xi32>], vector<16xf32>,
            } else {
            }
            %mul3A_276 = arith.constant 16 : i32
            %mul3A_277 = arith.muli %add3A_260, %mul3A_276 : i32
            %add3A_278 = vector.broadcast %mul3A_277 : i32 to vector<16xi32>
            %add3A_279 = arith.addi %add3A_278, %iota3A : vector<16xi32>
            %gather3A_280 = tpu.vector_load_idx %arg14[%add3A_279, %broadcast_in_dim3A_2] : memref<256x8xf32, #tpu.memory_space<vmem>>[vector<16xi32>, vector<16xi32>], vector<16xf32>,
            %mul3A_281 = arith.mulf %gather3A_280, %get3A_270 : vector<16xf32>
            tpu.vector_store_idx %arg15[%get3A_265, %broadcast_in_dim3A_2], %mul3A_281 {add = true} : memref<10000x8xf32, #tpu.memory_space<vmem>>[vector<16xi32>, vector<16xi32>], vector<16xf32>,
            %gather3A_282 = tpu.vector_load_idx %arg14[%add3A_279, %broadcast_in_dim3A_4] : memref<256x8xf32, #tpu.memory_space<vmem>>[vector<16xi32>, vector<16xi32>], vector<16xf32>,
            %mul3A_283 = arith.mulf %gather3A_282, %get3A_270 : vector<16xf32>
            tpu.vector_store_idx %arg15[%get3A_265, %broadcast_in_dim3A_4], %mul3A_283 {add = true} : memref<10000x8xf32, #tpu.memory_space<vmem>>[vector<16xi32>, vector<16xi32>], vector<16xf32>,
            %gather3A_284 = tpu.vector_load_idx %arg14[%add3A_279, %broadcast_in_dim3A_6] : memref<256x8xf32, #tpu.memory_space<vmem>>[vector<16xi32>, vector<16xi32>], vector<16xf32>,
            %mul3A_285 = arith.mulf %gather3A_284, %get3A_270 : vector<16xf32>
            tpu.vector_store_idx %arg15[%get3A_265, %broadcast_in_dim3A_6], %mul3A_285 {add = true} : memref<10000x8xf32, #tpu.memory_space<vmem>>[vector<16xi32>, vector<16xi32>], vector<16xf32>,
            %gather3A_286 = tpu.vector_load_idx %arg14[%add3A_279, %broadcast_in_dim3A_8] : memref<256x8xf32, #tpu.memory_space<vmem>>[vector<16xi32>, vector<16xi32>], vector<16xf32>,
            %mul3A_287 = arith.mulf %gather3A_286, %get3A_270 : vector<16xf32>
            tpu.vector_store_idx %arg15[%get3A_265, %broadcast_in_dim3A_8], %mul3A_287 {add = true} : memref<10000x8xf32, #tpu.memory_space<vmem>>[vector<16xi32>, vector<16xi32>], vector<16xf32>,
            %gather3A_288 = tpu.vector_load_idx %arg14[%add3A_279, %broadcast_in_dim3A_10] : memref<256x8xf32, #tpu.memory_space<vmem>>[vector<16xi32>, vector<16xi32>], vector<16xf32>,
            %mul3A_289 = arith.mulf %gather3A_288, %get3A_270 : vector<16xf32>
            tpu.vector_store_idx %arg15[%get3A_265, %broadcast_in_dim3A_10], %mul3A_289 {add = true} : memref<10000x8xf32, #tpu.memory_space<vmem>>[vector<16xi32>, vector<16xi32>], vector<16xf32>,
            %gather3A_290 = tpu.vector_load_idx %arg14[%add3A_279, %broadcast_in_dim3A_12] : memref<256x8xf32, #tpu.memory_space<vmem>>[vector<16xi32>, vector<16xi32>], vector<16xf32>,
            %mul3A_291 = arith.mulf %gather3A_290, %get3A_270 : vector<16xf32>
            tpu.vector_store_idx %arg15[%get3A_265, %broadcast_in_dim3A_12], %mul3A_291 {add = true} : memref<10000x8xf32, #tpu.memory_space<vmem>>[vector<16xi32>, vector<16xi32>], vector<16xf32>,
            %gather3A_292 = tpu.vector_load_idx %arg14[%add3A_279, %broadcast_in_dim3A_14] : memref<256x8xf32, #tpu.memory_space<vmem>>[vector<16xi32>, vector<16xi32>], vector<16xf32>,
            %mul3A_293 = arith.mulf %gather3A_292, %get3A_270 : vector<16xf32>
            tpu.vector_store_idx %arg15[%get3A_265, %broadcast_in_dim3A_14], %mul3A_293 {add = true} : memref<10000x8xf32, #tpu.memory_space<vmem>>[vector<16xi32>, vector<16xi32>], vector<16xf32>,
            %gather3A_294 = tpu.vector_load_idx %arg14[%add3A_279, %broadcast_in_dim3A_16] : memref<256x8xf32, #tpu.memory_space<vmem>>[vector<16xi32>, vector<16xi32>], vector<16xf32>,
            %mul3A_295 = arith.mulf %gather3A_294, %get3A_270 : vector<16xf32>
            tpu.vector_store_idx %arg15[%get3A_265, %broadcast_in_dim3A_16], %mul3A_295 {add = true} : memref<10000x8xf32, #tpu.memory_space<vmem>>[vector<16xi32>, vector<16xi32>], vector<16xf32>,
          }
          %scan3A_139 = arith.constant 4 : i32
        }
        %scan3A_91 = arith.constant 8 : i32
      }
      %scan3A_61 = arith.constant 80 : i32
      %add3A_62 = arith.constant 0 : i32
      %add3A_63 = arith.addi %add3A_62, %arg1 : i32
      "tpu.region"() ({
        %run_scoped3A = tpu.sem_alloc : memref<!tpu.dma_semaphore, #tpu.memory_space<semaphore_mem>>
        %dma_start3A = arith.constant 0 : i32
        %dma_start3A_69 = arith.constant 0 : i32
        %dma_start3A_70 = tpu.memref_slice %arg7[%add3A_63, %dma_start3A, %dma_start3A_69] : memref<64x10000x8xf32, #tpu.memory_space<hbm>> -> memref<1x10000x8xf32, #tpu.memory_space<hbm>>
        %dma_start3A_71 = tpu.memref_squeeze %dma_start3A_70 : memref<1x10000x8xf32, #tpu.memory_space<hbm>> -> memref<10000x8xf32, #tpu.memory_space<hbm>>
        %dma_start3A_72 = arith.constant 0 : i32
        %dma_start3A_73 = arith.constant 0 : i32
        %dma_start3A_74 = tpu.memref_slice %arg7[%add3A_63, %dma_start3A_72, %dma_start3A_73] : memref<64x10000x8xf32, #tpu.memory_space<hbm>> -> memref<1x10000x8xf32, #tpu.memory_space<hbm>>
        %dma_start3A_75 = tpu.memref_squeeze %dma_start3A_74 : memref<1x10000x8xf32, #tpu.memory_space<hbm>> -> memref<10000x8xf32, #tpu.memory_space<hbm>>
        tpu.enqueue_dma source(%arg15 : memref<10000x8xf32, #tpu.memory_space<vmem>>) target(%dma_start3A_75 : memref<10000x8xf32, #tpu.memory_space<hbm>>) target_semaphore(%run_scoped3A : memref<!tpu.dma_semaphore, #tpu.memory_space<semaphore_mem>>)
        %dma_wait3A = arith.constant 0 : i32
        %dma_wait3A_76 = arith.constant 0 : i32
        %dma_wait3A_77 = tpu.memref_slice %arg7[%add3A_63, %dma_wait3A, %dma_wait3A_76] : memref<64x10000x8xf32, #tpu.memory_space<hbm>> -> memref<1x10000x8xf32, #tpu.memory_space<hbm>>
        %dma_wait3A_78 = tpu.memref_squeeze %dma_wait3A_77 : memref<1x10000x8xf32, #tpu.memory_space<hbm>> -> memref<10000x8xf32, #tpu.memory_space<hbm>>
        %dma_wait3A_79 = arith.constant 0 : i32
        %dma_wait3A_80 = arith.constant 0 : i32
        %dma_wait3A_81 = tpu.memref_slice %arg7[%add3A_63, %dma_wait3A_79, %dma_wait3A_80] : memref<64x10000x8xf32, #tpu.memory_space<hbm>> -> memref<1x10000x8xf32, #tpu.memory_space<hbm>>
        %dma_wait3A_82 = tpu.memref_squeeze %dma_wait3A_81 : memref<1x10000x8xf32, #tpu.memory_space<hbm>> -> memref<10000x8xf32, #tpu.memory_space<hbm>>
        tpu.wait_dma2 semaphore(%run_scoped3A : memref<!tpu.dma_semaphore, #tpu.memory_space<semaphore_mem>>) src(%arg15 : memref<10000x8xf32, #tpu.memory_space<vmem>>) dst(%dma_wait3A_82 : memref<10000x8xf32, #tpu.memory_space<hbm>>)
        tpu.yield
      }) : () -> ()
      %eq3A_64 = arith.constant 0 : i32
      %eq3A_65 = arith.cmpi eq, %arg1, %eq3A_64 : i32
      %convert_element_type3A_66 = arith.extui %eq3A_65 : i1 to i32
      %cond3A_67 = arith.constant 0 : i32
      %cond3A_68 = arith.cmpi ne, %convert_element_type3A_66, %cond3A_67 : i32
      scf.if %cond3A_68 {
        "tpu.region"() ({
          %run_scoped3A = tpu.sem_alloc : memref<!tpu.dma_semaphore, #tpu.memory_space<semaphore_mem>>
          %dma_start3A = arith.constant 0 : i32
          %dma_start3A_69 = tpu.memref_slice %arg8[%dma_start3A] : memref<40000xf32, #tpu.memory_space<hbm>> -> memref<10000xf32, #tpu.memory_space<hbm>>
          %dma_start3A_70 = arith.constant 0 : i32
          %dma_start3A_71 = tpu.memref_slice %arg8[%dma_start3A_70] : memref<40000xf32, #tpu.memory_space<hbm>> -> memref<10000xf32, #tpu.memory_space<hbm>>
          tpu.enqueue_dma source(%arg16 : memref<10000xf32, #tpu.memory_space<vmem>>) target(%dma_start3A_71 : memref<10000xf32, #tpu.memory_space<hbm>>) target_semaphore(%run_scoped3A : memref<!tpu.dma_semaphore, #tpu.memory_space<semaphore_mem>>)
          %dma_wait3A = arith.constant 0 : i32
          %dma_wait3A_72 = tpu.memref_slice %arg8[%dma_wait3A] : memref<40000xf32, #tpu.memory_space<hbm>> -> memref<10000xf32, #tpu.memory_space<hbm>>
          %dma_wait3A_73 = arith.constant 0 : i32
          %dma_wait3A_74 = tpu.memref_slice %arg8[%dma_wait3A_73] : memref<40000xf32, #tpu.memory_space<hbm>> -> memref<10000xf32, #tpu.memory_space<hbm>>
          tpu.wait_dma2 semaphore(%run_scoped3A : memref<!tpu.dma_semaphore, #tpu.memory_space<semaphore_mem>>) src(%arg16 : memref<10000xf32, #tpu.memory_space<vmem>>) dst(%dma_wait3A_74 : memref<10000xf32, #tpu.memory_space<hbm>>)
          tpu.yield
        }) : () -> ()
      } else {
      }
    } else {
    }
    %eq3A_19 = arith.constant 0 : i32
    %eq3A_20 = arith.cmpi eq, %arg0, %eq3A_19 : i32
    %convert_element_type3A_21 = arith.extui %eq3A_20 : i1 to i32
    %cond3A_22 = arith.constant 0 : i32
    %cond3A_23 = arith.cmpi ne, %convert_element_type3A_21, %cond3A_22 : i32
    scf.if %cond3A_23 {
      "tpu.region"() ({
        %run_scoped3A = tpu.sem_alloc : memref<!tpu.dma_semaphore, #tpu.memory_space<semaphore_mem>>
        %dma_start3A = arith.constant 20000 : i32
        %dma_start3A_69 = tpu.memref_slice %arg3[%dma_start3A] : memref<80000xf32, #tpu.memory_space<hbm>> -> memref<20000xf32, #tpu.memory_space<hbm>>
        %dma_start3A_70 = arith.constant 20000 : i32
        %dma_start3A_71 = tpu.memref_slice %arg3[%dma_start3A_70] : memref<80000xf32, #tpu.memory_space<hbm>> -> memref<20000xf32, #tpu.memory_space<hbm>>
        tpu.enqueue_dma source(%dma_start3A_71 : memref<20000xf32, #tpu.memory_space<hbm>>) target(%arg12 : memref<20000xf32, #tpu.memory_space<vmem>>) target_semaphore(%run_scoped3A : memref<!tpu.dma_semaphore, #tpu.memory_space<semaphore_mem>>)
        %dma_wait3A = arith.constant 20000 : i32
        %dma_wait3A_72 = tpu.memref_slice %arg3[%dma_wait3A] : memref<80000xf32, #tpu.memory_space<hbm>> -> memref<20000xf32, #tpu.memory_space<hbm>>
        %dma_wait3A_73 = arith.constant 20000 : i32
        %dma_wait3A_74 = tpu.memref_slice %arg3[%dma_wait3A_73] : memref<80000xf32, #tpu.memory_space<hbm>> -> memref<20000xf32, #tpu.memory_space<hbm>>
        tpu.wait_dma2 semaphore(%run_scoped3A : memref<!tpu.dma_semaphore, #tpu.memory_space<semaphore_mem>>) src(%dma_wait3A_74 : memref<20000xf32, #tpu.memory_space<hbm>>) dst(%arg12 : memref<20000xf32, #tpu.memory_space<vmem>>)
        tpu.yield
      }) : () -> ()
      %scan3A = arith.constant 0 : i32
      %scan3A_34 = arith.constant 0 : i32
      %scan3A_35 = arith.constant 625 : i32
      %scan3A_36 = arith.addi %scan3A_34, %scan3A_35 : i32
      %scan3A_37 = arith.constant 1 : i32
      scf.for %scan3A_69 = %scan3A_34 to %scan3A_36 step %scan3A_37  : i32 {
        %mul3A_70 = arith.constant 16 : i32
        %mul3A_71 = arith.muli %scan3A_69, %mul3A_70 : i32
        %add3A_72 = vector.broadcast %mul3A_71 : i32 to vector<16xi32>
        %add3A_73 = arith.addi %add3A_72, %iota3A : vector<16xi32>
        tpu.vector_store_idx %arg15[%add3A_73, %broadcast_in_dim3A_2], %broadcast_in_dim3A_0 : memref<10000x8xf32, #tpu.memory_space<vmem>>[vector<16xi32>, vector<16xi32>], vector<16xf32>,
        tpu.vector_store_idx %arg15[%add3A_73, %broadcast_in_dim3A_4], %broadcast_in_dim3A_0 : memref<10000x8xf32, #tpu.memory_space<vmem>>[vector<16xi32>, vector<16xi32>], vector<16xf32>,
        tpu.vector_store_idx %arg15[%add3A_73, %broadcast_in_dim3A_6], %broadcast_in_dim3A_0 : memref<10000x8xf32, #tpu.memory_space<vmem>>[vector<16xi32>, vector<16xi32>], vector<16xf32>,
        tpu.vector_store_idx %arg15[%add3A_73, %broadcast_in_dim3A_8], %broadcast_in_dim3A_0 : memref<10000x8xf32, #tpu.memory_space<vmem>>[vector<16xi32>, vector<16xi32>], vector<16xf32>,
        tpu.vector_store_idx %arg15[%add3A_73, %broadcast_in_dim3A_10], %broadcast_in_dim3A_0 : memref<10000x8xf32, #tpu.memory_space<vmem>>[vector<16xi32>, vector<16xi32>], vector<16xf32>,
        tpu.vector_store_idx %arg15[%add3A_73, %broadcast_in_dim3A_12], %broadcast_in_dim3A_0 : memref<10000x8xf32, #tpu.memory_space<vmem>>[vector<16xi32>, vector<16xi32>], vector<16xf32>,
        tpu.vector_store_idx %arg15[%add3A_73, %broadcast_in_dim3A_14], %broadcast_in_dim3A_0 : memref<10000x8xf32, #tpu.memory_space<vmem>>[vector<16xi32>, vector<16xi32>], vector<16xf32>,
        tpu.vector_store_idx %arg15[%add3A_73, %broadcast_in_dim3A_16], %broadcast_in_dim3A_0 : memref<10000x8xf32, #tpu.memory_space<vmem>>[vector<16xi32>, vector<16xi32>], vector<16xf32>,
      }
      %scan3A_38 = arith.constant 625 : i32
      %scan3A_39 = arith.constant 0 : i32
      %scan3A_40 = arith.constant 0 : i32
      %scan3A_41 = arith.constant 625 : i32
      %scan3A_42 = arith.addi %scan3A_40, %scan3A_41 : i32
      %scan3A_43 = arith.constant 1 : i32
      scf.for %scan3A_69 = %scan3A_40 to %scan3A_42 step %scan3A_43  : i32 {
        %mul3A_70 = arith.constant 16 : i32
        %mul3A_71 = arith.muli %scan3A_69, %mul3A_70 : i32
        %swap3A = arith.index_cast %mul3A_71 : i32 to index
        %swap3A_72 = tpu.vector_load %arg16[%swap3A] {strides = array<i32>} : memref<10000xf32, #tpu.memory_space<vmem>>, vector<16xf32>,
        tpu.vector_store %arg16[%swap3A], %broadcast_in_dim3A_0 {strides = array<i32>} : memref<10000xf32, #tpu.memory_space<vmem>>, vector<16xf32>,
      }
      %scan3A_44 = arith.constant 625 : i32
      %get3A = arith.constant 0 : index
      %get3A_45 = tpu.vector_load %arg18[%get3A] {strides = array<i32>} : memref<16xf32, #tpu.memory_space<vmem>>, vector<16xf32>,
      %add3A = arith.constant 16 : i32
      %add3A_46 = arith.addi %add3A, %arg1 : i32
      %mul3A = arith.constant 10000 : i32
      %mul3A_47 = arith.muli %add3A_46, %mul3A : i32
      %mul3A_48 = arith.constant 80 : i32
      %mul3A_49 = arith.muli %arg1, %mul3A_48 : i32
      %scan3A_50 = arith.constant 0 : i32
      %scan3A_51 = arith.constant 0 : i32
      %scan3A_52 = arith.constant 5 : i32
      %scan3A_53 = arith.addi %scan3A_51, %scan3A_52 : i32
      %scan3A_54 = arith.constant 1 : i32
      scf.for %scan3A_69 = %scan3A_51 to %scan3A_53 step %scan3A_54  : i32 {
        %mul3A_70 = arith.constant 16 : i32
        %mul3A_71 = arith.muli %scan3A_69, %mul3A_70 : i32
        %add3A_72 = arith.addi %mul3A_49, %mul3A_71 : i32
        "tpu.region"() ({
          %run_scoped3A = tpu.sem_alloc : memref<!tpu.dma_semaphore, #tpu.memory_space<semaphore_mem>>
          %dma_start3A = arith.constant 0 : i32
          %dma_start3A_81 = tpu.memref_slice %arg4[%add3A_72, %dma_start3A] : memref<1280x256xi32, #tpu.memory_space<hbm>> -> memref<16x256xi32, #tpu.memory_space<hbm>>
          %dma_start3A_82 = arith.constant 0 : i32
          %dma_start3A_83 = tpu.memref_slice %arg4[%add3A_72, %dma_start3A_82] : memref<1280x256xi32, #tpu.memory_space<hbm>> -> memref<16x256xi32, #tpu.memory_space<hbm>>
          tpu.enqueue_dma source(%dma_start3A_83 : memref<16x256xi32, #tpu.memory_space<hbm>>) target(%arg10 : memref<16x256xi32, #tpu.memory_space<vmem>>) target_semaphore(%run_scoped3A : memref<!tpu.dma_semaphore, #tpu.memory_space<semaphore_mem>>)
          %dma_wait3A = arith.constant 0 : i32
          %dma_wait3A_84 = tpu.memref_slice %arg4[%add3A_72, %dma_wait3A] : memref<1280x256xi32, #tpu.memory_space<hbm>> -> memref<16x256xi32, #tpu.memory_space<hbm>>
          %dma_wait3A_85 = arith.constant 0 : i32
          %dma_wait3A_86 = tpu.memref_slice %arg4[%add3A_72, %dma_wait3A_85] : memref<1280x256xi32, #tpu.memory_space<hbm>> -> memref<16x256xi32, #tpu.memory_space<hbm>>
          tpu.wait_dma2 semaphore(%run_scoped3A : memref<!tpu.dma_semaphore, #tpu.memory_space<semaphore_mem>>) src(%dma_wait3A_86 : memref<16x256xi32, #tpu.memory_space<hbm>>) dst(%arg10 : memref<16x256xi32, #tpu.memory_space<vmem>>)
          tpu.yield
        }) : () -> ()
        "tpu.region"() ({
          %run_scoped3A = tpu.sem_alloc : memref<!tpu.dma_semaphore, #tpu.memory_space<semaphore_mem>>
          %dma_start3A = arith.constant 0 : i32
          %dma_start3A_81 = tpu.memref_slice %arg5[%add3A_72, %dma_start3A] : memref<1280x256xi32, #tpu.memory_space<hbm>> -> memref<16x256xi32, #tpu.memory_space<hbm>>
          %dma_start3A_82 = arith.constant 0 : i32
          %dma_start3A_83 = tpu.memref_slice %arg5[%add3A_72, %dma_start3A_82] : memref<1280x256xi32, #tpu.memory_space<hbm>> -> memref<16x256xi32, #tpu.memory_space<hbm>>
          tpu.enqueue_dma source(%dma_start3A_83 : memref<16x256xi32, #tpu.memory_space<hbm>>) target(%arg11 : memref<16x256xi32, #tpu.memory_space<vmem>>) target_semaphore(%run_scoped3A : memref<!tpu.dma_semaphore, #tpu.memory_space<semaphore_mem>>)
          %dma_wait3A = arith.constant 0 : i32
          %dma_wait3A_84 = tpu.memref_slice %arg5[%add3A_72, %dma_wait3A] : memref<1280x256xi32, #tpu.memory_space<hbm>> -> memref<16x256xi32, #tpu.memory_space<hbm>>
          %dma_wait3A_85 = arith.constant 0 : i32
          %dma_wait3A_86 = tpu.memref_slice %arg5[%add3A_72, %dma_wait3A_85] : memref<1280x256xi32, #tpu.memory_space<hbm>> -> memref<16x256xi32, #tpu.memory_space<hbm>>
          tpu.wait_dma2 semaphore(%run_scoped3A : memref<!tpu.dma_semaphore, #tpu.memory_space<semaphore_mem>>) src(%dma_wait3A_86 : memref<16x256xi32, #tpu.memory_space<hbm>>) dst(%arg11 : memref<16x256xi32, #tpu.memory_space<vmem>>)
          tpu.yield
        }) : () -> ()
        %scan3A_73 = arith.constant 0 : i32
        %scan3A_74 = arith.constant 0 : i32
        %scan3A_75 = arith.constant 16 : i32
        %scan3A_76 = arith.addi %scan3A_74, %scan3A_75 : i32
        %scan3A_77 = arith.constant 1 : i32
        scf.for %scan3A_81 = %scan3A_74 to %scan3A_76 step %scan3A_77  : i32 {
          %add3A_82 = arith.addi %add3A_72, %scan3A_81 : i32
          %mul3A_83 = arith.constant 256 : i32
          %mul3A_84 = arith.muli %add3A_82, %mul3A_83 : i32
          %add3A_85 = vector.broadcast %mul3A_84 : i32 to vector<16xi32>
          %add3A_86 = arith.addi %add3A_85, %iota3A : vector<16xi32>
          %scan3A_87 = arith.constant 0 : i32
          %scan3A_88 = arith.constant 0 : i32
          %scan3A_89 = arith.constant 16 : i32
          %scan3A_90 = arith.addi %scan3A_88, %scan3A_89 : i32
          %scan3A_91 = arith.constant 1 : i32
          scf.for %scan3A_93 = %scan3A_88 to %scan3A_90 step %scan3A_91  : i32 {
            %mul3A_94 = arith.constant 16 : i32
            %mul3A_95 = arith.muli %scan3A_93, %mul3A_94 : i32
            %get3A_96 = arith.index_cast %scan3A_81 : i32 to index
            %get3A_97 = arith.index_cast %mul3A_95 : i32 to index
            %get3A_98 = tpu.vector_load %arg10[%get3A_96, %get3A_97] {strides = array<i32>} : memref<16x256xi32, #tpu.memory_space<vmem>>, vector<16xi32>,
            %mul3A_99 = arith.constant 16 : i32
            %mul3A_100 = arith.muli %scan3A_93, %mul3A_99 : i32
            %get3A_101 = arith.index_cast %scan3A_81 : i32 to index
            %get3A_102 = arith.index_cast %mul3A_100 : i32 to index
            %get3A_103 = tpu.vector_load %arg11[%get3A_101, %get3A_102] {strides = array<i32>} : memref<16x256xi32, #tpu.memory_space<vmem>>, vector<16xi32>,
            %gather3A = tpu.vector_load_idx %arg12[%get3A_98] : memref<20000xf32, #tpu.memory_space<vmem>>[vector<16xi32>], vector<16xf32>,
            %add3A_104 = arith.constant 10000 : i32
            %add3A_105 = vector.broadcast %add3A_104 : i32 to vector<16xi32>
            %add3A_106 = arith.addi %get3A_103, %add3A_105 : vector<16xi32>
            %gather3A_107 = tpu.vector_load_idx %arg12[%add3A_106] : memref<20000xf32, #tpu.memory_space<vmem>>[vector<16xi32>], vector<16xf32>,
            %add3A_108 = arith.addf %gather3A, %gather3A_107 : vector<16xf32>
            %mul3A_109 = arith.constant 2.000000e-01 : f32
            %mul3A_110 = vector.broadcast %mul3A_109 : f32 to vector<16xf32>
            %mul3A_111 = arith.mulf %add3A_108, %mul3A_110 : vector<16xf32>
            %max3A = arith.maximumf %add3A_108, %mul3A_111 : vector<16xf32>
            %sub3A = arith.subf %max3A, %get3A_45 : vector<16xf32>
            %exp3A = math.exp %sub3A : vector<16xf32>
            %mul3A_112 = arith.constant 16 : i32
            %mul3A_113 = arith.muli %scan3A_93, %mul3A_112 : i32
            %add3A_114 = vector.broadcast %mul3A_113 : i32 to vector<16xi32>
            %add3A_115 = arith.addi %add3A_86, %add3A_114 : vector<16xi32>
            %lt3A = arith.constant 320000 : i32
            %lt3A_116 = vector.broadcast %lt3A : i32 to vector<16xi32>
            %lt3A_117 = arith.cmpi slt, %add3A_115, %lt3A_116 : vector<16xi32>
            %select_n3A = arith.select %lt3A_117, %exp3A, %broadcast_in_dim3A_0 : vector<16xi1>, vector<16xf32>
            %mul3A_118 = arith.constant 16 : i32
            %mul3A_119 = arith.muli %scan3A_93, %mul3A_118 : i32
            %swap3A = arith.index_cast %scan3A_81 : i32 to index
            %swap3A_120 = arith.index_cast %mul3A_119 : i32 to index
            %swap3A_121 = tpu.vector_load %arg17[%swap3A, %swap3A_120] {strides = array<i32>} : memref<16x256xf32, #tpu.memory_space<vmem>>, vector<16xf32>,
            tpu.vector_store %arg17[%swap3A, %swap3A_120], %select_n3A {strides = array<i32>} : memref<16x256xf32, #tpu.memory_space<vmem>>, vector<16xf32>,
          }
          %scan3A_92 = arith.constant 16 : i32
        }
        %scan3A_78 = arith.constant 16 : i32
        %add3A_79 = arith.constant 1280 : i32
        %add3A_80 = arith.addi %add3A_79, %add3A_72 : i32
        "tpu.region"() ({
          %run_scoped3A = tpu.sem_alloc : memref<!tpu.dma_semaphore, #tpu.memory_space<semaphore_mem>>
          %dma_start3A = arith.constant 0 : i32
          %dma_start3A_81 = tpu.memref_slice %arg9[%add3A_80, %dma_start3A] : memref<5120x256xf32, #tpu.memory_space<hbm>> -> memref<16x256xf32, #tpu.memory_space<hbm>>
          %dma_start3A_82 = arith.constant 0 : i32
          %dma_start3A_83 = tpu.memref_slice %arg9[%add3A_80, %dma_start3A_82] : memref<5120x256xf32, #tpu.memory_space<hbm>> -> memref<16x256xf32, #tpu.memory_space<hbm>>
          tpu.enqueue_dma source(%arg17 : memref<16x256xf32, #tpu.memory_space<vmem>>) target(%dma_start3A_83 : memref<16x256xf32, #tpu.memory_space<hbm>>) target_semaphore(%run_scoped3A : memref<!tpu.dma_semaphore, #tpu.memory_space<semaphore_mem>>)
          %dma_wait3A = arith.constant 0 : i32
          %dma_wait3A_84 = tpu.memref_slice %arg9[%add3A_80, %dma_wait3A] : memref<5120x256xf32, #tpu.memory_space<hbm>> -> memref<16x256xf32, #tpu.memory_space<hbm>>
          %dma_wait3A_85 = arith.constant 0 : i32
          %dma_wait3A_86 = tpu.memref_slice %arg9[%add3A_80, %dma_wait3A_85] : memref<5120x256xf32, #tpu.memory_space<hbm>> -> memref<16x256xf32, #tpu.memory_space<hbm>>
          tpu.wait_dma2 semaphore(%run_scoped3A : memref<!tpu.dma_semaphore, #tpu.memory_space<semaphore_mem>>) src(%arg17 : memref<16x256xf32, #tpu.memory_space<vmem>>) dst(%dma_wait3A_86 : memref<16x256xf32, #tpu.memory_space<hbm>>)
          tpu.yield
        }) : () -> ()
      }
      %scan3A_55 = arith.constant 5 : i32
      %barrier3A = arith.constant 0 : index
      tpu.barrier barrier_id(%barrier3A)
      %scan3A_56 = arith.constant 0 : i32
      %scan3A_57 = arith.constant 0 : i32
      %scan3A_58 = arith.constant 80 : i32
      %scan3A_59 = arith.addi %scan3A_57, %scan3A_58 : i32
      %scan3A_60 = arith.constant 1 : i32
      scf.for %scan3A_69 = %scan3A_57 to %scan3A_59 step %scan3A_60  : i32 {
        %mul3A_70 = arith.constant 16 : i32
        %mul3A_71 = arith.muli %scan3A_69, %mul3A_70 : i32
        "tpu.region"() ({
          %run_scoped3A = tpu.sem_alloc : memref<!tpu.dma_semaphore, #tpu.memory_space<semaphore_mem>>
          %dma_start3A_92 = arith.constant 0 : i32
          %dma_start3A_93 = tpu.memref_slice %arg4[%mul3A_71, %dma_start3A_92] : memref<1280x256xi32, #tpu.memory_space<hbm>> -> memref<16x256xi32, #tpu.memory_space<hbm>>
          %dma_start3A_94 = arith.constant 0 : i32
          %dma_start3A_95 = tpu.memref_slice %arg4[%mul3A_71, %dma_start3A_94] : memref<1280x256xi32, #tpu.memory_space<hbm>> -> memref<16x256xi32, #tpu.memory_space<hbm>>
          tpu.enqueue_dma source(%dma_start3A_95 : memref<16x256xi32, #tpu.memory_space<hbm>>) target(%arg10 : memref<16x256xi32, #tpu.memory_space<vmem>>) target_semaphore(%run_scoped3A : memref<!tpu.dma_semaphore, #tpu.memory_space<semaphore_mem>>)
          %dma_wait3A = arith.constant 0 : i32
          %dma_wait3A_96 = tpu.memref_slice %arg4[%mul3A_71, %dma_wait3A] : memref<1280x256xi32, #tpu.memory_space<hbm>> -> memref<16x256xi32, #tpu.memory_space<hbm>>
          %dma_wait3A_97 = arith.constant 0 : i32
          %dma_wait3A_98 = tpu.memref_slice %arg4[%mul3A_71, %dma_wait3A_97] : memref<1280x256xi32, #tpu.memory_space<hbm>> -> memref<16x256xi32, #tpu.memory_space<hbm>>
          tpu.wait_dma2 semaphore(%run_scoped3A : memref<!tpu.dma_semaphore, #tpu.memory_space<semaphore_mem>>) src(%dma_wait3A_98 : memref<16x256xi32, #tpu.memory_space<hbm>>) dst(%arg10 : memref<16x256xi32, #tpu.memory_space<vmem>>)
          tpu.yield
        }) : () -> ()
        %mul3A_72 = arith.constant 16 : i32
        %mul3A_73 = arith.muli %scan3A_69, %mul3A_72 : i32
        "tpu.region"() ({
          %run_scoped3A = tpu.sem_alloc : memref<!tpu.dma_semaphore, #tpu.memory_space<semaphore_mem>>
          %dma_start3A_92 = arith.constant 0 : i32
          %dma_start3A_93 = tpu.memref_slice %arg5[%mul3A_73, %dma_start3A_92] : memref<1280x256xi32, #tpu.memory_space<hbm>> -> memref<16x256xi32, #tpu.memory_space<hbm>>
          %dma_start3A_94 = arith.constant 0 : i32
          %dma_start3A_95 = tpu.memref_slice %arg5[%mul3A_73, %dma_start3A_94] : memref<1280x256xi32, #tpu.memory_space<hbm>> -> memref<16x256xi32, #tpu.memory_space<hbm>>
          tpu.enqueue_dma source(%dma_start3A_95 : memref<16x256xi32, #tpu.memory_space<hbm>>) target(%arg11 : memref<16x256xi32, #tpu.memory_space<vmem>>) target_semaphore(%run_scoped3A : memref<!tpu.dma_semaphore, #tpu.memory_space<semaphore_mem>>)
          %dma_wait3A = arith.constant 0 : i32
          %dma_wait3A_96 = tpu.memref_slice %arg5[%mul3A_73, %dma_wait3A] : memref<1280x256xi32, #tpu.memory_space<hbm>> -> memref<16x256xi32, #tpu.memory_space<hbm>>
          %dma_wait3A_97 = arith.constant 0 : i32
          %dma_wait3A_98 = tpu.memref_slice %arg5[%mul3A_73, %dma_wait3A_97] : memref<1280x256xi32, #tpu.memory_space<hbm>> -> memref<16x256xi32, #tpu.memory_space<hbm>>
          tpu.wait_dma2 semaphore(%run_scoped3A : memref<!tpu.dma_semaphore, #tpu.memory_space<semaphore_mem>>) src(%dma_wait3A_98 : memref<16x256xi32, #tpu.memory_space<hbm>>) dst(%arg11 : memref<16x256xi32, #tpu.memory_space<vmem>>)
          tpu.yield
        }) : () -> ()
        %mul3A_74 = arith.constant 16 : i32
        %mul3A_75 = arith.muli %scan3A_69, %mul3A_74 : i32
        %add3A_76 = arith.constant 1280 : i32
        %add3A_77 = arith.addi %add3A_76, %mul3A_75 : i32
        "tpu.region"() ({
          %run_scoped3A = tpu.sem_alloc : memref<!tpu.dma_semaphore, #tpu.memory_space<semaphore_mem>>
          %dma_start3A_92 = arith.constant 0 : i32
          %dma_start3A_93 = tpu.memref_slice %arg9[%add3A_77, %dma_start3A_92] : memref<5120x256xf32, #tpu.memory_space<hbm>> -> memref<16x256xf32, #tpu.memory_space<hbm>>
          %dma_start3A_94 = arith.constant 0 : i32
          %dma_start3A_95 = tpu.memref_slice %arg9[%add3A_77, %dma_start3A_94] : memref<5120x256xf32, #tpu.memory_space<hbm>> -> memref<16x256xf32, #tpu.memory_space<hbm>>
          tpu.enqueue_dma source(%dma_start3A_95 : memref<16x256xf32, #tpu.memory_space<hbm>>) target(%arg17 : memref<16x256xf32, #tpu.memory_space<vmem>>) target_semaphore(%run_scoped3A : memref<!tpu.dma_semaphore, #tpu.memory_space<semaphore_mem>>)
          %dma_wait3A = arith.constant 0 : i32
          %dma_wait3A_96 = tpu.memref_slice %arg9[%add3A_77, %dma_wait3A] : memref<5120x256xf32, #tpu.memory_space<hbm>> -> memref<16x256xf32, #tpu.memory_space<hbm>>
          %dma_wait3A_97 = arith.constant 0 : i32
          %dma_wait3A_98 = tpu.memref_slice %arg9[%add3A_77, %dma_wait3A_97] : memref<5120x256xf32, #tpu.memory_space<hbm>> -> memref<16x256xf32, #tpu.memory_space<hbm>>
          tpu.wait_dma2 semaphore(%run_scoped3A : memref<!tpu.dma_semaphore, #tpu.memory_space<semaphore_mem>>) src(%dma_wait3A_98 : memref<16x256xf32, #tpu.memory_space<hbm>>) dst(%arg17 : memref<16x256xf32, #tpu.memory_space<vmem>>)
          tpu.yield
        }) : () -> ()
        %dma_start3A = arith.constant 0 : i32
        %dma_start3A_78 = arith.constant 0 : i32
        %dma_start3A_79 = tpu.memref_slice %arg11[%dma_start3A, %dma_start3A_78] : memref<16x256xi32, #tpu.memory_space<vmem>> -> memref<1x256xi32, #tpu.memory_space<vmem>>
        %dma_start3A_80 = tpu.memref_squeeze %dma_start3A_79 : memref<1x256xi32, #tpu.memory_space<vmem>> -> memref<256xi32, #tpu.memory_space<vmem>>
        %dma_start3A_81 = arith.constant 0 : i32
        %dma_start3A_82 = tpu.memref_slice %arg2[%mul3A_47, %dma_start3A_81] : memref<640000x8xf32, #tpu.memory_space<hbm>> -> memref<10000x8xf32, #tpu.memory_space<hbm>>
        %dma_start3A_83 = arith.constant 0 : i32
        %dma_start3A_84 = arith.constant 0 : i32
        %dma_start3A_85 = tpu.memref_slice %dma_start3A_82[%dma_start3A_83, %dma_start3A_84] : memref<10000x8xf32, #tpu.memory_space<hbm>> -> memref<10000x8xf32, #tpu.memory_space<hbm>>
        tpu.enqueue_indirect_dma source(%dma_start3A_85 : memref<10000x8xf32, #tpu.memory_space<hbm>>) target(%arg13 : memref<256x8xf32, #tpu.memory_space<vmem>>) offsets(%dma_start3A_80 : memref<256xi32, #tpu.memory_space<vmem>>) semaphore(%arg19 : memref<!tpu.dma_semaphore, #tpu.memory_space<semaphore_mem>>)
        %scan3A_86 = arith.constant 0 : i32
        %scan3A_87 = arith.constant 0 : i32
        %scan3A_88 = arith.constant 8 : i32
        %scan3A_89 = arith.addi %scan3A_87, %scan3A_88 : i32
        %scan3A_90 = arith.constant 1 : i32
        scf.for %scan3A_92 = %scan3A_87 to %scan3A_89 step %scan3A_90  : i32 {
          %mul3A_93 = arith.constant 2 : i32
          %mul3A_94 = arith.muli %scan3A_92, %mul3A_93 : i32
          %add3A_95 = arith.constant 1 : i32
          %add3A_96 = arith.addi %mul3A_94, %add3A_95 : i32
          %dma_start3A_97 = arith.constant 0 : i32
          %dma_start3A_98 = tpu.memref_slice %arg11[%add3A_96, %dma_start3A_97] : memref<16x256xi32, #tpu.memory_space<vmem>> -> memref<1x256xi32, #tpu.memory_space<vmem>>
          %dma_start3A_99 = tpu.memref_squeeze %dma_start3A_98 : memref<1x256xi32, #tpu.memory_space<vmem>> -> memref<256xi32, #tpu.memory_space<vmem>>
          %dma_start3A_100 = arith.constant 0 : i32
          %dma_start3A_101 = tpu.memref_slice %arg2[%mul3A_47, %dma_start3A_100] : memref<640000x8xf32, #tpu.memory_space<hbm>> -> memref<10000x8xf32, #tpu.memory_space<hbm>>
          %dma_start3A_102 = arith.constant 0 : i32
          %dma_start3A_103 = arith.constant 0 : i32
          %dma_start3A_104 = tpu.memref_slice %dma_start3A_101[%dma_start3A_102, %dma_start3A_103] : memref<10000x8xf32, #tpu.memory_space<hbm>> -> memref<10000x8xf32, #tpu.memory_space<hbm>>
          tpu.enqueue_indirect_dma source(%dma_start3A_104 : memref<10000x8xf32, #tpu.memory_space<hbm>>) target(%arg14 : memref<256x8xf32, #tpu.memory_space<vmem>>) offsets(%dma_start3A_99 : memref<256xi32, #tpu.memory_space<vmem>>) semaphore(%arg20 : memref<!tpu.dma_semaphore, #tpu.memory_space<semaphore_mem>>)
          %dma_wait3A = arith.constant 0 : i32
          %dma_wait3A_105 = tpu.memref_slice %arg11[%mul3A_94, %dma_wait3A] : memref<16x256xi32, #tpu.memory_space<vmem>> -> memref<1x256xi32, #tpu.memory_space<vmem>>
          %dma_wait3A_106 = tpu.memref_squeeze %dma_wait3A_105 : memref<1x256xi32, #tpu.memory_space<vmem>> -> memref<256xi32, #tpu.memory_space<vmem>>
          %dma_wait3A_107 = arith.constant 0 : i32
          %dma_wait3A_108 = tpu.memref_slice %arg2[%mul3A_47, %dma_wait3A_107] : memref<640000x8xf32, #tpu.memory_space<hbm>> -> memref<10000x8xf32, #tpu.memory_space<hbm>>
          %dma_wait3A_109 = arith.constant 0 : i32
          %dma_wait3A_110 = arith.constant 0 : i32
          %dma_wait3A_111 = tpu.memref_slice %dma_wait3A_108[%dma_wait3A_109, %dma_wait3A_110] : memref<10000x8xf32, #tpu.memory_space<hbm>> -> memref<10000x8xf32, #tpu.memory_space<hbm>>
          tpu.wait_indirect_dma semaphore(%arg19 : memref<!tpu.dma_semaphore, #tpu.memory_space<semaphore_mem>>) src(%dma_wait3A_111 : memref<10000x8xf32, #tpu.memory_space<hbm>>) dst(%arg13 : memref<256x8xf32, #tpu.memory_space<vmem>>)
          %scan3A_112 = arith.constant 0 : i32
          %scan3A_113 = arith.constant 0 : i32
          %scan3A_114 = arith.constant 4 : i32
          %scan3A_115 = arith.addi %scan3A_113, %scan3A_114 : i32
          %scan3A_116 = arith.constant 1 : i32
          scf.for %scan3A_140 = %scan3A_113 to %scan3A_115 step %scan3A_116  : i32 {
            %mul3A_141 = arith.constant 4 : i32
            %mul3A_142 = arith.muli %scan3A_140, %mul3A_141 : i32
            %add3A_143 = arith.constant 0 : i32
            %add3A_144 = arith.addi %mul3A_142, %add3A_143 : i32
            %mul3A_145 = arith.constant 16 : i32
            %mul3A_146 = arith.muli %add3A_144, %mul3A_145 : i32
            %get3A_147 = arith.index_cast %mul3A_94 : i32 to index
            %get3A_148 = arith.index_cast %mul3A_146 : i32 to index
            %get3A_149 = tpu.vector_load %arg10[%get3A_147, %get3A_148] {strides = array<i32>} : memref<16x256xi32, #tpu.memory_space<vmem>>, vector<16xi32>,
            %mul3A_150 = arith.constant 16 : i32
            %mul3A_151 = arith.muli %add3A_144, %mul3A_150 : i32
            %get3A_152 = arith.index_cast %mul3A_94 : i32 to index
            %get3A_153 = arith.index_cast %mul3A_151 : i32 to index
            %get3A_154 = tpu.vector_load %arg17[%get3A_152, %get3A_153] {strides = array<i32>} : memref<16x256xf32, #tpu.memory_space<vmem>>, vector<16xf32>,
            %eq3A_155 = arith.constant 0 : i32
            %eq3A_156 = arith.cmpi eq, %arg1, %eq3A_155 : i32
            %convert_element_type3A_157 = arith.extui %eq3A_156 : i1 to i32
            %cond3A_158 = arith.constant 0 : i32
            %cond3A_159 = arith.cmpi ne, %convert_element_type3A_157, %cond3A_158 : i32
            scf.if %cond3A_159 {
              tpu.vector_store_idx %arg16[%get3A_149], %get3A_154 {add = true} : memref<10000xf32, #tpu.memory_space<vmem>>[vector<16xi32>], vector<16xf32>,
            } else {
            }
            %mul3A_160 = arith.constant 16 : i32
            %mul3A_161 = arith.muli %add3A_144, %mul3A_160 : i32
            %add3A_162 = vector.broadcast %mul3A_161 : i32 to vector<16xi32>
            %add3A_163 = arith.addi %add3A_162, %iota3A : vector<16xi32>
            %gather3A = tpu.vector_load_idx %arg13[%add3A_163, %broadcast_in_dim3A_2] : memref<256x8xf32, #tpu.memory_space<vmem>>[vector<16xi32>, vector<16xi32>], vector<16xf32>,
            %mul3A_164 = arith.mulf %gather3A, %get3A_154 : vector<16xf32>
            tpu.vector_store_idx %arg15[%get3A_149, %broadcast_in_dim3A_2], %mul3A_164 {add = true} : memref<10000x8xf32, #tpu.memory_space<vmem>>[vector<16xi32>, vector<16xi32>], vector<16xf32>,
            %gather3A_165 = tpu.vector_load_idx %arg13[%add3A_163, %broadcast_in_dim3A_4] : memref<256x8xf32, #tpu.memory_space<vmem>>[vector<16xi32>, vector<16xi32>], vector<16xf32>,
            %mul3A_166 = arith.mulf %gather3A_165, %get3A_154 : vector<16xf32>
            tpu.vector_store_idx %arg15[%get3A_149, %broadcast_in_dim3A_4], %mul3A_166 {add = true} : memref<10000x8xf32, #tpu.memory_space<vmem>>[vector<16xi32>, vector<16xi32>], vector<16xf32>,
            %gather3A_167 = tpu.vector_load_idx %arg13[%add3A_163, %broadcast_in_dim3A_6] : memref<256x8xf32, #tpu.memory_space<vmem>>[vector<16xi32>, vector<16xi32>], vector<16xf32>,
            %mul3A_168 = arith.mulf %gather3A_167, %get3A_154 : vector<16xf32>
            tpu.vector_store_idx %arg15[%get3A_149, %broadcast_in_dim3A_6], %mul3A_168 {add = true} : memref<10000x8xf32, #tpu.memory_space<vmem>>[vector<16xi32>, vector<16xi32>], vector<16xf32>,
            %gather3A_169 = tpu.vector_load_idx %arg13[%add3A_163, %broadcast_in_dim3A_8] : memref<256x8xf32, #tpu.memory_space<vmem>>[vector<16xi32>, vector<16xi32>], vector<16xf32>,
            %mul3A_170 = arith.mulf %gather3A_169, %get3A_154 : vector<16xf32>
            tpu.vector_store_idx %arg15[%get3A_149, %broadcast_in_dim3A_8], %mul3A_170 {add = true} : memref<10000x8xf32, #tpu.memory_space<vmem>>[vector<16xi32>, vector<16xi32>], vector<16xf32>,
            %gather3A_171 = tpu.vector_load_idx %arg13[%add3A_163, %broadcast_in_dim3A_10] : memref<256x8xf32, #tpu.memory_space<vmem>>[vector<16xi32>, vector<16xi32>], vector<16xf32>,
            %mul3A_172 = arith.mulf %gather3A_171, %get3A_154 : vector<16xf32>
            tpu.vector_store_idx %arg15[%get3A_149, %broadcast_in_dim3A_10], %mul3A_172 {add = true} : memref<10000x8xf32, #tpu.memory_space<vmem>>[vector<16xi32>, vector<16xi32>], vector<16xf32>,
            %gather3A_173 = tpu.vector_load_idx %arg13[%add3A_163, %broadcast_in_dim3A_12] : memref<256x8xf32, #tpu.memory_space<vmem>>[vector<16xi32>, vector<16xi32>], vector<16xf32>,
            %mul3A_174 = arith.mulf %gather3A_173, %get3A_154 : vector<16xf32>
            tpu.vector_store_idx %arg15[%get3A_149, %broadcast_in_dim3A_12], %mul3A_174 {add = true} : memref<10000x8xf32, #tpu.memory_space<vmem>>[vector<16xi32>, vector<16xi32>], vector<16xf32>,
            %gather3A_175 = tpu.vector_load_idx %arg13[%add3A_163, %broadcast_in_dim3A_14] : memref<256x8xf32, #tpu.memory_space<vmem>>[vector<16xi32>, vector<16xi32>], vector<16xf32>,
            %mul3A_176 = arith.mulf %gather3A_175, %get3A_154 : vector<16xf32>
            tpu.vector_store_idx %arg15[%get3A_149, %broadcast_in_dim3A_14], %mul3A_176 {add = true} : memref<10000x8xf32, #tpu.memory_space<vmem>>[vector<16xi32>, vector<16xi32>], vector<16xf32>,
            %gather3A_177 = tpu.vector_load_idx %arg13[%add3A_163, %broadcast_in_dim3A_16] : memref<256x8xf32, #tpu.memory_space<vmem>>[vector<16xi32>, vector<16xi32>], vector<16xf32>,
            %mul3A_178 = arith.mulf %gather3A_177, %get3A_154 : vector<16xf32>
            tpu.vector_store_idx %arg15[%get3A_149, %broadcast_in_dim3A_16], %mul3A_178 {add = true} : memref<10000x8xf32, #tpu.memory_space<vmem>>[vector<16xi32>, vector<16xi32>], vector<16xf32>,
            %mul3A_179 = arith.constant 4 : i32
            %mul3A_180 = arith.muli %scan3A_140, %mul3A_179 : i32
            %add3A_181 = arith.constant 1 : i32
            %add3A_182 = arith.addi %mul3A_180, %add3A_181 : i32
            %mul3A_183 = arith.constant 16 : i32
            %mul3A_184 = arith.muli %add3A_182, %mul3A_183 : i32
            %get3A_185 = arith.index_cast %mul3A_94 : i32 to index
            %get3A_186 = arith.index_cast %mul3A_184 : i32 to index
            %get3A_187 = tpu.vector_load %arg10[%get3A_185, %get3A_186] {strides = array<i32>} : memref<16x256xi32, #tpu.memory_space<vmem>>, vector<16xi32>,
            %mul3A_188 = arith.constant 16 : i32
            %mul3A_189 = arith.muli %add3A_182, %mul3A_188 : i32
            %get3A_190 = arith.index_cast %mul3A_94 : i32 to index
            %get3A_191 = arith.index_cast %mul3A_189 : i32 to index
            %get3A_192 = tpu.vector_load %arg17[%get3A_190, %get3A_191] {strides = array<i32>} : memref<16x256xf32, #tpu.memory_space<vmem>>, vector<16xf32>,
            %eq3A_193 = arith.constant 0 : i32
            %eq3A_194 = arith.cmpi eq, %arg1, %eq3A_193 : i32
            %convert_element_type3A_195 = arith.extui %eq3A_194 : i1 to i32
            %cond3A_196 = arith.constant 0 : i32
            %cond3A_197 = arith.cmpi ne, %convert_element_type3A_195, %cond3A_196 : i32
            scf.if %cond3A_197 {
              tpu.vector_store_idx %arg16[%get3A_187], %get3A_192 {add = true} : memref<10000xf32, #tpu.memory_space<vmem>>[vector<16xi32>], vector<16xf32>,
            } else {
            }
            %mul3A_198 = arith.constant 16 : i32
            %mul3A_199 = arith.muli %add3A_182, %mul3A_198 : i32
            %add3A_200 = vector.broadcast %mul3A_199 : i32 to vector<16xi32>
            %add3A_201 = arith.addi %add3A_200, %iota3A : vector<16xi32>
            %gather3A_202 = tpu.vector_load_idx %arg13[%add3A_201, %broadcast_in_dim3A_2] : memref<256x8xf32, #tpu.memory_space<vmem>>[vector<16xi32>, vector<16xi32>], vector<16xf32>,
            %mul3A_203 = arith.mulf %gather3A_202, %get3A_192 : vector<16xf32>
            tpu.vector_store_idx %arg15[%get3A_187, %broadcast_in_dim3A_2], %mul3A_203 {add = true} : memref<10000x8xf32, #tpu.memory_space<vmem>>[vector<16xi32>, vector<16xi32>], vector<16xf32>,
            %gather3A_204 = tpu.vector_load_idx %arg13[%add3A_201, %broadcast_in_dim3A_4] : memref<256x8xf32, #tpu.memory_space<vmem>>[vector<16xi32>, vector<16xi32>], vector<16xf32>,
            %mul3A_205 = arith.mulf %gather3A_204, %get3A_192 : vector<16xf32>
            tpu.vector_store_idx %arg15[%get3A_187, %broadcast_in_dim3A_4], %mul3A_205 {add = true} : memref<10000x8xf32, #tpu.memory_space<vmem>>[vector<16xi32>, vector<16xi32>], vector<16xf32>,
            %gather3A_206 = tpu.vector_load_idx %arg13[%add3A_201, %broadcast_in_dim3A_6] : memref<256x8xf32, #tpu.memory_space<vmem>>[vector<16xi32>, vector<16xi32>], vector<16xf32>,
            %mul3A_207 = arith.mulf %gather3A_206, %get3A_192 : vector<16xf32>
            tpu.vector_store_idx %arg15[%get3A_187, %broadcast_in_dim3A_6], %mul3A_207 {add = true} : memref<10000x8xf32, #tpu.memory_space<vmem>>[vector<16xi32>, vector<16xi32>], vector<16xf32>,
            %gather3A_208 = tpu.vector_load_idx %arg13[%add3A_201, %broadcast_in_dim3A_8] : memref<256x8xf32, #tpu.memory_space<vmem>>[vector<16xi32>, vector<16xi32>], vector<16xf32>,
            %mul3A_209 = arith.mulf %gather3A_208, %get3A_192 : vector<16xf32>
            tpu.vector_store_idx %arg15[%get3A_187, %broadcast_in_dim3A_8], %mul3A_209 {add = true} : memref<10000x8xf32, #tpu.memory_space<vmem>>[vector<16xi32>, vector<16xi32>], vector<16xf32>,
            %gather3A_210 = tpu.vector_load_idx %arg13[%add3A_201, %broadcast_in_dim3A_10] : memref<256x8xf32, #tpu.memory_space<vmem>>[vector<16xi32>, vector<16xi32>], vector<16xf32>,
            %mul3A_211 = arith.mulf %gather3A_210, %get3A_192 : vector<16xf32>
            tpu.vector_store_idx %arg15[%get3A_187, %broadcast_in_dim3A_10], %mul3A_211 {add = true} : memref<10000x8xf32, #tpu.memory_space<vmem>>[vector<16xi32>, vector<16xi32>], vector<16xf32>,
            %gather3A_212 = tpu.vector_load_idx %arg13[%add3A_201, %broadcast_in_dim3A_12] : memref<256x8xf32, #tpu.memory_space<vmem>>[vector<16xi32>, vector<16xi32>], vector<16xf32>,
            %mul3A_213 = arith.mulf %gather3A_212, %get3A_192 : vector<16xf32>
            tpu.vector_store_idx %arg15[%get3A_187, %broadcast_in_dim3A_12], %mul3A_213 {add = true} : memref<10000x8xf32, #tpu.memory_space<vmem>>[vector<16xi32>, vector<16xi32>], vector<16xf32>,
            %gather3A_214 = tpu.vector_load_idx %arg13[%add3A_201, %broadcast_in_dim3A_14] : memref<256x8xf32, #tpu.memory_space<vmem>>[vector<16xi32>, vector<16xi32>], vector<16xf32>,
            %mul3A_215 = arith.mulf %gather3A_214, %get3A_192 : vector<16xf32>
            tpu.vector_store_idx %arg15[%get3A_187, %broadcast_in_dim3A_14], %mul3A_215 {add = true} : memref<10000x8xf32, #tpu.memory_space<vmem>>[vector<16xi32>, vector<16xi32>], vector<16xf32>,
            %gather3A_216 = tpu.vector_load_idx %arg13[%add3A_201, %broadcast_in_dim3A_16] : memref<256x8xf32, #tpu.memory_space<vmem>>[vector<16xi32>, vector<16xi32>], vector<16xf32>,
            %mul3A_217 = arith.mulf %gather3A_216, %get3A_192 : vector<16xf32>
            tpu.vector_store_idx %arg15[%get3A_187, %broadcast_in_dim3A_16], %mul3A_217 {add = true} : memref<10000x8xf32, #tpu.memory_space<vmem>>[vector<16xi32>, vector<16xi32>], vector<16xf32>,
            %mul3A_218 = arith.constant 4 : i32
            %mul3A_219 = arith.muli %scan3A_140, %mul3A_218 : i32
            %add3A_220 = arith.constant 2 : i32
            %add3A_221 = arith.addi %mul3A_219, %add3A_220 : i32
            %mul3A_222 = arith.constant 16 : i32
            %mul3A_223 = arith.muli %add3A_221, %mul3A_222 : i32
            %get3A_224 = arith.index_cast %mul3A_94 : i32 to index
            %get3A_225 = arith.index_cast %mul3A_223 : i32 to index
            %get3A_226 = tpu.vector_load %arg10[%get3A_224, %get3A_225] {strides = array<i32>} : memref<16x256xi32, #tpu.memory_space<vmem>>, vector<16xi32>,
            %mul3A_227 = arith.constant 16 : i32
            %mul3A_228 = arith.muli %add3A_221, %mul3A_227 : i32
            %get3A_229 = arith.index_cast %mul3A_94 : i32 to index
            %get3A_230 = arith.index_cast %mul3A_228 : i32 to index
            %get3A_231 = tpu.vector_load %arg17[%get3A_229, %get3A_230] {strides = array<i32>} : memref<16x256xf32, #tpu.memory_space<vmem>>, vector<16xf32>,
            %eq3A_232 = arith.constant 0 : i32
            %eq3A_233 = arith.cmpi eq, %arg1, %eq3A_232 : i32
            %convert_element_type3A_234 = arith.extui %eq3A_233 : i1 to i32
            %cond3A_235 = arith.constant 0 : i32
            %cond3A_236 = arith.cmpi ne, %convert_element_type3A_234, %cond3A_235 : i32
            scf.if %cond3A_236 {
              tpu.vector_store_idx %arg16[%get3A_226], %get3A_231 {add = true} : memref<10000xf32, #tpu.memory_space<vmem>>[vector<16xi32>], vector<16xf32>,
            } else {
            }
            %mul3A_237 = arith.constant 16 : i32
            %mul3A_238 = arith.muli %add3A_221, %mul3A_237 : i32
            %add3A_239 = vector.broadcast %mul3A_238 : i32 to vector<16xi32>
            %add3A_240 = arith.addi %add3A_239, %iota3A : vector<16xi32>
            %gather3A_241 = tpu.vector_load_idx %arg13[%add3A_240, %broadcast_in_dim3A_2] : memref<256x8xf32, #tpu.memory_space<vmem>>[vector<16xi32>, vector<16xi32>], vector<16xf32>,
            %mul3A_242 = arith.mulf %gather3A_241, %get3A_231 : vector<16xf32>
            tpu.vector_store_idx %arg15[%get3A_226, %broadcast_in_dim3A_2], %mul3A_242 {add = true} : memref<10000x8xf32, #tpu.memory_space<vmem>>[vector<16xi32>, vector<16xi32>], vector<16xf32>,
            %gather3A_243 = tpu.vector_load_idx %arg13[%add3A_240, %broadcast_in_dim3A_4] : memref<256x8xf32, #tpu.memory_space<vmem>>[vector<16xi32>, vector<16xi32>], vector<16xf32>,
            %mul3A_244 = arith.mulf %gather3A_243, %get3A_231 : vector<16xf32>
            tpu.vector_store_idx %arg15[%get3A_226, %broadcast_in_dim3A_4], %mul3A_244 {add = true} : memref<10000x8xf32, #tpu.memory_space<vmem>>[vector<16xi32>, vector<16xi32>], vector<16xf32>,
            %gather3A_245 = tpu.vector_load_idx %arg13[%add3A_240, %broadcast_in_dim3A_6] : memref<256x8xf32, #tpu.memory_space<vmem>>[vector<16xi32>, vector<16xi32>], vector<16xf32>,
            %mul3A_246 = arith.mulf %gather3A_245, %get3A_231 : vector<16xf32>
            tpu.vector_store_idx %arg15[%get3A_226, %broadcast_in_dim3A_6], %mul3A_246 {add = true} : memref<10000x8xf32, #tpu.memory_space<vmem>>[vector<16xi32>, vector<16xi32>], vector<16xf32>,
            %gather3A_247 = tpu.vector_load_idx %arg13[%add3A_240, %broadcast_in_dim3A_8] : memref<256x8xf32, #tpu.memory_space<vmem>>[vector<16xi32>, vector<16xi32>], vector<16xf32>,
            %mul3A_248 = arith.mulf %gather3A_247, %get3A_231 : vector<16xf32>
            tpu.vector_store_idx %arg15[%get3A_226, %broadcast_in_dim3A_8], %mul3A_248 {add = true} : memref<10000x8xf32, #tpu.memory_space<vmem>>[vector<16xi32>, vector<16xi32>], vector<16xf32>,
            %gather3A_249 = tpu.vector_load_idx %arg13[%add3A_240, %broadcast_in_dim3A_10] : memref<256x8xf32, #tpu.memory_space<vmem>>[vector<16xi32>, vector<16xi32>], vector<16xf32>,
            %mul3A_250 = arith.mulf %gather3A_249, %get3A_231 : vector<16xf32>
            tpu.vector_store_idx %arg15[%get3A_226, %broadcast_in_dim3A_10], %mul3A_250 {add = true} : memref<10000x8xf32, #tpu.memory_space<vmem>>[vector<16xi32>, vector<16xi32>], vector<16xf32>,
            %gather3A_251 = tpu.vector_load_idx %arg13[%add3A_240, %broadcast_in_dim3A_12] : memref<256x8xf32, #tpu.memory_space<vmem>>[vector<16xi32>, vector<16xi32>], vector<16xf32>,
            %mul3A_252 = arith.mulf %gather3A_251, %get3A_231 : vector<16xf32>
            tpu.vector_store_idx %arg15[%get3A_226, %broadcast_in_dim3A_12], %mul3A_252 {add = true} : memref<10000x8xf32, #tpu.memory_space<vmem>>[vector<16xi32>, vector<16xi32>], vector<16xf32>,
            %gather3A_253 = tpu.vector_load_idx %arg13[%add3A_240, %broadcast_in_dim3A_14] : memref<256x8xf32, #tpu.memory_space<vmem>>[vector<16xi32>, vector<16xi32>], vector<16xf32>,
            %mul3A_254 = arith.mulf %gather3A_253, %get3A_231 : vector<16xf32>
            tpu.vector_store_idx %arg15[%get3A_226, %broadcast_in_dim3A_14], %mul3A_254 {add = true} : memref<10000x8xf32, #tpu.memory_space<vmem>>[vector<16xi32>, vector<16xi32>], vector<16xf32>,
            %gather3A_255 = tpu.vector_load_idx %arg13[%add3A_240, %broadcast_in_dim3A_16] : memref<256x8xf32, #tpu.memory_space<vmem>>[vector<16xi32>, vector<16xi32>], vector<16xf32>,
            %mul3A_256 = arith.mulf %gather3A_255, %get3A_231 : vector<16xf32>
            tpu.vector_store_idx %arg15[%get3A_226, %broadcast_in_dim3A_16], %mul3A_256 {add = true} : memref<10000x8xf32, #tpu.memory_space<vmem>>[vector<16xi32>, vector<16xi32>], vector<16xf32>,
            %mul3A_257 = arith.constant 4 : i32
            %mul3A_258 = arith.muli %scan3A_140, %mul3A_257 : i32
            %add3A_259 = arith.constant 3 : i32
            %add3A_260 = arith.addi %mul3A_258, %add3A_259 : i32
            %mul3A_261 = arith.constant 16 : i32
            %mul3A_262 = arith.muli %add3A_260, %mul3A_261 : i32
            %get3A_263 = arith.index_cast %mul3A_94 : i32 to index
            %get3A_264 = arith.index_cast %mul3A_262 : i32 to index
            %get3A_265 = tpu.vector_load %arg10[%get3A_263, %get3A_264] {strides = array<i32>} : memref<16x256xi32, #tpu.memory_space<vmem>>, vector<16xi32>,
            %mul3A_266 = arith.constant 16 : i32
            %mul3A_267 = arith.muli %add3A_260, %mul3A_266 : i32
            %get3A_268 = arith.index_cast %mul3A_94 : i32 to index
            %get3A_269 = arith.index_cast %mul3A_267 : i32 to index
            %get3A_270 = tpu.vector_load %arg17[%get3A_268, %get3A_269] {strides = array<i32>} : memref<16x256xf32, #tpu.memory_space<vmem>>, vector<16xf32>,
            %eq3A_271 = arith.constant 0 : i32
            %eq3A_272 = arith.cmpi eq, %arg1, %eq3A_271 : i32
            %convert_element_type3A_273 = arith.extui %eq3A_272 : i1 to i32
            %cond3A_274 = arith.constant 0 : i32
            %cond3A_275 = arith.cmpi ne, %convert_element_type3A_273, %cond3A_274 : i32
            scf.if %cond3A_275 {
              tpu.vector_store_idx %arg16[%get3A_265], %get3A_270 {add = true} : memref<10000xf32, #tpu.memory_space<vmem>>[vector<16xi32>], vector<16xf32>,
            } else {
            }
            %mul3A_276 = arith.constant 16 : i32
            %mul3A_277 = arith.muli %add3A_260, %mul3A_276 : i32
            %add3A_278 = vector.broadcast %mul3A_277 : i32 to vector<16xi32>
            %add3A_279 = arith.addi %add3A_278, %iota3A : vector<16xi32>
            %gather3A_280 = tpu.vector_load_idx %arg13[%add3A_279, %broadcast_in_dim3A_2] : memref<256x8xf32, #tpu.memory_space<vmem>>[vector<16xi32>, vector<16xi32>], vector<16xf32>,
            %mul3A_281 = arith.mulf %gather3A_280, %get3A_270 : vector<16xf32>
            tpu.vector_store_idx %arg15[%get3A_265, %broadcast_in_dim3A_2], %mul3A_281 {add = true} : memref<10000x8xf32, #tpu.memory_space<vmem>>[vector<16xi32>, vector<16xi32>], vector<16xf32>,
            %gather3A_282 = tpu.vector_load_idx %arg13[%add3A_279, %broadcast_in_dim3A_4] : memref<256x8xf32, #tpu.memory_space<vmem>>[vector<16xi32>, vector<16xi32>], vector<16xf32>,
            %mul3A_283 = arith.mulf %gather3A_282, %get3A_270 : vector<16xf32>
            tpu.vector_store_idx %arg15[%get3A_265, %broadcast_in_dim3A_4], %mul3A_283 {add = true} : memref<10000x8xf32, #tpu.memory_space<vmem>>[vector<16xi32>, vector<16xi32>], vector<16xf32>,
            %gather3A_284 = tpu.vector_load_idx %arg13[%add3A_279, %broadcast_in_dim3A_6] : memref<256x8xf32, #tpu.memory_space<vmem>>[vector<16xi32>, vector<16xi32>], vector<16xf32>,
            %mul3A_285 = arith.mulf %gather3A_284, %get3A_270 : vector<16xf32>
            tpu.vector_store_idx %arg15[%get3A_265, %broadcast_in_dim3A_6], %mul3A_285 {add = true} : memref<10000x8xf32, #tpu.memory_space<vmem>>[vector<16xi32>, vector<16xi32>], vector<16xf32>,
            %gather3A_286 = tpu.vector_load_idx %arg13[%add3A_279, %broadcast_in_dim3A_8] : memref<256x8xf32, #tpu.memory_space<vmem>>[vector<16xi32>, vector<16xi32>], vector<16xf32>,
            %mul3A_287 = arith.mulf %gather3A_286, %get3A_270 : vector<16xf32>
            tpu.vector_store_idx %arg15[%get3A_265, %broadcast_in_dim3A_8], %mul3A_287 {add = true} : memref<10000x8xf32, #tpu.memory_space<vmem>>[vector<16xi32>, vector<16xi32>], vector<16xf32>,
            %gather3A_288 = tpu.vector_load_idx %arg13[%add3A_279, %broadcast_in_dim3A_10] : memref<256x8xf32, #tpu.memory_space<vmem>>[vector<16xi32>, vector<16xi32>], vector<16xf32>,
            %mul3A_289 = arith.mulf %gather3A_288, %get3A_270 : vector<16xf32>
            tpu.vector_store_idx %arg15[%get3A_265, %broadcast_in_dim3A_10], %mul3A_289 {add = true} : memref<10000x8xf32, #tpu.memory_space<vmem>>[vector<16xi32>, vector<16xi32>], vector<16xf32>,
            %gather3A_290 = tpu.vector_load_idx %arg13[%add3A_279, %broadcast_in_dim3A_12] : memref<256x8xf32, #tpu.memory_space<vmem>>[vector<16xi32>, vector<16xi32>], vector<16xf32>,
            %mul3A_291 = arith.mulf %gather3A_290, %get3A_270 : vector<16xf32>
            tpu.vector_store_idx %arg15[%get3A_265, %broadcast_in_dim3A_12], %mul3A_291 {add = true} : memref<10000x8xf32, #tpu.memory_space<vmem>>[vector<16xi32>, vector<16xi32>], vector<16xf32>,
            %gather3A_292 = tpu.vector_load_idx %arg13[%add3A_279, %broadcast_in_dim3A_14] : memref<256x8xf32, #tpu.memory_space<vmem>>[vector<16xi32>, vector<16xi32>], vector<16xf32>,
            %mul3A_293 = arith.mulf %gather3A_292, %get3A_270 : vector<16xf32>
            tpu.vector_store_idx %arg15[%get3A_265, %broadcast_in_dim3A_14], %mul3A_293 {add = true} : memref<10000x8xf32, #tpu.memory_space<vmem>>[vector<16xi32>, vector<16xi32>], vector<16xf32>,
            %gather3A_294 = tpu.vector_load_idx %arg13[%add3A_279, %broadcast_in_dim3A_16] : memref<256x8xf32, #tpu.memory_space<vmem>>[vector<16xi32>, vector<16xi32>], vector<16xf32>,
            %mul3A_295 = arith.mulf %gather3A_294, %get3A_270 : vector<16xf32>
            tpu.vector_store_idx %arg15[%get3A_265, %broadcast_in_dim3A_16], %mul3A_295 {add = true} : memref<10000x8xf32, #tpu.memory_space<vmem>>[vector<16xi32>, vector<16xi32>], vector<16xf32>,
          }
          %scan3A_117 = arith.constant 4 : i32
          %lt3A = arith.constant 7 : i32
          %lt3A_118 = arith.cmpi slt, %scan3A_92, %lt3A : i32
          %convert_element_type3A_119 = arith.extui %lt3A_118 : i1 to i32
          %cond3A_120 = arith.constant 0 : i32
          %cond3A_121 = arith.cmpi ne, %convert_element_type3A_119, %cond3A_120 : i32
          scf.if %cond3A_121 {
            %add3A_140 = arith.constant 2 : i32
            %add3A_141 = arith.addi %mul3A_94, %add3A_140 : i32
            %dma_start3A_142 = arith.constant 0 : i32
            %dma_start3A_143 = tpu.memref_slice %arg11[%add3A_141, %dma_start3A_142] : memref<16x256xi32, #tpu.memory_space<vmem>> -> memref<1x256xi32, #tpu.memory_space<vmem>>
            %dma_start3A_144 = tpu.memref_squeeze %dma_start3A_143 : memref<1x256xi32, #tpu.memory_space<vmem>> -> memref<256xi32, #tpu.memory_space<vmem>>
            %dma_start3A_145 = arith.constant 0 : i32
            %dma_start3A_146 = tpu.memref_slice %arg2[%mul3A_47, %dma_start3A_145] : memref<640000x8xf32, #tpu.memory_space<hbm>> -> memref<10000x8xf32, #tpu.memory_space<hbm>>
            %dma_start3A_147 = arith.constant 0 : i32
            %dma_start3A_148 = arith.constant 0 : i32
            %dma_start3A_149 = tpu.memref_slice %dma_start3A_146[%dma_start3A_147, %dma_start3A_148] : memref<10000x8xf32, #tpu.memory_space<hbm>> -> memref<10000x8xf32, #tpu.memory_space<hbm>>
            tpu.enqueue_indirect_dma source(%dma_start3A_149 : memref<10000x8xf32, #tpu.memory_space<hbm>>) target(%arg13 : memref<256x8xf32, #tpu.memory_space<vmem>>) offsets(%dma_start3A_144 : memref<256xi32, #tpu.memory_space<vmem>>) semaphore(%arg19 : memref<!tpu.dma_semaphore, #tpu.memory_space<semaphore_mem>>)
          } else {
          }
          %add3A_122 = arith.constant 1 : i32
          %add3A_123 = arith.addi %mul3A_94, %add3A_122 : i32
          %dma_wait3A_124 = arith.constant 0 : i32
          %dma_wait3A_125 = tpu.memref_slice %arg11[%add3A_123, %dma_wait3A_124] : memref<16x256xi32, #tpu.memory_space<vmem>> -> memref<1x256xi32, #tpu.memory_space<vmem>>
          %dma_wait3A_126 = tpu.memref_squeeze %dma_wait3A_125 : memref<1x256xi32, #tpu.memory_space<vmem>> -> memref<256xi32, #tpu.memory_space<vmem>>
          %dma_wait3A_127 = arith.constant 0 : i32
          %dma_wait3A_128 = tpu.memref_slice %arg2[%mul3A_47, %dma_wait3A_127] : memref<640000x8xf32, #tpu.memory_space<hbm>> -> memref<10000x8xf32, #tpu.memory_space<hbm>>
          %dma_wait3A_129 = arith.constant 0 : i32
          %dma_wait3A_130 = arith.constant 0 : i32
          %dma_wait3A_131 = tpu.memref_slice %dma_wait3A_128[%dma_wait3A_129, %dma_wait3A_130] : memref<10000x8xf32, #tpu.memory_space<hbm>> -> memref<10000x8xf32, #tpu.memory_space<hbm>>
          tpu.wait_indirect_dma semaphore(%arg20 : memref<!tpu.dma_semaphore, #tpu.memory_space<semaphore_mem>>) src(%dma_wait3A_131 : memref<10000x8xf32, #tpu.memory_space<hbm>>) dst(%arg14 : memref<256x8xf32, #tpu.memory_space<vmem>>)
          %add3A_132 = arith.constant 1 : i32
          %add3A_133 = arith.addi %mul3A_94, %add3A_132 : i32
          %scan3A_134 = arith.constant 0 : i32
          %scan3A_135 = arith.constant 0 : i32
          %scan3A_136 = arith.constant 4 : i32
          %scan3A_137 = arith.addi %scan3A_135, %scan3A_136 : i32
          %scan3A_138 = arith.constant 1 : i32
          scf.for %scan3A_140 = %scan3A_135 to %scan3A_137 step %scan3A_138  : i32 {
            %mul3A_141 = arith.constant 4 : i32
            %mul3A_142 = arith.muli %scan3A_140, %mul3A_141 : i32
            %add3A_143 = arith.constant 0 : i32
            %add3A_144 = arith.addi %mul3A_142, %add3A_143 : i32
            %mul3A_145 = arith.constant 16 : i32
            %mul3A_146 = arith.muli %add3A_144, %mul3A_145 : i32
            %get3A_147 = arith.index_cast %add3A_133 : i32 to index
            %get3A_148 = arith.index_cast %mul3A_146 : i32 to index
            %get3A_149 = tpu.vector_load %arg10[%get3A_147, %get3A_148] {strides = array<i32>} : memref<16x256xi32, #tpu.memory_space<vmem>>, vector<16xi32>,
            %mul3A_150 = arith.constant 16 : i32
            %mul3A_151 = arith.muli %add3A_144, %mul3A_150 : i32
            %get3A_152 = arith.index_cast %add3A_133 : i32 to index
            %get3A_153 = arith.index_cast %mul3A_151 : i32 to index
            %get3A_154 = tpu.vector_load %arg17[%get3A_152, %get3A_153] {strides = array<i32>} : memref<16x256xf32, #tpu.memory_space<vmem>>, vector<16xf32>,
            %eq3A_155 = arith.constant 0 : i32
            %eq3A_156 = arith.cmpi eq, %arg1, %eq3A_155 : i32
            %convert_element_type3A_157 = arith.extui %eq3A_156 : i1 to i32
            %cond3A_158 = arith.constant 0 : i32
            %cond3A_159 = arith.cmpi ne, %convert_element_type3A_157, %cond3A_158 : i32
            scf.if %cond3A_159 {
              tpu.vector_store_idx %arg16[%get3A_149], %get3A_154 {add = true} : memref<10000xf32, #tpu.memory_space<vmem>>[vector<16xi32>], vector<16xf32>,
            } else {
            }
            %mul3A_160 = arith.constant 16 : i32
            %mul3A_161 = arith.muli %add3A_144, %mul3A_160 : i32
            %add3A_162 = vector.broadcast %mul3A_161 : i32 to vector<16xi32>
            %add3A_163 = arith.addi %add3A_162, %iota3A : vector<16xi32>
            %gather3A = tpu.vector_load_idx %arg14[%add3A_163, %broadcast_in_dim3A_2] : memref<256x8xf32, #tpu.memory_space<vmem>>[vector<16xi32>, vector<16xi32>], vector<16xf32>,
            %mul3A_164 = arith.mulf %gather3A, %get3A_154 : vector<16xf32>
            tpu.vector_store_idx %arg15[%get3A_149, %broadcast_in_dim3A_2], %mul3A_164 {add = true} : memref<10000x8xf32, #tpu.memory_space<vmem>>[vector<16xi32>, vector<16xi32>], vector<16xf32>,
            %gather3A_165 = tpu.vector_load_idx %arg14[%add3A_163, %broadcast_in_dim3A_4] : memref<256x8xf32, #tpu.memory_space<vmem>>[vector<16xi32>, vector<16xi32>], vector<16xf32>,
            %mul3A_166 = arith.mulf %gather3A_165, %get3A_154 : vector<16xf32>
            tpu.vector_store_idx %arg15[%get3A_149, %broadcast_in_dim3A_4], %mul3A_166 {add = true} : memref<10000x8xf32, #tpu.memory_space<vmem>>[vector<16xi32>, vector<16xi32>], vector<16xf32>,
            %gather3A_167 = tpu.vector_load_idx %arg14[%add3A_163, %broadcast_in_dim3A_6] : memref<256x8xf32, #tpu.memory_space<vmem>>[vector<16xi32>, vector<16xi32>], vector<16xf32>,
            %mul3A_168 = arith.mulf %gather3A_167, %get3A_154 : vector<16xf32>
            tpu.vector_store_idx %arg15[%get3A_149, %broadcast_in_dim3A_6], %mul3A_168 {add = true} : memref<10000x8xf32, #tpu.memory_space<vmem>>[vector<16xi32>, vector<16xi32>], vector<16xf32>,
            %gather3A_169 = tpu.vector_load_idx %arg14[%add3A_163, %broadcast_in_dim3A_8] : memref<256x8xf32, #tpu.memory_space<vmem>>[vector<16xi32>, vector<16xi32>], vector<16xf32>,
            %mul3A_170 = arith.mulf %gather3A_169, %get3A_154 : vector<16xf32>
            tpu.vector_store_idx %arg15[%get3A_149, %broadcast_in_dim3A_8], %mul3A_170 {add = true} : memref<10000x8xf32, #tpu.memory_space<vmem>>[vector<16xi32>, vector<16xi32>], vector<16xf32>,
            %gather3A_171 = tpu.vector_load_idx %arg14[%add3A_163, %broadcast_in_dim3A_10] : memref<256x8xf32, #tpu.memory_space<vmem>>[vector<16xi32>, vector<16xi32>], vector<16xf32>,
            %mul3A_172 = arith.mulf %gather3A_171, %get3A_154 : vector<16xf32>
            tpu.vector_store_idx %arg15[%get3A_149, %broadcast_in_dim3A_10], %mul3A_172 {add = true} : memref<10000x8xf32, #tpu.memory_space<vmem>>[vector<16xi32>, vector<16xi32>], vector<16xf32>,
            %gather3A_173 = tpu.vector_load_idx %arg14[%add3A_163, %broadcast_in_dim3A_12] : memref<256x8xf32, #tpu.memory_space<vmem>>[vector<16xi32>, vector<16xi32>], vector<16xf32>,
            %mul3A_174 = arith.mulf %gather3A_173, %get3A_154 : vector<16xf32>
            tpu.vector_store_idx %arg15[%get3A_149, %broadcast_in_dim3A_12], %mul3A_174 {add = true} : memref<10000x8xf32, #tpu.memory_space<vmem>>[vector<16xi32>, vector<16xi32>], vector<16xf32>,
            %gather3A_175 = tpu.vector_load_idx %arg14[%add3A_163, %broadcast_in_dim3A_14] : memref<256x8xf32, #tpu.memory_space<vmem>>[vector<16xi32>, vector<16xi32>], vector<16xf32>,
            %mul3A_176 = arith.mulf %gather3A_175, %get3A_154 : vector<16xf32>
            tpu.vector_store_idx %arg15[%get3A_149, %broadcast_in_dim3A_14], %mul3A_176 {add = true} : memref<10000x8xf32, #tpu.memory_space<vmem>>[vector<16xi32>, vector<16xi32>], vector<16xf32>,
            %gather3A_177 = tpu.vector_load_idx %arg14[%add3A_163, %broadcast_in_dim3A_16] : memref<256x8xf32, #tpu.memory_space<vmem>>[vector<16xi32>, vector<16xi32>], vector<16xf32>,
            %mul3A_178 = arith.mulf %gather3A_177, %get3A_154 : vector<16xf32>
            tpu.vector_store_idx %arg15[%get3A_149, %broadcast_in_dim3A_16], %mul3A_178 {add = true} : memref<10000x8xf32, #tpu.memory_space<vmem>>[vector<16xi32>, vector<16xi32>], vector<16xf32>,
            %mul3A_179 = arith.constant 4 : i32
            %mul3A_180 = arith.muli %scan3A_140, %mul3A_179 : i32
            %add3A_181 = arith.constant 1 : i32
            %add3A_182 = arith.addi %mul3A_180, %add3A_181 : i32
            %mul3A_183 = arith.constant 16 : i32
            %mul3A_184 = arith.muli %add3A_182, %mul3A_183 : i32
            %get3A_185 = arith.index_cast %add3A_133 : i32 to index
            %get3A_186 = arith.index_cast %mul3A_184 : i32 to index
            %get3A_187 = tpu.vector_load %arg10[%get3A_185, %get3A_186] {strides = array<i32>} : memref<16x256xi32, #tpu.memory_space<vmem>>, vector<16xi32>,
            %mul3A_188 = arith.constant 16 : i32
            %mul3A_189 = arith.muli %add3A_182, %mul3A_188 : i32
            %get3A_190 = arith.index_cast %add3A_133 : i32 to index
            %get3A_191 = arith.index_cast %mul3A_189 : i32 to index
            %get3A_192 = tpu.vector_load %arg17[%get3A_190, %get3A_191] {strides = array<i32>} : memref<16x256xf32, #tpu.memory_space<vmem>>, vector<16xf32>,
            %eq3A_193 = arith.constant 0 : i32
            %eq3A_194 = arith.cmpi eq, %arg1, %eq3A_193 : i32
            %convert_element_type3A_195 = arith.extui %eq3A_194 : i1 to i32
            %cond3A_196 = arith.constant 0 : i32
            %cond3A_197 = arith.cmpi ne, %convert_element_type3A_195, %cond3A_196 : i32
            scf.if %cond3A_197 {
              tpu.vector_store_idx %arg16[%get3A_187], %get3A_192 {add = true} : memref<10000xf32, #tpu.memory_space<vmem>>[vector<16xi32>], vector<16xf32>,
            } else {
            }
            %mul3A_198 = arith.constant 16 : i32
            %mul3A_199 = arith.muli %add3A_182, %mul3A_198 : i32
            %add3A_200 = vector.broadcast %mul3A_199 : i32 to vector<16xi32>
            %add3A_201 = arith.addi %add3A_200, %iota3A : vector<16xi32>
            %gather3A_202 = tpu.vector_load_idx %arg14[%add3A_201, %broadcast_in_dim3A_2] : memref<256x8xf32, #tpu.memory_space<vmem>>[vector<16xi32>, vector<16xi32>], vector<16xf32>,
            %mul3A_203 = arith.mulf %gather3A_202, %get3A_192 : vector<16xf32>
            tpu.vector_store_idx %arg15[%get3A_187, %broadcast_in_dim3A_2], %mul3A_203 {add = true} : memref<10000x8xf32, #tpu.memory_space<vmem>>[vector<16xi32>, vector<16xi32>], vector<16xf32>,
            %gather3A_204 = tpu.vector_load_idx %arg14[%add3A_201, %broadcast_in_dim3A_4] : memref<256x8xf32, #tpu.memory_space<vmem>>[vector<16xi32>, vector<16xi32>], vector<16xf32>,
            %mul3A_205 = arith.mulf %gather3A_204, %get3A_192 : vector<16xf32>
            tpu.vector_store_idx %arg15[%get3A_187, %broadcast_in_dim3A_4], %mul3A_205 {add = true} : memref<10000x8xf32, #tpu.memory_space<vmem>>[vector<16xi32>, vector<16xi32>], vector<16xf32>,
            %gather3A_206 = tpu.vector_load_idx %arg14[%add3A_201, %broadcast_in_dim3A_6] : memref<256x8xf32, #tpu.memory_space<vmem>>[vector<16xi32>, vector<16xi32>], vector<16xf32>,
            %mul3A_207 = arith.mulf %gather3A_206, %get3A_192 : vector<16xf32>
            tpu.vector_store_idx %arg15[%get3A_187, %broadcast_in_dim3A_6], %mul3A_207 {add = true} : memref<10000x8xf32, #tpu.memory_space<vmem>>[vector<16xi32>, vector<16xi32>], vector<16xf32>,
            %gather3A_208 = tpu.vector_load_idx %arg14[%add3A_201, %broadcast_in_dim3A_8] : memref<256x8xf32, #tpu.memory_space<vmem>>[vector<16xi32>, vector<16xi32>], vector<16xf32>,
            %mul3A_209 = arith.mulf %gather3A_208, %get3A_192 : vector<16xf32>
            tpu.vector_store_idx %arg15[%get3A_187, %broadcast_in_dim3A_8], %mul3A_209 {add = true} : memref<10000x8xf32, #tpu.memory_space<vmem>>[vector<16xi32>, vector<16xi32>], vector<16xf32>,
            %gather3A_210 = tpu.vector_load_idx %arg14[%add3A_201, %broadcast_in_dim3A_10] : memref<256x8xf32, #tpu.memory_space<vmem>>[vector<16xi32>, vector<16xi32>], vector<16xf32>,
            %mul3A_211 = arith.mulf %gather3A_210, %get3A_192 : vector<16xf32>
            tpu.vector_store_idx %arg15[%get3A_187, %broadcast_in_dim3A_10], %mul3A_211 {add = true} : memref<10000x8xf32, #tpu.memory_space<vmem>>[vector<16xi32>, vector<16xi32>], vector<16xf32>,
            %gather3A_212 = tpu.vector_load_idx %arg14[%add3A_201, %broadcast_in_dim3A_12] : memref<256x8xf32, #tpu.memory_space<vmem>>[vector<16xi32>, vector<16xi32>], vector<16xf32>,
            %mul3A_213 = arith.mulf %gather3A_212, %get3A_192 : vector<16xf32>
            tpu.vector_store_idx %arg15[%get3A_187, %broadcast_in_dim3A_12], %mul3A_213 {add = true} : memref<10000x8xf32, #tpu.memory_space<vmem>>[vector<16xi32>, vector<16xi32>], vector<16xf32>,
            %gather3A_214 = tpu.vector_load_idx %arg14[%add3A_201, %broadcast_in_dim3A_14] : memref<256x8xf32, #tpu.memory_space<vmem>>[vector<16xi32>, vector<16xi32>], vector<16xf32>,
            %mul3A_215 = arith.mulf %gather3A_214, %get3A_192 : vector<16xf32>
            tpu.vector_store_idx %arg15[%get3A_187, %broadcast_in_dim3A_14], %mul3A_215 {add = true} : memref<10000x8xf32, #tpu.memory_space<vmem>>[vector<16xi32>, vector<16xi32>], vector<16xf32>,
            %gather3A_216 = tpu.vector_load_idx %arg14[%add3A_201, %broadcast_in_dim3A_16] : memref<256x8xf32, #tpu.memory_space<vmem>>[vector<16xi32>, vector<16xi32>], vector<16xf32>,
            %mul3A_217 = arith.mulf %gather3A_216, %get3A_192 : vector<16xf32>
            tpu.vector_store_idx %arg15[%get3A_187, %broadcast_in_dim3A_16], %mul3A_217 {add = true} : memref<10000x8xf32, #tpu.memory_space<vmem>>[vector<16xi32>, vector<16xi32>], vector<16xf32>,
            %mul3A_218 = arith.constant 4 : i32
            %mul3A_219 = arith.muli %scan3A_140, %mul3A_218 : i32
            %add3A_220 = arith.constant 2 : i32
            %add3A_221 = arith.addi %mul3A_219, %add3A_220 : i32
            %mul3A_222 = arith.constant 16 : i32
            %mul3A_223 = arith.muli %add3A_221, %mul3A_222 : i32
            %get3A_224 = arith.index_cast %add3A_133 : i32 to index
            %get3A_225 = arith.index_cast %mul3A_223 : i32 to index
            %get3A_226 = tpu.vector_load %arg10[%get3A_224, %get3A_225] {strides = array<i32>} : memref<16x256xi32, #tpu.memory_space<vmem>>, vector<16xi32>,
            %mul3A_227 = arith.constant 16 : i32
            %mul3A_228 = arith.muli %add3A_221, %mul3A_227 : i32
            %get3A_229 = arith.index_cast %add3A_133 : i32 to index
            %get3A_230 = arith.index_cast %mul3A_228 : i32 to index
            %get3A_231 = tpu.vector_load %arg17[%get3A_229, %get3A_230] {strides = array<i32>} : memref<16x256xf32, #tpu.memory_space<vmem>>, vector<16xf32>,
            %eq3A_232 = arith.constant 0 : i32
            %eq3A_233 = arith.cmpi eq, %arg1, %eq3A_232 : i32
            %convert_element_type3A_234 = arith.extui %eq3A_233 : i1 to i32
            %cond3A_235 = arith.constant 0 : i32
            %cond3A_236 = arith.cmpi ne, %convert_element_type3A_234, %cond3A_235 : i32
            scf.if %cond3A_236 {
              tpu.vector_store_idx %arg16[%get3A_226], %get3A_231 {add = true} : memref<10000xf32, #tpu.memory_space<vmem>>[vector<16xi32>], vector<16xf32>,
            } else {
            }
            %mul3A_237 = arith.constant 16 : i32
            %mul3A_238 = arith.muli %add3A_221, %mul3A_237 : i32
            %add3A_239 = vector.broadcast %mul3A_238 : i32 to vector<16xi32>
            %add3A_240 = arith.addi %add3A_239, %iota3A : vector<16xi32>
            %gather3A_241 = tpu.vector_load_idx %arg14[%add3A_240, %broadcast_in_dim3A_2] : memref<256x8xf32, #tpu.memory_space<vmem>>[vector<16xi32>, vector<16xi32>], vector<16xf32>,
            %mul3A_242 = arith.mulf %gather3A_241, %get3A_231 : vector<16xf32>
            tpu.vector_store_idx %arg15[%get3A_226, %broadcast_in_dim3A_2], %mul3A_242 {add = true} : memref<10000x8xf32, #tpu.memory_space<vmem>>[vector<16xi32>, vector<16xi32>], vector<16xf32>,
            %gather3A_243 = tpu.vector_load_idx %arg14[%add3A_240, %broadcast_in_dim3A_4] : memref<256x8xf32, #tpu.memory_space<vmem>>[vector<16xi32>, vector<16xi32>], vector<16xf32>,
            %mul3A_244 = arith.mulf %gather3A_243, %get3A_231 : vector<16xf32>
            tpu.vector_store_idx %arg15[%get3A_226, %broadcast_in_dim3A_4], %mul3A_244 {add = true} : memref<10000x8xf32, #tpu.memory_space<vmem>>[vector<16xi32>, vector<16xi32>], vector<16xf32>,
            %gather3A_245 = tpu.vector_load_idx %arg14[%add3A_240, %broadcast_in_dim3A_6] : memref<256x8xf32, #tpu.memory_space<vmem>>[vector<16xi32>, vector<16xi32>], vector<16xf32>,
            %mul3A_246 = arith.mulf %gather3A_245, %get3A_231 : vector<16xf32>
            tpu.vector_store_idx %arg15[%get3A_226, %broadcast_in_dim3A_6], %mul3A_246 {add = true} : memref<10000x8xf32, #tpu.memory_space<vmem>>[vector<16xi32>, vector<16xi32>], vector<16xf32>,
            %gather3A_247 = tpu.vector_load_idx %arg14[%add3A_240, %broadcast_in_dim3A_8] : memref<256x8xf32, #tpu.memory_space<vmem>>[vector<16xi32>, vector<16xi32>], vector<16xf32>,
            %mul3A_248 = arith.mulf %gather3A_247, %get3A_231 : vector<16xf32>
            tpu.vector_store_idx %arg15[%get3A_226, %broadcast_in_dim3A_8], %mul3A_248 {add = true} : memref<10000x8xf32, #tpu.memory_space<vmem>>[vector<16xi32>, vector<16xi32>], vector<16xf32>,
            %gather3A_249 = tpu.vector_load_idx %arg14[%add3A_240, %broadcast_in_dim3A_10] : memref<256x8xf32, #tpu.memory_space<vmem>>[vector<16xi32>, vector<16xi32>], vector<16xf32>,
            %mul3A_250 = arith.mulf %gather3A_249, %get3A_231 : vector<16xf32>
            tpu.vector_store_idx %arg15[%get3A_226, %broadcast_in_dim3A_10], %mul3A_250 {add = true} : memref<10000x8xf32, #tpu.memory_space<vmem>>[vector<16xi32>, vector<16xi32>], vector<16xf32>,
            %gather3A_251 = tpu.vector_load_idx %arg14[%add3A_240, %broadcast_in_dim3A_12] : memref<256x8xf32, #tpu.memory_space<vmem>>[vector<16xi32>, vector<16xi32>], vector<16xf32>,
            %mul3A_252 = arith.mulf %gather3A_251, %get3A_231 : vector<16xf32>
            tpu.vector_store_idx %arg15[%get3A_226, %broadcast_in_dim3A_12], %mul3A_252 {add = true} : memref<10000x8xf32, #tpu.memory_space<vmem>>[vector<16xi32>, vector<16xi32>], vector<16xf32>,
            %gather3A_253 = tpu.vector_load_idx %arg14[%add3A_240, %broadcast_in_dim3A_14] : memref<256x8xf32, #tpu.memory_space<vmem>>[vector<16xi32>, vector<16xi32>], vector<16xf32>,
            %mul3A_254 = arith.mulf %gather3A_253, %get3A_231 : vector<16xf32>
            tpu.vector_store_idx %arg15[%get3A_226, %broadcast_in_dim3A_14], %mul3A_254 {add = true} : memref<10000x8xf32, #tpu.memory_space<vmem>>[vector<16xi32>, vector<16xi32>], vector<16xf32>,
            %gather3A_255 = tpu.vector_load_idx %arg14[%add3A_240, %broadcast_in_dim3A_16] : memref<256x8xf32, #tpu.memory_space<vmem>>[vector<16xi32>, vector<16xi32>], vector<16xf32>,
            %mul3A_256 = arith.mulf %gather3A_255, %get3A_231 : vector<16xf32>
            tpu.vector_store_idx %arg15[%get3A_226, %broadcast_in_dim3A_16], %mul3A_256 {add = true} : memref<10000x8xf32, #tpu.memory_space<vmem>>[vector<16xi32>, vector<16xi32>], vector<16xf32>,
            %mul3A_257 = arith.constant 4 : i32
            %mul3A_258 = arith.muli %scan3A_140, %mul3A_257 : i32
            %add3A_259 = arith.constant 3 : i32
            %add3A_260 = arith.addi %mul3A_258, %add3A_259 : i32
            %mul3A_261 = arith.constant 16 : i32
            %mul3A_262 = arith.muli %add3A_260, %mul3A_261 : i32
            %get3A_263 = arith.index_cast %add3A_133 : i32 to index
            %get3A_264 = arith.index_cast %mul3A_262 : i32 to index
            %get3A_265 = tpu.vector_load %arg10[%get3A_263, %get3A_264] {strides = array<i32>} : memref<16x256xi32, #tpu.memory_space<vmem>>, vector<16xi32>,
            %mul3A_266 = arith.constant 16 : i32
            %mul3A_267 = arith.muli %add3A_260, %mul3A_266 : i32
            %get3A_268 = arith.index_cast %add3A_133 : i32 to index
            %get3A_269 = arith.index_cast %mul3A_267 : i32 to index
            %get3A_270 = tpu.vector_load %arg17[%get3A_268, %get3A_269] {strides = array<i32>} : memref<16x256xf32, #tpu.memory_space<vmem>>, vector<16xf32>,
            %eq3A_271 = arith.constant 0 : i32
            %eq3A_272 = arith.cmpi eq, %arg1, %eq3A_271 : i32
            %convert_element_type3A_273 = arith.extui %eq3A_272 : i1 to i32
            %cond3A_274 = arith.constant 0 : i32
            %cond3A_275 = arith.cmpi ne, %convert_element_type3A_273, %cond3A_274 : i32
            scf.if %cond3A_275 {
              tpu.vector_store_idx %arg16[%get3A_265], %get3A_270 {add = true} : memref<10000xf32, #tpu.memory_space<vmem>>[vector<16xi32>], vector<16xf32>,
            } else {
            }
            %mul3A_276 = arith.constant 16 : i32
            %mul3A_277 = arith.muli %add3A_260, %mul3A_276 : i32
            %add3A_278 = vector.broadcast %mul3A_277 : i32 to vector<16xi32>
            %add3A_279 = arith.addi %add3A_278, %iota3A : vector<16xi32>
            %gather3A_280 = tpu.vector_load_idx %arg14[%add3A_279, %broadcast_in_dim3A_2] : memref<256x8xf32, #tpu.memory_space<vmem>>[vector<16xi32>, vector<16xi32>], vector<16xf32>,
            %mul3A_281 = arith.mulf %gather3A_280, %get3A_270 : vector<16xf32>
            tpu.vector_store_idx %arg15[%get3A_265, %broadcast_in_dim3A_2], %mul3A_281 {add = true} : memref<10000x8xf32, #tpu.memory_space<vmem>>[vector<16xi32>, vector<16xi32>], vector<16xf32>,
            %gather3A_282 = tpu.vector_load_idx %arg14[%add3A_279, %broadcast_in_dim3A_4] : memref<256x8xf32, #tpu.memory_space<vmem>>[vector<16xi32>, vector<16xi32>], vector<16xf32>,
            %mul3A_283 = arith.mulf %gather3A_282, %get3A_270 : vector<16xf32>
            tpu.vector_store_idx %arg15[%get3A_265, %broadcast_in_dim3A_4], %mul3A_283 {add = true} : memref<10000x8xf32, #tpu.memory_space<vmem>>[vector<16xi32>, vector<16xi32>], vector<16xf32>,
            %gather3A_284 = tpu.vector_load_idx %arg14[%add3A_279, %broadcast_in_dim3A_6] : memref<256x8xf32, #tpu.memory_space<vmem>>[vector<16xi32>, vector<16xi32>], vector<16xf32>,
            %mul3A_285 = arith.mulf %gather3A_284, %get3A_270 : vector<16xf32>
            tpu.vector_store_idx %arg15[%get3A_265, %broadcast_in_dim3A_6], %mul3A_285 {add = true} : memref<10000x8xf32, #tpu.memory_space<vmem>>[vector<16xi32>, vector<16xi32>], vector<16xf32>,
            %gather3A_286 = tpu.vector_load_idx %arg14[%add3A_279, %broadcast_in_dim3A_8] : memref<256x8xf32, #tpu.memory_space<vmem>>[vector<16xi32>, vector<16xi32>], vector<16xf32>,
            %mul3A_287 = arith.mulf %gather3A_286, %get3A_270 : vector<16xf32>
            tpu.vector_store_idx %arg15[%get3A_265, %broadcast_in_dim3A_8], %mul3A_287 {add = true} : memref<10000x8xf32, #tpu.memory_space<vmem>>[vector<16xi32>, vector<16xi32>], vector<16xf32>,
            %gather3A_288 = tpu.vector_load_idx %arg14[%add3A_279, %broadcast_in_dim3A_10] : memref<256x8xf32, #tpu.memory_space<vmem>>[vector<16xi32>, vector<16xi32>], vector<16xf32>,
            %mul3A_289 = arith.mulf %gather3A_288, %get3A_270 : vector<16xf32>
            tpu.vector_store_idx %arg15[%get3A_265, %broadcast_in_dim3A_10], %mul3A_289 {add = true} : memref<10000x8xf32, #tpu.memory_space<vmem>>[vector<16xi32>, vector<16xi32>], vector<16xf32>,
            %gather3A_290 = tpu.vector_load_idx %arg14[%add3A_279, %broadcast_in_dim3A_12] : memref<256x8xf32, #tpu.memory_space<vmem>>[vector<16xi32>, vector<16xi32>], vector<16xf32>,
            %mul3A_291 = arith.mulf %gather3A_290, %get3A_270 : vector<16xf32>
            tpu.vector_store_idx %arg15[%get3A_265, %broadcast_in_dim3A_12], %mul3A_291 {add = true} : memref<10000x8xf32, #tpu.memory_space<vmem>>[vector<16xi32>, vector<16xi32>], vector<16xf32>,
            %gather3A_292 = tpu.vector_load_idx %arg14[%add3A_279, %broadcast_in_dim3A_14] : memref<256x8xf32, #tpu.memory_space<vmem>>[vector<16xi32>, vector<16xi32>], vector<16xf32>,
            %mul3A_293 = arith.mulf %gather3A_292, %get3A_270 : vector<16xf32>
            tpu.vector_store_idx %arg15[%get3A_265, %broadcast_in_dim3A_14], %mul3A_293 {add = true} : memref<10000x8xf32, #tpu.memory_space<vmem>>[vector<16xi32>, vector<16xi32>], vector<16xf32>,
            %gather3A_294 = tpu.vector_load_idx %arg14[%add3A_279, %broadcast_in_dim3A_16] : memref<256x8xf32, #tpu.memory_space<vmem>>[vector<16xi32>, vector<16xi32>], vector<16xf32>,
            %mul3A_295 = arith.mulf %gather3A_294, %get3A_270 : vector<16xf32>
            tpu.vector_store_idx %arg15[%get3A_265, %broadcast_in_dim3A_16], %mul3A_295 {add = true} : memref<10000x8xf32, #tpu.memory_space<vmem>>[vector<16xi32>, vector<16xi32>], vector<16xf32>,
          }
          %scan3A_139 = arith.constant 4 : i32
        }
        %scan3A_91 = arith.constant 8 : i32
      }
      %scan3A_61 = arith.constant 80 : i32
      %add3A_62 = arith.constant 16 : i32
      %add3A_63 = arith.addi %add3A_62, %arg1 : i32
      "tpu.region"() ({
        %run_scoped3A = tpu.sem_alloc : memref<!tpu.dma_semaphore, #tpu.memory_space<semaphore_mem>>
        %dma_start3A = arith.constant 0 : i32
        %dma_start3A_69 = arith.constant 0 : i32
        %dma_start3A_70 = tpu.memref_slice %arg7[%add3A_63, %dma_start3A, %dma_start3A_69] : memref<64x10000x8xf32, #tpu.memory_space<hbm>> -> memref<1x10000x8xf32, #tpu.memory_space<hbm>>
        %dma_start3A_71 = tpu.memref_squeeze %dma_start3A_70 : memref<1x10000x8xf32, #tpu.memory_space<hbm>> -> memref<10000x8xf32, #tpu.memory_space<hbm>>
        %dma_start3A_72 = arith.constant 0 : i32
        %dma_start3A_73 = arith.constant 0 : i32
        %dma_start3A_74 = tpu.memref_slice %arg7[%add3A_63, %dma_start3A_72, %dma_start3A_73] : memref<64x10000x8xf32, #tpu.memory_space<hbm>> -> memref<1x10000x8xf32, #tpu.memory_space<hbm>>
        %dma_start3A_75 = tpu.memref_squeeze %dma_start3A_74 : memref<1x10000x8xf32, #tpu.memory_space<hbm>> -> memref<10000x8xf32, #tpu.memory_space<hbm>>
        tpu.enqueue_dma source(%arg15 : memref<10000x8xf32, #tpu.memory_space<vmem>>) target(%dma_start3A_75 : memref<10000x8xf32, #tpu.memory_space<hbm>>) target_semaphore(%run_scoped3A : memref<!tpu.dma_semaphore, #tpu.memory_space<semaphore_mem>>)
        %dma_wait3A = arith.constant 0 : i32
        %dma_wait3A_76 = arith.constant 0 : i32
        %dma_wait3A_77 = tpu.memref_slice %arg7[%add3A_63, %dma_wait3A, %dma_wait3A_76] : memref<64x10000x8xf32, #tpu.memory_space<hbm>> -> memref<1x10000x8xf32, #tpu.memory_space<hbm>>
        %dma_wait3A_78 = tpu.memref_squeeze %dma_wait3A_77 : memref<1x10000x8xf32, #tpu.memory_space<hbm>> -> memref<10000x8xf32, #tpu.memory_space<hbm>>
        %dma_wait3A_79 = arith.constant 0 : i32
        %dma_wait3A_80 = arith.constant 0 : i32
        %dma_wait3A_81 = tpu.memref_slice %arg7[%add3A_63, %dma_wait3A_79, %dma_wait3A_80] : memref<64x10000x8xf32, #tpu.memory_space<hbm>> -> memref<1x10000x8xf32, #tpu.memory_space<hbm>>
        %dma_wait3A_82 = tpu.memref_squeeze %dma_wait3A_81 : memref<1x10000x8xf32, #tpu.memory_space<hbm>> -> memref<10000x8xf32, #tpu.memory_space<hbm>>
        tpu.wait_dma2 semaphore(%run_scoped3A : memref<!tpu.dma_semaphore, #tpu.memory_space<semaphore_mem>>) src(%arg15 : memref<10000x8xf32, #tpu.memory_space<vmem>>) dst(%dma_wait3A_82 : memref<10000x8xf32, #tpu.memory_space<hbm>>)
        tpu.yield
      }) : () -> ()
      %eq3A_64 = arith.constant 0 : i32
      %eq3A_65 = arith.cmpi eq, %arg1, %eq3A_64 : i32
      %convert_element_type3A_66 = arith.extui %eq3A_65 : i1 to i32
      %cond3A_67 = arith.constant 0 : i32
      %cond3A_68 = arith.cmpi ne, %convert_element_type3A_66, %cond3A_67 : i32
      scf.if %cond3A_68 {
        "tpu.region"() ({
          %run_scoped3A = tpu.sem_alloc : memref<!tpu.dma_semaphore, #tpu.memory_space<semaphore_mem>>
          %dma_start3A = arith.constant 10000 : i32
          %dma_start3A_69 = tpu.memref_slice %arg8[%dma_start3A] : memref<40000xf32, #tpu.memory_space<hbm>> -> memref<10000xf32, #tpu.memory_space<hbm>>
          %dma_start3A_70 = arith.constant 10000 : i32
          %dma_start3A_71 = tpu.memref_slice %arg8[%dma_start3A_70] : memref<40000xf32, #tpu.memory_space<hbm>> -> memref<10000xf32, #tpu.memory_space<hbm>>
          tpu.enqueue_dma source(%arg16 : memref<10000xf32, #tpu.memory_space<vmem>>) target(%dma_start3A_71 : memref<10000xf32, #tpu.memory_space<hbm>>) target_semaphore(%run_scoped3A : memref<!tpu.dma_semaphore, #tpu.memory_space<semaphore_mem>>)
          %dma_wait3A = arith.constant 10000 : i32
          %dma_wait3A_72 = tpu.memref_slice %arg8[%dma_wait3A] : memref<40000xf32, #tpu.memory_space<hbm>> -> memref<10000xf32, #tpu.memory_space<hbm>>
          %dma_wait3A_73 = arith.constant 10000 : i32
          %dma_wait3A_74 = tpu.memref_slice %arg8[%dma_wait3A_73] : memref<40000xf32, #tpu.memory_space<hbm>> -> memref<10000xf32, #tpu.memory_space<hbm>>
          tpu.wait_dma2 semaphore(%run_scoped3A : memref<!tpu.dma_semaphore, #tpu.memory_space<semaphore_mem>>) src(%arg16 : memref<10000xf32, #tpu.memory_space<vmem>>) dst(%dma_wait3A_74 : memref<10000xf32, #tpu.memory_space<hbm>>)
          tpu.yield
        }) : () -> ()
      } else {
      }
    } else {
    }
    %eq3A_24 = arith.constant 1 : i32
    %eq3A_25 = arith.cmpi eq, %arg0, %eq3A_24 : i32
    %convert_element_type3A_26 = arith.extui %eq3A_25 : i1 to i32
    %cond3A_27 = arith.constant 0 : i32
    %cond3A_28 = arith.cmpi ne, %convert_element_type3A_26, %cond3A_27 : i32
    scf.if %cond3A_28 {
      "tpu.region"() ({
        %run_scoped3A = tpu.sem_alloc : memref<!tpu.dma_semaphore, #tpu.memory_space<semaphore_mem>>
        %dma_start3A = arith.constant 40000 : i32
        %dma_start3A_69 = tpu.memref_slice %arg3[%dma_start3A] : memref<80000xf32, #tpu.memory_space<hbm>> -> memref<20000xf32, #tpu.memory_space<hbm>>
        %dma_start3A_70 = arith.constant 40000 : i32
        %dma_start3A_71 = tpu.memref_slice %arg3[%dma_start3A_70] : memref<80000xf32, #tpu.memory_space<hbm>> -> memref<20000xf32, #tpu.memory_space<hbm>>
        tpu.enqueue_dma source(%dma_start3A_71 : memref<20000xf32, #tpu.memory_space<hbm>>) target(%arg12 : memref<20000xf32, #tpu.memory_space<vmem>>) target_semaphore(%run_scoped3A : memref<!tpu.dma_semaphore, #tpu.memory_space<semaphore_mem>>)
        %dma_wait3A = arith.constant 40000 : i32
        %dma_wait3A_72 = tpu.memref_slice %arg3[%dma_wait3A] : memref<80000xf32, #tpu.memory_space<hbm>> -> memref<20000xf32, #tpu.memory_space<hbm>>
        %dma_wait3A_73 = arith.constant 40000 : i32
        %dma_wait3A_74 = tpu.memref_slice %arg3[%dma_wait3A_73] : memref<80000xf32, #tpu.memory_space<hbm>> -> memref<20000xf32, #tpu.memory_space<hbm>>
        tpu.wait_dma2 semaphore(%run_scoped3A : memref<!tpu.dma_semaphore, #tpu.memory_space<semaphore_mem>>) src(%dma_wait3A_74 : memref<20000xf32, #tpu.memory_space<hbm>>) dst(%arg12 : memref<20000xf32, #tpu.memory_space<vmem>>)
        tpu.yield
      }) : () -> ()
      %scan3A = arith.constant 0 : i32
      %scan3A_34 = arith.constant 0 : i32
      %scan3A_35 = arith.constant 625 : i32
      %scan3A_36 = arith.addi %scan3A_34, %scan3A_35 : i32
      %scan3A_37 = arith.constant 1 : i32
      scf.for %scan3A_69 = %scan3A_34 to %scan3A_36 step %scan3A_37  : i32 {
        %mul3A_70 = arith.constant 16 : i32
        %mul3A_71 = arith.muli %scan3A_69, %mul3A_70 : i32
        %add3A_72 = vector.broadcast %mul3A_71 : i32 to vector<16xi32>
        %add3A_73 = arith.addi %add3A_72, %iota3A : vector<16xi32>
        tpu.vector_store_idx %arg15[%add3A_73, %broadcast_in_dim3A_2], %broadcast_in_dim3A_0 : memref<10000x8xf32, #tpu.memory_space<vmem>>[vector<16xi32>, vector<16xi32>], vector<16xf32>,
        tpu.vector_store_idx %arg15[%add3A_73, %broadcast_in_dim3A_4], %broadcast_in_dim3A_0 : memref<10000x8xf32, #tpu.memory_space<vmem>>[vector<16xi32>, vector<16xi32>], vector<16xf32>,
        tpu.vector_store_idx %arg15[%add3A_73, %broadcast_in_dim3A_6], %broadcast_in_dim3A_0 : memref<10000x8xf32, #tpu.memory_space<vmem>>[vector<16xi32>, vector<16xi32>], vector<16xf32>,
        tpu.vector_store_idx %arg15[%add3A_73, %broadcast_in_dim3A_8], %broadcast_in_dim3A_0 : memref<10000x8xf32, #tpu.memory_space<vmem>>[vector<16xi32>, vector<16xi32>], vector<16xf32>,
        tpu.vector_store_idx %arg15[%add3A_73, %broadcast_in_dim3A_10], %broadcast_in_dim3A_0 : memref<10000x8xf32, #tpu.memory_space<vmem>>[vector<16xi32>, vector<16xi32>], vector<16xf32>,
        tpu.vector_store_idx %arg15[%add3A_73, %broadcast_in_dim3A_12], %broadcast_in_dim3A_0 : memref<10000x8xf32, #tpu.memory_space<vmem>>[vector<16xi32>, vector<16xi32>], vector<16xf32>,
        tpu.vector_store_idx %arg15[%add3A_73, %broadcast_in_dim3A_14], %broadcast_in_dim3A_0 : memref<10000x8xf32, #tpu.memory_space<vmem>>[vector<16xi32>, vector<16xi32>], vector<16xf32>,
        tpu.vector_store_idx %arg15[%add3A_73, %broadcast_in_dim3A_16], %broadcast_in_dim3A_0 : memref<10000x8xf32, #tpu.memory_space<vmem>>[vector<16xi32>, vector<16xi32>], vector<16xf32>,
      }
      %scan3A_38 = arith.constant 625 : i32
      %scan3A_39 = arith.constant 0 : i32
      %scan3A_40 = arith.constant 0 : i32
      %scan3A_41 = arith.constant 625 : i32
      %scan3A_42 = arith.addi %scan3A_40, %scan3A_41 : i32
      %scan3A_43 = arith.constant 1 : i32
      scf.for %scan3A_69 = %scan3A_40 to %scan3A_42 step %scan3A_43  : i32 {
        %mul3A_70 = arith.constant 16 : i32
        %mul3A_71 = arith.muli %scan3A_69, %mul3A_70 : i32
        %swap3A = arith.index_cast %mul3A_71 : i32 to index
        %swap3A_72 = tpu.vector_load %arg16[%swap3A] {strides = array<i32>} : memref<10000xf32, #tpu.memory_space<vmem>>, vector<16xf32>,
        tpu.vector_store %arg16[%swap3A], %broadcast_in_dim3A_0 {strides = array<i32>} : memref<10000xf32, #tpu.memory_space<vmem>>, vector<16xf32>,
      }
      %scan3A_44 = arith.constant 625 : i32
      %get3A = arith.constant 0 : index
      %get3A_45 = tpu.vector_load %arg18[%get3A] {strides = array<i32>} : memref<16xf32, #tpu.memory_space<vmem>>, vector<16xf32>,
      %add3A = arith.constant 32 : i32
      %add3A_46 = arith.addi %add3A, %arg1 : i32
      %mul3A = arith.constant 10000 : i32
      %mul3A_47 = arith.muli %add3A_46, %mul3A : i32
      %mul3A_48 = arith.constant 80 : i32
      %mul3A_49 = arith.muli %arg1, %mul3A_48 : i32
      %scan3A_50 = arith.constant 0 : i32
      %scan3A_51 = arith.constant 0 : i32
      %scan3A_52 = arith.constant 5 : i32
      %scan3A_53 = arith.addi %scan3A_51, %scan3A_52 : i32
      %scan3A_54 = arith.constant 1 : i32
      scf.for %scan3A_69 = %scan3A_51 to %scan3A_53 step %scan3A_54  : i32 {
        %mul3A_70 = arith.constant 16 : i32
        %mul3A_71 = arith.muli %scan3A_69, %mul3A_70 : i32
        %add3A_72 = arith.addi %mul3A_49, %mul3A_71 : i32
        "tpu.region"() ({
          %run_scoped3A = tpu.sem_alloc : memref<!tpu.dma_semaphore, #tpu.memory_space<semaphore_mem>>
          %dma_start3A = arith.constant 0 : i32
          %dma_start3A_81 = tpu.memref_slice %arg4[%add3A_72, %dma_start3A] : memref<1280x256xi32, #tpu.memory_space<hbm>> -> memref<16x256xi32, #tpu.memory_space<hbm>>
          %dma_start3A_82 = arith.constant 0 : i32
          %dma_start3A_83 = tpu.memref_slice %arg4[%add3A_72, %dma_start3A_82] : memref<1280x256xi32, #tpu.memory_space<hbm>> -> memref<16x256xi32, #tpu.memory_space<hbm>>
          tpu.enqueue_dma source(%dma_start3A_83 : memref<16x256xi32, #tpu.memory_space<hbm>>) target(%arg10 : memref<16x256xi32, #tpu.memory_space<vmem>>) target_semaphore(%run_scoped3A : memref<!tpu.dma_semaphore, #tpu.memory_space<semaphore_mem>>)
          %dma_wait3A = arith.constant 0 : i32
          %dma_wait3A_84 = tpu.memref_slice %arg4[%add3A_72, %dma_wait3A] : memref<1280x256xi32, #tpu.memory_space<hbm>> -> memref<16x256xi32, #tpu.memory_space<hbm>>
          %dma_wait3A_85 = arith.constant 0 : i32
          %dma_wait3A_86 = tpu.memref_slice %arg4[%add3A_72, %dma_wait3A_85] : memref<1280x256xi32, #tpu.memory_space<hbm>> -> memref<16x256xi32, #tpu.memory_space<hbm>>
          tpu.wait_dma2 semaphore(%run_scoped3A : memref<!tpu.dma_semaphore, #tpu.memory_space<semaphore_mem>>) src(%dma_wait3A_86 : memref<16x256xi32, #tpu.memory_space<hbm>>) dst(%arg10 : memref<16x256xi32, #tpu.memory_space<vmem>>)
          tpu.yield
        }) : () -> ()
        "tpu.region"() ({
          %run_scoped3A = tpu.sem_alloc : memref<!tpu.dma_semaphore, #tpu.memory_space<semaphore_mem>>
          %dma_start3A = arith.constant 0 : i32
          %dma_start3A_81 = tpu.memref_slice %arg5[%add3A_72, %dma_start3A] : memref<1280x256xi32, #tpu.memory_space<hbm>> -> memref<16x256xi32, #tpu.memory_space<hbm>>
          %dma_start3A_82 = arith.constant 0 : i32
          %dma_start3A_83 = tpu.memref_slice %arg5[%add3A_72, %dma_start3A_82] : memref<1280x256xi32, #tpu.memory_space<hbm>> -> memref<16x256xi32, #tpu.memory_space<hbm>>
          tpu.enqueue_dma source(%dma_start3A_83 : memref<16x256xi32, #tpu.memory_space<hbm>>) target(%arg11 : memref<16x256xi32, #tpu.memory_space<vmem>>) target_semaphore(%run_scoped3A : memref<!tpu.dma_semaphore, #tpu.memory_space<semaphore_mem>>)
          %dma_wait3A = arith.constant 0 : i32
          %dma_wait3A_84 = tpu.memref_slice %arg5[%add3A_72, %dma_wait3A] : memref<1280x256xi32, #tpu.memory_space<hbm>> -> memref<16x256xi32, #tpu.memory_space<hbm>>
          %dma_wait3A_85 = arith.constant 0 : i32
          %dma_wait3A_86 = tpu.memref_slice %arg5[%add3A_72, %dma_wait3A_85] : memref<1280x256xi32, #tpu.memory_space<hbm>> -> memref<16x256xi32, #tpu.memory_space<hbm>>
          tpu.wait_dma2 semaphore(%run_scoped3A : memref<!tpu.dma_semaphore, #tpu.memory_space<semaphore_mem>>) src(%dma_wait3A_86 : memref<16x256xi32, #tpu.memory_space<hbm>>) dst(%arg11 : memref<16x256xi32, #tpu.memory_space<vmem>>)
          tpu.yield
        }) : () -> ()
        %scan3A_73 = arith.constant 0 : i32
        %scan3A_74 = arith.constant 0 : i32
        %scan3A_75 = arith.constant 16 : i32
        %scan3A_76 = arith.addi %scan3A_74, %scan3A_75 : i32
        %scan3A_77 = arith.constant 1 : i32
        scf.for %scan3A_81 = %scan3A_74 to %scan3A_76 step %scan3A_77  : i32 {
          %add3A_82 = arith.addi %add3A_72, %scan3A_81 : i32
          %mul3A_83 = arith.constant 256 : i32
          %mul3A_84 = arith.muli %add3A_82, %mul3A_83 : i32
          %add3A_85 = vector.broadcast %mul3A_84 : i32 to vector<16xi32>
          %add3A_86 = arith.addi %add3A_85, %iota3A : vector<16xi32>
          %scan3A_87 = arith.constant 0 : i32
          %scan3A_88 = arith.constant 0 : i32
          %scan3A_89 = arith.constant 16 : i32
          %scan3A_90 = arith.addi %scan3A_88, %scan3A_89 : i32
          %scan3A_91 = arith.constant 1 : i32
          scf.for %scan3A_93 = %scan3A_88 to %scan3A_90 step %scan3A_91  : i32 {
            %mul3A_94 = arith.constant 16 : i32
            %mul3A_95 = arith.muli %scan3A_93, %mul3A_94 : i32
            %get3A_96 = arith.index_cast %scan3A_81 : i32 to index
            %get3A_97 = arith.index_cast %mul3A_95 : i32 to index
            %get3A_98 = tpu.vector_load %arg10[%get3A_96, %get3A_97] {strides = array<i32>} : memref<16x256xi32, #tpu.memory_space<vmem>>, vector<16xi32>,
            %mul3A_99 = arith.constant 16 : i32
            %mul3A_100 = arith.muli %scan3A_93, %mul3A_99 : i32
            %get3A_101 = arith.index_cast %scan3A_81 : i32 to index
            %get3A_102 = arith.index_cast %mul3A_100 : i32 to index
            %get3A_103 = tpu.vector_load %arg11[%get3A_101, %get3A_102] {strides = array<i32>} : memref<16x256xi32, #tpu.memory_space<vmem>>, vector<16xi32>,
            %gather3A = tpu.vector_load_idx %arg12[%get3A_98] : memref<20000xf32, #tpu.memory_space<vmem>>[vector<16xi32>], vector<16xf32>,
            %add3A_104 = arith.constant 10000 : i32
            %add3A_105 = vector.broadcast %add3A_104 : i32 to vector<16xi32>
            %add3A_106 = arith.addi %get3A_103, %add3A_105 : vector<16xi32>
            %gather3A_107 = tpu.vector_load_idx %arg12[%add3A_106] : memref<20000xf32, #tpu.memory_space<vmem>>[vector<16xi32>], vector<16xf32>,
            %add3A_108 = arith.addf %gather3A, %gather3A_107 : vector<16xf32>
            %mul3A_109 = arith.constant 2.000000e-01 : f32
            %mul3A_110 = vector.broadcast %mul3A_109 : f32 to vector<16xf32>
            %mul3A_111 = arith.mulf %add3A_108, %mul3A_110 : vector<16xf32>
            %max3A = arith.maximumf %add3A_108, %mul3A_111 : vector<16xf32>
            %sub3A = arith.subf %max3A, %get3A_45 : vector<16xf32>
            %exp3A = math.exp %sub3A : vector<16xf32>
            %mul3A_112 = arith.constant 16 : i32
            %mul3A_113 = arith.muli %scan3A_93, %mul3A_112 : i32
            %add3A_114 = vector.broadcast %mul3A_113 : i32 to vector<16xi32>
            %add3A_115 = arith.addi %add3A_86, %add3A_114 : vector<16xi32>
            %lt3A = arith.constant 320000 : i32
            %lt3A_116 = vector.broadcast %lt3A : i32 to vector<16xi32>
            %lt3A_117 = arith.cmpi slt, %add3A_115, %lt3A_116 : vector<16xi32>
            %select_n3A = arith.select %lt3A_117, %exp3A, %broadcast_in_dim3A_0 : vector<16xi1>, vector<16xf32>
            %mul3A_118 = arith.constant 16 : i32
            %mul3A_119 = arith.muli %scan3A_93, %mul3A_118 : i32
            %swap3A = arith.index_cast %scan3A_81 : i32 to index
            %swap3A_120 = arith.index_cast %mul3A_119 : i32 to index
            %swap3A_121 = tpu.vector_load %arg17[%swap3A, %swap3A_120] {strides = array<i32>} : memref<16x256xf32, #tpu.memory_space<vmem>>, vector<16xf32>,
            tpu.vector_store %arg17[%swap3A, %swap3A_120], %select_n3A {strides = array<i32>} : memref<16x256xf32, #tpu.memory_space<vmem>>, vector<16xf32>,
          }
          %scan3A_92 = arith.constant 16 : i32
        }
        %scan3A_78 = arith.constant 16 : i32
        %add3A_79 = arith.constant 2560 : i32
        %add3A_80 = arith.addi %add3A_79, %add3A_72 : i32
        "tpu.region"() ({
          %run_scoped3A = tpu.sem_alloc : memref<!tpu.dma_semaphore, #tpu.memory_space<semaphore_mem>>
          %dma_start3A = arith.constant 0 : i32
          %dma_start3A_81 = tpu.memref_slice %arg9[%add3A_80, %dma_start3A] : memref<5120x256xf32, #tpu.memory_space<hbm>> -> memref<16x256xf32, #tpu.memory_space<hbm>>
          %dma_start3A_82 = arith.constant 0 : i32
          %dma_start3A_83 = tpu.memref_slice %arg9[%add3A_80, %dma_start3A_82] : memref<5120x256xf32, #tpu.memory_space<hbm>> -> memref<16x256xf32, #tpu.memory_space<hbm>>
          tpu.enqueue_dma source(%arg17 : memref<16x256xf32, #tpu.memory_space<vmem>>) target(%dma_start3A_83 : memref<16x256xf32, #tpu.memory_space<hbm>>) target_semaphore(%run_scoped3A : memref<!tpu.dma_semaphore, #tpu.memory_space<semaphore_mem>>)
          %dma_wait3A = arith.constant 0 : i32
          %dma_wait3A_84 = tpu.memref_slice %arg9[%add3A_80, %dma_wait3A] : memref<5120x256xf32, #tpu.memory_space<hbm>> -> memref<16x256xf32, #tpu.memory_space<hbm>>
          %dma_wait3A_85 = arith.constant 0 : i32
          %dma_wait3A_86 = tpu.memref_slice %arg9[%add3A_80, %dma_wait3A_85] : memref<5120x256xf32, #tpu.memory_space<hbm>> -> memref<16x256xf32, #tpu.memory_space<hbm>>
          tpu.wait_dma2 semaphore(%run_scoped3A : memref<!tpu.dma_semaphore, #tpu.memory_space<semaphore_mem>>) src(%arg17 : memref<16x256xf32, #tpu.memory_space<vmem>>) dst(%dma_wait3A_86 : memref<16x256xf32, #tpu.memory_space<hbm>>)
          tpu.yield
        }) : () -> ()
      }
      %scan3A_55 = arith.constant 5 : i32
      %barrier3A = arith.constant 0 : index
      tpu.barrier barrier_id(%barrier3A)
      %scan3A_56 = arith.constant 0 : i32
      %scan3A_57 = arith.constant 0 : i32
      %scan3A_58 = arith.constant 80 : i32
      %scan3A_59 = arith.addi %scan3A_57, %scan3A_58 : i32
      %scan3A_60 = arith.constant 1 : i32
      scf.for %scan3A_69 = %scan3A_57 to %scan3A_59 step %scan3A_60  : i32 {
        %mul3A_70 = arith.constant 16 : i32
        %mul3A_71 = arith.muli %scan3A_69, %mul3A_70 : i32
        "tpu.region"() ({
          %run_scoped3A = tpu.sem_alloc : memref<!tpu.dma_semaphore, #tpu.memory_space<semaphore_mem>>
          %dma_start3A_92 = arith.constant 0 : i32
          %dma_start3A_93 = tpu.memref_slice %arg4[%mul3A_71, %dma_start3A_92] : memref<1280x256xi32, #tpu.memory_space<hbm>> -> memref<16x256xi32, #tpu.memory_space<hbm>>
          %dma_start3A_94 = arith.constant 0 : i32
          %dma_start3A_95 = tpu.memref_slice %arg4[%mul3A_71, %dma_start3A_94] : memref<1280x256xi32, #tpu.memory_space<hbm>> -> memref<16x256xi32, #tpu.memory_space<hbm>>
          tpu.enqueue_dma source(%dma_start3A_95 : memref<16x256xi32, #tpu.memory_space<hbm>>) target(%arg10 : memref<16x256xi32, #tpu.memory_space<vmem>>) target_semaphore(%run_scoped3A : memref<!tpu.dma_semaphore, #tpu.memory_space<semaphore_mem>>)
          %dma_wait3A = arith.constant 0 : i32
          %dma_wait3A_96 = tpu.memref_slice %arg4[%mul3A_71, %dma_wait3A] : memref<1280x256xi32, #tpu.memory_space<hbm>> -> memref<16x256xi32, #tpu.memory_space<hbm>>
          %dma_wait3A_97 = arith.constant 0 : i32
          %dma_wait3A_98 = tpu.memref_slice %arg4[%mul3A_71, %dma_wait3A_97] : memref<1280x256xi32, #tpu.memory_space<hbm>> -> memref<16x256xi32, #tpu.memory_space<hbm>>
          tpu.wait_dma2 semaphore(%run_scoped3A : memref<!tpu.dma_semaphore, #tpu.memory_space<semaphore_mem>>) src(%dma_wait3A_98 : memref<16x256xi32, #tpu.memory_space<hbm>>) dst(%arg10 : memref<16x256xi32, #tpu.memory_space<vmem>>)
          tpu.yield
        }) : () -> ()
        %mul3A_72 = arith.constant 16 : i32
        %mul3A_73 = arith.muli %scan3A_69, %mul3A_72 : i32
        "tpu.region"() ({
          %run_scoped3A = tpu.sem_alloc : memref<!tpu.dma_semaphore, #tpu.memory_space<semaphore_mem>>
          %dma_start3A_92 = arith.constant 0 : i32
          %dma_start3A_93 = tpu.memref_slice %arg5[%mul3A_73, %dma_start3A_92] : memref<1280x256xi32, #tpu.memory_space<hbm>> -> memref<16x256xi32, #tpu.memory_space<hbm>>
          %dma_start3A_94 = arith.constant 0 : i32
          %dma_start3A_95 = tpu.memref_slice %arg5[%mul3A_73, %dma_start3A_94] : memref<1280x256xi32, #tpu.memory_space<hbm>> -> memref<16x256xi32, #tpu.memory_space<hbm>>
          tpu.enqueue_dma source(%dma_start3A_95 : memref<16x256xi32, #tpu.memory_space<hbm>>) target(%arg11 : memref<16x256xi32, #tpu.memory_space<vmem>>) target_semaphore(%run_scoped3A : memref<!tpu.dma_semaphore, #tpu.memory_space<semaphore_mem>>)
          %dma_wait3A = arith.constant 0 : i32
          %dma_wait3A_96 = tpu.memref_slice %arg5[%mul3A_73, %dma_wait3A] : memref<1280x256xi32, #tpu.memory_space<hbm>> -> memref<16x256xi32, #tpu.memory_space<hbm>>
          %dma_wait3A_97 = arith.constant 0 : i32
          %dma_wait3A_98 = tpu.memref_slice %arg5[%mul3A_73, %dma_wait3A_97] : memref<1280x256xi32, #tpu.memory_space<hbm>> -> memref<16x256xi32, #tpu.memory_space<hbm>>
          tpu.wait_dma2 semaphore(%run_scoped3A : memref<!tpu.dma_semaphore, #tpu.memory_space<semaphore_mem>>) src(%dma_wait3A_98 : memref<16x256xi32, #tpu.memory_space<hbm>>) dst(%arg11 : memref<16x256xi32, #tpu.memory_space<vmem>>)
          tpu.yield
        }) : () -> ()
        %mul3A_74 = arith.constant 16 : i32
        %mul3A_75 = arith.muli %scan3A_69, %mul3A_74 : i32
        %add3A_76 = arith.constant 2560 : i32
        %add3A_77 = arith.addi %add3A_76, %mul3A_75 : i32
        "tpu.region"() ({
          %run_scoped3A = tpu.sem_alloc : memref<!tpu.dma_semaphore, #tpu.memory_space<semaphore_mem>>
          %dma_start3A_92 = arith.constant 0 : i32
          %dma_start3A_93 = tpu.memref_slice %arg9[%add3A_77, %dma_start3A_92] : memref<5120x256xf32, #tpu.memory_space<hbm>> -> memref<16x256xf32, #tpu.memory_space<hbm>>
          %dma_start3A_94 = arith.constant 0 : i32
          %dma_start3A_95 = tpu.memref_slice %arg9[%add3A_77, %dma_start3A_94] : memref<5120x256xf32, #tpu.memory_space<hbm>> -> memref<16x256xf32, #tpu.memory_space<hbm>>
          tpu.enqueue_dma source(%dma_start3A_95 : memref<16x256xf32, #tpu.memory_space<hbm>>) target(%arg17 : memref<16x256xf32, #tpu.memory_space<vmem>>) target_semaphore(%run_scoped3A : memref<!tpu.dma_semaphore, #tpu.memory_space<semaphore_mem>>)
          %dma_wait3A = arith.constant 0 : i32
          %dma_wait3A_96 = tpu.memref_slice %arg9[%add3A_77, %dma_wait3A] : memref<5120x256xf32, #tpu.memory_space<hbm>> -> memref<16x256xf32, #tpu.memory_space<hbm>>
          %dma_wait3A_97 = arith.constant 0 : i32
          %dma_wait3A_98 = tpu.memref_slice %arg9[%add3A_77, %dma_wait3A_97] : memref<5120x256xf32, #tpu.memory_space<hbm>> -> memref<16x256xf32, #tpu.memory_space<hbm>>
          tpu.wait_dma2 semaphore(%run_scoped3A : memref<!tpu.dma_semaphore, #tpu.memory_space<semaphore_mem>>) src(%dma_wait3A_98 : memref<16x256xf32, #tpu.memory_space<hbm>>) dst(%arg17 : memref<16x256xf32, #tpu.memory_space<vmem>>)
          tpu.yield
        }) : () -> ()
        %dma_start3A = arith.constant 0 : i32
        %dma_start3A_78 = arith.constant 0 : i32
        %dma_start3A_79 = tpu.memref_slice %arg11[%dma_start3A, %dma_start3A_78] : memref<16x256xi32, #tpu.memory_space<vmem>> -> memref<1x256xi32, #tpu.memory_space<vmem>>
        %dma_start3A_80 = tpu.memref_squeeze %dma_start3A_79 : memref<1x256xi32, #tpu.memory_space<vmem>> -> memref<256xi32, #tpu.memory_space<vmem>>
        %dma_start3A_81 = arith.constant 0 : i32
        %dma_start3A_82 = tpu.memref_slice %arg2[%mul3A_47, %dma_start3A_81] : memref<640000x8xf32, #tpu.memory_space<hbm>> -> memref<10000x8xf32, #tpu.memory_space<hbm>>
        %dma_start3A_83 = arith.constant 0 : i32
        %dma_start3A_84 = arith.constant 0 : i32
        %dma_start3A_85 = tpu.memref_slice %dma_start3A_82[%dma_start3A_83, %dma_start3A_84] : memref<10000x8xf32, #tpu.memory_space<hbm>> -> memref<10000x8xf32, #tpu.memory_space<hbm>>
        tpu.enqueue_indirect_dma source(%dma_start3A_85 : memref<10000x8xf32, #tpu.memory_space<hbm>>) target(%arg13 : memref<256x8xf32, #tpu.memory_space<vmem>>) offsets(%dma_start3A_80 : memref<256xi32, #tpu.memory_space<vmem>>) semaphore(%arg19 : memref<!tpu.dma_semaphore, #tpu.memory_space<semaphore_mem>>)
        %scan3A_86 = arith.constant 0 : i32
        %scan3A_87 = arith.constant 0 : i32
        %scan3A_88 = arith.constant 8 : i32
        %scan3A_89 = arith.addi %scan3A_87, %scan3A_88 : i32
        %scan3A_90 = arith.constant 1 : i32
        scf.for %scan3A_92 = %scan3A_87 to %scan3A_89 step %scan3A_90  : i32 {
          %mul3A_93 = arith.constant 2 : i32
          %mul3A_94 = arith.muli %scan3A_92, %mul3A_93 : i32
          %add3A_95 = arith.constant 1 : i32
          %add3A_96 = arith.addi %mul3A_94, %add3A_95 : i32
          %dma_start3A_97 = arith.constant 0 : i32
          %dma_start3A_98 = tpu.memref_slice %arg11[%add3A_96, %dma_start3A_97] : memref<16x256xi32, #tpu.memory_space<vmem>> -> memref<1x256xi32, #tpu.memory_space<vmem>>
          %dma_start3A_99 = tpu.memref_squeeze %dma_start3A_98 : memref<1x256xi32, #tpu.memory_space<vmem>> -> memref<256xi32, #tpu.memory_space<vmem>>
          %dma_start3A_100 = arith.constant 0 : i32
          %dma_start3A_101 = tpu.memref_slice %arg2[%mul3A_47, %dma_start3A_100] : memref<640000x8xf32, #tpu.memory_space<hbm>> -> memref<10000x8xf32, #tpu.memory_space<hbm>>
          %dma_start3A_102 = arith.constant 0 : i32
          %dma_start3A_103 = arith.constant 0 : i32
          %dma_start3A_104 = tpu.memref_slice %dma_start3A_101[%dma_start3A_102, %dma_start3A_103] : memref<10000x8xf32, #tpu.memory_space<hbm>> -> memref<10000x8xf32, #tpu.memory_space<hbm>>
          tpu.enqueue_indirect_dma source(%dma_start3A_104 : memref<10000x8xf32, #tpu.memory_space<hbm>>) target(%arg14 : memref<256x8xf32, #tpu.memory_space<vmem>>) offsets(%dma_start3A_99 : memref<256xi32, #tpu.memory_space<vmem>>) semaphore(%arg20 : memref<!tpu.dma_semaphore, #tpu.memory_space<semaphore_mem>>)
          %dma_wait3A = arith.constant 0 : i32
          %dma_wait3A_105 = tpu.memref_slice %arg11[%mul3A_94, %dma_wait3A] : memref<16x256xi32, #tpu.memory_space<vmem>> -> memref<1x256xi32, #tpu.memory_space<vmem>>
          %dma_wait3A_106 = tpu.memref_squeeze %dma_wait3A_105 : memref<1x256xi32, #tpu.memory_space<vmem>> -> memref<256xi32, #tpu.memory_space<vmem>>
          %dma_wait3A_107 = arith.constant 0 : i32
          %dma_wait3A_108 = tpu.memref_slice %arg2[%mul3A_47, %dma_wait3A_107] : memref<640000x8xf32, #tpu.memory_space<hbm>> -> memref<10000x8xf32, #tpu.memory_space<hbm>>
          %dma_wait3A_109 = arith.constant 0 : i32
          %dma_wait3A_110 = arith.constant 0 : i32
          %dma_wait3A_111 = tpu.memref_slice %dma_wait3A_108[%dma_wait3A_109, %dma_wait3A_110] : memref<10000x8xf32, #tpu.memory_space<hbm>> -> memref<10000x8xf32, #tpu.memory_space<hbm>>
          tpu.wait_indirect_dma semaphore(%arg19 : memref<!tpu.dma_semaphore, #tpu.memory_space<semaphore_mem>>) src(%dma_wait3A_111 : memref<10000x8xf32, #tpu.memory_space<hbm>>) dst(%arg13 : memref<256x8xf32, #tpu.memory_space<vmem>>)
          %scan3A_112 = arith.constant 0 : i32
          %scan3A_113 = arith.constant 0 : i32
          %scan3A_114 = arith.constant 4 : i32
          %scan3A_115 = arith.addi %scan3A_113, %scan3A_114 : i32
          %scan3A_116 = arith.constant 1 : i32
          scf.for %scan3A_140 = %scan3A_113 to %scan3A_115 step %scan3A_116  : i32 {
            %mul3A_141 = arith.constant 4 : i32
            %mul3A_142 = arith.muli %scan3A_140, %mul3A_141 : i32
            %add3A_143 = arith.constant 0 : i32
            %add3A_144 = arith.addi %mul3A_142, %add3A_143 : i32
            %mul3A_145 = arith.constant 16 : i32
            %mul3A_146 = arith.muli %add3A_144, %mul3A_145 : i32
            %get3A_147 = arith.index_cast %mul3A_94 : i32 to index
            %get3A_148 = arith.index_cast %mul3A_146 : i32 to index
            %get3A_149 = tpu.vector_load %arg10[%get3A_147, %get3A_148] {strides = array<i32>} : memref<16x256xi32, #tpu.memory_space<vmem>>, vector<16xi32>,
            %mul3A_150 = arith.constant 16 : i32
            %mul3A_151 = arith.muli %add3A_144, %mul3A_150 : i32
            %get3A_152 = arith.index_cast %mul3A_94 : i32 to index
            %get3A_153 = arith.index_cast %mul3A_151 : i32 to index
            %get3A_154 = tpu.vector_load %arg17[%get3A_152, %get3A_153] {strides = array<i32>} : memref<16x256xf32, #tpu.memory_space<vmem>>, vector<16xf32>,
            %eq3A_155 = arith.constant 0 : i32
            %eq3A_156 = arith.cmpi eq, %arg1, %eq3A_155 : i32
            %convert_element_type3A_157 = arith.extui %eq3A_156 : i1 to i32
            %cond3A_158 = arith.constant 0 : i32
            %cond3A_159 = arith.cmpi ne, %convert_element_type3A_157, %cond3A_158 : i32
            scf.if %cond3A_159 {
              tpu.vector_store_idx %arg16[%get3A_149], %get3A_154 {add = true} : memref<10000xf32, #tpu.memory_space<vmem>>[vector<16xi32>], vector<16xf32>,
            } else {
            }
            %mul3A_160 = arith.constant 16 : i32
            %mul3A_161 = arith.muli %add3A_144, %mul3A_160 : i32
            %add3A_162 = vector.broadcast %mul3A_161 : i32 to vector<16xi32>
            %add3A_163 = arith.addi %add3A_162, %iota3A : vector<16xi32>
            %gather3A = tpu.vector_load_idx %arg13[%add3A_163, %broadcast_in_dim3A_2] : memref<256x8xf32, #tpu.memory_space<vmem>>[vector<16xi32>, vector<16xi32>], vector<16xf32>,
            %mul3A_164 = arith.mulf %gather3A, %get3A_154 : vector<16xf32>
            tpu.vector_store_idx %arg15[%get3A_149, %broadcast_in_dim3A_2], %mul3A_164 {add = true} : memref<10000x8xf32, #tpu.memory_space<vmem>>[vector<16xi32>, vector<16xi32>], vector<16xf32>,
            %gather3A_165 = tpu.vector_load_idx %arg13[%add3A_163, %broadcast_in_dim3A_4] : memref<256x8xf32, #tpu.memory_space<vmem>>[vector<16xi32>, vector<16xi32>], vector<16xf32>,
            %mul3A_166 = arith.mulf %gather3A_165, %get3A_154 : vector<16xf32>
            tpu.vector_store_idx %arg15[%get3A_149, %broadcast_in_dim3A_4], %mul3A_166 {add = true} : memref<10000x8xf32, #tpu.memory_space<vmem>>[vector<16xi32>, vector<16xi32>], vector<16xf32>,
            %gather3A_167 = tpu.vector_load_idx %arg13[%add3A_163, %broadcast_in_dim3A_6] : memref<256x8xf32, #tpu.memory_space<vmem>>[vector<16xi32>, vector<16xi32>], vector<16xf32>,
            %mul3A_168 = arith.mulf %gather3A_167, %get3A_154 : vector<16xf32>
            tpu.vector_store_idx %arg15[%get3A_149, %broadcast_in_dim3A_6], %mul3A_168 {add = true} : memref<10000x8xf32, #tpu.memory_space<vmem>>[vector<16xi32>, vector<16xi32>], vector<16xf32>,
            %gather3A_169 = tpu.vector_load_idx %arg13[%add3A_163, %broadcast_in_dim3A_8] : memref<256x8xf32, #tpu.memory_space<vmem>>[vector<16xi32>, vector<16xi32>], vector<16xf32>,
            %mul3A_170 = arith.mulf %gather3A_169, %get3A_154 : vector<16xf32>
            tpu.vector_store_idx %arg15[%get3A_149, %broadcast_in_dim3A_8], %mul3A_170 {add = true} : memref<10000x8xf32, #tpu.memory_space<vmem>>[vector<16xi32>, vector<16xi32>], vector<16xf32>,
            %gather3A_171 = tpu.vector_load_idx %arg13[%add3A_163, %broadcast_in_dim3A_10] : memref<256x8xf32, #tpu.memory_space<vmem>>[vector<16xi32>, vector<16xi32>], vector<16xf32>,
            %mul3A_172 = arith.mulf %gather3A_171, %get3A_154 : vector<16xf32>
            tpu.vector_store_idx %arg15[%get3A_149, %broadcast_in_dim3A_10], %mul3A_172 {add = true} : memref<10000x8xf32, #tpu.memory_space<vmem>>[vector<16xi32>, vector<16xi32>], vector<16xf32>,
            %gather3A_173 = tpu.vector_load_idx %arg13[%add3A_163, %broadcast_in_dim3A_12] : memref<256x8xf32, #tpu.memory_space<vmem>>[vector<16xi32>, vector<16xi32>], vector<16xf32>,
            %mul3A_174 = arith.mulf %gather3A_173, %get3A_154 : vector<16xf32>
            tpu.vector_store_idx %arg15[%get3A_149, %broadcast_in_dim3A_12], %mul3A_174 {add = true} : memref<10000x8xf32, #tpu.memory_space<vmem>>[vector<16xi32>, vector<16xi32>], vector<16xf32>,
            %gather3A_175 = tpu.vector_load_idx %arg13[%add3A_163, %broadcast_in_dim3A_14] : memref<256x8xf32, #tpu.memory_space<vmem>>[vector<16xi32>, vector<16xi32>], vector<16xf32>,
            %mul3A_176 = arith.mulf %gather3A_175, %get3A_154 : vector<16xf32>
            tpu.vector_store_idx %arg15[%get3A_149, %broadcast_in_dim3A_14], %mul3A_176 {add = true} : memref<10000x8xf32, #tpu.memory_space<vmem>>[vector<16xi32>, vector<16xi32>], vector<16xf32>,
            %gather3A_177 = tpu.vector_load_idx %arg13[%add3A_163, %broadcast_in_dim3A_16] : memref<256x8xf32, #tpu.memory_space<vmem>>[vector<16xi32>, vector<16xi32>], vector<16xf32>,
            %mul3A_178 = arith.mulf %gather3A_177, %get3A_154 : vector<16xf32>
            tpu.vector_store_idx %arg15[%get3A_149, %broadcast_in_dim3A_16], %mul3A_178 {add = true} : memref<10000x8xf32, #tpu.memory_space<vmem>>[vector<16xi32>, vector<16xi32>], vector<16xf32>,
            %mul3A_179 = arith.constant 4 : i32
            %mul3A_180 = arith.muli %scan3A_140, %mul3A_179 : i32
            %add3A_181 = arith.constant 1 : i32
            %add3A_182 = arith.addi %mul3A_180, %add3A_181 : i32
            %mul3A_183 = arith.constant 16 : i32
            %mul3A_184 = arith.muli %add3A_182, %mul3A_183 : i32
            %get3A_185 = arith.index_cast %mul3A_94 : i32 to index
            %get3A_186 = arith.index_cast %mul3A_184 : i32 to index
            %get3A_187 = tpu.vector_load %arg10[%get3A_185, %get3A_186] {strides = array<i32>} : memref<16x256xi32, #tpu.memory_space<vmem>>, vector<16xi32>,
            %mul3A_188 = arith.constant 16 : i32
            %mul3A_189 = arith.muli %add3A_182, %mul3A_188 : i32
            %get3A_190 = arith.index_cast %mul3A_94 : i32 to index
            %get3A_191 = arith.index_cast %mul3A_189 : i32 to index
            %get3A_192 = tpu.vector_load %arg17[%get3A_190, %get3A_191] {strides = array<i32>} : memref<16x256xf32, #tpu.memory_space<vmem>>, vector<16xf32>,
            %eq3A_193 = arith.constant 0 : i32
            %eq3A_194 = arith.cmpi eq, %arg1, %eq3A_193 : i32
            %convert_element_type3A_195 = arith.extui %eq3A_194 : i1 to i32
            %cond3A_196 = arith.constant 0 : i32
            %cond3A_197 = arith.cmpi ne, %convert_element_type3A_195, %cond3A_196 : i32
            scf.if %cond3A_197 {
              tpu.vector_store_idx %arg16[%get3A_187], %get3A_192 {add = true} : memref<10000xf32, #tpu.memory_space<vmem>>[vector<16xi32>], vector<16xf32>,
            } else {
            }
            %mul3A_198 = arith.constant 16 : i32
            %mul3A_199 = arith.muli %add3A_182, %mul3A_198 : i32
            %add3A_200 = vector.broadcast %mul3A_199 : i32 to vector<16xi32>
            %add3A_201 = arith.addi %add3A_200, %iota3A : vector<16xi32>
            %gather3A_202 = tpu.vector_load_idx %arg13[%add3A_201, %broadcast_in_dim3A_2] : memref<256x8xf32, #tpu.memory_space<vmem>>[vector<16xi32>, vector<16xi32>], vector<16xf32>,
            %mul3A_203 = arith.mulf %gather3A_202, %get3A_192 : vector<16xf32>
            tpu.vector_store_idx %arg15[%get3A_187, %broadcast_in_dim3A_2], %mul3A_203 {add = true} : memref<10000x8xf32, #tpu.memory_space<vmem>>[vector<16xi32>, vector<16xi32>], vector<16xf32>,
            %gather3A_204 = tpu.vector_load_idx %arg13[%add3A_201, %broadcast_in_dim3A_4] : memref<256x8xf32, #tpu.memory_space<vmem>>[vector<16xi32>, vector<16xi32>], vector<16xf32>,
            %mul3A_205 = arith.mulf %gather3A_204, %get3A_192 : vector<16xf32>
            tpu.vector_store_idx %arg15[%get3A_187, %broadcast_in_dim3A_4], %mul3A_205 {add = true} : memref<10000x8xf32, #tpu.memory_space<vmem>>[vector<16xi32>, vector<16xi32>], vector<16xf32>,
            %gather3A_206 = tpu.vector_load_idx %arg13[%add3A_201, %broadcast_in_dim3A_6] : memref<256x8xf32, #tpu.memory_space<vmem>>[vector<16xi32>, vector<16xi32>], vector<16xf32>,
            %mul3A_207 = arith.mulf %gather3A_206, %get3A_192 : vector<16xf32>
            tpu.vector_store_idx %arg15[%get3A_187, %broadcast_in_dim3A_6], %mul3A_207 {add = true} : memref<10000x8xf32, #tpu.memory_space<vmem>>[vector<16xi32>, vector<16xi32>], vector<16xf32>,
            %gather3A_208 = tpu.vector_load_idx %arg13[%add3A_201, %broadcast_in_dim3A_8] : memref<256x8xf32, #tpu.memory_space<vmem>>[vector<16xi32>, vector<16xi32>], vector<16xf32>,
            %mul3A_209 = arith.mulf %gather3A_208, %get3A_192 : vector<16xf32>
            tpu.vector_store_idx %arg15[%get3A_187, %broadcast_in_dim3A_8], %mul3A_209 {add = true} : memref<10000x8xf32, #tpu.memory_space<vmem>>[vector<16xi32>, vector<16xi32>], vector<16xf32>,
            %gather3A_210 = tpu.vector_load_idx %arg13[%add3A_201, %broadcast_in_dim3A_10] : memref<256x8xf32, #tpu.memory_space<vmem>>[vector<16xi32>, vector<16xi32>], vector<16xf32>,
            %mul3A_211 = arith.mulf %gather3A_210, %get3A_192 : vector<16xf32>
            tpu.vector_store_idx %arg15[%get3A_187, %broadcast_in_dim3A_10], %mul3A_211 {add = true} : memref<10000x8xf32, #tpu.memory_space<vmem>>[vector<16xi32>, vector<16xi32>], vector<16xf32>,
            %gather3A_212 = tpu.vector_load_idx %arg13[%add3A_201, %broadcast_in_dim3A_12] : memref<256x8xf32, #tpu.memory_space<vmem>>[vector<16xi32>, vector<16xi32>], vector<16xf32>,
            %mul3A_213 = arith.mulf %gather3A_212, %get3A_192 : vector<16xf32>
            tpu.vector_store_idx %arg15[%get3A_187, %broadcast_in_dim3A_12], %mul3A_213 {add = true} : memref<10000x8xf32, #tpu.memory_space<vmem>>[vector<16xi32>, vector<16xi32>], vector<16xf32>,
            %gather3A_214 = tpu.vector_load_idx %arg13[%add3A_201, %broadcast_in_dim3A_14] : memref<256x8xf32, #tpu.memory_space<vmem>>[vector<16xi32>, vector<16xi32>], vector<16xf32>,
            %mul3A_215 = arith.mulf %gather3A_214, %get3A_192 : vector<16xf32>
            tpu.vector_store_idx %arg15[%get3A_187, %broadcast_in_dim3A_14], %mul3A_215 {add = true} : memref<10000x8xf32, #tpu.memory_space<vmem>>[vector<16xi32>, vector<16xi32>], vector<16xf32>,
            %gather3A_216 = tpu.vector_load_idx %arg13[%add3A_201, %broadcast_in_dim3A_16] : memref<256x8xf32, #tpu.memory_space<vmem>>[vector<16xi32>, vector<16xi32>], vector<16xf32>,
            %mul3A_217 = arith.mulf %gather3A_216, %get3A_192 : vector<16xf32>
            tpu.vector_store_idx %arg15[%get3A_187, %broadcast_in_dim3A_16], %mul3A_217 {add = true} : memref<10000x8xf32, #tpu.memory_space<vmem>>[vector<16xi32>, vector<16xi32>], vector<16xf32>,
            %mul3A_218 = arith.constant 4 : i32
            %mul3A_219 = arith.muli %scan3A_140, %mul3A_218 : i32
            %add3A_220 = arith.constant 2 : i32
            %add3A_221 = arith.addi %mul3A_219, %add3A_220 : i32
            %mul3A_222 = arith.constant 16 : i32
            %mul3A_223 = arith.muli %add3A_221, %mul3A_222 : i32
            %get3A_224 = arith.index_cast %mul3A_94 : i32 to index
            %get3A_225 = arith.index_cast %mul3A_223 : i32 to index
            %get3A_226 = tpu.vector_load %arg10[%get3A_224, %get3A_225] {strides = array<i32>} : memref<16x256xi32, #tpu.memory_space<vmem>>, vector<16xi32>,
            %mul3A_227 = arith.constant 16 : i32
            %mul3A_228 = arith.muli %add3A_221, %mul3A_227 : i32
            %get3A_229 = arith.index_cast %mul3A_94 : i32 to index
            %get3A_230 = arith.index_cast %mul3A_228 : i32 to index
            %get3A_231 = tpu.vector_load %arg17[%get3A_229, %get3A_230] {strides = array<i32>} : memref<16x256xf32, #tpu.memory_space<vmem>>, vector<16xf32>,
            %eq3A_232 = arith.constant 0 : i32
            %eq3A_233 = arith.cmpi eq, %arg1, %eq3A_232 : i32
            %convert_element_type3A_234 = arith.extui %eq3A_233 : i1 to i32
            %cond3A_235 = arith.constant 0 : i32
            %cond3A_236 = arith.cmpi ne, %convert_element_type3A_234, %cond3A_235 : i32
            scf.if %cond3A_236 {
              tpu.vector_store_idx %arg16[%get3A_226], %get3A_231 {add = true} : memref<10000xf32, #tpu.memory_space<vmem>>[vector<16xi32>], vector<16xf32>,
            } else {
            }
            %mul3A_237 = arith.constant 16 : i32
            %mul3A_238 = arith.muli %add3A_221, %mul3A_237 : i32
            %add3A_239 = vector.broadcast %mul3A_238 : i32 to vector<16xi32>
            %add3A_240 = arith.addi %add3A_239, %iota3A : vector<16xi32>
            %gather3A_241 = tpu.vector_load_idx %arg13[%add3A_240, %broadcast_in_dim3A_2] : memref<256x8xf32, #tpu.memory_space<vmem>>[vector<16xi32>, vector<16xi32>], vector<16xf32>,
            %mul3A_242 = arith.mulf %gather3A_241, %get3A_231 : vector<16xf32>
            tpu.vector_store_idx %arg15[%get3A_226, %broadcast_in_dim3A_2], %mul3A_242 {add = true} : memref<10000x8xf32, #tpu.memory_space<vmem>>[vector<16xi32>, vector<16xi32>], vector<16xf32>,
            %gather3A_243 = tpu.vector_load_idx %arg13[%add3A_240, %broadcast_in_dim3A_4] : memref<256x8xf32, #tpu.memory_space<vmem>>[vector<16xi32>, vector<16xi32>], vector<16xf32>,
            %mul3A_244 = arith.mulf %gather3A_243, %get3A_231 : vector<16xf32>
            tpu.vector_store_idx %arg15[%get3A_226, %broadcast_in_dim3A_4], %mul3A_244 {add = true} : memref<10000x8xf32, #tpu.memory_space<vmem>>[vector<16xi32>, vector<16xi32>], vector<16xf32>,
            %gather3A_245 = tpu.vector_load_idx %arg13[%add3A_240, %broadcast_in_dim3A_6] : memref<256x8xf32, #tpu.memory_space<vmem>>[vector<16xi32>, vector<16xi32>], vector<16xf32>,
            %mul3A_246 = arith.mulf %gather3A_245, %get3A_231 : vector<16xf32>
            tpu.vector_store_idx %arg15[%get3A_226, %broadcast_in_dim3A_6], %mul3A_246 {add = true} : memref<10000x8xf32, #tpu.memory_space<vmem>>[vector<16xi32>, vector<16xi32>], vector<16xf32>,
            %gather3A_247 = tpu.vector_load_idx %arg13[%add3A_240, %broadcast_in_dim3A_8] : memref<256x8xf32, #tpu.memory_space<vmem>>[vector<16xi32>, vector<16xi32>], vector<16xf32>,
            %mul3A_248 = arith.mulf %gather3A_247, %get3A_231 : vector<16xf32>
            tpu.vector_store_idx %arg15[%get3A_226, %broadcast_in_dim3A_8], %mul3A_248 {add = true} : memref<10000x8xf32, #tpu.memory_space<vmem>>[vector<16xi32>, vector<16xi32>], vector<16xf32>,
            %gather3A_249 = tpu.vector_load_idx %arg13[%add3A_240, %broadcast_in_dim3A_10] : memref<256x8xf32, #tpu.memory_space<vmem>>[vector<16xi32>, vector<16xi32>], vector<16xf32>,
            %mul3A_250 = arith.mulf %gather3A_249, %get3A_231 : vector<16xf32>
            tpu.vector_store_idx %arg15[%get3A_226, %broadcast_in_dim3A_10], %mul3A_250 {add = true} : memref<10000x8xf32, #tpu.memory_space<vmem>>[vector<16xi32>, vector<16xi32>], vector<16xf32>,
            %gather3A_251 = tpu.vector_load_idx %arg13[%add3A_240, %broadcast_in_dim3A_12] : memref<256x8xf32, #tpu.memory_space<vmem>>[vector<16xi32>, vector<16xi32>], vector<16xf32>,
            %mul3A_252 = arith.mulf %gather3A_251, %get3A_231 : vector<16xf32>
            tpu.vector_store_idx %arg15[%get3A_226, %broadcast_in_dim3A_12], %mul3A_252 {add = true} : memref<10000x8xf32, #tpu.memory_space<vmem>>[vector<16xi32>, vector<16xi32>], vector<16xf32>,
            %gather3A_253 = tpu.vector_load_idx %arg13[%add3A_240, %broadcast_in_dim3A_14] : memref<256x8xf32, #tpu.memory_space<vmem>>[vector<16xi32>, vector<16xi32>], vector<16xf32>,
            %mul3A_254 = arith.mulf %gather3A_253, %get3A_231 : vector<16xf32>
            tpu.vector_store_idx %arg15[%get3A_226, %broadcast_in_dim3A_14], %mul3A_254 {add = true} : memref<10000x8xf32, #tpu.memory_space<vmem>>[vector<16xi32>, vector<16xi32>], vector<16xf32>,
            %gather3A_255 = tpu.vector_load_idx %arg13[%add3A_240, %broadcast_in_dim3A_16] : memref<256x8xf32, #tpu.memory_space<vmem>>[vector<16xi32>, vector<16xi32>], vector<16xf32>,
            %mul3A_256 = arith.mulf %gather3A_255, %get3A_231 : vector<16xf32>
            tpu.vector_store_idx %arg15[%get3A_226, %broadcast_in_dim3A_16], %mul3A_256 {add = true} : memref<10000x8xf32, #tpu.memory_space<vmem>>[vector<16xi32>, vector<16xi32>], vector<16xf32>,
            %mul3A_257 = arith.constant 4 : i32
            %mul3A_258 = arith.muli %scan3A_140, %mul3A_257 : i32
            %add3A_259 = arith.constant 3 : i32
            %add3A_260 = arith.addi %mul3A_258, %add3A_259 : i32
            %mul3A_261 = arith.constant 16 : i32
            %mul3A_262 = arith.muli %add3A_260, %mul3A_261 : i32
            %get3A_263 = arith.index_cast %mul3A_94 : i32 to index
            %get3A_264 = arith.index_cast %mul3A_262 : i32 to index
            %get3A_265 = tpu.vector_load %arg10[%get3A_263, %get3A_264] {strides = array<i32>} : memref<16x256xi32, #tpu.memory_space<vmem>>, vector<16xi32>,
            %mul3A_266 = arith.constant 16 : i32
            %mul3A_267 = arith.muli %add3A_260, %mul3A_266 : i32
            %get3A_268 = arith.index_cast %mul3A_94 : i32 to index
            %get3A_269 = arith.index_cast %mul3A_267 : i32 to index
            %get3A_270 = tpu.vector_load %arg17[%get3A_268, %get3A_269] {strides = array<i32>} : memref<16x256xf32, #tpu.memory_space<vmem>>, vector<16xf32>,
            %eq3A_271 = arith.constant 0 : i32
            %eq3A_272 = arith.cmpi eq, %arg1, %eq3A_271 : i32
            %convert_element_type3A_273 = arith.extui %eq3A_272 : i1 to i32
            %cond3A_274 = arith.constant 0 : i32
            %cond3A_275 = arith.cmpi ne, %convert_element_type3A_273, %cond3A_274 : i32
            scf.if %cond3A_275 {
              tpu.vector_store_idx %arg16[%get3A_265], %get3A_270 {add = true} : memref<10000xf32, #tpu.memory_space<vmem>>[vector<16xi32>], vector<16xf32>,
            } else {
            }
            %mul3A_276 = arith.constant 16 : i32
            %mul3A_277 = arith.muli %add3A_260, %mul3A_276 : i32
            %add3A_278 = vector.broadcast %mul3A_277 : i32 to vector<16xi32>
            %add3A_279 = arith.addi %add3A_278, %iota3A : vector<16xi32>
            %gather3A_280 = tpu.vector_load_idx %arg13[%add3A_279, %broadcast_in_dim3A_2] : memref<256x8xf32, #tpu.memory_space<vmem>>[vector<16xi32>, vector<16xi32>], vector<16xf32>,
            %mul3A_281 = arith.mulf %gather3A_280, %get3A_270 : vector<16xf32>
            tpu.vector_store_idx %arg15[%get3A_265, %broadcast_in_dim3A_2], %mul3A_281 {add = true} : memref<10000x8xf32, #tpu.memory_space<vmem>>[vector<16xi32>, vector<16xi32>], vector<16xf32>,
            %gather3A_282 = tpu.vector_load_idx %arg13[%add3A_279, %broadcast_in_dim3A_4] : memref<256x8xf32, #tpu.memory_space<vmem>>[vector<16xi32>, vector<16xi32>], vector<16xf32>,
            %mul3A_283 = arith.mulf %gather3A_282, %get3A_270 : vector<16xf32>
            tpu.vector_store_idx %arg15[%get3A_265, %broadcast_in_dim3A_4], %mul3A_283 {add = true} : memref<10000x8xf32, #tpu.memory_space<vmem>>[vector<16xi32>, vector<16xi32>], vector<16xf32>,
            %gather3A_284 = tpu.vector_load_idx %arg13[%add3A_279, %broadcast_in_dim3A_6] : memref<256x8xf32, #tpu.memory_space<vmem>>[vector<16xi32>, vector<16xi32>], vector<16xf32>,
            %mul3A_285 = arith.mulf %gather3A_284, %get3A_270 : vector<16xf32>
            tpu.vector_store_idx %arg15[%get3A_265, %broadcast_in_dim3A_6], %mul3A_285 {add = true} : memref<10000x8xf32, #tpu.memory_space<vmem>>[vector<16xi32>, vector<16xi32>], vector<16xf32>,
            %gather3A_286 = tpu.vector_load_idx %arg13[%add3A_279, %broadcast_in_dim3A_8] : memref<256x8xf32, #tpu.memory_space<vmem>>[vector<16xi32>, vector<16xi32>], vector<16xf32>,
            %mul3A_287 = arith.mulf %gather3A_286, %get3A_270 : vector<16xf32>
            tpu.vector_store_idx %arg15[%get3A_265, %broadcast_in_dim3A_8], %mul3A_287 {add = true} : memref<10000x8xf32, #tpu.memory_space<vmem>>[vector<16xi32>, vector<16xi32>], vector<16xf32>,
            %gather3A_288 = tpu.vector_load_idx %arg13[%add3A_279, %broadcast_in_dim3A_10] : memref<256x8xf32, #tpu.memory_space<vmem>>[vector<16xi32>, vector<16xi32>], vector<16xf32>,
            %mul3A_289 = arith.mulf %gather3A_288, %get3A_270 : vector<16xf32>
            tpu.vector_store_idx %arg15[%get3A_265, %broadcast_in_dim3A_10], %mul3A_289 {add = true} : memref<10000x8xf32, #tpu.memory_space<vmem>>[vector<16xi32>, vector<16xi32>], vector<16xf32>,
            %gather3A_290 = tpu.vector_load_idx %arg13[%add3A_279, %broadcast_in_dim3A_12] : memref<256x8xf32, #tpu.memory_space<vmem>>[vector<16xi32>, vector<16xi32>], vector<16xf32>,
            %mul3A_291 = arith.mulf %gather3A_290, %get3A_270 : vector<16xf32>
            tpu.vector_store_idx %arg15[%get3A_265, %broadcast_in_dim3A_12], %mul3A_291 {add = true} : memref<10000x8xf32, #tpu.memory_space<vmem>>[vector<16xi32>, vector<16xi32>], vector<16xf32>,
            %gather3A_292 = tpu.vector_load_idx %arg13[%add3A_279, %broadcast_in_dim3A_14] : memref<256x8xf32, #tpu.memory_space<vmem>>[vector<16xi32>, vector<16xi32>], vector<16xf32>,
            %mul3A_293 = arith.mulf %gather3A_292, %get3A_270 : vector<16xf32>
            tpu.vector_store_idx %arg15[%get3A_265, %broadcast_in_dim3A_14], %mul3A_293 {add = true} : memref<10000x8xf32, #tpu.memory_space<vmem>>[vector<16xi32>, vector<16xi32>], vector<16xf32>,
            %gather3A_294 = tpu.vector_load_idx %arg13[%add3A_279, %broadcast_in_dim3A_16] : memref<256x8xf32, #tpu.memory_space<vmem>>[vector<16xi32>, vector<16xi32>], vector<16xf32>,
            %mul3A_295 = arith.mulf %gather3A_294, %get3A_270 : vector<16xf32>
            tpu.vector_store_idx %arg15[%get3A_265, %broadcast_in_dim3A_16], %mul3A_295 {add = true} : memref<10000x8xf32, #tpu.memory_space<vmem>>[vector<16xi32>, vector<16xi32>], vector<16xf32>,
          }
          %scan3A_117 = arith.constant 4 : i32
          %lt3A = arith.constant 7 : i32
          %lt3A_118 = arith.cmpi slt, %scan3A_92, %lt3A : i32
          %convert_element_type3A_119 = arith.extui %lt3A_118 : i1 to i32
          %cond3A_120 = arith.constant 0 : i32
          %cond3A_121 = arith.cmpi ne, %convert_element_type3A_119, %cond3A_120 : i32
          scf.if %cond3A_121 {
            %add3A_140 = arith.constant 2 : i32
            %add3A_141 = arith.addi %mul3A_94, %add3A_140 : i32
            %dma_start3A_142 = arith.constant 0 : i32
            %dma_start3A_143 = tpu.memref_slice %arg11[%add3A_141, %dma_start3A_142] : memref<16x256xi32, #tpu.memory_space<vmem>> -> memref<1x256xi32, #tpu.memory_space<vmem>>
            %dma_start3A_144 = tpu.memref_squeeze %dma_start3A_143 : memref<1x256xi32, #tpu.memory_space<vmem>> -> memref<256xi32, #tpu.memory_space<vmem>>
            %dma_start3A_145 = arith.constant 0 : i32
            %dma_start3A_146 = tpu.memref_slice %arg2[%mul3A_47, %dma_start3A_145] : memref<640000x8xf32, #tpu.memory_space<hbm>> -> memref<10000x8xf32, #tpu.memory_space<hbm>>
            %dma_start3A_147 = arith.constant 0 : i32
            %dma_start3A_148 = arith.constant 0 : i32
            %dma_start3A_149 = tpu.memref_slice %dma_start3A_146[%dma_start3A_147, %dma_start3A_148] : memref<10000x8xf32, #tpu.memory_space<hbm>> -> memref<10000x8xf32, #tpu.memory_space<hbm>>
            tpu.enqueue_indirect_dma source(%dma_start3A_149 : memref<10000x8xf32, #tpu.memory_space<hbm>>) target(%arg13 : memref<256x8xf32, #tpu.memory_space<vmem>>) offsets(%dma_start3A_144 : memref<256xi32, #tpu.memory_space<vmem>>) semaphore(%arg19 : memref<!tpu.dma_semaphore, #tpu.memory_space<semaphore_mem>>)
          } else {
          }
          %add3A_122 = arith.constant 1 : i32
          %add3A_123 = arith.addi %mul3A_94, %add3A_122 : i32
          %dma_wait3A_124 = arith.constant 0 : i32
          %dma_wait3A_125 = tpu.memref_slice %arg11[%add3A_123, %dma_wait3A_124] : memref<16x256xi32, #tpu.memory_space<vmem>> -> memref<1x256xi32, #tpu.memory_space<vmem>>
          %dma_wait3A_126 = tpu.memref_squeeze %dma_wait3A_125 : memref<1x256xi32, #tpu.memory_space<vmem>> -> memref<256xi32, #tpu.memory_space<vmem>>
          %dma_wait3A_127 = arith.constant 0 : i32
          %dma_wait3A_128 = tpu.memref_slice %arg2[%mul3A_47, %dma_wait3A_127] : memref<640000x8xf32, #tpu.memory_space<hbm>> -> memref<10000x8xf32, #tpu.memory_space<hbm>>
          %dma_wait3A_129 = arith.constant 0 : i32
          %dma_wait3A_130 = arith.constant 0 : i32
          %dma_wait3A_131 = tpu.memref_slice %dma_wait3A_128[%dma_wait3A_129, %dma_wait3A_130] : memref<10000x8xf32, #tpu.memory_space<hbm>> -> memref<10000x8xf32, #tpu.memory_space<hbm>>
          tpu.wait_indirect_dma semaphore(%arg20 : memref<!tpu.dma_semaphore, #tpu.memory_space<semaphore_mem>>) src(%dma_wait3A_131 : memref<10000x8xf32, #tpu.memory_space<hbm>>) dst(%arg14 : memref<256x8xf32, #tpu.memory_space<vmem>>)
          %add3A_132 = arith.constant 1 : i32
          %add3A_133 = arith.addi %mul3A_94, %add3A_132 : i32
          %scan3A_134 = arith.constant 0 : i32
          %scan3A_135 = arith.constant 0 : i32
          %scan3A_136 = arith.constant 4 : i32
          %scan3A_137 = arith.addi %scan3A_135, %scan3A_136 : i32
          %scan3A_138 = arith.constant 1 : i32
          scf.for %scan3A_140 = %scan3A_135 to %scan3A_137 step %scan3A_138  : i32 {
            %mul3A_141 = arith.constant 4 : i32
            %mul3A_142 = arith.muli %scan3A_140, %mul3A_141 : i32
            %add3A_143 = arith.constant 0 : i32
            %add3A_144 = arith.addi %mul3A_142, %add3A_143 : i32
            %mul3A_145 = arith.constant 16 : i32
            %mul3A_146 = arith.muli %add3A_144, %mul3A_145 : i32
            %get3A_147 = arith.index_cast %add3A_133 : i32 to index
            %get3A_148 = arith.index_cast %mul3A_146 : i32 to index
            %get3A_149 = tpu.vector_load %arg10[%get3A_147, %get3A_148] {strides = array<i32>} : memref<16x256xi32, #tpu.memory_space<vmem>>, vector<16xi32>,
            %mul3A_150 = arith.constant 16 : i32
            %mul3A_151 = arith.muli %add3A_144, %mul3A_150 : i32
            %get3A_152 = arith.index_cast %add3A_133 : i32 to index
            %get3A_153 = arith.index_cast %mul3A_151 : i32 to index
            %get3A_154 = tpu.vector_load %arg17[%get3A_152, %get3A_153] {strides = array<i32>} : memref<16x256xf32, #tpu.memory_space<vmem>>, vector<16xf32>,
            %eq3A_155 = arith.constant 0 : i32
            %eq3A_156 = arith.cmpi eq, %arg1, %eq3A_155 : i32
            %convert_element_type3A_157 = arith.extui %eq3A_156 : i1 to i32
            %cond3A_158 = arith.constant 0 : i32
            %cond3A_159 = arith.cmpi ne, %convert_element_type3A_157, %cond3A_158 : i32
            scf.if %cond3A_159 {
              tpu.vector_store_idx %arg16[%get3A_149], %get3A_154 {add = true} : memref<10000xf32, #tpu.memory_space<vmem>>[vector<16xi32>], vector<16xf32>,
            } else {
            }
            %mul3A_160 = arith.constant 16 : i32
            %mul3A_161 = arith.muli %add3A_144, %mul3A_160 : i32
            %add3A_162 = vector.broadcast %mul3A_161 : i32 to vector<16xi32>
            %add3A_163 = arith.addi %add3A_162, %iota3A : vector<16xi32>
            %gather3A = tpu.vector_load_idx %arg14[%add3A_163, %broadcast_in_dim3A_2] : memref<256x8xf32, #tpu.memory_space<vmem>>[vector<16xi32>, vector<16xi32>], vector<16xf32>,
            %mul3A_164 = arith.mulf %gather3A, %get3A_154 : vector<16xf32>
            tpu.vector_store_idx %arg15[%get3A_149, %broadcast_in_dim3A_2], %mul3A_164 {add = true} : memref<10000x8xf32, #tpu.memory_space<vmem>>[vector<16xi32>, vector<16xi32>], vector<16xf32>,
            %gather3A_165 = tpu.vector_load_idx %arg14[%add3A_163, %broadcast_in_dim3A_4] : memref<256x8xf32, #tpu.memory_space<vmem>>[vector<16xi32>, vector<16xi32>], vector<16xf32>,
            %mul3A_166 = arith.mulf %gather3A_165, %get3A_154 : vector<16xf32>
            tpu.vector_store_idx %arg15[%get3A_149, %broadcast_in_dim3A_4], %mul3A_166 {add = true} : memref<10000x8xf32, #tpu.memory_space<vmem>>[vector<16xi32>, vector<16xi32>], vector<16xf32>,
            %gather3A_167 = tpu.vector_load_idx %arg14[%add3A_163, %broadcast_in_dim3A_6] : memref<256x8xf32, #tpu.memory_space<vmem>>[vector<16xi32>, vector<16xi32>], vector<16xf32>,
            %mul3A_168 = arith.mulf %gather3A_167, %get3A_154 : vector<16xf32>
            tpu.vector_store_idx %arg15[%get3A_149, %broadcast_in_dim3A_6], %mul3A_168 {add = true} : memref<10000x8xf32, #tpu.memory_space<vmem>>[vector<16xi32>, vector<16xi32>], vector<16xf32>,
            %gather3A_169 = tpu.vector_load_idx %arg14[%add3A_163, %broadcast_in_dim3A_8] : memref<256x8xf32, #tpu.memory_space<vmem>>[vector<16xi32>, vector<16xi32>], vector<16xf32>,
            %mul3A_170 = arith.mulf %gather3A_169, %get3A_154 : vector<16xf32>
            tpu.vector_store_idx %arg15[%get3A_149, %broadcast_in_dim3A_8], %mul3A_170 {add = true} : memref<10000x8xf32, #tpu.memory_space<vmem>>[vector<16xi32>, vector<16xi32>], vector<16xf32>,
            %gather3A_171 = tpu.vector_load_idx %arg14[%add3A_163, %broadcast_in_dim3A_10] : memref<256x8xf32, #tpu.memory_space<vmem>>[vector<16xi32>, vector<16xi32>], vector<16xf32>,
            %mul3A_172 = arith.mulf %gather3A_171, %get3A_154 : vector<16xf32>
            tpu.vector_store_idx %arg15[%get3A_149, %broadcast_in_dim3A_10], %mul3A_172 {add = true} : memref<10000x8xf32, #tpu.memory_space<vmem>>[vector<16xi32>, vector<16xi32>], vector<16xf32>,
            %gather3A_173 = tpu.vector_load_idx %arg14[%add3A_163, %broadcast_in_dim3A_12] : memref<256x8xf32, #tpu.memory_space<vmem>>[vector<16xi32>, vector<16xi32>], vector<16xf32>,
            %mul3A_174 = arith.mulf %gather3A_173, %get3A_154 : vector<16xf32>
            tpu.vector_store_idx %arg15[%get3A_149, %broadcast_in_dim3A_12], %mul3A_174 {add = true} : memref<10000x8xf32, #tpu.memory_space<vmem>>[vector<16xi32>, vector<16xi32>], vector<16xf32>,
            %gather3A_175 = tpu.vector_load_idx %arg14[%add3A_163, %broadcast_in_dim3A_14] : memref<256x8xf32, #tpu.memory_space<vmem>>[vector<16xi32>, vector<16xi32>], vector<16xf32>,
            %mul3A_176 = arith.mulf %gather3A_175, %get3A_154 : vector<16xf32>
            tpu.vector_store_idx %arg15[%get3A_149, %broadcast_in_dim3A_14], %mul3A_176 {add = true} : memref<10000x8xf32, #tpu.memory_space<vmem>>[vector<16xi32>, vector<16xi32>], vector<16xf32>,
            %gather3A_177 = tpu.vector_load_idx %arg14[%add3A_163, %broadcast_in_dim3A_16] : memref<256x8xf32, #tpu.memory_space<vmem>>[vector<16xi32>, vector<16xi32>], vector<16xf32>,
            %mul3A_178 = arith.mulf %gather3A_177, %get3A_154 : vector<16xf32>
            tpu.vector_store_idx %arg15[%get3A_149, %broadcast_in_dim3A_16], %mul3A_178 {add = true} : memref<10000x8xf32, #tpu.memory_space<vmem>>[vector<16xi32>, vector<16xi32>], vector<16xf32>,
            %mul3A_179 = arith.constant 4 : i32
            %mul3A_180 = arith.muli %scan3A_140, %mul3A_179 : i32
            %add3A_181 = arith.constant 1 : i32
            %add3A_182 = arith.addi %mul3A_180, %add3A_181 : i32
            %mul3A_183 = arith.constant 16 : i32
            %mul3A_184 = arith.muli %add3A_182, %mul3A_183 : i32
            %get3A_185 = arith.index_cast %add3A_133 : i32 to index
            %get3A_186 = arith.index_cast %mul3A_184 : i32 to index
            %get3A_187 = tpu.vector_load %arg10[%get3A_185, %get3A_186] {strides = array<i32>} : memref<16x256xi32, #tpu.memory_space<vmem>>, vector<16xi32>,
            %mul3A_188 = arith.constant 16 : i32
            %mul3A_189 = arith.muli %add3A_182, %mul3A_188 : i32
            %get3A_190 = arith.index_cast %add3A_133 : i32 to index
            %get3A_191 = arith.index_cast %mul3A_189 : i32 to index
            %get3A_192 = tpu.vector_load %arg17[%get3A_190, %get3A_191] {strides = array<i32>} : memref<16x256xf32, #tpu.memory_space<vmem>>, vector<16xf32>,
            %eq3A_193 = arith.constant 0 : i32
            %eq3A_194 = arith.cmpi eq, %arg1, %eq3A_193 : i32
            %convert_element_type3A_195 = arith.extui %eq3A_194 : i1 to i32
            %cond3A_196 = arith.constant 0 : i32
            %cond3A_197 = arith.cmpi ne, %convert_element_type3A_195, %cond3A_196 : i32
            scf.if %cond3A_197 {
              tpu.vector_store_idx %arg16[%get3A_187], %get3A_192 {add = true} : memref<10000xf32, #tpu.memory_space<vmem>>[vector<16xi32>], vector<16xf32>,
            } else {
            }
            %mul3A_198 = arith.constant 16 : i32
            %mul3A_199 = arith.muli %add3A_182, %mul3A_198 : i32
            %add3A_200 = vector.broadcast %mul3A_199 : i32 to vector<16xi32>
            %add3A_201 = arith.addi %add3A_200, %iota3A : vector<16xi32>
            %gather3A_202 = tpu.vector_load_idx %arg14[%add3A_201, %broadcast_in_dim3A_2] : memref<256x8xf32, #tpu.memory_space<vmem>>[vector<16xi32>, vector<16xi32>], vector<16xf32>,
            %mul3A_203 = arith.mulf %gather3A_202, %get3A_192 : vector<16xf32>
            tpu.vector_store_idx %arg15[%get3A_187, %broadcast_in_dim3A_2], %mul3A_203 {add = true} : memref<10000x8xf32, #tpu.memory_space<vmem>>[vector<16xi32>, vector<16xi32>], vector<16xf32>,
            %gather3A_204 = tpu.vector_load_idx %arg14[%add3A_201, %broadcast_in_dim3A_4] : memref<256x8xf32, #tpu.memory_space<vmem>>[vector<16xi32>, vector<16xi32>], vector<16xf32>,
            %mul3A_205 = arith.mulf %gather3A_204, %get3A_192 : vector<16xf32>
            tpu.vector_store_idx %arg15[%get3A_187, %broadcast_in_dim3A_4], %mul3A_205 {add = true} : memref<10000x8xf32, #tpu.memory_space<vmem>>[vector<16xi32>, vector<16xi32>], vector<16xf32>,
            %gather3A_206 = tpu.vector_load_idx %arg14[%add3A_201, %broadcast_in_dim3A_6] : memref<256x8xf32, #tpu.memory_space<vmem>>[vector<16xi32>, vector<16xi32>], vector<16xf32>,
            %mul3A_207 = arith.mulf %gather3A_206, %get3A_192 : vector<16xf32>
            tpu.vector_store_idx %arg15[%get3A_187, %broadcast_in_dim3A_6], %mul3A_207 {add = true} : memref<10000x8xf32, #tpu.memory_space<vmem>>[vector<16xi32>, vector<16xi32>], vector<16xf32>,
            %gather3A_208 = tpu.vector_load_idx %arg14[%add3A_201, %broadcast_in_dim3A_8] : memref<256x8xf32, #tpu.memory_space<vmem>>[vector<16xi32>, vector<16xi32>], vector<16xf32>,
            %mul3A_209 = arith.mulf %gather3A_208, %get3A_192 : vector<16xf32>
            tpu.vector_store_idx %arg15[%get3A_187, %broadcast_in_dim3A_8], %mul3A_209 {add = true} : memref<10000x8xf32, #tpu.memory_space<vmem>>[vector<16xi32>, vector<16xi32>], vector<16xf32>,
            %gather3A_210 = tpu.vector_load_idx %arg14[%add3A_201, %broadcast_in_dim3A_10] : memref<256x8xf32, #tpu.memory_space<vmem>>[vector<16xi32>, vector<16xi32>], vector<16xf32>,
            %mul3A_211 = arith.mulf %gather3A_210, %get3A_192 : vector<16xf32>
            tpu.vector_store_idx %arg15[%get3A_187, %broadcast_in_dim3A_10], %mul3A_211 {add = true} : memref<10000x8xf32, #tpu.memory_space<vmem>>[vector<16xi32>, vector<16xi32>], vector<16xf32>,
            %gather3A_212 = tpu.vector_load_idx %arg14[%add3A_201, %broadcast_in_dim3A_12] : memref<256x8xf32, #tpu.memory_space<vmem>>[vector<16xi32>, vector<16xi32>], vector<16xf32>,
            %mul3A_213 = arith.mulf %gather3A_212, %get3A_192 : vector<16xf32>
            tpu.vector_store_idx %arg15[%get3A_187, %broadcast_in_dim3A_12], %mul3A_213 {add = true} : memref<10000x8xf32, #tpu.memory_space<vmem>>[vector<16xi32>, vector<16xi32>], vector<16xf32>,
            %gather3A_214 = tpu.vector_load_idx %arg14[%add3A_201, %broadcast_in_dim3A_14] : memref<256x8xf32, #tpu.memory_space<vmem>>[vector<16xi32>, vector<16xi32>], vector<16xf32>,
            %mul3A_215 = arith.mulf %gather3A_214, %get3A_192 : vector<16xf32>
            tpu.vector_store_idx %arg15[%get3A_187, %broadcast_in_dim3A_14], %mul3A_215 {add = true} : memref<10000x8xf32, #tpu.memory_space<vmem>>[vector<16xi32>, vector<16xi32>], vector<16xf32>,
            %gather3A_216 = tpu.vector_load_idx %arg14[%add3A_201, %broadcast_in_dim3A_16] : memref<256x8xf32, #tpu.memory_space<vmem>>[vector<16xi32>, vector<16xi32>], vector<16xf32>,
            %mul3A_217 = arith.mulf %gather3A_216, %get3A_192 : vector<16xf32>
            tpu.vector_store_idx %arg15[%get3A_187, %broadcast_in_dim3A_16], %mul3A_217 {add = true} : memref<10000x8xf32, #tpu.memory_space<vmem>>[vector<16xi32>, vector<16xi32>], vector<16xf32>,
            %mul3A_218 = arith.constant 4 : i32
            %mul3A_219 = arith.muli %scan3A_140, %mul3A_218 : i32
            %add3A_220 = arith.constant 2 : i32
            %add3A_221 = arith.addi %mul3A_219, %add3A_220 : i32
            %mul3A_222 = arith.constant 16 : i32
            %mul3A_223 = arith.muli %add3A_221, %mul3A_222 : i32
            %get3A_224 = arith.index_cast %add3A_133 : i32 to index
            %get3A_225 = arith.index_cast %mul3A_223 : i32 to index
            %get3A_226 = tpu.vector_load %arg10[%get3A_224, %get3A_225] {strides = array<i32>} : memref<16x256xi32, #tpu.memory_space<vmem>>, vector<16xi32>,
            %mul3A_227 = arith.constant 16 : i32
            %mul3A_228 = arith.muli %add3A_221, %mul3A_227 : i32
            %get3A_229 = arith.index_cast %add3A_133 : i32 to index
            %get3A_230 = arith.index_cast %mul3A_228 : i32 to index
            %get3A_231 = tpu.vector_load %arg17[%get3A_229, %get3A_230] {strides = array<i32>} : memref<16x256xf32, #tpu.memory_space<vmem>>, vector<16xf32>,
            %eq3A_232 = arith.constant 0 : i32
            %eq3A_233 = arith.cmpi eq, %arg1, %eq3A_232 : i32
            %convert_element_type3A_234 = arith.extui %eq3A_233 : i1 to i32
            %cond3A_235 = arith.constant 0 : i32
            %cond3A_236 = arith.cmpi ne, %convert_element_type3A_234, %cond3A_235 : i32
            scf.if %cond3A_236 {
              tpu.vector_store_idx %arg16[%get3A_226], %get3A_231 {add = true} : memref<10000xf32, #tpu.memory_space<vmem>>[vector<16xi32>], vector<16xf32>,
            } else {
            }
            %mul3A_237 = arith.constant 16 : i32
            %mul3A_238 = arith.muli %add3A_221, %mul3A_237 : i32
            %add3A_239 = vector.broadcast %mul3A_238 : i32 to vector<16xi32>
            %add3A_240 = arith.addi %add3A_239, %iota3A : vector<16xi32>
            %gather3A_241 = tpu.vector_load_idx %arg14[%add3A_240, %broadcast_in_dim3A_2] : memref<256x8xf32, #tpu.memory_space<vmem>>[vector<16xi32>, vector<16xi32>], vector<16xf32>,
            %mul3A_242 = arith.mulf %gather3A_241, %get3A_231 : vector<16xf32>
            tpu.vector_store_idx %arg15[%get3A_226, %broadcast_in_dim3A_2], %mul3A_242 {add = true} : memref<10000x8xf32, #tpu.memory_space<vmem>>[vector<16xi32>, vector<16xi32>], vector<16xf32>,
            %gather3A_243 = tpu.vector_load_idx %arg14[%add3A_240, %broadcast_in_dim3A_4] : memref<256x8xf32, #tpu.memory_space<vmem>>[vector<16xi32>, vector<16xi32>], vector<16xf32>,
            %mul3A_244 = arith.mulf %gather3A_243, %get3A_231 : vector<16xf32>
            tpu.vector_store_idx %arg15[%get3A_226, %broadcast_in_dim3A_4], %mul3A_244 {add = true} : memref<10000x8xf32, #tpu.memory_space<vmem>>[vector<16xi32>, vector<16xi32>], vector<16xf32>,
            %gather3A_245 = tpu.vector_load_idx %arg14[%add3A_240, %broadcast_in_dim3A_6] : memref<256x8xf32, #tpu.memory_space<vmem>>[vector<16xi32>, vector<16xi32>], vector<16xf32>,
            %mul3A_246 = arith.mulf %gather3A_245, %get3A_231 : vector<16xf32>
            tpu.vector_store_idx %arg15[%get3A_226, %broadcast_in_dim3A_6], %mul3A_246 {add = true} : memref<10000x8xf32, #tpu.memory_space<vmem>>[vector<16xi32>, vector<16xi32>], vector<16xf32>,
            %gather3A_247 = tpu.vector_load_idx %arg14[%add3A_240, %broadcast_in_dim3A_8] : memref<256x8xf32, #tpu.memory_space<vmem>>[vector<16xi32>, vector<16xi32>], vector<16xf32>,
            %mul3A_248 = arith.mulf %gather3A_247, %get3A_231 : vector<16xf32>
            tpu.vector_store_idx %arg15[%get3A_226, %broadcast_in_dim3A_8], %mul3A_248 {add = true} : memref<10000x8xf32, #tpu.memory_space<vmem>>[vector<16xi32>, vector<16xi32>], vector<16xf32>,
            %gather3A_249 = tpu.vector_load_idx %arg14[%add3A_240, %broadcast_in_dim3A_10] : memref<256x8xf32, #tpu.memory_space<vmem>>[vector<16xi32>, vector<16xi32>], vector<16xf32>,
            %mul3A_250 = arith.mulf %gather3A_249, %get3A_231 : vector<16xf32>
            tpu.vector_store_idx %arg15[%get3A_226, %broadcast_in_dim3A_10], %mul3A_250 {add = true} : memref<10000x8xf32, #tpu.memory_space<vmem>>[vector<16xi32>, vector<16xi32>], vector<16xf32>,
            %gather3A_251 = tpu.vector_load_idx %arg14[%add3A_240, %broadcast_in_dim3A_12] : memref<256x8xf32, #tpu.memory_space<vmem>>[vector<16xi32>, vector<16xi32>], vector<16xf32>,
            %mul3A_252 = arith.mulf %gather3A_251, %get3A_231 : vector<16xf32>
            tpu.vector_store_idx %arg15[%get3A_226, %broadcast_in_dim3A_12], %mul3A_252 {add = true} : memref<10000x8xf32, #tpu.memory_space<vmem>>[vector<16xi32>, vector<16xi32>], vector<16xf32>,
            %gather3A_253 = tpu.vector_load_idx %arg14[%add3A_240, %broadcast_in_dim3A_14] : memref<256x8xf32, #tpu.memory_space<vmem>>[vector<16xi32>, vector<16xi32>], vector<16xf32>,
            %mul3A_254 = arith.mulf %gather3A_253, %get3A_231 : vector<16xf32>
            tpu.vector_store_idx %arg15[%get3A_226, %broadcast_in_dim3A_14], %mul3A_254 {add = true} : memref<10000x8xf32, #tpu.memory_space<vmem>>[vector<16xi32>, vector<16xi32>], vector<16xf32>,
            %gather3A_255 = tpu.vector_load_idx %arg14[%add3A_240, %broadcast_in_dim3A_16] : memref<256x8xf32, #tpu.memory_space<vmem>>[vector<16xi32>, vector<16xi32>], vector<16xf32>,
            %mul3A_256 = arith.mulf %gather3A_255, %get3A_231 : vector<16xf32>
            tpu.vector_store_idx %arg15[%get3A_226, %broadcast_in_dim3A_16], %mul3A_256 {add = true} : memref<10000x8xf32, #tpu.memory_space<vmem>>[vector<16xi32>, vector<16xi32>], vector<16xf32>,
            %mul3A_257 = arith.constant 4 : i32
            %mul3A_258 = arith.muli %scan3A_140, %mul3A_257 : i32
            %add3A_259 = arith.constant 3 : i32
            %add3A_260 = arith.addi %mul3A_258, %add3A_259 : i32
            %mul3A_261 = arith.constant 16 : i32
            %mul3A_262 = arith.muli %add3A_260, %mul3A_261 : i32
            %get3A_263 = arith.index_cast %add3A_133 : i32 to index
            %get3A_264 = arith.index_cast %mul3A_262 : i32 to index
            %get3A_265 = tpu.vector_load %arg10[%get3A_263, %get3A_264] {strides = array<i32>} : memref<16x256xi32, #tpu.memory_space<vmem>>, vector<16xi32>,
            %mul3A_266 = arith.constant 16 : i32
            %mul3A_267 = arith.muli %add3A_260, %mul3A_266 : i32
            %get3A_268 = arith.index_cast %add3A_133 : i32 to index
            %get3A_269 = arith.index_cast %mul3A_267 : i32 to index
            %get3A_270 = tpu.vector_load %arg17[%get3A_268, %get3A_269] {strides = array<i32>} : memref<16x256xf32, #tpu.memory_space<vmem>>, vector<16xf32>,
            %eq3A_271 = arith.constant 0 : i32
            %eq3A_272 = arith.cmpi eq, %arg1, %eq3A_271 : i32
            %convert_element_type3A_273 = arith.extui %eq3A_272 : i1 to i32
            %cond3A_274 = arith.constant 0 : i32
            %cond3A_275 = arith.cmpi ne, %convert_element_type3A_273, %cond3A_274 : i32
            scf.if %cond3A_275 {
              tpu.vector_store_idx %arg16[%get3A_265], %get3A_270 {add = true} : memref<10000xf32, #tpu.memory_space<vmem>>[vector<16xi32>], vector<16xf32>,
            } else {
            }
            %mul3A_276 = arith.constant 16 : i32
            %mul3A_277 = arith.muli %add3A_260, %mul3A_276 : i32
            %add3A_278 = vector.broadcast %mul3A_277 : i32 to vector<16xi32>
            %add3A_279 = arith.addi %add3A_278, %iota3A : vector<16xi32>
            %gather3A_280 = tpu.vector_load_idx %arg14[%add3A_279, %broadcast_in_dim3A_2] : memref<256x8xf32, #tpu.memory_space<vmem>>[vector<16xi32>, vector<16xi32>], vector<16xf32>,
            %mul3A_281 = arith.mulf %gather3A_280, %get3A_270 : vector<16xf32>
            tpu.vector_store_idx %arg15[%get3A_265, %broadcast_in_dim3A_2], %mul3A_281 {add = true} : memref<10000x8xf32, #tpu.memory_space<vmem>>[vector<16xi32>, vector<16xi32>], vector<16xf32>,
            %gather3A_282 = tpu.vector_load_idx %arg14[%add3A_279, %broadcast_in_dim3A_4] : memref<256x8xf32, #tpu.memory_space<vmem>>[vector<16xi32>, vector<16xi32>], vector<16xf32>,
            %mul3A_283 = arith.mulf %gather3A_282, %get3A_270 : vector<16xf32>
            tpu.vector_store_idx %arg15[%get3A_265, %broadcast_in_dim3A_4], %mul3A_283 {add = true} : memref<10000x8xf32, #tpu.memory_space<vmem>>[vector<16xi32>, vector<16xi32>], vector<16xf32>,
            %gather3A_284 = tpu.vector_load_idx %arg14[%add3A_279, %broadcast_in_dim3A_6] : memref<256x8xf32, #tpu.memory_space<vmem>>[vector<16xi32>, vector<16xi32>], vector<16xf32>,
            %mul3A_285 = arith.mulf %gather3A_284, %get3A_270 : vector<16xf32>
            tpu.vector_store_idx %arg15[%get3A_265, %broadcast_in_dim3A_6], %mul3A_285 {add = true} : memref<10000x8xf32, #tpu.memory_space<vmem>>[vector<16xi32>, vector<16xi32>], vector<16xf32>,
            %gather3A_286 = tpu.vector_load_idx %arg14[%add3A_279, %broadcast_in_dim3A_8] : memref<256x8xf32, #tpu.memory_space<vmem>>[vector<16xi32>, vector<16xi32>], vector<16xf32>,
            %mul3A_287 = arith.mulf %gather3A_286, %get3A_270 : vector<16xf32>
            tpu.vector_store_idx %arg15[%get3A_265, %broadcast_in_dim3A_8], %mul3A_287 {add = true} : memref<10000x8xf32, #tpu.memory_space<vmem>>[vector<16xi32>, vector<16xi32>], vector<16xf32>,
            %gather3A_288 = tpu.vector_load_idx %arg14[%add3A_279, %broadcast_in_dim3A_10] : memref<256x8xf32, #tpu.memory_space<vmem>>[vector<16xi32>, vector<16xi32>], vector<16xf32>,
            %mul3A_289 = arith.mulf %gather3A_288, %get3A_270 : vector<16xf32>
            tpu.vector_store_idx %arg15[%get3A_265, %broadcast_in_dim3A_10], %mul3A_289 {add = true} : memref<10000x8xf32, #tpu.memory_space<vmem>>[vector<16xi32>, vector<16xi32>], vector<16xf32>,
            %gather3A_290 = tpu.vector_load_idx %arg14[%add3A_279, %broadcast_in_dim3A_12] : memref<256x8xf32, #tpu.memory_space<vmem>>[vector<16xi32>, vector<16xi32>], vector<16xf32>,
            %mul3A_291 = arith.mulf %gather3A_290, %get3A_270 : vector<16xf32>
            tpu.vector_store_idx %arg15[%get3A_265, %broadcast_in_dim3A_12], %mul3A_291 {add = true} : memref<10000x8xf32, #tpu.memory_space<vmem>>[vector<16xi32>, vector<16xi32>], vector<16xf32>,
            %gather3A_292 = tpu.vector_load_idx %arg14[%add3A_279, %broadcast_in_dim3A_14] : memref<256x8xf32, #tpu.memory_space<vmem>>[vector<16xi32>, vector<16xi32>], vector<16xf32>,
            %mul3A_293 = arith.mulf %gather3A_292, %get3A_270 : vector<16xf32>
            tpu.vector_store_idx %arg15[%get3A_265, %broadcast_in_dim3A_14], %mul3A_293 {add = true} : memref<10000x8xf32, #tpu.memory_space<vmem>>[vector<16xi32>, vector<16xi32>], vector<16xf32>,
            %gather3A_294 = tpu.vector_load_idx %arg14[%add3A_279, %broadcast_in_dim3A_16] : memref<256x8xf32, #tpu.memory_space<vmem>>[vector<16xi32>, vector<16xi32>], vector<16xf32>,
            %mul3A_295 = arith.mulf %gather3A_294, %get3A_270 : vector<16xf32>
            tpu.vector_store_idx %arg15[%get3A_265, %broadcast_in_dim3A_16], %mul3A_295 {add = true} : memref<10000x8xf32, #tpu.memory_space<vmem>>[vector<16xi32>, vector<16xi32>], vector<16xf32>,
          }
          %scan3A_139 = arith.constant 4 : i32
        }
        %scan3A_91 = arith.constant 8 : i32
      }
      %scan3A_61 = arith.constant 80 : i32
      %add3A_62 = arith.constant 32 : i32
      %add3A_63 = arith.addi %add3A_62, %arg1 : i32
      "tpu.region"() ({
        %run_scoped3A = tpu.sem_alloc : memref<!tpu.dma_semaphore, #tpu.memory_space<semaphore_mem>>
        %dma_start3A = arith.constant 0 : i32
        %dma_start3A_69 = arith.constant 0 : i32
        %dma_start3A_70 = tpu.memref_slice %arg7[%add3A_63, %dma_start3A, %dma_start3A_69] : memref<64x10000x8xf32, #tpu.memory_space<hbm>> -> memref<1x10000x8xf32, #tpu.memory_space<hbm>>
        %dma_start3A_71 = tpu.memref_squeeze %dma_start3A_70 : memref<1x10000x8xf32, #tpu.memory_space<hbm>> -> memref<10000x8xf32, #tpu.memory_space<hbm>>
        %dma_start3A_72 = arith.constant 0 : i32
        %dma_start3A_73 = arith.constant 0 : i32
        %dma_start3A_74 = tpu.memref_slice %arg7[%add3A_63, %dma_start3A_72, %dma_start3A_73] : memref<64x10000x8xf32, #tpu.memory_space<hbm>> -> memref<1x10000x8xf32, #tpu.memory_space<hbm>>
        %dma_start3A_75 = tpu.memref_squeeze %dma_start3A_74 : memref<1x10000x8xf32, #tpu.memory_space<hbm>> -> memref<10000x8xf32, #tpu.memory_space<hbm>>
        tpu.enqueue_dma source(%arg15 : memref<10000x8xf32, #tpu.memory_space<vmem>>) target(%dma_start3A_75 : memref<10000x8xf32, #tpu.memory_space<hbm>>) target_semaphore(%run_scoped3A : memref<!tpu.dma_semaphore, #tpu.memory_space<semaphore_mem>>)
        %dma_wait3A = arith.constant 0 : i32
        %dma_wait3A_76 = arith.constant 0 : i32
        %dma_wait3A_77 = tpu.memref_slice %arg7[%add3A_63, %dma_wait3A, %dma_wait3A_76] : memref<64x10000x8xf32, #tpu.memory_space<hbm>> -> memref<1x10000x8xf32, #tpu.memory_space<hbm>>
        %dma_wait3A_78 = tpu.memref_squeeze %dma_wait3A_77 : memref<1x10000x8xf32, #tpu.memory_space<hbm>> -> memref<10000x8xf32, #tpu.memory_space<hbm>>
        %dma_wait3A_79 = arith.constant 0 : i32
        %dma_wait3A_80 = arith.constant 0 : i32
        %dma_wait3A_81 = tpu.memref_slice %arg7[%add3A_63, %dma_wait3A_79, %dma_wait3A_80] : memref<64x10000x8xf32, #tpu.memory_space<hbm>> -> memref<1x10000x8xf32, #tpu.memory_space<hbm>>
        %dma_wait3A_82 = tpu.memref_squeeze %dma_wait3A_81 : memref<1x10000x8xf32, #tpu.memory_space<hbm>> -> memref<10000x8xf32, #tpu.memory_space<hbm>>
        tpu.wait_dma2 semaphore(%run_scoped3A : memref<!tpu.dma_semaphore, #tpu.memory_space<semaphore_mem>>) src(%arg15 : memref<10000x8xf32, #tpu.memory_space<vmem>>) dst(%dma_wait3A_82 : memref<10000x8xf32, #tpu.memory_space<hbm>>)
        tpu.yield
      }) : () -> ()
      %eq3A_64 = arith.constant 0 : i32
      %eq3A_65 = arith.cmpi eq, %arg1, %eq3A_64 : i32
      %convert_element_type3A_66 = arith.extui %eq3A_65 : i1 to i32
      %cond3A_67 = arith.constant 0 : i32
      %cond3A_68 = arith.cmpi ne, %convert_element_type3A_66, %cond3A_67 : i32
      scf.if %cond3A_68 {
        "tpu.region"() ({
          %run_scoped3A = tpu.sem_alloc : memref<!tpu.dma_semaphore, #tpu.memory_space<semaphore_mem>>
          %dma_start3A = arith.constant 20000 : i32
          %dma_start3A_69 = tpu.memref_slice %arg8[%dma_start3A] : memref<40000xf32, #tpu.memory_space<hbm>> -> memref<10000xf32, #tpu.memory_space<hbm>>
          %dma_start3A_70 = arith.constant 20000 : i32
          %dma_start3A_71 = tpu.memref_slice %arg8[%dma_start3A_70] : memref<40000xf32, #tpu.memory_space<hbm>> -> memref<10000xf32, #tpu.memory_space<hbm>>
          tpu.enqueue_dma source(%arg16 : memref<10000xf32, #tpu.memory_space<vmem>>) target(%dma_start3A_71 : memref<10000xf32, #tpu.memory_space<hbm>>) target_semaphore(%run_scoped3A : memref<!tpu.dma_semaphore, #tpu.memory_space<semaphore_mem>>)
          %dma_wait3A = arith.constant 20000 : i32
          %dma_wait3A_72 = tpu.memref_slice %arg8[%dma_wait3A] : memref<40000xf32, #tpu.memory_space<hbm>> -> memref<10000xf32, #tpu.memory_space<hbm>>
          %dma_wait3A_73 = arith.constant 20000 : i32
          %dma_wait3A_74 = tpu.memref_slice %arg8[%dma_wait3A_73] : memref<40000xf32, #tpu.memory_space<hbm>> -> memref<10000xf32, #tpu.memory_space<hbm>>
          tpu.wait_dma2 semaphore(%run_scoped3A : memref<!tpu.dma_semaphore, #tpu.memory_space<semaphore_mem>>) src(%arg16 : memref<10000xf32, #tpu.memory_space<vmem>>) dst(%dma_wait3A_74 : memref<10000xf32, #tpu.memory_space<hbm>>)
          tpu.yield
        }) : () -> ()
      } else {
      }
    } else {
    }
    %eq3A_29 = arith.constant 1 : i32
    %eq3A_30 = arith.cmpi eq, %arg0, %eq3A_29 : i32
    %convert_element_type3A_31 = arith.extui %eq3A_30 : i1 to i32
    %cond3A_32 = arith.constant 0 : i32
    %cond3A_33 = arith.cmpi ne, %convert_element_type3A_31, %cond3A_32 : i32
    scf.if %cond3A_33 {
      "tpu.region"() ({
        %run_scoped3A = tpu.sem_alloc : memref<!tpu.dma_semaphore, #tpu.memory_space<semaphore_mem>>
        %dma_start3A = arith.constant 60000 : i32
        %dma_start3A_69 = tpu.memref_slice %arg3[%dma_start3A] : memref<80000xf32, #tpu.memory_space<hbm>> -> memref<20000xf32, #tpu.memory_space<hbm>>
        %dma_start3A_70 = arith.constant 60000 : i32
        %dma_start3A_71 = tpu.memref_slice %arg3[%dma_start3A_70] : memref<80000xf32, #tpu.memory_space<hbm>> -> memref<20000xf32, #tpu.memory_space<hbm>>
        tpu.enqueue_dma source(%dma_start3A_71 : memref<20000xf32, #tpu.memory_space<hbm>>) target(%arg12 : memref<20000xf32, #tpu.memory_space<vmem>>) target_semaphore(%run_scoped3A : memref<!tpu.dma_semaphore, #tpu.memory_space<semaphore_mem>>)
        %dma_wait3A = arith.constant 60000 : i32
        %dma_wait3A_72 = tpu.memref_slice %arg3[%dma_wait3A] : memref<80000xf32, #tpu.memory_space<hbm>> -> memref<20000xf32, #tpu.memory_space<hbm>>
        %dma_wait3A_73 = arith.constant 60000 : i32
        %dma_wait3A_74 = tpu.memref_slice %arg3[%dma_wait3A_73] : memref<80000xf32, #tpu.memory_space<hbm>> -> memref<20000xf32, #tpu.memory_space<hbm>>
        tpu.wait_dma2 semaphore(%run_scoped3A : memref<!tpu.dma_semaphore, #tpu.memory_space<semaphore_mem>>) src(%dma_wait3A_74 : memref<20000xf32, #tpu.memory_space<hbm>>) dst(%arg12 : memref<20000xf32, #tpu.memory_space<vmem>>)
        tpu.yield
      }) : () -> ()
      %scan3A = arith.constant 0 : i32
      %scan3A_34 = arith.constant 0 : i32
      %scan3A_35 = arith.constant 625 : i32
      %scan3A_36 = arith.addi %scan3A_34, %scan3A_35 : i32
      %scan3A_37 = arith.constant 1 : i32
      scf.for %scan3A_69 = %scan3A_34 to %scan3A_36 step %scan3A_37  : i32 {
        %mul3A_70 = arith.constant 16 : i32
        %mul3A_71 = arith.muli %scan3A_69, %mul3A_70 : i32
        %add3A_72 = vector.broadcast %mul3A_71 : i32 to vector<16xi32>
        %add3A_73 = arith.addi %add3A_72, %iota3A : vector<16xi32>
        tpu.vector_store_idx %arg15[%add3A_73, %broadcast_in_dim3A_2], %broadcast_in_dim3A_0 : memref<10000x8xf32, #tpu.memory_space<vmem>>[vector<16xi32>, vector<16xi32>], vector<16xf32>,
        tpu.vector_store_idx %arg15[%add3A_73, %broadcast_in_dim3A_4], %broadcast_in_dim3A_0 : memref<10000x8xf32, #tpu.memory_space<vmem>>[vector<16xi32>, vector<16xi32>], vector<16xf32>,
        tpu.vector_store_idx %arg15[%add3A_73, %broadcast_in_dim3A_6], %broadcast_in_dim3A_0 : memref<10000x8xf32, #tpu.memory_space<vmem>>[vector<16xi32>, vector<16xi32>], vector<16xf32>,
        tpu.vector_store_idx %arg15[%add3A_73, %broadcast_in_dim3A_8], %broadcast_in_dim3A_0 : memref<10000x8xf32, #tpu.memory_space<vmem>>[vector<16xi32>, vector<16xi32>], vector<16xf32>,
        tpu.vector_store_idx %arg15[%add3A_73, %broadcast_in_dim3A_10], %broadcast_in_dim3A_0 : memref<10000x8xf32, #tpu.memory_space<vmem>>[vector<16xi32>, vector<16xi32>], vector<16xf32>,
        tpu.vector_store_idx %arg15[%add3A_73, %broadcast_in_dim3A_12], %broadcast_in_dim3A_0 : memref<10000x8xf32, #tpu.memory_space<vmem>>[vector<16xi32>, vector<16xi32>], vector<16xf32>,
        tpu.vector_store_idx %arg15[%add3A_73, %broadcast_in_dim3A_14], %broadcast_in_dim3A_0 : memref<10000x8xf32, #tpu.memory_space<vmem>>[vector<16xi32>, vector<16xi32>], vector<16xf32>,
        tpu.vector_store_idx %arg15[%add3A_73, %broadcast_in_dim3A_16], %broadcast_in_dim3A_0 : memref<10000x8xf32, #tpu.memory_space<vmem>>[vector<16xi32>, vector<16xi32>], vector<16xf32>,
      }
      %scan3A_38 = arith.constant 625 : i32
      %scan3A_39 = arith.constant 0 : i32
      %scan3A_40 = arith.constant 0 : i32
      %scan3A_41 = arith.constant 625 : i32
      %scan3A_42 = arith.addi %scan3A_40, %scan3A_41 : i32
      %scan3A_43 = arith.constant 1 : i32
      scf.for %scan3A_69 = %scan3A_40 to %scan3A_42 step %scan3A_43  : i32 {
        %mul3A_70 = arith.constant 16 : i32
        %mul3A_71 = arith.muli %scan3A_69, %mul3A_70 : i32
        %swap3A = arith.index_cast %mul3A_71 : i32 to index
        %swap3A_72 = tpu.vector_load %arg16[%swap3A] {strides = array<i32>} : memref<10000xf32, #tpu.memory_space<vmem>>, vector<16xf32>,
        tpu.vector_store %arg16[%swap3A], %broadcast_in_dim3A_0 {strides = array<i32>} : memref<10000xf32, #tpu.memory_space<vmem>>, vector<16xf32>,
      }
      %scan3A_44 = arith.constant 625 : i32
      %get3A = arith.constant 0 : index
      %get3A_45 = tpu.vector_load %arg18[%get3A] {strides = array<i32>} : memref<16xf32, #tpu.memory_space<vmem>>, vector<16xf32>,
      %add3A = arith.constant 48 : i32
      %add3A_46 = arith.addi %add3A, %arg1 : i32
      %mul3A = arith.constant 10000 : i32
      %mul3A_47 = arith.muli %add3A_46, %mul3A : i32
      %mul3A_48 = arith.constant 80 : i32
      %mul3A_49 = arith.muli %arg1, %mul3A_48 : i32
      %scan3A_50 = arith.constant 0 : i32
      %scan3A_51 = arith.constant 0 : i32
      %scan3A_52 = arith.constant 5 : i32
      %scan3A_53 = arith.addi %scan3A_51, %scan3A_52 : i32
      %scan3A_54 = arith.constant 1 : i32
      scf.for %scan3A_69 = %scan3A_51 to %scan3A_53 step %scan3A_54  : i32 {
        %mul3A_70 = arith.constant 16 : i32
        %mul3A_71 = arith.muli %scan3A_69, %mul3A_70 : i32
        %add3A_72 = arith.addi %mul3A_49, %mul3A_71 : i32
        "tpu.region"() ({
          %run_scoped3A = tpu.sem_alloc : memref<!tpu.dma_semaphore, #tpu.memory_space<semaphore_mem>>
          %dma_start3A = arith.constant 0 : i32
          %dma_start3A_81 = tpu.memref_slice %arg4[%add3A_72, %dma_start3A] : memref<1280x256xi32, #tpu.memory_space<hbm>> -> memref<16x256xi32, #tpu.memory_space<hbm>>
          %dma_start3A_82 = arith.constant 0 : i32
          %dma_start3A_83 = tpu.memref_slice %arg4[%add3A_72, %dma_start3A_82] : memref<1280x256xi32, #tpu.memory_space<hbm>> -> memref<16x256xi32, #tpu.memory_space<hbm>>
          tpu.enqueue_dma source(%dma_start3A_83 : memref<16x256xi32, #tpu.memory_space<hbm>>) target(%arg10 : memref<16x256xi32, #tpu.memory_space<vmem>>) target_semaphore(%run_scoped3A : memref<!tpu.dma_semaphore, #tpu.memory_space<semaphore_mem>>)
          %dma_wait3A = arith.constant 0 : i32
          %dma_wait3A_84 = tpu.memref_slice %arg4[%add3A_72, %dma_wait3A] : memref<1280x256xi32, #tpu.memory_space<hbm>> -> memref<16x256xi32, #tpu.memory_space<hbm>>
          %dma_wait3A_85 = arith.constant 0 : i32
          %dma_wait3A_86 = tpu.memref_slice %arg4[%add3A_72, %dma_wait3A_85] : memref<1280x256xi32, #tpu.memory_space<hbm>> -> memref<16x256xi32, #tpu.memory_space<hbm>>
          tpu.wait_dma2 semaphore(%run_scoped3A : memref<!tpu.dma_semaphore, #tpu.memory_space<semaphore_mem>>) src(%dma_wait3A_86 : memref<16x256xi32, #tpu.memory_space<hbm>>) dst(%arg10 : memref<16x256xi32, #tpu.memory_space<vmem>>)
          tpu.yield
        }) : () -> ()
        "tpu.region"() ({
          %run_scoped3A = tpu.sem_alloc : memref<!tpu.dma_semaphore, #tpu.memory_space<semaphore_mem>>
          %dma_start3A = arith.constant 0 : i32
          %dma_start3A_81 = tpu.memref_slice %arg5[%add3A_72, %dma_start3A] : memref<1280x256xi32, #tpu.memory_space<hbm>> -> memref<16x256xi32, #tpu.memory_space<hbm>>
          %dma_start3A_82 = arith.constant 0 : i32
          %dma_start3A_83 = tpu.memref_slice %arg5[%add3A_72, %dma_start3A_82] : memref<1280x256xi32, #tpu.memory_space<hbm>> -> memref<16x256xi32, #tpu.memory_space<hbm>>
          tpu.enqueue_dma source(%dma_start3A_83 : memref<16x256xi32, #tpu.memory_space<hbm>>) target(%arg11 : memref<16x256xi32, #tpu.memory_space<vmem>>) target_semaphore(%run_scoped3A : memref<!tpu.dma_semaphore, #tpu.memory_space<semaphore_mem>>)
          %dma_wait3A = arith.constant 0 : i32
          %dma_wait3A_84 = tpu.memref_slice %arg5[%add3A_72, %dma_wait3A] : memref<1280x256xi32, #tpu.memory_space<hbm>> -> memref<16x256xi32, #tpu.memory_space<hbm>>
          %dma_wait3A_85 = arith.constant 0 : i32
          %dma_wait3A_86 = tpu.memref_slice %arg5[%add3A_72, %dma_wait3A_85] : memref<1280x256xi32, #tpu.memory_space<hbm>> -> memref<16x256xi32, #tpu.memory_space<hbm>>
          tpu.wait_dma2 semaphore(%run_scoped3A : memref<!tpu.dma_semaphore, #tpu.memory_space<semaphore_mem>>) src(%dma_wait3A_86 : memref<16x256xi32, #tpu.memory_space<hbm>>) dst(%arg11 : memref<16x256xi32, #tpu.memory_space<vmem>>)
          tpu.yield
        }) : () -> ()
        %scan3A_73 = arith.constant 0 : i32
        %scan3A_74 = arith.constant 0 : i32
        %scan3A_75 = arith.constant 16 : i32
        %scan3A_76 = arith.addi %scan3A_74, %scan3A_75 : i32
        %scan3A_77 = arith.constant 1 : i32
        scf.for %scan3A_81 = %scan3A_74 to %scan3A_76 step %scan3A_77  : i32 {
          %add3A_82 = arith.addi %add3A_72, %scan3A_81 : i32
          %mul3A_83 = arith.constant 256 : i32
          %mul3A_84 = arith.muli %add3A_82, %mul3A_83 : i32
          %add3A_85 = vector.broadcast %mul3A_84 : i32 to vector<16xi32>
          %add3A_86 = arith.addi %add3A_85, %iota3A : vector<16xi32>
          %scan3A_87 = arith.constant 0 : i32
          %scan3A_88 = arith.constant 0 : i32
          %scan3A_89 = arith.constant 16 : i32
          %scan3A_90 = arith.addi %scan3A_88, %scan3A_89 : i32
          %scan3A_91 = arith.constant 1 : i32
          scf.for %scan3A_93 = %scan3A_88 to %scan3A_90 step %scan3A_91  : i32 {
            %mul3A_94 = arith.constant 16 : i32
            %mul3A_95 = arith.muli %scan3A_93, %mul3A_94 : i32
            %get3A_96 = arith.index_cast %scan3A_81 : i32 to index
            %get3A_97 = arith.index_cast %mul3A_95 : i32 to index
            %get3A_98 = tpu.vector_load %arg10[%get3A_96, %get3A_97] {strides = array<i32>} : memref<16x256xi32, #tpu.memory_space<vmem>>, vector<16xi32>,
            %mul3A_99 = arith.constant 16 : i32
            %mul3A_100 = arith.muli %scan3A_93, %mul3A_99 : i32
            %get3A_101 = arith.index_cast %scan3A_81 : i32 to index
            %get3A_102 = arith.index_cast %mul3A_100 : i32 to index
            %get3A_103 = tpu.vector_load %arg11[%get3A_101, %get3A_102] {strides = array<i32>} : memref<16x256xi32, #tpu.memory_space<vmem>>, vector<16xi32>,
            %gather3A = tpu.vector_load_idx %arg12[%get3A_98] : memref<20000xf32, #tpu.memory_space<vmem>>[vector<16xi32>], vector<16xf32>,
            %add3A_104 = arith.constant 10000 : i32
            %add3A_105 = vector.broadcast %add3A_104 : i32 to vector<16xi32>
            %add3A_106 = arith.addi %get3A_103, %add3A_105 : vector<16xi32>
            %gather3A_107 = tpu.vector_load_idx %arg12[%add3A_106] : memref<20000xf32, #tpu.memory_space<vmem>>[vector<16xi32>], vector<16xf32>,
            %add3A_108 = arith.addf %gather3A, %gather3A_107 : vector<16xf32>
            %mul3A_109 = arith.constant 2.000000e-01 : f32
            %mul3A_110 = vector.broadcast %mul3A_109 : f32 to vector<16xf32>
            %mul3A_111 = arith.mulf %add3A_108, %mul3A_110 : vector<16xf32>
            %max3A = arith.maximumf %add3A_108, %mul3A_111 : vector<16xf32>
            %sub3A = arith.subf %max3A, %get3A_45 : vector<16xf32>
            %exp3A = math.exp %sub3A : vector<16xf32>
            %mul3A_112 = arith.constant 16 : i32
            %mul3A_113 = arith.muli %scan3A_93, %mul3A_112 : i32
            %add3A_114 = vector.broadcast %mul3A_113 : i32 to vector<16xi32>
            %add3A_115 = arith.addi %add3A_86, %add3A_114 : vector<16xi32>
            %lt3A = arith.constant 320000 : i32
            %lt3A_116 = vector.broadcast %lt3A : i32 to vector<16xi32>
            %lt3A_117 = arith.cmpi slt, %add3A_115, %lt3A_116 : vector<16xi32>
            %select_n3A = arith.select %lt3A_117, %exp3A, %broadcast_in_dim3A_0 : vector<16xi1>, vector<16xf32>
            %mul3A_118 = arith.constant 16 : i32
            %mul3A_119 = arith.muli %scan3A_93, %mul3A_118 : i32
            %swap3A = arith.index_cast %scan3A_81 : i32 to index
            %swap3A_120 = arith.index_cast %mul3A_119 : i32 to index
            %swap3A_121 = tpu.vector_load %arg17[%swap3A, %swap3A_120] {strides = array<i32>} : memref<16x256xf32, #tpu.memory_space<vmem>>, vector<16xf32>,
            tpu.vector_store %arg17[%swap3A, %swap3A_120], %select_n3A {strides = array<i32>} : memref<16x256xf32, #tpu.memory_space<vmem>>, vector<16xf32>,
          }
          %scan3A_92 = arith.constant 16 : i32
        }
        %scan3A_78 = arith.constant 16 : i32
        %add3A_79 = arith.constant 3840 : i32
        %add3A_80 = arith.addi %add3A_79, %add3A_72 : i32
        "tpu.region"() ({
          %run_scoped3A = tpu.sem_alloc : memref<!tpu.dma_semaphore, #tpu.memory_space<semaphore_mem>>
          %dma_start3A = arith.constant 0 : i32
          %dma_start3A_81 = tpu.memref_slice %arg9[%add3A_80, %dma_start3A] : memref<5120x256xf32, #tpu.memory_space<hbm>> -> memref<16x256xf32, #tpu.memory_space<hbm>>
          %dma_start3A_82 = arith.constant 0 : i32
          %dma_start3A_83 = tpu.memref_slice %arg9[%add3A_80, %dma_start3A_82] : memref<5120x256xf32, #tpu.memory_space<hbm>> -> memref<16x256xf32, #tpu.memory_space<hbm>>
          tpu.enqueue_dma source(%arg17 : memref<16x256xf32, #tpu.memory_space<vmem>>) target(%dma_start3A_83 : memref<16x256xf32, #tpu.memory_space<hbm>>) target_semaphore(%run_scoped3A : memref<!tpu.dma_semaphore, #tpu.memory_space<semaphore_mem>>)
          %dma_wait3A = arith.constant 0 : i32
          %dma_wait3A_84 = tpu.memref_slice %arg9[%add3A_80, %dma_wait3A] : memref<5120x256xf32, #tpu.memory_space<hbm>> -> memref<16x256xf32, #tpu.memory_space<hbm>>
          %dma_wait3A_85 = arith.constant 0 : i32
          %dma_wait3A_86 = tpu.memref_slice %arg9[%add3A_80, %dma_wait3A_85] : memref<5120x256xf32, #tpu.memory_space<hbm>> -> memref<16x256xf32, #tpu.memory_space<hbm>>
          tpu.wait_dma2 semaphore(%run_scoped3A : memref<!tpu.dma_semaphore, #tpu.memory_space<semaphore_mem>>) src(%arg17 : memref<16x256xf32, #tpu.memory_space<vmem>>) dst(%dma_wait3A_86 : memref<16x256xf32, #tpu.memory_space<hbm>>)
          tpu.yield
        }) : () -> ()
      }
      %scan3A_55 = arith.constant 5 : i32
      %barrier3A = arith.constant 0 : index
      tpu.barrier barrier_id(%barrier3A)
      %scan3A_56 = arith.constant 0 : i32
      %scan3A_57 = arith.constant 0 : i32
      %scan3A_58 = arith.constant 80 : i32
      %scan3A_59 = arith.addi %scan3A_57, %scan3A_58 : i32
      %scan3A_60 = arith.constant 1 : i32
      scf.for %scan3A_69 = %scan3A_57 to %scan3A_59 step %scan3A_60  : i32 {
        %mul3A_70 = arith.constant 16 : i32
        %mul3A_71 = arith.muli %scan3A_69, %mul3A_70 : i32
        "tpu.region"() ({
          %run_scoped3A = tpu.sem_alloc : memref<!tpu.dma_semaphore, #tpu.memory_space<semaphore_mem>>
          %dma_start3A_92 = arith.constant 0 : i32
          %dma_start3A_93 = tpu.memref_slice %arg4[%mul3A_71, %dma_start3A_92] : memref<1280x256xi32, #tpu.memory_space<hbm>> -> memref<16x256xi32, #tpu.memory_space<hbm>>
          %dma_start3A_94 = arith.constant 0 : i32
          %dma_start3A_95 = tpu.memref_slice %arg4[%mul3A_71, %dma_start3A_94] : memref<1280x256xi32, #tpu.memory_space<hbm>> -> memref<16x256xi32, #tpu.memory_space<hbm>>
          tpu.enqueue_dma source(%dma_start3A_95 : memref<16x256xi32, #tpu.memory_space<hbm>>) target(%arg10 : memref<16x256xi32, #tpu.memory_space<vmem>>) target_semaphore(%run_scoped3A : memref<!tpu.dma_semaphore, #tpu.memory_space<semaphore_mem>>)
          %dma_wait3A = arith.constant 0 : i32
          %dma_wait3A_96 = tpu.memref_slice %arg4[%mul3A_71, %dma_wait3A] : memref<1280x256xi32, #tpu.memory_space<hbm>> -> memref<16x256xi32, #tpu.memory_space<hbm>>
          %dma_wait3A_97 = arith.constant 0 : i32
          %dma_wait3A_98 = tpu.memref_slice %arg4[%mul3A_71, %dma_wait3A_97] : memref<1280x256xi32, #tpu.memory_space<hbm>> -> memref<16x256xi32, #tpu.memory_space<hbm>>
          tpu.wait_dma2 semaphore(%run_scoped3A : memref<!tpu.dma_semaphore, #tpu.memory_space<semaphore_mem>>) src(%dma_wait3A_98 : memref<16x256xi32, #tpu.memory_space<hbm>>) dst(%arg10 : memref<16x256xi32, #tpu.memory_space<vmem>>)
          tpu.yield
        }) : () -> ()
        %mul3A_72 = arith.constant 16 : i32
        %mul3A_73 = arith.muli %scan3A_69, %mul3A_72 : i32
        "tpu.region"() ({
          %run_scoped3A = tpu.sem_alloc : memref<!tpu.dma_semaphore, #tpu.memory_space<semaphore_mem>>
          %dma_start3A_92 = arith.constant 0 : i32
          %dma_start3A_93 = tpu.memref_slice %arg5[%mul3A_73, %dma_start3A_92] : memref<1280x256xi32, #tpu.memory_space<hbm>> -> memref<16x256xi32, #tpu.memory_space<hbm>>
          %dma_start3A_94 = arith.constant 0 : i32
          %dma_start3A_95 = tpu.memref_slice %arg5[%mul3A_73, %dma_start3A_94] : memref<1280x256xi32, #tpu.memory_space<hbm>> -> memref<16x256xi32, #tpu.memory_space<hbm>>
          tpu.enqueue_dma source(%dma_start3A_95 : memref<16x256xi32, #tpu.memory_space<hbm>>) target(%arg11 : memref<16x256xi32, #tpu.memory_space<vmem>>) target_semaphore(%run_scoped3A : memref<!tpu.dma_semaphore, #tpu.memory_space<semaphore_mem>>)
          %dma_wait3A = arith.constant 0 : i32
          %dma_wait3A_96 = tpu.memref_slice %arg5[%mul3A_73, %dma_wait3A] : memref<1280x256xi32, #tpu.memory_space<hbm>> -> memref<16x256xi32, #tpu.memory_space<hbm>>
          %dma_wait3A_97 = arith.constant 0 : i32
          %dma_wait3A_98 = tpu.memref_slice %arg5[%mul3A_73, %dma_wait3A_97] : memref<1280x256xi32, #tpu.memory_space<hbm>> -> memref<16x256xi32, #tpu.memory_space<hbm>>
          tpu.wait_dma2 semaphore(%run_scoped3A : memref<!tpu.dma_semaphore, #tpu.memory_space<semaphore_mem>>) src(%dma_wait3A_98 : memref<16x256xi32, #tpu.memory_space<hbm>>) dst(%arg11 : memref<16x256xi32, #tpu.memory_space<vmem>>)
          tpu.yield
        }) : () -> ()
        %mul3A_74 = arith.constant 16 : i32
        %mul3A_75 = arith.muli %scan3A_69, %mul3A_74 : i32
        %add3A_76 = arith.constant 3840 : i32
        %add3A_77 = arith.addi %add3A_76, %mul3A_75 : i32
        "tpu.region"() ({
          %run_scoped3A = tpu.sem_alloc : memref<!tpu.dma_semaphore, #tpu.memory_space<semaphore_mem>>
          %dma_start3A_92 = arith.constant 0 : i32
          %dma_start3A_93 = tpu.memref_slice %arg9[%add3A_77, %dma_start3A_92] : memref<5120x256xf32, #tpu.memory_space<hbm>> -> memref<16x256xf32, #tpu.memory_space<hbm>>
          %dma_start3A_94 = arith.constant 0 : i32
          %dma_start3A_95 = tpu.memref_slice %arg9[%add3A_77, %dma_start3A_94] : memref<5120x256xf32, #tpu.memory_space<hbm>> -> memref<16x256xf32, #tpu.memory_space<hbm>>
          tpu.enqueue_dma source(%dma_start3A_95 : memref<16x256xf32, #tpu.memory_space<hbm>>) target(%arg17 : memref<16x256xf32, #tpu.memory_space<vmem>>) target_semaphore(%run_scoped3A : memref<!tpu.dma_semaphore, #tpu.memory_space<semaphore_mem>>)
          %dma_wait3A = arith.constant 0 : i32
          %dma_wait3A_96 = tpu.memref_slice %arg9[%add3A_77, %dma_wait3A] : memref<5120x256xf32, #tpu.memory_space<hbm>> -> memref<16x256xf32, #tpu.memory_space<hbm>>
          %dma_wait3A_97 = arith.constant 0 : i32
          %dma_wait3A_98 = tpu.memref_slice %arg9[%add3A_77, %dma_wait3A_97] : memref<5120x256xf32, #tpu.memory_space<hbm>> -> memref<16x256xf32, #tpu.memory_space<hbm>>
          tpu.wait_dma2 semaphore(%run_scoped3A : memref<!tpu.dma_semaphore, #tpu.memory_space<semaphore_mem>>) src(%dma_wait3A_98 : memref<16x256xf32, #tpu.memory_space<hbm>>) dst(%arg17 : memref<16x256xf32, #tpu.memory_space<vmem>>)
          tpu.yield
        }) : () -> ()
        %dma_start3A = arith.constant 0 : i32
        %dma_start3A_78 = arith.constant 0 : i32
        %dma_start3A_79 = tpu.memref_slice %arg11[%dma_start3A, %dma_start3A_78] : memref<16x256xi32, #tpu.memory_space<vmem>> -> memref<1x256xi32, #tpu.memory_space<vmem>>
        %dma_start3A_80 = tpu.memref_squeeze %dma_start3A_79 : memref<1x256xi32, #tpu.memory_space<vmem>> -> memref<256xi32, #tpu.memory_space<vmem>>
        %dma_start3A_81 = arith.constant 0 : i32
        %dma_start3A_82 = tpu.memref_slice %arg2[%mul3A_47, %dma_start3A_81] : memref<640000x8xf32, #tpu.memory_space<hbm>> -> memref<10000x8xf32, #tpu.memory_space<hbm>>
        %dma_start3A_83 = arith.constant 0 : i32
        %dma_start3A_84 = arith.constant 0 : i32
        %dma_start3A_85 = tpu.memref_slice %dma_start3A_82[%dma_start3A_83, %dma_start3A_84] : memref<10000x8xf32, #tpu.memory_space<hbm>> -> memref<10000x8xf32, #tpu.memory_space<hbm>>
        tpu.enqueue_indirect_dma source(%dma_start3A_85 : memref<10000x8xf32, #tpu.memory_space<hbm>>) target(%arg13 : memref<256x8xf32, #tpu.memory_space<vmem>>) offsets(%dma_start3A_80 : memref<256xi32, #tpu.memory_space<vmem>>) semaphore(%arg19 : memref<!tpu.dma_semaphore, #tpu.memory_space<semaphore_mem>>)
        %scan3A_86 = arith.constant 0 : i32
        %scan3A_87 = arith.constant 0 : i32
        %scan3A_88 = arith.constant 8 : i32
        %scan3A_89 = arith.addi %scan3A_87, %scan3A_88 : i32
        %scan3A_90 = arith.constant 1 : i32
        scf.for %scan3A_92 = %scan3A_87 to %scan3A_89 step %scan3A_90  : i32 {
          %mul3A_93 = arith.constant 2 : i32
          %mul3A_94 = arith.muli %scan3A_92, %mul3A_93 : i32
          %add3A_95 = arith.constant 1 : i32
          %add3A_96 = arith.addi %mul3A_94, %add3A_95 : i32
          %dma_start3A_97 = arith.constant 0 : i32
          %dma_start3A_98 = tpu.memref_slice %arg11[%add3A_96, %dma_start3A_97] : memref<16x256xi32, #tpu.memory_space<vmem>> -> memref<1x256xi32, #tpu.memory_space<vmem>>
          %dma_start3A_99 = tpu.memref_squeeze %dma_start3A_98 : memref<1x256xi32, #tpu.memory_space<vmem>> -> memref<256xi32, #tpu.memory_space<vmem>>
          %dma_start3A_100 = arith.constant 0 : i32
          %dma_start3A_101 = tpu.memref_slice %arg2[%mul3A_47, %dma_start3A_100] : memref<640000x8xf32, #tpu.memory_space<hbm>> -> memref<10000x8xf32, #tpu.memory_space<hbm>>
          %dma_start3A_102 = arith.constant 0 : i32
          %dma_start3A_103 = arith.constant 0 : i32
          %dma_start3A_104 = tpu.memref_slice %dma_start3A_101[%dma_start3A_102, %dma_start3A_103] : memref<10000x8xf32, #tpu.memory_space<hbm>> -> memref<10000x8xf32, #tpu.memory_space<hbm>>
          tpu.enqueue_indirect_dma source(%dma_start3A_104 : memref<10000x8xf32, #tpu.memory_space<hbm>>) target(%arg14 : memref<256x8xf32, #tpu.memory_space<vmem>>) offsets(%dma_start3A_99 : memref<256xi32, #tpu.memory_space<vmem>>) semaphore(%arg20 : memref<!tpu.dma_semaphore, #tpu.memory_space<semaphore_mem>>)
          %dma_wait3A = arith.constant 0 : i32
          %dma_wait3A_105 = tpu.memref_slice %arg11[%mul3A_94, %dma_wait3A] : memref<16x256xi32, #tpu.memory_space<vmem>> -> memref<1x256xi32, #tpu.memory_space<vmem>>
          %dma_wait3A_106 = tpu.memref_squeeze %dma_wait3A_105 : memref<1x256xi32, #tpu.memory_space<vmem>> -> memref<256xi32, #tpu.memory_space<vmem>>
          %dma_wait3A_107 = arith.constant 0 : i32
          %dma_wait3A_108 = tpu.memref_slice %arg2[%mul3A_47, %dma_wait3A_107] : memref<640000x8xf32, #tpu.memory_space<hbm>> -> memref<10000x8xf32, #tpu.memory_space<hbm>>
          %dma_wait3A_109 = arith.constant 0 : i32
          %dma_wait3A_110 = arith.constant 0 : i32
          %dma_wait3A_111 = tpu.memref_slice %dma_wait3A_108[%dma_wait3A_109, %dma_wait3A_110] : memref<10000x8xf32, #tpu.memory_space<hbm>> -> memref<10000x8xf32, #tpu.memory_space<hbm>>
          tpu.wait_indirect_dma semaphore(%arg19 : memref<!tpu.dma_semaphore, #tpu.memory_space<semaphore_mem>>) src(%dma_wait3A_111 : memref<10000x8xf32, #tpu.memory_space<hbm>>) dst(%arg13 : memref<256x8xf32, #tpu.memory_space<vmem>>)
          %scan3A_112 = arith.constant 0 : i32
          %scan3A_113 = arith.constant 0 : i32
          %scan3A_114 = arith.constant 4 : i32
          %scan3A_115 = arith.addi %scan3A_113, %scan3A_114 : i32
          %scan3A_116 = arith.constant 1 : i32
          scf.for %scan3A_140 = %scan3A_113 to %scan3A_115 step %scan3A_116  : i32 {
            %mul3A_141 = arith.constant 4 : i32
            %mul3A_142 = arith.muli %scan3A_140, %mul3A_141 : i32
            %add3A_143 = arith.constant 0 : i32
            %add3A_144 = arith.addi %mul3A_142, %add3A_143 : i32
            %mul3A_145 = arith.constant 16 : i32
            %mul3A_146 = arith.muli %add3A_144, %mul3A_145 : i32
            %get3A_147 = arith.index_cast %mul3A_94 : i32 to index
            %get3A_148 = arith.index_cast %mul3A_146 : i32 to index
            %get3A_149 = tpu.vector_load %arg10[%get3A_147, %get3A_148] {strides = array<i32>} : memref<16x256xi32, #tpu.memory_space<vmem>>, vector<16xi32>,
            %mul3A_150 = arith.constant 16 : i32
            %mul3A_151 = arith.muli %add3A_144, %mul3A_150 : i32
            %get3A_152 = arith.index_cast %mul3A_94 : i32 to index
            %get3A_153 = arith.index_cast %mul3A_151 : i32 to index
            %get3A_154 = tpu.vector_load %arg17[%get3A_152, %get3A_153] {strides = array<i32>} : memref<16x256xf32, #tpu.memory_space<vmem>>, vector<16xf32>,
            %eq3A_155 = arith.constant 0 : i32
            %eq3A_156 = arith.cmpi eq, %arg1, %eq3A_155 : i32
            %convert_element_type3A_157 = arith.extui %eq3A_156 : i1 to i32
            %cond3A_158 = arith.constant 0 : i32
            %cond3A_159 = arith.cmpi ne, %convert_element_type3A_157, %cond3A_158 : i32
            scf.if %cond3A_159 {
              tpu.vector_store_idx %arg16[%get3A_149], %get3A_154 {add = true} : memref<10000xf32, #tpu.memory_space<vmem>>[vector<16xi32>], vector<16xf32>,
            } else {
            }
            %mul3A_160 = arith.constant 16 : i32
            %mul3A_161 = arith.muli %add3A_144, %mul3A_160 : i32
            %add3A_162 = vector.broadcast %mul3A_161 : i32 to vector<16xi32>
            %add3A_163 = arith.addi %add3A_162, %iota3A : vector<16xi32>
            %gather3A = tpu.vector_load_idx %arg13[%add3A_163, %broadcast_in_dim3A_2] : memref<256x8xf32, #tpu.memory_space<vmem>>[vector<16xi32>, vector<16xi32>], vector<16xf32>,
            %mul3A_164 = arith.mulf %gather3A, %get3A_154 : vector<16xf32>
            tpu.vector_store_idx %arg15[%get3A_149, %broadcast_in_dim3A_2], %mul3A_164 {add = true} : memref<10000x8xf32, #tpu.memory_space<vmem>>[vector<16xi32>, vector<16xi32>], vector<16xf32>,
            %gather3A_165 = tpu.vector_load_idx %arg13[%add3A_163, %broadcast_in_dim3A_4] : memref<256x8xf32, #tpu.memory_space<vmem>>[vector<16xi32>, vector<16xi32>], vector<16xf32>,
            %mul3A_166 = arith.mulf %gather3A_165, %get3A_154 : vector<16xf32>
            tpu.vector_store_idx %arg15[%get3A_149, %broadcast_in_dim3A_4], %mul3A_166 {add = true} : memref<10000x8xf32, #tpu.memory_space<vmem>>[vector<16xi32>, vector<16xi32>], vector<16xf32>,
            %gather3A_167 = tpu.vector_load_idx %arg13[%add3A_163, %broadcast_in_dim3A_6] : memref<256x8xf32, #tpu.memory_space<vmem>>[vector<16xi32>, vector<16xi32>], vector<16xf32>,
            %mul3A_168 = arith.mulf %gather3A_167, %get3A_154 : vector<16xf32>
            tpu.vector_store_idx %arg15[%get3A_149, %broadcast_in_dim3A_6], %mul3A_168 {add = true} : memref<10000x8xf32, #tpu.memory_space<vmem>>[vector<16xi32>, vector<16xi32>], vector<16xf32>,
            %gather3A_169 = tpu.vector_load_idx %arg13[%add3A_163, %broadcast_in_dim3A_8] : memref<256x8xf32, #tpu.memory_space<vmem>>[vector<16xi32>, vector<16xi32>], vector<16xf32>,
            %mul3A_170 = arith.mulf %gather3A_169, %get3A_154 : vector<16xf32>
            tpu.vector_store_idx %arg15[%get3A_149, %broadcast_in_dim3A_8], %mul3A_170 {add = true} : memref<10000x8xf32, #tpu.memory_space<vmem>>[vector<16xi32>, vector<16xi32>], vector<16xf32>,
            %gather3A_171 = tpu.vector_load_idx %arg13[%add3A_163, %broadcast_in_dim3A_10] : memref<256x8xf32, #tpu.memory_space<vmem>>[vector<16xi32>, vector<16xi32>], vector<16xf32>,
            %mul3A_172 = arith.mulf %gather3A_171, %get3A_154 : vector<16xf32>
            tpu.vector_store_idx %arg15[%get3A_149, %broadcast_in_dim3A_10], %mul3A_172 {add = true} : memref<10000x8xf32, #tpu.memory_space<vmem>>[vector<16xi32>, vector<16xi32>], vector<16xf32>,
            %gather3A_173 = tpu.vector_load_idx %arg13[%add3A_163, %broadcast_in_dim3A_12] : memref<256x8xf32, #tpu.memory_space<vmem>>[vector<16xi32>, vector<16xi32>], vector<16xf32>,
            %mul3A_174 = arith.mulf %gather3A_173, %get3A_154 : vector<16xf32>
            tpu.vector_store_idx %arg15[%get3A_149, %broadcast_in_dim3A_12], %mul3A_174 {add = true} : memref<10000x8xf32, #tpu.memory_space<vmem>>[vector<16xi32>, vector<16xi32>], vector<16xf32>,
            %gather3A_175 = tpu.vector_load_idx %arg13[%add3A_163, %broadcast_in_dim3A_14] : memref<256x8xf32, #tpu.memory_space<vmem>>[vector<16xi32>, vector<16xi32>], vector<16xf32>,
            %mul3A_176 = arith.mulf %gather3A_175, %get3A_154 : vector<16xf32>
            tpu.vector_store_idx %arg15[%get3A_149, %broadcast_in_dim3A_14], %mul3A_176 {add = true} : memref<10000x8xf32, #tpu.memory_space<vmem>>[vector<16xi32>, vector<16xi32>], vector<16xf32>,
            %gather3A_177 = tpu.vector_load_idx %arg13[%add3A_163, %broadcast_in_dim3A_16] : memref<256x8xf32, #tpu.memory_space<vmem>>[vector<16xi32>, vector<16xi32>], vector<16xf32>,
            %mul3A_178 = arith.mulf %gather3A_177, %get3A_154 : vector<16xf32>
            tpu.vector_store_idx %arg15[%get3A_149, %broadcast_in_dim3A_16], %mul3A_178 {add = true} : memref<10000x8xf32, #tpu.memory_space<vmem>>[vector<16xi32>, vector<16xi32>], vector<16xf32>,
            %mul3A_179 = arith.constant 4 : i32
            %mul3A_180 = arith.muli %scan3A_140, %mul3A_179 : i32
            %add3A_181 = arith.constant 1 : i32
            %add3A_182 = arith.addi %mul3A_180, %add3A_181 : i32
            %mul3A_183 = arith.constant 16 : i32
            %mul3A_184 = arith.muli %add3A_182, %mul3A_183 : i32
            %get3A_185 = arith.index_cast %mul3A_94 : i32 to index
            %get3A_186 = arith.index_cast %mul3A_184 : i32 to index
            %get3A_187 = tpu.vector_load %arg10[%get3A_185, %get3A_186] {strides = array<i32>} : memref<16x256xi32, #tpu.memory_space<vmem>>, vector<16xi32>,
            %mul3A_188 = arith.constant 16 : i32
            %mul3A_189 = arith.muli %add3A_182, %mul3A_188 : i32
            %get3A_190 = arith.index_cast %mul3A_94 : i32 to index
            %get3A_191 = arith.index_cast %mul3A_189 : i32 to index
            %get3A_192 = tpu.vector_load %arg17[%get3A_190, %get3A_191] {strides = array<i32>} : memref<16x256xf32, #tpu.memory_space<vmem>>, vector<16xf32>,
            %eq3A_193 = arith.constant 0 : i32
            %eq3A_194 = arith.cmpi eq, %arg1, %eq3A_193 : i32
            %convert_element_type3A_195 = arith.extui %eq3A_194 : i1 to i32
            %cond3A_196 = arith.constant 0 : i32
            %cond3A_197 = arith.cmpi ne, %convert_element_type3A_195, %cond3A_196 : i32
            scf.if %cond3A_197 {
              tpu.vector_store_idx %arg16[%get3A_187], %get3A_192 {add = true} : memref<10000xf32, #tpu.memory_space<vmem>>[vector<16xi32>], vector<16xf32>,
            } else {
            }
            %mul3A_198 = arith.constant 16 : i32
            %mul3A_199 = arith.muli %add3A_182, %mul3A_198 : i32
            %add3A_200 = vector.broadcast %mul3A_199 : i32 to vector<16xi32>
            %add3A_201 = arith.addi %add3A_200, %iota3A : vector<16xi32>
            %gather3A_202 = tpu.vector_load_idx %arg13[%add3A_201, %broadcast_in_dim3A_2] : memref<256x8xf32, #tpu.memory_space<vmem>>[vector<16xi32>, vector<16xi32>], vector<16xf32>,
            %mul3A_203 = arith.mulf %gather3A_202, %get3A_192 : vector<16xf32>
            tpu.vector_store_idx %arg15[%get3A_187, %broadcast_in_dim3A_2], %mul3A_203 {add = true} : memref<10000x8xf32, #tpu.memory_space<vmem>>[vector<16xi32>, vector<16xi32>], vector<16xf32>,
            %gather3A_204 = tpu.vector_load_idx %arg13[%add3A_201, %broadcast_in_dim3A_4] : memref<256x8xf32, #tpu.memory_space<vmem>>[vector<16xi32>, vector<16xi32>], vector<16xf32>,
            %mul3A_205 = arith.mulf %gather3A_204, %get3A_192 : vector<16xf32>
            tpu.vector_store_idx %arg15[%get3A_187, %broadcast_in_dim3A_4], %mul3A_205 {add = true} : memref<10000x8xf32, #tpu.memory_space<vmem>>[vector<16xi32>, vector<16xi32>], vector<16xf32>,
            %gather3A_206 = tpu.vector_load_idx %arg13[%add3A_201, %broadcast_in_dim3A_6] : memref<256x8xf32, #tpu.memory_space<vmem>>[vector<16xi32>, vector<16xi32>], vector<16xf32>,
            %mul3A_207 = arith.mulf %gather3A_206, %get3A_192 : vector<16xf32>
            tpu.vector_store_idx %arg15[%get3A_187, %broadcast_in_dim3A_6], %mul3A_207 {add = true} : memref<10000x8xf32, #tpu.memory_space<vmem>>[vector<16xi32>, vector<16xi32>], vector<16xf32>,
            %gather3A_208 = tpu.vector_load_idx %arg13[%add3A_201, %broadcast_in_dim3A_8] : memref<256x8xf32, #tpu.memory_space<vmem>>[vector<16xi32>, vector<16xi32>], vector<16xf32>,
            %mul3A_209 = arith.mulf %gather3A_208, %get3A_192 : vector<16xf32>
            tpu.vector_store_idx %arg15[%get3A_187, %broadcast_in_dim3A_8], %mul3A_209 {add = true} : memref<10000x8xf32, #tpu.memory_space<vmem>>[vector<16xi32>, vector<16xi32>], vector<16xf32>,
            %gather3A_210 = tpu.vector_load_idx %arg13[%add3A_201, %broadcast_in_dim3A_10] : memref<256x8xf32, #tpu.memory_space<vmem>>[vector<16xi32>, vector<16xi32>], vector<16xf32>,
            %mul3A_211 = arith.mulf %gather3A_210, %get3A_192 : vector<16xf32>
            tpu.vector_store_idx %arg15[%get3A_187, %broadcast_in_dim3A_10], %mul3A_211 {add = true} : memref<10000x8xf32, #tpu.memory_space<vmem>>[vector<16xi32>, vector<16xi32>], vector<16xf32>,
            %gather3A_212 = tpu.vector_load_idx %arg13[%add3A_201, %broadcast_in_dim3A_12] : memref<256x8xf32, #tpu.memory_space<vmem>>[vector<16xi32>, vector<16xi32>], vector<16xf32>,
            %mul3A_213 = arith.mulf %gather3A_212, %get3A_192 : vector<16xf32>
            tpu.vector_store_idx %arg15[%get3A_187, %broadcast_in_dim3A_12], %mul3A_213 {add = true} : memref<10000x8xf32, #tpu.memory_space<vmem>>[vector<16xi32>, vector<16xi32>], vector<16xf32>,
            %gather3A_214 = tpu.vector_load_idx %arg13[%add3A_201, %broadcast_in_dim3A_14] : memref<256x8xf32, #tpu.memory_space<vmem>>[vector<16xi32>, vector<16xi32>], vector<16xf32>,
            %mul3A_215 = arith.mulf %gather3A_214, %get3A_192 : vector<16xf32>
            tpu.vector_store_idx %arg15[%get3A_187, %broadcast_in_dim3A_14], %mul3A_215 {add = true} : memref<10000x8xf32, #tpu.memory_space<vmem>>[vector<16xi32>, vector<16xi32>], vector<16xf32>,
            %gather3A_216 = tpu.vector_load_idx %arg13[%add3A_201, %broadcast_in_dim3A_16] : memref<256x8xf32, #tpu.memory_space<vmem>>[vector<16xi32>, vector<16xi32>], vector<16xf32>,
            %mul3A_217 = arith.mulf %gather3A_216, %get3A_192 : vector<16xf32>
            tpu.vector_store_idx %arg15[%get3A_187, %broadcast_in_dim3A_16], %mul3A_217 {add = true} : memref<10000x8xf32, #tpu.memory_space<vmem>>[vector<16xi32>, vector<16xi32>], vector<16xf32>,
            %mul3A_218 = arith.constant 4 : i32
            %mul3A_219 = arith.muli %scan3A_140, %mul3A_218 : i32
            %add3A_220 = arith.constant 2 : i32
            %add3A_221 = arith.addi %mul3A_219, %add3A_220 : i32
            %mul3A_222 = arith.constant 16 : i32
            %mul3A_223 = arith.muli %add3A_221, %mul3A_222 : i32
            %get3A_224 = arith.index_cast %mul3A_94 : i32 to index
            %get3A_225 = arith.index_cast %mul3A_223 : i32 to index
            %get3A_226 = tpu.vector_load %arg10[%get3A_224, %get3A_225] {strides = array<i32>} : memref<16x256xi32, #tpu.memory_space<vmem>>, vector<16xi32>,
            %mul3A_227 = arith.constant 16 : i32
            %mul3A_228 = arith.muli %add3A_221, %mul3A_227 : i32
            %get3A_229 = arith.index_cast %mul3A_94 : i32 to index
            %get3A_230 = arith.index_cast %mul3A_228 : i32 to index
            %get3A_231 = tpu.vector_load %arg17[%get3A_229, %get3A_230] {strides = array<i32>} : memref<16x256xf32, #tpu.memory_space<vmem>>, vector<16xf32>,
            %eq3A_232 = arith.constant 0 : i32
            %eq3A_233 = arith.cmpi eq, %arg1, %eq3A_232 : i32
            %convert_element_type3A_234 = arith.extui %eq3A_233 : i1 to i32
            %cond3A_235 = arith.constant 0 : i32
            %cond3A_236 = arith.cmpi ne, %convert_element_type3A_234, %cond3A_235 : i32
            scf.if %cond3A_236 {
              tpu.vector_store_idx %arg16[%get3A_226], %get3A_231 {add = true} : memref<10000xf32, #tpu.memory_space<vmem>>[vector<16xi32>], vector<16xf32>,
            } else {
            }
            %mul3A_237 = arith.constant 16 : i32
            %mul3A_238 = arith.muli %add3A_221, %mul3A_237 : i32
            %add3A_239 = vector.broadcast %mul3A_238 : i32 to vector<16xi32>
            %add3A_240 = arith.addi %add3A_239, %iota3A : vector<16xi32>
            %gather3A_241 = tpu.vector_load_idx %arg13[%add3A_240, %broadcast_in_dim3A_2] : memref<256x8xf32, #tpu.memory_space<vmem>>[vector<16xi32>, vector<16xi32>], vector<16xf32>,
            %mul3A_242 = arith.mulf %gather3A_241, %get3A_231 : vector<16xf32>
            tpu.vector_store_idx %arg15[%get3A_226, %broadcast_in_dim3A_2], %mul3A_242 {add = true} : memref<10000x8xf32, #tpu.memory_space<vmem>>[vector<16xi32>, vector<16xi32>], vector<16xf32>,
            %gather3A_243 = tpu.vector_load_idx %arg13[%add3A_240, %broadcast_in_dim3A_4] : memref<256x8xf32, #tpu.memory_space<vmem>>[vector<16xi32>, vector<16xi32>], vector<16xf32>,
            %mul3A_244 = arith.mulf %gather3A_243, %get3A_231 : vector<16xf32>
            tpu.vector_store_idx %arg15[%get3A_226, %broadcast_in_dim3A_4], %mul3A_244 {add = true} : memref<10000x8xf32, #tpu.memory_space<vmem>>[vector<16xi32>, vector<16xi32>], vector<16xf32>,
            %gather3A_245 = tpu.vector_load_idx %arg13[%add3A_240, %broadcast_in_dim3A_6] : memref<256x8xf32, #tpu.memory_space<vmem>>[vector<16xi32>, vector<16xi32>], vector<16xf32>,
            %mul3A_246 = arith.mulf %gather3A_245, %get3A_231 : vector<16xf32>
            tpu.vector_store_idx %arg15[%get3A_226, %broadcast_in_dim3A_6], %mul3A_246 {add = true} : memref<10000x8xf32, #tpu.memory_space<vmem>>[vector<16xi32>, vector<16xi32>], vector<16xf32>,
            %gather3A_247 = tpu.vector_load_idx %arg13[%add3A_240, %broadcast_in_dim3A_8] : memref<256x8xf32, #tpu.memory_space<vmem>>[vector<16xi32>, vector<16xi32>], vector<16xf32>,
            %mul3A_248 = arith.mulf %gather3A_247, %get3A_231 : vector<16xf32>
            tpu.vector_store_idx %arg15[%get3A_226, %broadcast_in_dim3A_8], %mul3A_248 {add = true} : memref<10000x8xf32, #tpu.memory_space<vmem>>[vector<16xi32>, vector<16xi32>], vector<16xf32>,
            %gather3A_249 = tpu.vector_load_idx %arg13[%add3A_240, %broadcast_in_dim3A_10] : memref<256x8xf32, #tpu.memory_space<vmem>>[vector<16xi32>, vector<16xi32>], vector<16xf32>,
            %mul3A_250 = arith.mulf %gather3A_249, %get3A_231 : vector<16xf32>
            tpu.vector_store_idx %arg15[%get3A_226, %broadcast_in_dim3A_10], %mul3A_250 {add = true} : memref<10000x8xf32, #tpu.memory_space<vmem>>[vector<16xi32>, vector<16xi32>], vector<16xf32>,
            %gather3A_251 = tpu.vector_load_idx %arg13[%add3A_240, %broadcast_in_dim3A_12] : memref<256x8xf32, #tpu.memory_space<vmem>>[vector<16xi32>, vector<16xi32>], vector<16xf32>,
            %mul3A_252 = arith.mulf %gather3A_251, %get3A_231 : vector<16xf32>
            tpu.vector_store_idx %arg15[%get3A_226, %broadcast_in_dim3A_12], %mul3A_252 {add = true} : memref<10000x8xf32, #tpu.memory_space<vmem>>[vector<16xi32>, vector<16xi32>], vector<16xf32>,
            %gather3A_253 = tpu.vector_load_idx %arg13[%add3A_240, %broadcast_in_dim3A_14] : memref<256x8xf32, #tpu.memory_space<vmem>>[vector<16xi32>, vector<16xi32>], vector<16xf32>,
            %mul3A_254 = arith.mulf %gather3A_253, %get3A_231 : vector<16xf32>
            tpu.vector_store_idx %arg15[%get3A_226, %broadcast_in_dim3A_14], %mul3A_254 {add = true} : memref<10000x8xf32, #tpu.memory_space<vmem>>[vector<16xi32>, vector<16xi32>], vector<16xf32>,
            %gather3A_255 = tpu.vector_load_idx %arg13[%add3A_240, %broadcast_in_dim3A_16] : memref<256x8xf32, #tpu.memory_space<vmem>>[vector<16xi32>, vector<16xi32>], vector<16xf32>,
            %mul3A_256 = arith.mulf %gather3A_255, %get3A_231 : vector<16xf32>
            tpu.vector_store_idx %arg15[%get3A_226, %broadcast_in_dim3A_16], %mul3A_256 {add = true} : memref<10000x8xf32, #tpu.memory_space<vmem>>[vector<16xi32>, vector<16xi32>], vector<16xf32>,
            %mul3A_257 = arith.constant 4 : i32
            %mul3A_258 = arith.muli %scan3A_140, %mul3A_257 : i32
            %add3A_259 = arith.constant 3 : i32
            %add3A_260 = arith.addi %mul3A_258, %add3A_259 : i32
            %mul3A_261 = arith.constant 16 : i32
            %mul3A_262 = arith.muli %add3A_260, %mul3A_261 : i32
            %get3A_263 = arith.index_cast %mul3A_94 : i32 to index
            %get3A_264 = arith.index_cast %mul3A_262 : i32 to index
            %get3A_265 = tpu.vector_load %arg10[%get3A_263, %get3A_264] {strides = array<i32>} : memref<16x256xi32, #tpu.memory_space<vmem>>, vector<16xi32>,
            %mul3A_266 = arith.constant 16 : i32
            %mul3A_267 = arith.muli %add3A_260, %mul3A_266 : i32
            %get3A_268 = arith.index_cast %mul3A_94 : i32 to index
            %get3A_269 = arith.index_cast %mul3A_267 : i32 to index
            %get3A_270 = tpu.vector_load %arg17[%get3A_268, %get3A_269] {strides = array<i32>} : memref<16x256xf32, #tpu.memory_space<vmem>>, vector<16xf32>,
            %eq3A_271 = arith.constant 0 : i32
            %eq3A_272 = arith.cmpi eq, %arg1, %eq3A_271 : i32
            %convert_element_type3A_273 = arith.extui %eq3A_272 : i1 to i32
            %cond3A_274 = arith.constant 0 : i32
            %cond3A_275 = arith.cmpi ne, %convert_element_type3A_273, %cond3A_274 : i32
            scf.if %cond3A_275 {
              tpu.vector_store_idx %arg16[%get3A_265], %get3A_270 {add = true} : memref<10000xf32, #tpu.memory_space<vmem>>[vector<16xi32>], vector<16xf32>,
            } else {
            }
            %mul3A_276 = arith.constant 16 : i32
            %mul3A_277 = arith.muli %add3A_260, %mul3A_276 : i32
            %add3A_278 = vector.broadcast %mul3A_277 : i32 to vector<16xi32>
            %add3A_279 = arith.addi %add3A_278, %iota3A : vector<16xi32>
            %gather3A_280 = tpu.vector_load_idx %arg13[%add3A_279, %broadcast_in_dim3A_2] : memref<256x8xf32, #tpu.memory_space<vmem>>[vector<16xi32>, vector<16xi32>], vector<16xf32>,
            %mul3A_281 = arith.mulf %gather3A_280, %get3A_270 : vector<16xf32>
            tpu.vector_store_idx %arg15[%get3A_265, %broadcast_in_dim3A_2], %mul3A_281 {add = true} : memref<10000x8xf32, #tpu.memory_space<vmem>>[vector<16xi32>, vector<16xi32>], vector<16xf32>,
            %gather3A_282 = tpu.vector_load_idx %arg13[%add3A_279, %broadcast_in_dim3A_4] : memref<256x8xf32, #tpu.memory_space<vmem>>[vector<16xi32>, vector<16xi32>], vector<16xf32>,
            %mul3A_283 = arith.mulf %gather3A_282, %get3A_270 : vector<16xf32>
            tpu.vector_store_idx %arg15[%get3A_265, %broadcast_in_dim3A_4], %mul3A_283 {add = true} : memref<10000x8xf32, #tpu.memory_space<vmem>>[vector<16xi32>, vector<16xi32>], vector<16xf32>,
            %gather3A_284 = tpu.vector_load_idx %arg13[%add3A_279, %broadcast_in_dim3A_6] : memref<256x8xf32, #tpu.memory_space<vmem>>[vector<16xi32>, vector<16xi32>], vector<16xf32>,
            %mul3A_285 = arith.mulf %gather3A_284, %get3A_270 : vector<16xf32>
            tpu.vector_store_idx %arg15[%get3A_265, %broadcast_in_dim3A_6], %mul3A_285 {add = true} : memref<10000x8xf32, #tpu.memory_space<vmem>>[vector<16xi32>, vector<16xi32>], vector<16xf32>,
            %gather3A_286 = tpu.vector_load_idx %arg13[%add3A_279, %broadcast_in_dim3A_8] : memref<256x8xf32, #tpu.memory_space<vmem>>[vector<16xi32>, vector<16xi32>], vector<16xf32>,
            %mul3A_287 = arith.mulf %gather3A_286, %get3A_270 : vector<16xf32>
            tpu.vector_store_idx %arg15[%get3A_265, %broadcast_in_dim3A_8], %mul3A_287 {add = true} : memref<10000x8xf32, #tpu.memory_space<vmem>>[vector<16xi32>, vector<16xi32>], vector<16xf32>,
            %gather3A_288 = tpu.vector_load_idx %arg13[%add3A_279, %broadcast_in_dim3A_10] : memref<256x8xf32, #tpu.memory_space<vmem>>[vector<16xi32>, vector<16xi32>], vector<16xf32>,
            %mul3A_289 = arith.mulf %gather3A_288, %get3A_270 : vector<16xf32>
            tpu.vector_store_idx %arg15[%get3A_265, %broadcast_in_dim3A_10], %mul3A_289 {add = true} : memref<10000x8xf32, #tpu.memory_space<vmem>>[vector<16xi32>, vector<16xi32>], vector<16xf32>,
            %gather3A_290 = tpu.vector_load_idx %arg13[%add3A_279, %broadcast_in_dim3A_12] : memref<256x8xf32, #tpu.memory_space<vmem>>[vector<16xi32>, vector<16xi32>], vector<16xf32>,
            %mul3A_291 = arith.mulf %gather3A_290, %get3A_270 : vector<16xf32>
            tpu.vector_store_idx %arg15[%get3A_265, %broadcast_in_dim3A_12], %mul3A_291 {add = true} : memref<10000x8xf32, #tpu.memory_space<vmem>>[vector<16xi32>, vector<16xi32>], vector<16xf32>,
            %gather3A_292 = tpu.vector_load_idx %arg13[%add3A_279, %broadcast_in_dim3A_14] : memref<256x8xf32, #tpu.memory_space<vmem>>[vector<16xi32>, vector<16xi32>], vector<16xf32>,
            %mul3A_293 = arith.mulf %gather3A_292, %get3A_270 : vector<16xf32>
            tpu.vector_store_idx %arg15[%get3A_265, %broadcast_in_dim3A_14], %mul3A_293 {add = true} : memref<10000x8xf32, #tpu.memory_space<vmem>>[vector<16xi32>, vector<16xi32>], vector<16xf32>,
            %gather3A_294 = tpu.vector_load_idx %arg13[%add3A_279, %broadcast_in_dim3A_16] : memref<256x8xf32, #tpu.memory_space<vmem>>[vector<16xi32>, vector<16xi32>], vector<16xf32>,
            %mul3A_295 = arith.mulf %gather3A_294, %get3A_270 : vector<16xf32>
            tpu.vector_store_idx %arg15[%get3A_265, %broadcast_in_dim3A_16], %mul3A_295 {add = true} : memref<10000x8xf32, #tpu.memory_space<vmem>>[vector<16xi32>, vector<16xi32>], vector<16xf32>,
          }
          %scan3A_117 = arith.constant 4 : i32
          %lt3A = arith.constant 7 : i32
          %lt3A_118 = arith.cmpi slt, %scan3A_92, %lt3A : i32
          %convert_element_type3A_119 = arith.extui %lt3A_118 : i1 to i32
          %cond3A_120 = arith.constant 0 : i32
          %cond3A_121 = arith.cmpi ne, %convert_element_type3A_119, %cond3A_120 : i32
          scf.if %cond3A_121 {
            %add3A_140 = arith.constant 2 : i32
            %add3A_141 = arith.addi %mul3A_94, %add3A_140 : i32
            %dma_start3A_142 = arith.constant 0 : i32
            %dma_start3A_143 = tpu.memref_slice %arg11[%add3A_141, %dma_start3A_142] : memref<16x256xi32, #tpu.memory_space<vmem>> -> memref<1x256xi32, #tpu.memory_space<vmem>>
            %dma_start3A_144 = tpu.memref_squeeze %dma_start3A_143 : memref<1x256xi32, #tpu.memory_space<vmem>> -> memref<256xi32, #tpu.memory_space<vmem>>
            %dma_start3A_145 = arith.constant 0 : i32
            %dma_start3A_146 = tpu.memref_slice %arg2[%mul3A_47, %dma_start3A_145] : memref<640000x8xf32, #tpu.memory_space<hbm>> -> memref<10000x8xf32, #tpu.memory_space<hbm>>
            %dma_start3A_147 = arith.constant 0 : i32
            %dma_start3A_148 = arith.constant 0 : i32
            %dma_start3A_149 = tpu.memref_slice %dma_start3A_146[%dma_start3A_147, %dma_start3A_148] : memref<10000x8xf32, #tpu.memory_space<hbm>> -> memref<10000x8xf32, #tpu.memory_space<hbm>>
            tpu.enqueue_indirect_dma source(%dma_start3A_149 : memref<10000x8xf32, #tpu.memory_space<hbm>>) target(%arg13 : memref<256x8xf32, #tpu.memory_space<vmem>>) offsets(%dma_start3A_144 : memref<256xi32, #tpu.memory_space<vmem>>) semaphore(%arg19 : memref<!tpu.dma_semaphore, #tpu.memory_space<semaphore_mem>>)
          } else {
          }
          %add3A_122 = arith.constant 1 : i32
          %add3A_123 = arith.addi %mul3A_94, %add3A_122 : i32
          %dma_wait3A_124 = arith.constant 0 : i32
          %dma_wait3A_125 = tpu.memref_slice %arg11[%add3A_123, %dma_wait3A_124] : memref<16x256xi32, #tpu.memory_space<vmem>> -> memref<1x256xi32, #tpu.memory_space<vmem>>
          %dma_wait3A_126 = tpu.memref_squeeze %dma_wait3A_125 : memref<1x256xi32, #tpu.memory_space<vmem>> -> memref<256xi32, #tpu.memory_space<vmem>>
          %dma_wait3A_127 = arith.constant 0 : i32
          %dma_wait3A_128 = tpu.memref_slice %arg2[%mul3A_47, %dma_wait3A_127] : memref<640000x8xf32, #tpu.memory_space<hbm>> -> memref<10000x8xf32, #tpu.memory_space<hbm>>
          %dma_wait3A_129 = arith.constant 0 : i32
          %dma_wait3A_130 = arith.constant 0 : i32
          %dma_wait3A_131 = tpu.memref_slice %dma_wait3A_128[%dma_wait3A_129, %dma_wait3A_130] : memref<10000x8xf32, #tpu.memory_space<hbm>> -> memref<10000x8xf32, #tpu.memory_space<hbm>>
          tpu.wait_indirect_dma semaphore(%arg20 : memref<!tpu.dma_semaphore, #tpu.memory_space<semaphore_mem>>) src(%dma_wait3A_131 : memref<10000x8xf32, #tpu.memory_space<hbm>>) dst(%arg14 : memref<256x8xf32, #tpu.memory_space<vmem>>)
          %add3A_132 = arith.constant 1 : i32
          %add3A_133 = arith.addi %mul3A_94, %add3A_132 : i32
          %scan3A_134 = arith.constant 0 : i32
          %scan3A_135 = arith.constant 0 : i32
          %scan3A_136 = arith.constant 4 : i32
          %scan3A_137 = arith.addi %scan3A_135, %scan3A_136 : i32
          %scan3A_138 = arith.constant 1 : i32
          scf.for %scan3A_140 = %scan3A_135 to %scan3A_137 step %scan3A_138  : i32 {
            %mul3A_141 = arith.constant 4 : i32
            %mul3A_142 = arith.muli %scan3A_140, %mul3A_141 : i32
            %add3A_143 = arith.constant 0 : i32
            %add3A_144 = arith.addi %mul3A_142, %add3A_143 : i32
            %mul3A_145 = arith.constant 16 : i32
            %mul3A_146 = arith.muli %add3A_144, %mul3A_145 : i32
            %get3A_147 = arith.index_cast %add3A_133 : i32 to index
            %get3A_148 = arith.index_cast %mul3A_146 : i32 to index
            %get3A_149 = tpu.vector_load %arg10[%get3A_147, %get3A_148] {strides = array<i32>} : memref<16x256xi32, #tpu.memory_space<vmem>>, vector<16xi32>,
            %mul3A_150 = arith.constant 16 : i32
            %mul3A_151 = arith.muli %add3A_144, %mul3A_150 : i32
            %get3A_152 = arith.index_cast %add3A_133 : i32 to index
            %get3A_153 = arith.index_cast %mul3A_151 : i32 to index
            %get3A_154 = tpu.vector_load %arg17[%get3A_152, %get3A_153] {strides = array<i32>} : memref<16x256xf32, #tpu.memory_space<vmem>>, vector<16xf32>,
            %eq3A_155 = arith.constant 0 : i32
            %eq3A_156 = arith.cmpi eq, %arg1, %eq3A_155 : i32
            %convert_element_type3A_157 = arith.extui %eq3A_156 : i1 to i32
            %cond3A_158 = arith.constant 0 : i32
            %cond3A_159 = arith.cmpi ne, %convert_element_type3A_157, %cond3A_158 : i32
            scf.if %cond3A_159 {
              tpu.vector_store_idx %arg16[%get3A_149], %get3A_154 {add = true} : memref<10000xf32, #tpu.memory_space<vmem>>[vector<16xi32>], vector<16xf32>,
            } else {
            }
            %mul3A_160 = arith.constant 16 : i32
            %mul3A_161 = arith.muli %add3A_144, %mul3A_160 : i32
            %add3A_162 = vector.broadcast %mul3A_161 : i32 to vector<16xi32>
            %add3A_163 = arith.addi %add3A_162, %iota3A : vector<16xi32>
            %gather3A = tpu.vector_load_idx %arg14[%add3A_163, %broadcast_in_dim3A_2] : memref<256x8xf32, #tpu.memory_space<vmem>>[vector<16xi32>, vector<16xi32>], vector<16xf32>,
            %mul3A_164 = arith.mulf %gather3A, %get3A_154 : vector<16xf32>
            tpu.vector_store_idx %arg15[%get3A_149, %broadcast_in_dim3A_2], %mul3A_164 {add = true} : memref<10000x8xf32, #tpu.memory_space<vmem>>[vector<16xi32>, vector<16xi32>], vector<16xf32>,
            %gather3A_165 = tpu.vector_load_idx %arg14[%add3A_163, %broadcast_in_dim3A_4] : memref<256x8xf32, #tpu.memory_space<vmem>>[vector<16xi32>, vector<16xi32>], vector<16xf32>,
            %mul3A_166 = arith.mulf %gather3A_165, %get3A_154 : vector<16xf32>
            tpu.vector_store_idx %arg15[%get3A_149, %broadcast_in_dim3A_4], %mul3A_166 {add = true} : memref<10000x8xf32, #tpu.memory_space<vmem>>[vector<16xi32>, vector<16xi32>], vector<16xf32>,
            %gather3A_167 = tpu.vector_load_idx %arg14[%add3A_163, %broadcast_in_dim3A_6] : memref<256x8xf32, #tpu.memory_space<vmem>>[vector<16xi32>, vector<16xi32>], vector<16xf32>,
            %mul3A_168 = arith.mulf %gather3A_167, %get3A_154 : vector<16xf32>
            tpu.vector_store_idx %arg15[%get3A_149, %broadcast_in_dim3A_6], %mul3A_168 {add = true} : memref<10000x8xf32, #tpu.memory_space<vmem>>[vector<16xi32>, vector<16xi32>], vector<16xf32>,
            %gather3A_169 = tpu.vector_load_idx %arg14[%add3A_163, %broadcast_in_dim3A_8] : memref<256x8xf32, #tpu.memory_space<vmem>>[vector<16xi32>, vector<16xi32>], vector<16xf32>,
            %mul3A_170 = arith.mulf %gather3A_169, %get3A_154 : vector<16xf32>
            tpu.vector_store_idx %arg15[%get3A_149, %broadcast_in_dim3A_8], %mul3A_170 {add = true} : memref<10000x8xf32, #tpu.memory_space<vmem>>[vector<16xi32>, vector<16xi32>], vector<16xf32>,
            %gather3A_171 = tpu.vector_load_idx %arg14[%add3A_163, %broadcast_in_dim3A_10] : memref<256x8xf32, #tpu.memory_space<vmem>>[vector<16xi32>, vector<16xi32>], vector<16xf32>,
            %mul3A_172 = arith.mulf %gather3A_171, %get3A_154 : vector<16xf32>
            tpu.vector_store_idx %arg15[%get3A_149, %broadcast_in_dim3A_10], %mul3A_172 {add = true} : memref<10000x8xf32, #tpu.memory_space<vmem>>[vector<16xi32>, vector<16xi32>], vector<16xf32>,
            %gather3A_173 = tpu.vector_load_idx %arg14[%add3A_163, %broadcast_in_dim3A_12] : memref<256x8xf32, #tpu.memory_space<vmem>>[vector<16xi32>, vector<16xi32>], vector<16xf32>,
            %mul3A_174 = arith.mulf %gather3A_173, %get3A_154 : vector<16xf32>
            tpu.vector_store_idx %arg15[%get3A_149, %broadcast_in_dim3A_12], %mul3A_174 {add = true} : memref<10000x8xf32, #tpu.memory_space<vmem>>[vector<16xi32>, vector<16xi32>], vector<16xf32>,
            %gather3A_175 = tpu.vector_load_idx %arg14[%add3A_163, %broadcast_in_dim3A_14] : memref<256x8xf32, #tpu.memory_space<vmem>>[vector<16xi32>, vector<16xi32>], vector<16xf32>,
            %mul3A_176 = arith.mulf %gather3A_175, %get3A_154 : vector<16xf32>
            tpu.vector_store_idx %arg15[%get3A_149, %broadcast_in_dim3A_14], %mul3A_176 {add = true} : memref<10000x8xf32, #tpu.memory_space<vmem>>[vector<16xi32>, vector<16xi32>], vector<16xf32>,
            %gather3A_177 = tpu.vector_load_idx %arg14[%add3A_163, %broadcast_in_dim3A_16] : memref<256x8xf32, #tpu.memory_space<vmem>>[vector<16xi32>, vector<16xi32>], vector<16xf32>,
            %mul3A_178 = arith.mulf %gather3A_177, %get3A_154 : vector<16xf32>
            tpu.vector_store_idx %arg15[%get3A_149, %broadcast_in_dim3A_16], %mul3A_178 {add = true} : memref<10000x8xf32, #tpu.memory_space<vmem>>[vector<16xi32>, vector<16xi32>], vector<16xf32>,
            %mul3A_179 = arith.constant 4 : i32
            %mul3A_180 = arith.muli %scan3A_140, %mul3A_179 : i32
            %add3A_181 = arith.constant 1 : i32
            %add3A_182 = arith.addi %mul3A_180, %add3A_181 : i32
            %mul3A_183 = arith.constant 16 : i32
            %mul3A_184 = arith.muli %add3A_182, %mul3A_183 : i32
            %get3A_185 = arith.index_cast %add3A_133 : i32 to index
            %get3A_186 = arith.index_cast %mul3A_184 : i32 to index
            %get3A_187 = tpu.vector_load %arg10[%get3A_185, %get3A_186] {strides = array<i32>} : memref<16x256xi32, #tpu.memory_space<vmem>>, vector<16xi32>,
            %mul3A_188 = arith.constant 16 : i32
            %mul3A_189 = arith.muli %add3A_182, %mul3A_188 : i32
            %get3A_190 = arith.index_cast %add3A_133 : i32 to index
            %get3A_191 = arith.index_cast %mul3A_189 : i32 to index
            %get3A_192 = tpu.vector_load %arg17[%get3A_190, %get3A_191] {strides = array<i32>} : memref<16x256xf32, #tpu.memory_space<vmem>>, vector<16xf32>,
            %eq3A_193 = arith.constant 0 : i32
            %eq3A_194 = arith.cmpi eq, %arg1, %eq3A_193 : i32
            %convert_element_type3A_195 = arith.extui %eq3A_194 : i1 to i32
            %cond3A_196 = arith.constant 0 : i32
            %cond3A_197 = arith.cmpi ne, %convert_element_type3A_195, %cond3A_196 : i32
            scf.if %cond3A_197 {
              tpu.vector_store_idx %arg16[%get3A_187], %get3A_192 {add = true} : memref<10000xf32, #tpu.memory_space<vmem>>[vector<16xi32>], vector<16xf32>,
            } else {
            }
            %mul3A_198 = arith.constant 16 : i32
            %mul3A_199 = arith.muli %add3A_182, %mul3A_198 : i32
            %add3A_200 = vector.broadcast %mul3A_199 : i32 to vector<16xi32>
            %add3A_201 = arith.addi %add3A_200, %iota3A : vector<16xi32>
            %gather3A_202 = tpu.vector_load_idx %arg14[%add3A_201, %broadcast_in_dim3A_2] : memref<256x8xf32, #tpu.memory_space<vmem>>[vector<16xi32>, vector<16xi32>], vector<16xf32>,
            %mul3A_203 = arith.mulf %gather3A_202, %get3A_192 : vector<16xf32>
            tpu.vector_store_idx %arg15[%get3A_187, %broadcast_in_dim3A_2], %mul3A_203 {add = true} : memref<10000x8xf32, #tpu.memory_space<vmem>>[vector<16xi32>, vector<16xi32>], vector<16xf32>,
            %gather3A_204 = tpu.vector_load_idx %arg14[%add3A_201, %broadcast_in_dim3A_4] : memref<256x8xf32, #tpu.memory_space<vmem>>[vector<16xi32>, vector<16xi32>], vector<16xf32>,
            %mul3A_205 = arith.mulf %gather3A_204, %get3A_192 : vector<16xf32>
            tpu.vector_store_idx %arg15[%get3A_187, %broadcast_in_dim3A_4], %mul3A_205 {add = true} : memref<10000x8xf32, #tpu.memory_space<vmem>>[vector<16xi32>, vector<16xi32>], vector<16xf32>,
            %gather3A_206 = tpu.vector_load_idx %arg14[%add3A_201, %broadcast_in_dim3A_6] : memref<256x8xf32, #tpu.memory_space<vmem>>[vector<16xi32>, vector<16xi32>], vector<16xf32>,
            %mul3A_207 = arith.mulf %gather3A_206, %get3A_192 : vector<16xf32>
            tpu.vector_store_idx %arg15[%get3A_187, %broadcast_in_dim3A_6], %mul3A_207 {add = true} : memref<10000x8xf32, #tpu.memory_space<vmem>>[vector<16xi32>, vector<16xi32>], vector<16xf32>,
            %gather3A_208 = tpu.vector_load_idx %arg14[%add3A_201, %broadcast_in_dim3A_8] : memref<256x8xf32, #tpu.memory_space<vmem>>[vector<16xi32>, vector<16xi32>], vector<16xf32>,
            %mul3A_209 = arith.mulf %gather3A_208, %get3A_192 : vector<16xf32>
            tpu.vector_store_idx %arg15[%get3A_187, %broadcast_in_dim3A_8], %mul3A_209 {add = true} : memref<10000x8xf32, #tpu.memory_space<vmem>>[vector<16xi32>, vector<16xi32>], vector<16xf32>,
            %gather3A_210 = tpu.vector_load_idx %arg14[%add3A_201, %broadcast_in_dim3A_10] : memref<256x8xf32, #tpu.memory_space<vmem>>[vector<16xi32>, vector<16xi32>], vector<16xf32>,
            %mul3A_211 = arith.mulf %gather3A_210, %get3A_192 : vector<16xf32>
            tpu.vector_store_idx %arg15[%get3A_187, %broadcast_in_dim3A_10], %mul3A_211 {add = true} : memref<10000x8xf32, #tpu.memory_space<vmem>>[vector<16xi32>, vector<16xi32>], vector<16xf32>,
            %gather3A_212 = tpu.vector_load_idx %arg14[%add3A_201, %broadcast_in_dim3A_12] : memref<256x8xf32, #tpu.memory_space<vmem>>[vector<16xi32>, vector<16xi32>], vector<16xf32>,
            %mul3A_213 = arith.mulf %gather3A_212, %get3A_192 : vector<16xf32>
            tpu.vector_store_idx %arg15[%get3A_187, %broadcast_in_dim3A_12], %mul3A_213 {add = true} : memref<10000x8xf32, #tpu.memory_space<vmem>>[vector<16xi32>, vector<16xi32>], vector<16xf32>,
            %gather3A_214 = tpu.vector_load_idx %arg14[%add3A_201, %broadcast_in_dim3A_14] : memref<256x8xf32, #tpu.memory_space<vmem>>[vector<16xi32>, vector<16xi32>], vector<16xf32>,
            %mul3A_215 = arith.mulf %gather3A_214, %get3A_192 : vector<16xf32>
            tpu.vector_store_idx %arg15[%get3A_187, %broadcast_in_dim3A_14], %mul3A_215 {add = true} : memref<10000x8xf32, #tpu.memory_space<vmem>>[vector<16xi32>, vector<16xi32>], vector<16xf32>,
            %gather3A_216 = tpu.vector_load_idx %arg14[%add3A_201, %broadcast_in_dim3A_16] : memref<256x8xf32, #tpu.memory_space<vmem>>[vector<16xi32>, vector<16xi32>], vector<16xf32>,
            %mul3A_217 = arith.mulf %gather3A_216, %get3A_192 : vector<16xf32>
            tpu.vector_store_idx %arg15[%get3A_187, %broadcast_in_dim3A_16], %mul3A_217 {add = true} : memref<10000x8xf32, #tpu.memory_space<vmem>>[vector<16xi32>, vector<16xi32>], vector<16xf32>,
            %mul3A_218 = arith.constant 4 : i32
            %mul3A_219 = arith.muli %scan3A_140, %mul3A_218 : i32
            %add3A_220 = arith.constant 2 : i32
            %add3A_221 = arith.addi %mul3A_219, %add3A_220 : i32
            %mul3A_222 = arith.constant 16 : i32
            %mul3A_223 = arith.muli %add3A_221, %mul3A_222 : i32
            %get3A_224 = arith.index_cast %add3A_133 : i32 to index
            %get3A_225 = arith.index_cast %mul3A_223 : i32 to index
            %get3A_226 = tpu.vector_load %arg10[%get3A_224, %get3A_225] {strides = array<i32>} : memref<16x256xi32, #tpu.memory_space<vmem>>, vector<16xi32>,
            %mul3A_227 = arith.constant 16 : i32
            %mul3A_228 = arith.muli %add3A_221, %mul3A_227 : i32
            %get3A_229 = arith.index_cast %add3A_133 : i32 to index
            %get3A_230 = arith.index_cast %mul3A_228 : i32 to index
            %get3A_231 = tpu.vector_load %arg17[%get3A_229, %get3A_230] {strides = array<i32>} : memref<16x256xf32, #tpu.memory_space<vmem>>, vector<16xf32>,
            %eq3A_232 = arith.constant 0 : i32
            %eq3A_233 = arith.cmpi eq, %arg1, %eq3A_232 : i32
            %convert_element_type3A_234 = arith.extui %eq3A_233 : i1 to i32
            %cond3A_235 = arith.constant 0 : i32
            %cond3A_236 = arith.cmpi ne, %convert_element_type3A_234, %cond3A_235 : i32
            scf.if %cond3A_236 {
              tpu.vector_store_idx %arg16[%get3A_226], %get3A_231 {add = true} : memref<10000xf32, #tpu.memory_space<vmem>>[vector<16xi32>], vector<16xf32>,
            } else {
            }
            %mul3A_237 = arith.constant 16 : i32
            %mul3A_238 = arith.muli %add3A_221, %mul3A_237 : i32
            %add3A_239 = vector.broadcast %mul3A_238 : i32 to vector<16xi32>
            %add3A_240 = arith.addi %add3A_239, %iota3A : vector<16xi32>
            %gather3A_241 = tpu.vector_load_idx %arg14[%add3A_240, %broadcast_in_dim3A_2] : memref<256x8xf32, #tpu.memory_space<vmem>>[vector<16xi32>, vector<16xi32>], vector<16xf32>,
            %mul3A_242 = arith.mulf %gather3A_241, %get3A_231 : vector<16xf32>
            tpu.vector_store_idx %arg15[%get3A_226, %broadcast_in_dim3A_2], %mul3A_242 {add = true} : memref<10000x8xf32, #tpu.memory_space<vmem>>[vector<16xi32>, vector<16xi32>], vector<16xf32>,
            %gather3A_243 = tpu.vector_load_idx %arg14[%add3A_240, %broadcast_in_dim3A_4] : memref<256x8xf32, #tpu.memory_space<vmem>>[vector<16xi32>, vector<16xi32>], vector<16xf32>,
            %mul3A_244 = arith.mulf %gather3A_243, %get3A_231 : vector<16xf32>
            tpu.vector_store_idx %arg15[%get3A_226, %broadcast_in_dim3A_4], %mul3A_244 {add = true} : memref<10000x8xf32, #tpu.memory_space<vmem>>[vector<16xi32>, vector<16xi32>], vector<16xf32>,
            %gather3A_245 = tpu.vector_load_idx %arg14[%add3A_240, %broadcast_in_dim3A_6] : memref<256x8xf32, #tpu.memory_space<vmem>>[vector<16xi32>, vector<16xi32>], vector<16xf32>,
            %mul3A_246 = arith.mulf %gather3A_245, %get3A_231 : vector<16xf32>
            tpu.vector_store_idx %arg15[%get3A_226, %broadcast_in_dim3A_6], %mul3A_246 {add = true} : memref<10000x8xf32, #tpu.memory_space<vmem>>[vector<16xi32>, vector<16xi32>], vector<16xf32>,
            %gather3A_247 = tpu.vector_load_idx %arg14[%add3A_240, %broadcast_in_dim3A_8] : memref<256x8xf32, #tpu.memory_space<vmem>>[vector<16xi32>, vector<16xi32>], vector<16xf32>,
            %mul3A_248 = arith.mulf %gather3A_247, %get3A_231 : vector<16xf32>
            tpu.vector_store_idx %arg15[%get3A_226, %broadcast_in_dim3A_8], %mul3A_248 {add = true} : memref<10000x8xf32, #tpu.memory_space<vmem>>[vector<16xi32>, vector<16xi32>], vector<16xf32>,
            %gather3A_249 = tpu.vector_load_idx %arg14[%add3A_240, %broadcast_in_dim3A_10] : memref<256x8xf32, #tpu.memory_space<vmem>>[vector<16xi32>, vector<16xi32>], vector<16xf32>,
            %mul3A_250 = arith.mulf %gather3A_249, %get3A_231 : vector<16xf32>
            tpu.vector_store_idx %arg15[%get3A_226, %broadcast_in_dim3A_10], %mul3A_250 {add = true} : memref<10000x8xf32, #tpu.memory_space<vmem>>[vector<16xi32>, vector<16xi32>], vector<16xf32>,
            %gather3A_251 = tpu.vector_load_idx %arg14[%add3A_240, %broadcast_in_dim3A_12] : memref<256x8xf32, #tpu.memory_space<vmem>>[vector<16xi32>, vector<16xi32>], vector<16xf32>,
            %mul3A_252 = arith.mulf %gather3A_251, %get3A_231 : vector<16xf32>
            tpu.vector_store_idx %arg15[%get3A_226, %broadcast_in_dim3A_12], %mul3A_252 {add = true} : memref<10000x8xf32, #tpu.memory_space<vmem>>[vector<16xi32>, vector<16xi32>], vector<16xf32>,
            %gather3A_253 = tpu.vector_load_idx %arg14[%add3A_240, %broadcast_in_dim3A_14] : memref<256x8xf32, #tpu.memory_space<vmem>>[vector<16xi32>, vector<16xi32>], vector<16xf32>,
            %mul3A_254 = arith.mulf %gather3A_253, %get3A_231 : vector<16xf32>
            tpu.vector_store_idx %arg15[%get3A_226, %broadcast_in_dim3A_14], %mul3A_254 {add = true} : memref<10000x8xf32, #tpu.memory_space<vmem>>[vector<16xi32>, vector<16xi32>], vector<16xf32>,
            %gather3A_255 = tpu.vector_load_idx %arg14[%add3A_240, %broadcast_in_dim3A_16] : memref<256x8xf32, #tpu.memory_space<vmem>>[vector<16xi32>, vector<16xi32>], vector<16xf32>,
            %mul3A_256 = arith.mulf %gather3A_255, %get3A_231 : vector<16xf32>
            tpu.vector_store_idx %arg15[%get3A_226, %broadcast_in_dim3A_16], %mul3A_256 {add = true} : memref<10000x8xf32, #tpu.memory_space<vmem>>[vector<16xi32>, vector<16xi32>], vector<16xf32>,
            %mul3A_257 = arith.constant 4 : i32
            %mul3A_258 = arith.muli %scan3A_140, %mul3A_257 : i32
            %add3A_259 = arith.constant 3 : i32
            %add3A_260 = arith.addi %mul3A_258, %add3A_259 : i32
            %mul3A_261 = arith.constant 16 : i32
            %mul3A_262 = arith.muli %add3A_260, %mul3A_261 : i32
            %get3A_263 = arith.index_cast %add3A_133 : i32 to index
            %get3A_264 = arith.index_cast %mul3A_262 : i32 to index
            %get3A_265 = tpu.vector_load %arg10[%get3A_263, %get3A_264] {strides = array<i32>} : memref<16x256xi32, #tpu.memory_space<vmem>>, vector<16xi32>,
            %mul3A_266 = arith.constant 16 : i32
            %mul3A_267 = arith.muli %add3A_260, %mul3A_266 : i32
            %get3A_268 = arith.index_cast %add3A_133 : i32 to index
            %get3A_269 = arith.index_cast %mul3A_267 : i32 to index
            %get3A_270 = tpu.vector_load %arg17[%get3A_268, %get3A_269] {strides = array<i32>} : memref<16x256xf32, #tpu.memory_space<vmem>>, vector<16xf32>,
            %eq3A_271 = arith.constant 0 : i32
            %eq3A_272 = arith.cmpi eq, %arg1, %eq3A_271 : i32
            %convert_element_type3A_273 = arith.extui %eq3A_272 : i1 to i32
            %cond3A_274 = arith.constant 0 : i32
            %cond3A_275 = arith.cmpi ne, %convert_element_type3A_273, %cond3A_274 : i32
            scf.if %cond3A_275 {
              tpu.vector_store_idx %arg16[%get3A_265], %get3A_270 {add = true} : memref<10000xf32, #tpu.memory_space<vmem>>[vector<16xi32>], vector<16xf32>,
            } else {
            }
            %mul3A_276 = arith.constant 16 : i32
            %mul3A_277 = arith.muli %add3A_260, %mul3A_276 : i32
            %add3A_278 = vector.broadcast %mul3A_277 : i32 to vector<16xi32>
            %add3A_279 = arith.addi %add3A_278, %iota3A : vector<16xi32>
            %gather3A_280 = tpu.vector_load_idx %arg14[%add3A_279, %broadcast_in_dim3A_2] : memref<256x8xf32, #tpu.memory_space<vmem>>[vector<16xi32>, vector<16xi32>], vector<16xf32>,
            %mul3A_281 = arith.mulf %gather3A_280, %get3A_270 : vector<16xf32>
            tpu.vector_store_idx %arg15[%get3A_265, %broadcast_in_dim3A_2], %mul3A_281 {add = true} : memref<10000x8xf32, #tpu.memory_space<vmem>>[vector<16xi32>, vector<16xi32>], vector<16xf32>,
            %gather3A_282 = tpu.vector_load_idx %arg14[%add3A_279, %broadcast_in_dim3A_4] : memref<256x8xf32, #tpu.memory_space<vmem>>[vector<16xi32>, vector<16xi32>], vector<16xf32>,
            %mul3A_283 = arith.mulf %gather3A_282, %get3A_270 : vector<16xf32>
            tpu.vector_store_idx %arg15[%get3A_265, %broadcast_in_dim3A_4], %mul3A_283 {add = true} : memref<10000x8xf32, #tpu.memory_space<vmem>>[vector<16xi32>, vector<16xi32>], vector<16xf32>,
            %gather3A_284 = tpu.vector_load_idx %arg14[%add3A_279, %broadcast_in_dim3A_6] : memref<256x8xf32, #tpu.memory_space<vmem>>[vector<16xi32>, vector<16xi32>], vector<16xf32>,
            %mul3A_285 = arith.mulf %gather3A_284, %get3A_270 : vector<16xf32>
            tpu.vector_store_idx %arg15[%get3A_265, %broadcast_in_dim3A_6], %mul3A_285 {add = true} : memref<10000x8xf32, #tpu.memory_space<vmem>>[vector<16xi32>, vector<16xi32>], vector<16xf32>,
            %gather3A_286 = tpu.vector_load_idx %arg14[%add3A_279, %broadcast_in_dim3A_8] : memref<256x8xf32, #tpu.memory_space<vmem>>[vector<16xi32>, vector<16xi32>], vector<16xf32>,
            %mul3A_287 = arith.mulf %gather3A_286, %get3A_270 : vector<16xf32>
            tpu.vector_store_idx %arg15[%get3A_265, %broadcast_in_dim3A_8], %mul3A_287 {add = true} : memref<10000x8xf32, #tpu.memory_space<vmem>>[vector<16xi32>, vector<16xi32>], vector<16xf32>,
            %gather3A_288 = tpu.vector_load_idx %arg14[%add3A_279, %broadcast_in_dim3A_10] : memref<256x8xf32, #tpu.memory_space<vmem>>[vector<16xi32>, vector<16xi32>], vector<16xf32>,
            %mul3A_289 = arith.mulf %gather3A_288, %get3A_270 : vector<16xf32>
            tpu.vector_store_idx %arg15[%get3A_265, %broadcast_in_dim3A_10], %mul3A_289 {add = true} : memref<10000x8xf32, #tpu.memory_space<vmem>>[vector<16xi32>, vector<16xi32>], vector<16xf32>,
            %gather3A_290 = tpu.vector_load_idx %arg14[%add3A_279, %broadcast_in_dim3A_12] : memref<256x8xf32, #tpu.memory_space<vmem>>[vector<16xi32>, vector<16xi32>], vector<16xf32>,
            %mul3A_291 = arith.mulf %gather3A_290, %get3A_270 : vector<16xf32>
            tpu.vector_store_idx %arg15[%get3A_265, %broadcast_in_dim3A_12], %mul3A_291 {add = true} : memref<10000x8xf32, #tpu.memory_space<vmem>>[vector<16xi32>, vector<16xi32>], vector<16xf32>,
            %gather3A_292 = tpu.vector_load_idx %arg14[%add3A_279, %broadcast_in_dim3A_14] : memref<256x8xf32, #tpu.memory_space<vmem>>[vector<16xi32>, vector<16xi32>], vector<16xf32>,
            %mul3A_293 = arith.mulf %gather3A_292, %get3A_270 : vector<16xf32>
            tpu.vector_store_idx %arg15[%get3A_265, %broadcast_in_dim3A_14], %mul3A_293 {add = true} : memref<10000x8xf32, #tpu.memory_space<vmem>>[vector<16xi32>, vector<16xi32>], vector<16xf32>,
            %gather3A_294 = tpu.vector_load_idx %arg14[%add3A_279, %broadcast_in_dim3A_16] : memref<256x8xf32, #tpu.memory_space<vmem>>[vector<16xi32>, vector<16xi32>], vector<16xf32>,
            %mul3A_295 = arith.mulf %gather3A_294, %get3A_270 : vector<16xf32>
            tpu.vector_store_idx %arg15[%get3A_265, %broadcast_in_dim3A_16], %mul3A_295 {add = true} : memref<10000x8xf32, #tpu.memory_space<vmem>>[vector<16xi32>, vector<16xi32>], vector<16xf32>,
          }
          %scan3A_139 = arith.constant 4 : i32
        }
        %scan3A_91 = arith.constant 8 : i32
      }
      %scan3A_61 = arith.constant 80 : i32
      %add3A_62 = arith.constant 48 : i32
      %add3A_63 = arith.addi %add3A_62, %arg1 : i32
      "tpu.region"() ({
        %run_scoped3A = tpu.sem_alloc : memref<!tpu.dma_semaphore, #tpu.memory_space<semaphore_mem>>
        %dma_start3A = arith.constant 0 : i32
        %dma_start3A_69 = arith.constant 0 : i32
        %dma_start3A_70 = tpu.memref_slice %arg7[%add3A_63, %dma_start3A, %dma_start3A_69] : memref<64x10000x8xf32, #tpu.memory_space<hbm>> -> memref<1x10000x8xf32, #tpu.memory_space<hbm>>
        %dma_start3A_71 = tpu.memref_squeeze %dma_start3A_70 : memref<1x10000x8xf32, #tpu.memory_space<hbm>> -> memref<10000x8xf32, #tpu.memory_space<hbm>>
        %dma_start3A_72 = arith.constant 0 : i32
        %dma_start3A_73 = arith.constant 0 : i32
        %dma_start3A_74 = tpu.memref_slice %arg7[%add3A_63, %dma_start3A_72, %dma_start3A_73] : memref<64x10000x8xf32, #tpu.memory_space<hbm>> -> memref<1x10000x8xf32, #tpu.memory_space<hbm>>
        %dma_start3A_75 = tpu.memref_squeeze %dma_start3A_74 : memref<1x10000x8xf32, #tpu.memory_space<hbm>> -> memref<10000x8xf32, #tpu.memory_space<hbm>>
        tpu.enqueue_dma source(%arg15 : memref<10000x8xf32, #tpu.memory_space<vmem>>) target(%dma_start3A_75 : memref<10000x8xf32, #tpu.memory_space<hbm>>) target_semaphore(%run_scoped3A : memref<!tpu.dma_semaphore, #tpu.memory_space<semaphore_mem>>)
        %dma_wait3A = arith.constant 0 : i32
        %dma_wait3A_76 = arith.constant 0 : i32
        %dma_wait3A_77 = tpu.memref_slice %arg7[%add3A_63, %dma_wait3A, %dma_wait3A_76] : memref<64x10000x8xf32, #tpu.memory_space<hbm>> -> memref<1x10000x8xf32, #tpu.memory_space<hbm>>
        %dma_wait3A_78 = tpu.memref_squeeze %dma_wait3A_77 : memref<1x10000x8xf32, #tpu.memory_space<hbm>> -> memref<10000x8xf32, #tpu.memory_space<hbm>>
        %dma_wait3A_79 = arith.constant 0 : i32
        %dma_wait3A_80 = arith.constant 0 : i32
        %dma_wait3A_81 = tpu.memref_slice %arg7[%add3A_63, %dma_wait3A_79, %dma_wait3A_80] : memref<64x10000x8xf32, #tpu.memory_space<hbm>> -> memref<1x10000x8xf32, #tpu.memory_space<hbm>>
        %dma_wait3A_82 = tpu.memref_squeeze %dma_wait3A_81 : memref<1x10000x8xf32, #tpu.memory_space<hbm>> -> memref<10000x8xf32, #tpu.memory_space<hbm>>
        tpu.wait_dma2 semaphore(%run_scoped3A : memref<!tpu.dma_semaphore, #tpu.memory_space<semaphore_mem>>) src(%arg15 : memref<10000x8xf32, #tpu.memory_space<vmem>>) dst(%dma_wait3A_82 : memref<10000x8xf32, #tpu.memory_space<hbm>>)
        tpu.yield
      }) : () -> ()
      %eq3A_64 = arith.constant 0 : i32
      %eq3A_65 = arith.cmpi eq, %arg1, %eq3A_64 : i32
      %convert_element_type3A_66 = arith.extui %eq3A_65 : i1 to i32
      %cond3A_67 = arith.constant 0 : i32
      %cond3A_68 = arith.cmpi ne, %convert_element_type3A_66, %cond3A_67 : i32
      scf.if %cond3A_68 {
        "tpu.region"() ({
          %run_scoped3A = tpu.sem_alloc : memref<!tpu.dma_semaphore, #tpu.memory_space<semaphore_mem>>
          %dma_start3A = arith.constant 30000 : i32
          %dma_start3A_69 = tpu.memref_slice %arg8[%dma_start3A] : memref<40000xf32, #tpu.memory_space<hbm>> -> memref<10000xf32, #tpu.memory_space<hbm>>
          %dma_start3A_70 = arith.constant 30000 : i32
          %dma_start3A_71 = tpu.memref_slice %arg8[%dma_start3A_70] : memref<40000xf32, #tpu.memory_space<hbm>> -> memref<10000xf32, #tpu.memory_space<hbm>>
          tpu.enqueue_dma source(%arg16 : memref<10000xf32, #tpu.memory_space<vmem>>) target(%dma_start3A_71 : memref<10000xf32, #tpu.memory_space<hbm>>) target_semaphore(%run_scoped3A : memref<!tpu.dma_semaphore, #tpu.memory_space<semaphore_mem>>)
          %dma_wait3A = arith.constant 30000 : i32
          %dma_wait3A_72 = tpu.memref_slice %arg8[%dma_wait3A] : memref<40000xf32, #tpu.memory_space<hbm>> -> memref<10000xf32, #tpu.memory_space<hbm>>
          %dma_wait3A_73 = arith.constant 30000 : i32
          %dma_wait3A_74 = tpu.memref_slice %arg8[%dma_wait3A_73] : memref<40000xf32, #tpu.memory_space<hbm>> -> memref<10000xf32, #tpu.memory_space<hbm>>
          tpu.wait_dma2 semaphore(%run_scoped3A : memref<!tpu.dma_semaphore, #tpu.memory_space<semaphore_mem>>) src(%arg16 : memref<10000xf32, #tpu.memory_space<vmem>>) dst(%dma_wait3A_74 : memref<10000xf32, #tpu.memory_space<hbm>>)
          tpu.yield
        }) : () -> ()
      } else {
      }
    } else {
    }
    return
  }
}

module attributes {stable_mosaic.version = 14 : i64} {
  func.func @body(%arg0: i32, %arg1: memref<1000x128xf32, #tpu.memory_space<vmem>>, %arg2: memref<128x512xf32, #tpu.memory_space<vmem>>, %arg3: memref<512x128xf32, #tpu.memory_space<vmem>>, %arg4: memref<8x128xf32, #tpu.memory_space<vmem>>, %arg5: memref<1000x128xf32, #tpu.memory_space<vmem>>, %arg6: memref<1000x128xf32, #tpu.memory_space<vmem>>, %arg7: memref<1000x128xf32, #tpu.memory_space<vmem>>, %arg8: memref<1000x128xf32, #tpu.memory_space<vmem>>, %arg9: memref<1000x128xf32, #tpu.memory_space<vmem>>, %arg10: memref<8x128xf32, #tpu.memory_space<vmem>>) attributes {dimension_semantics = [#tpu.dimension_semantics<arbitrary>], iteration_bounds = array<i64: 10>, scalar_prefetch = 0 : i64, scratch_operands = 0 : i64, tpu.core_type = #tpu.core_type<tc>, window_params = [{transform_indices = @transform_0, window_bounds = array<i64: 1000, 128>}, {pipeline_mode = #tpu.pipeline_mode<synchronous>, transform_indices = @transform_1, window_bounds = array<i64: 128, 512>}, {pipeline_mode = #tpu.pipeline_mode<synchronous>, transform_indices = @transform_2, window_bounds = array<i64: 512, 128>}, {pipeline_mode = #tpu.pipeline_mode<synchronous>, transform_indices = @transform_3, window_bounds = array<i64: 8, 128>}, {transform_indices = @transform_4, window_bounds = array<i64: 1000, 128>}, {transform_indices = @transform_5, window_bounds = array<i64: 1000, 128>}, {transform_indices = @transform_6, window_bounds = array<i64: 1000, 128>}, {transform_indices = @transform_7, window_bounds = array<i64: 1000, 128>}, {transform_indices = @transform_8, window_bounds = array<i64: 1000, 128>}, {pipeline_mode = #tpu.pipeline_mode<synchronous>, transform_indices = @transform_9, window_bounds = array<i64: 8, 128>}]} {
    %get3A = arith.constant 0 : index
    %get3A_0 = arith.constant 0 : index
    %get3A_1 = vector.load %arg1[%get3A, %get3A_0] : memref<1000x128xf32, #tpu.memory_space<vmem>>, vector<1000x128xf32>
    %get3A_2 = arith.constant 0 : index
    %get3A_3 = arith.constant 0 : index
    %get3A_4 = vector.load %arg2[%get3A_2, %get3A_3] : memref<128x512xf32, #tpu.memory_space<vmem>>, vector<128x512xf32>
    %dot_general3A = arith.constant dense<0.000000e+00> : vector<1000x512xf32>
    %dot_general3A_5 = tpu.matmul %get3A_1, %get3A_4, %dot_general3A {dimension_numbers = #tpu.dot_dimension_numbers<[1], [0], [0], [1], [0, 0, 1, 1], [], []>, transpose_lhs_hint = false} : vector<1000x128xf32>, vector<128x512xf32>, vector<1000x512xf32> -> vector<1000x512xf32>
    %slice3A = vector.extract_strided_slice %dot_general3A_5 {offsets = [0, 0], sizes = [1000, 128], strides = [1, 1]} : vector<1000x512xf32> to vector<1000x128xf32>
    %swap3A = arith.constant 0 : index
    %swap3A_6 = arith.constant 0 : index
    %swap3A_7 = vector.load %arg5[%swap3A, %swap3A_6] : memref<1000x128xf32, #tpu.memory_space<vmem>>, vector<1000x128xf32>
    tpu.vector_store %arg5[%swap3A, %swap3A_6], %slice3A {strides = array<i32>} : memref<1000x128xf32, #tpu.memory_space<vmem>>, vector<1000x128xf32>,
    %slice3A_8 = vector.extract_strided_slice %dot_general3A_5 {offsets = [0, 128], sizes = [1000, 128], strides = [1, 1]} : vector<1000x512xf32> to vector<1000x128xf32>
    %swap3A_9 = arith.constant 0 : index
    %swap3A_10 = arith.constant 0 : index
    %swap3A_11 = vector.load %arg6[%swap3A_9, %swap3A_10] : memref<1000x128xf32, #tpu.memory_space<vmem>>, vector<1000x128xf32>
    tpu.vector_store %arg6[%swap3A_9, %swap3A_10], %slice3A_8 {strides = array<i32>} : memref<1000x128xf32, #tpu.memory_space<vmem>>, vector<1000x128xf32>,
    %slice3A_12 = vector.extract_strided_slice %dot_general3A_5 {offsets = [0, 256], sizes = [1000, 128], strides = [1, 1]} : vector<1000x512xf32> to vector<1000x128xf32>
    %swap3A_13 = arith.constant 0 : index
    %swap3A_14 = arith.constant 0 : index
    %swap3A_15 = vector.load %arg7[%swap3A_13, %swap3A_14] : memref<1000x128xf32, #tpu.memory_space<vmem>>, vector<1000x128xf32>
    tpu.vector_store %arg7[%swap3A_13, %swap3A_14], %slice3A_12 {strides = array<i32>} : memref<1000x128xf32, #tpu.memory_space<vmem>>, vector<1000x128xf32>,
    %slice3A_16 = vector.extract_strided_slice %dot_general3A_5 {offsets = [0, 384], sizes = [1000, 128], strides = [1, 1]} : vector<1000x512xf32> to vector<1000x128xf32>
    %swap3A_17 = arith.constant 0 : index
    %swap3A_18 = arith.constant 0 : index
    %swap3A_19 = vector.load %arg8[%swap3A_17, %swap3A_18] : memref<1000x128xf32, #tpu.memory_space<vmem>>, vector<1000x128xf32>
    tpu.vector_store %arg8[%swap3A_17, %swap3A_18], %slice3A_16 {strides = array<i32>} : memref<1000x128xf32, #tpu.memory_space<vmem>>, vector<1000x128xf32>,
    %get3A_20 = arith.constant 0 : index
    %get3A_21 = arith.constant 0 : index
    %get3A_22 = vector.load %arg3[%get3A_20, %get3A_21] : memref<512x128xf32, #tpu.memory_space<vmem>>, vector<512x128xf32>
    %dot_general3A_23 = arith.constant dense<0.000000e+00> : vector<1000x128xf32>
    %dot_general3A_24 = tpu.matmul %dot_general3A_5, %get3A_22, %dot_general3A_23 {dimension_numbers = #tpu.dot_dimension_numbers<[1], [0], [0], [1], [0, 0, 1, 1], [], []>, transpose_lhs_hint = false} : vector<1000x512xf32>, vector<512x128xf32>, vector<1000x128xf32> -> vector<1000x128xf32>
    %get3A_25 = arith.constant 0 : index
    %get3A_26 = arith.constant 0 : index
    %get3A_27 = vector.load %arg4[%get3A_25, %get3A_26] : memref<8x128xf32, #tpu.memory_space<vmem>>, vector<1x128xf32>
    %add3A = vector.broadcast %get3A_27 : vector<1x128xf32> to vector<1000x128xf32>
    %add3A_28 = arith.addf %dot_general3A_24, %add3A : vector<1000x128xf32>
    %swap3A_29 = arith.constant 0 : index
    %swap3A_30 = arith.constant 0 : index
    %swap3A_31 = vector.load %arg9[%swap3A_29, %swap3A_30] : memref<1000x128xf32, #tpu.memory_space<vmem>>, vector<1000x128xf32>
    tpu.vector_store %arg9[%swap3A_29, %swap3A_30], %add3A_28 {strides = array<i32>} : memref<1000x128xf32, #tpu.memory_space<vmem>>, vector<1000x128xf32>,
    %reduce_max3A = arith.constant dense<0xFF800000> : vector<128xf32>
    %reduce_max3A_32 = vector.multi_reduction <maximumf>, %add3A_28, %reduce_max3A [0] : vector<1000x128xf32> to vector<128xf32>
    %broadcast_in_dim3A = vector.shape_cast %reduce_max3A_32 : vector<128xf32> to vector<1x128xf32>
    %broadcast_in_dim3A_33 = vector.shape_cast %broadcast_in_dim3A : vector<1x128xf32> to vector<1x128xf32>
    %broadcast_in_dim3A_34 = vector.broadcast %broadcast_in_dim3A_33 : vector<1x128xf32> to vector<8x128xf32>
    %eq3A = arith.constant 0 : i32
    %eq3A_35 = arith.cmpi eq, %arg0, %eq3A : i32
    %convert_element_type3A = arith.extui %eq3A_35 : i1 to i32
    %cond3A = arith.constant 0 : i32
    %cond3A_36 = arith.cmpi ne, %convert_element_type3A, %cond3A : i32
    scf.if %cond3A_36 {
      %swap3A_41 = arith.constant 0 : index
      %swap3A_42 = arith.constant 0 : index
      %swap3A_43 = vector.load %arg10[%swap3A_41, %swap3A_42] : memref<8x128xf32, #tpu.memory_space<vmem>>, vector<8x128xf32>
      tpu.vector_store %arg10[%swap3A_41, %swap3A_42], %broadcast_in_dim3A_34 {strides = array<i32>} : memref<8x128xf32, #tpu.memory_space<vmem>>, vector<8x128xf32>,
    } else {
    }
    %ne3A = arith.constant 0 : i32
    %ne3A_37 = arith.cmpi ne, %arg0, %ne3A : i32
    %convert_element_type3A_38 = arith.extui %ne3A_37 : i1 to i32
    %cond3A_39 = arith.constant 0 : i32
    %cond3A_40 = arith.cmpi ne, %convert_element_type3A_38, %cond3A_39 : i32
    scf.if %cond3A_40 {
      %get3A_41 = arith.constant 0 : index
      %get3A_42 = arith.constant 0 : index
      %get3A_43 = vector.load %arg10[%get3A_41, %get3A_42] : memref<8x128xf32, #tpu.memory_space<vmem>>, vector<8x128xf32>
      %max3A = arith.maximumf %get3A_43, %broadcast_in_dim3A_34 : vector<8x128xf32>
      %swap3A_44 = arith.constant 0 : index
      %swap3A_45 = arith.constant 0 : index
      %swap3A_46 = vector.load %arg10[%swap3A_44, %swap3A_45] : memref<8x128xf32, #tpu.memory_space<vmem>>, vector<8x128xf32>
      tpu.vector_store %arg10[%swap3A_44, %swap3A_45], %max3A {strides = array<i32>} : memref<8x128xf32, #tpu.memory_space<vmem>>, vector<8x128xf32>,
    } else {
    }
    return
  }
  func.func @transform_0(%arg0: i32) -> (i32, i32) {
    %c0_i32 = arith.constant 0 : i32
    %c0_i32_0 = arith.constant 0 : i32
    return %arg0, %c0_i32 : i32, i32
  }
  func.func @transform_1(%arg0: i32) -> (i32, i32) {
    %c0_i32 = arith.constant 0 : i32
    %c0_i32_0 = arith.constant 0 : i32
    %c0_i32_1 = arith.constant 0 : i32
    return %c0_i32, %c0_i32_0 : i32, i32
  }
  func.func @transform_2(%arg0: i32) -> (i32, i32) {
    %c0_i32 = arith.constant 0 : i32
    %c0_i32_0 = arith.constant 0 : i32
    %c0_i32_1 = arith.constant 0 : i32
    return %c0_i32, %c0_i32_0 : i32, i32
  }
  func.func @transform_3(%arg0: i32) -> (i32, i32) {
    %c0_i32 = arith.constant 0 : i32
    %c0_i32_0 = arith.constant 0 : i32
    %c0_i32_1 = arith.constant 0 : i32
    return %c0_i32, %c0_i32_0 : i32, i32
  }
  func.func @transform_4(%arg0: i32) -> (i32, i32) {
    %c0_i32 = arith.constant 0 : i32
    %c0_i32_0 = arith.constant 0 : i32
    return %arg0, %c0_i32 : i32, i32
  }
  func.func @transform_5(%arg0: i32) -> (i32, i32) {
    %c0_i32 = arith.constant 0 : i32
    %c0_i32_0 = arith.constant 0 : i32
    return %arg0, %c0_i32 : i32, i32
  }
  func.func @transform_6(%arg0: i32) -> (i32, i32) {
    %c0_i32 = arith.constant 0 : i32
    %c0_i32_0 = arith.constant 0 : i32
    return %arg0, %c0_i32 : i32, i32
  }
  func.func @transform_7(%arg0: i32) -> (i32, i32) {
    %c0_i32 = arith.constant 0 : i32
    %c0_i32_0 = arith.constant 0 : i32
    return %arg0, %c0_i32 : i32, i32
  }
  func.func @transform_8(%arg0: i32) -> (i32, i32) {
    %c0_i32 = arith.constant 0 : i32
    %c0_i32_0 = arith.constant 0 : i32
    return %arg0, %c0_i32 : i32, i32
  }
  func.func @transform_9(%arg0: i32) -> (i32, i32) {
    %c0_i32 = arith.constant 0 : i32
    %c0_i32_0 = arith.constant 0 : i32
    %c0_i32_1 = arith.constant 0 : i32
    return %c0_i32, %c0_i32_0 : i32, i32
  }
}

module attributes {stable_mosaic.version = 14 : i64} {
  func.func @body(%arg0: i32, %arg1: memref<1000x512xf32, #tpu.memory_space<vmem>>, %arg2: memref<1000x8xf32, #tpu.memory_space<vmem>>, %arg3: memref<8x512xf32, #tpu.memory_space<vmem>>, %arg4: memref<1000x512xf32, #tpu.memory_space<vmem>>) attributes {dimension_semantics = [#tpu.dimension_semantics<arbitrary>], iteration_bounds = array<i64: 10>, scalar_prefetch = 0 : i64, scratch_operands = 0 : i64, tpu.core_type = #tpu.core_type<tc>, window_params = [{transform_indices = @transform_0, window_bounds = array<i64: 1000, 512>}, {transform_indices = @transform_1, window_bounds = array<i64: 1000, 8>}, {pipeline_mode = #tpu.pipeline_mode<synchronous>, transform_indices = @transform_2, window_bounds = array<i64: 8, 512>}, {transform_indices = @transform_3, window_bounds = array<i64: 1000, 512>}]} {
    %get3A = arith.constant 0 : index
    %get3A_0 = arith.constant 0 : index
    %get3A_1 = vector.load %arg1[%get3A, %get3A_0] : memref<1000x512xf32, #tpu.memory_space<vmem>>, vector<1000x128xf32>
    %get3A_2 = arith.constant 0 : index
    %get3A_3 = arith.constant 0 : index
    %get3A_4 = vector.load %arg2[%get3A_2, %get3A_3] : memref<1000x8xf32, #tpu.memory_space<vmem>>, vector<1000x1xf32>
    %gt3A = arith.constant 0.000000e+00 : f32
    %gt3A_5 = vector.broadcast %gt3A : f32 to vector<1000x1xf32>
    %gt3A_6 = arith.cmpf ogt, %get3A_4, %gt3A_5 : vector<1000x1xf32>
    %jit3A = arith.constant 1.000000e+00 : f32
    %broadcast_in_dim3A = vector.broadcast %jit3A : f32 to vector<1000x1xf32>
    %select_n3A = arith.select %gt3A_6, %get3A_4, %broadcast_in_dim3A : vector<1000x1xi1>, vector<1000x1xf32>
    %gt3A_7 = arith.constant 0.000000e+00 : f32
    %gt3A_8 = vector.broadcast %gt3A_7 : f32 to vector<1000x1xf32>
    %gt3A_9 = arith.cmpf ogt, %get3A_4, %gt3A_8 : vector<1000x1xf32>
    %div3A = vector.broadcast %select_n3A : vector<1000x1xf32> to vector<1000x128xf32>
    %div3A_10 = arith.divf %get3A_1, %div3A : vector<1000x128xf32>
    %max3A = arith.constant 0.000000e+00 : f32
    %max3A_11 = vector.broadcast %max3A : f32 to vector<1000x128xf32>
    %max3A_12 = arith.maximumf %div3A_10, %max3A_11 : vector<1000x128xf32>
    %jit3A_13 = arith.constant 0.000000e+00 : f32
    %broadcast_in_dim3A_14 = vector.shape_cast %gt3A_9 : vector<1000x1xi1> to vector<1000x1xi1>
    %broadcast_in_dim3A_15 = vector.broadcast %broadcast_in_dim3A_14 : vector<1000x1xi1> to vector<1000x128xi1>
    %broadcast_in_dim3A_16 = vector.broadcast %jit3A_13 : f32 to vector<1000x128xf32>
    %select_n3A_17 = arith.select %broadcast_in_dim3A_15, %max3A_12, %broadcast_in_dim3A_16 : vector<1000x128xi1>, vector<1000x128xf32>
    %get3A_18 = arith.constant 0 : index
    %get3A_19 = arith.constant 128 : index
    %get3A_20 = vector.load %arg1[%get3A_18, %get3A_19] : memref<1000x512xf32, #tpu.memory_space<vmem>>, vector<1000x128xf32>
    %get3A_21 = arith.constant 0 : index
    %get3A_22 = arith.constant 1 : index
    %get3A_23 = vector.load %arg2[%get3A_21, %get3A_22] : memref<1000x8xf32, #tpu.memory_space<vmem>>, vector<1000x1xf32>
    %gt3A_24 = arith.constant 0.000000e+00 : f32
    %gt3A_25 = vector.broadcast %gt3A_24 : f32 to vector<1000x1xf32>
    %gt3A_26 = arith.cmpf ogt, %get3A_23, %gt3A_25 : vector<1000x1xf32>
    %jit3A_27 = arith.constant 1.000000e+00 : f32
    %broadcast_in_dim3A_28 = vector.broadcast %jit3A_27 : f32 to vector<1000x1xf32>
    %select_n3A_29 = arith.select %gt3A_26, %get3A_23, %broadcast_in_dim3A_28 : vector<1000x1xi1>, vector<1000x1xf32>
    %gt3A_30 = arith.constant 0.000000e+00 : f32
    %gt3A_31 = vector.broadcast %gt3A_30 : f32 to vector<1000x1xf32>
    %gt3A_32 = arith.cmpf ogt, %get3A_23, %gt3A_31 : vector<1000x1xf32>
    %div3A_33 = vector.broadcast %select_n3A_29 : vector<1000x1xf32> to vector<1000x128xf32>
    %div3A_34 = arith.divf %get3A_20, %div3A_33 : vector<1000x128xf32>
    %max3A_35 = arith.constant 0.000000e+00 : f32
    %max3A_36 = vector.broadcast %max3A_35 : f32 to vector<1000x128xf32>
    %max3A_37 = arith.maximumf %div3A_34, %max3A_36 : vector<1000x128xf32>
    %jit3A_38 = arith.constant 0.000000e+00 : f32
    %broadcast_in_dim3A_39 = vector.shape_cast %gt3A_32 : vector<1000x1xi1> to vector<1000x1xi1>
    %broadcast_in_dim3A_40 = vector.broadcast %broadcast_in_dim3A_39 : vector<1000x1xi1> to vector<1000x128xi1>
    %broadcast_in_dim3A_41 = vector.broadcast %jit3A_38 : f32 to vector<1000x128xf32>
    %select_n3A_42 = arith.select %broadcast_in_dim3A_40, %max3A_37, %broadcast_in_dim3A_41 : vector<1000x128xi1>, vector<1000x128xf32>
    %get3A_43 = arith.constant 0 : index
    %get3A_44 = arith.constant 256 : index
    %get3A_45 = vector.load %arg1[%get3A_43, %get3A_44] : memref<1000x512xf32, #tpu.memory_space<vmem>>, vector<1000x128xf32>
    %get3A_46 = arith.constant 0 : index
    %get3A_47 = arith.constant 2 : index
    %get3A_48 = vector.load %arg2[%get3A_46, %get3A_47] : memref<1000x8xf32, #tpu.memory_space<vmem>>, vector<1000x1xf32>
    %gt3A_49 = arith.constant 0.000000e+00 : f32
    %gt3A_50 = vector.broadcast %gt3A_49 : f32 to vector<1000x1xf32>
    %gt3A_51 = arith.cmpf ogt, %get3A_48, %gt3A_50 : vector<1000x1xf32>
    %jit3A_52 = arith.constant 1.000000e+00 : f32
    %broadcast_in_dim3A_53 = vector.broadcast %jit3A_52 : f32 to vector<1000x1xf32>
    %select_n3A_54 = arith.select %gt3A_51, %get3A_48, %broadcast_in_dim3A_53 : vector<1000x1xi1>, vector<1000x1xf32>
    %gt3A_55 = arith.constant 0.000000e+00 : f32
    %gt3A_56 = vector.broadcast %gt3A_55 : f32 to vector<1000x1xf32>
    %gt3A_57 = arith.cmpf ogt, %get3A_48, %gt3A_56 : vector<1000x1xf32>
    %div3A_58 = vector.broadcast %select_n3A_54 : vector<1000x1xf32> to vector<1000x128xf32>
    %div3A_59 = arith.divf %get3A_45, %div3A_58 : vector<1000x128xf32>
    %max3A_60 = arith.constant 0.000000e+00 : f32
    %max3A_61 = vector.broadcast %max3A_60 : f32 to vector<1000x128xf32>
    %max3A_62 = arith.maximumf %div3A_59, %max3A_61 : vector<1000x128xf32>
    %jit3A_63 = arith.constant 0.000000e+00 : f32
    %broadcast_in_dim3A_64 = vector.shape_cast %gt3A_57 : vector<1000x1xi1> to vector<1000x1xi1>
    %broadcast_in_dim3A_65 = vector.broadcast %broadcast_in_dim3A_64 : vector<1000x1xi1> to vector<1000x128xi1>
    %broadcast_in_dim3A_66 = vector.broadcast %jit3A_63 : f32 to vector<1000x128xf32>
    %select_n3A_67 = arith.select %broadcast_in_dim3A_65, %max3A_62, %broadcast_in_dim3A_66 : vector<1000x128xi1>, vector<1000x128xf32>
    %get3A_68 = arith.constant 0 : index
    %get3A_69 = arith.constant 384 : index
    %get3A_70 = vector.load %arg1[%get3A_68, %get3A_69] : memref<1000x512xf32, #tpu.memory_space<vmem>>, vector<1000x128xf32>
    %get3A_71 = arith.constant 0 : index
    %get3A_72 = arith.constant 3 : index
    %get3A_73 = vector.load %arg2[%get3A_71, %get3A_72] : memref<1000x8xf32, #tpu.memory_space<vmem>>, vector<1000x1xf32>
    %gt3A_74 = arith.constant 0.000000e+00 : f32
    %gt3A_75 = vector.broadcast %gt3A_74 : f32 to vector<1000x1xf32>
    %gt3A_76 = arith.cmpf ogt, %get3A_73, %gt3A_75 : vector<1000x1xf32>
    %jit3A_77 = arith.constant 1.000000e+00 : f32
    %broadcast_in_dim3A_78 = vector.broadcast %jit3A_77 : f32 to vector<1000x1xf32>
    %select_n3A_79 = arith.select %gt3A_76, %get3A_73, %broadcast_in_dim3A_78 : vector<1000x1xi1>, vector<1000x1xf32>
    %gt3A_80 = arith.constant 0.000000e+00 : f32
    %gt3A_81 = vector.broadcast %gt3A_80 : f32 to vector<1000x1xf32>
    %gt3A_82 = arith.cmpf ogt, %get3A_73, %gt3A_81 : vector<1000x1xf32>
    %div3A_83 = vector.broadcast %select_n3A_79 : vector<1000x1xf32> to vector<1000x128xf32>
    %div3A_84 = arith.divf %get3A_70, %div3A_83 : vector<1000x128xf32>
    %max3A_85 = arith.constant 0.000000e+00 : f32
    %max3A_86 = vector.broadcast %max3A_85 : f32 to vector<1000x128xf32>
    %max3A_87 = arith.maximumf %div3A_84, %max3A_86 : vector<1000x128xf32>
    %jit3A_88 = arith.constant 0.000000e+00 : f32
    %broadcast_in_dim3A_89 = vector.shape_cast %gt3A_82 : vector<1000x1xi1> to vector<1000x1xi1>
    %broadcast_in_dim3A_90 = vector.broadcast %broadcast_in_dim3A_89 : vector<1000x1xi1> to vector<1000x128xi1>
    %broadcast_in_dim3A_91 = vector.broadcast %jit3A_88 : f32 to vector<1000x128xf32>
    %select_n3A_92 = arith.select %broadcast_in_dim3A_90, %max3A_87, %broadcast_in_dim3A_91 : vector<1000x128xi1>, vector<1000x128xf32>
    %concatenate3A = tpu.concatenate %select_n3A_17, %select_n3A_42, %select_n3A_67, %select_n3A_92 in 1 : vector<1000x128xf32>, vector<1000x128xf32>, vector<1000x128xf32>, vector<1000x128xf32> -> vector<1000x512xf32>
    %get3A_93 = arith.constant 0 : index
    %get3A_94 = arith.constant 0 : index
    %get3A_95 = vector.load %arg3[%get3A_93, %get3A_94] : memref<8x512xf32, #tpu.memory_space<vmem>>, vector<1x512xf32>
    %add3A = vector.broadcast %get3A_95 : vector<1x512xf32> to vector<1000x512xf32>
    %add3A_96 = arith.addf %concatenate3A, %add3A : vector<1000x512xf32>
    %swap3A = arith.constant 0 : index
    %swap3A_97 = arith.constant 0 : index
    %swap3A_98 = vector.load %arg4[%swap3A, %swap3A_97] : memref<1000x512xf32, #tpu.memory_space<vmem>>, vector<1000x512xf32>
    tpu.vector_store %arg4[%swap3A, %swap3A_97], %add3A_96 {strides = array<i32>} : memref<1000x512xf32, #tpu.memory_space<vmem>>, vector<1000x512xf32>,
    return
  }
  func.func @transform_0(%arg0: i32) -> (i32, i32) {
    %c0_i32 = arith.constant 0 : i32
    %c0_i32_0 = arith.constant 0 : i32
    return %arg0, %c0_i32 : i32, i32
  }
  func.func @transform_1(%arg0: i32) -> (i32, i32) {
    %c0_i32 = arith.constant 0 : i32
    %c0_i32_0 = arith.constant 0 : i32
    return %arg0, %c0_i32 : i32, i32
  }
  func.func @transform_2(%arg0: i32) -> (i32, i32) {
    %c0_i32 = arith.constant 0 : i32
    %c0_i32_0 = arith.constant 0 : i32
    %c0_i32_1 = arith.constant 0 : i32
    return %c0_i32, %c0_i32_0 : i32, i32
  }
  func.func @transform_3(%arg0: i32) -> (i32, i32) {
    %c0_i32 = arith.constant 0 : i32
    %c0_i32_0 = arith.constant 0 : i32
    return %arg0, %c0_i32 : i32, i32
  }
}

</mosaic_0001>

<sc_bundles>
// kernel: kernel.5.cloned.1.call-start
scs
__scs_entry_jumppad:
0x0: {  	(pc) =	sbr.rel $0x88, $3  }
0x1: {  	(tag) =	ssettag $0x0;
	lr =	simm.s32 $0x1  }
0x2: {  	[smem:$0x3F9B] =	sst lr;
	_ =	strace $0xD0000000  }
0x3: {  	_ = 	snop  }
0x4: {  	_ = 	snop  }
0x5: {  	_ = 	snop  }
0x6: {  	_ = 	snop  }
0x7: {  	_ = 	snop  }
__scs_overlays_trampoline_lowered:
0x8: {  	[smem:$0x3FAA] =	sst s0  }
0x9: {  	[smem:$0x3FAB] =	sst s1  }
0xa: {  	[smem:$0x3FAC] =	sst s2  }
0xb: {  	[smem:$0x3FAD] =	sst s3  }
0xc: {  	[smem:$0x3FAE] =	sst s4  }
0xd: {  	[smem:$0x3FAF] =	sst s5  }
0xe: {  	[smem:$0x3FB0] =	sst s6  }
0xf: {  	[smem:$0x3FB1] =	sst s7  }
0x10: {  	[smem:$0x3FB2] =	sst s8  }
0x11: {  	[smem:$0x3FB3] =	sst s9;
	s0 =	simm.s32 @!p0 $0x0  }
0x12: {  	s1 =	sld [smem:$0x3F99];
	s0 =	simm.s32 @p0 $0x1  }
0x13: {  	[smem:$0x3FB4] =	sst s0;
	s0 =	simm.s32 @!p1 $0x0  }
0x14: {  	s2 =	sld [smem:$0x3F98];
	s0 =	simm.s32 @p1 $0x1  }
0x15: {  	[smem:$0x3FB5] =	sst s0;
	s0 =	simm.s32 @!p2 $0x0  }
0x16: {  	s3 =	sld [smem:$0x3FDB];
	s0 =	simm.s32 @p2 $0x1  }
0x17: {  	s4 =	simm.s32 $0x1BF5;
	[smem:$0x3FB7] =	sst s0  }
0x18: {  	s0 =	sld [smem:$0x3F9A];
	_ =	swait.ge [sflag:s4], $0x0  }
0x19: {  	s7 =	sld [smem:$0x3F9B]  }
0x1a: {  	s8 =	sadd.s32 $0xFFFFE003, lr  }
0x1b: {  	s9 =	sadd.s32 $0xFFFFFEF7, lr;
	s5 =	simm.s32 $0xFFFFFFFF;
	p2 =	slt.u32 s8, $0xFFFFF086  }
0x1c: {  	p1 =	slt.u32 s9, $0xF7A;
	s5 =	simm.s32 @!p2 $0x0  }
0x1d: {  	s5 =	simm.s32 @p1 $0x1;
	p0 =	seq.s32 s7, s2  }
0x1e: {  	s7 =	smul.u32 @!p0 $0xF7A, s2;
	p2 =	seq.s32 @!p0 s5, $0x0  }
0x1f: {  	s9 =	smul.u32 $0xF7A, s1;
	s8 =	simm.s32 @!p0 $0x1BF5;
	p2 =	por !p2, p0  }
0x20: {  	[sflag:s8] =	ssyncset.s32 @!p0 $0xFFFFF086;
	s6 =	sadd.s32 @!p0 s3, s7;
	s7 =	simm.s32 @!p0 $0x108  }
0x21: {  	s3 =	sadd.s32 s3, s9;
	s6 =	sadd.s32 @!p0 $0x88, s6;
	s7 =	simm.s32 @p2 $0x1082  }
0x22: {  	[simem:s7], [sflag:s8] =	dma.local @!p0 [hbm:s6], $0xF7A  }
0x23: {  	s9 =	sor.u32 $0xD0000000, s2;
	s6 =	simm.s32 $0x108;
	_ =	swait.ge @!p0 [sflag:s8], $0x0  }
0x24: {  	s3 =	sadd.s32 $0x88, s3;
	s6 =	simm.s32 @!p1 $0x1082;
	[sflag:s4] =	ssyncset.s32 $0xFFFFF086  }
0x25: {  	[simem:s6], [sflag:s4] =	dma.local [hbm:s3], $0xF7A  }
0x26: {  	[smem:$0x3F9B] =	sst s1;
	(tag) =	ssettag s2;
	_ =	strace s9  }
0x27: {  	s1 =	sld [smem:$0x3FAB]  }
0x28: {  	s2 =	sld [smem:$0x3FAC]  }
0x29: {  	s4 =	sld [smem:$0x3FAE]  }
0x2a: {  	p0 =	seq.s32 s5, $0x0;
	s5 =	sld [smem:$0x3FAF]  }
0x2b: {  	s6 =	sld [smem:$0x3FB0]  }
0x2c: {  	s7 =	sld [smem:$0x3FB1]  }
0x2d: {  	s3 =	simm.s32 $0x108;
	s8 =	sld [smem:$0x3FB2]  }
0x2e: {  	s3 =	simm.s32 @!p0 $0x1082;
	s9 =	sld [smem:$0x3FB3]  }
0x2f: {  	lr =	sadd.s32 s0, s3;
	s0 =	sld [smem:$0x3FAA]  }
0x30: {  	s3 =	sld [smem:$0x3FAD]  }
0x31: {  	[smem:$0x3FB6] =	sst s10  }
0x32: {  	s10 =	sld [smem:$0x3FB4];
	_ =	sdelay $0x3  }
0x33: {  	p0 =	seq.s32 s10, $0x1;
	s10 =	sld [smem:$0x3FB6];
	_ =	sdelay $0x3  }
0x34: {  	[smem:$0x3FB6] =	sst s10  }
0x35: {  	s10 =	sld [smem:$0x3FB5];
	_ =	sdelay $0x3  }
0x36: {  	p1 =	seq.s32 s10, $0x1;
	s10 =	sld [smem:$0x3FB6];
	_ =	sdelay $0x3  }
0x37: {  	[smem:$0x3FB6] =	sst s10  }
0x38: {  	s10 =	sld [smem:$0x3FB7]  }
0x39: {  	_ = 	snop;
	(pc) =	sbr.ind lr, $3  }
0x3a: {  	_ = 	snop  }
0x3b: {  	_ = 	snop  }
0x3c: {  	p2 =	seq.s32 s10, $0x1;
	s10 =	sld [smem:$0x3FB6]  }
0x3d: {  	_ =	shalt  }
0x3e: {  	_ =	shalt  }
0x3f: {  	_ =	shalt  }
0x40: {  	_ =	shalt  }
0x41: {  	_ =	shalt  }
0x42: {  	_ =	shalt  }
0x43: {  	_ =	shalt  }
0x44: {  	_ =	shalt  }
0x45: {  	_ =	shalt  }
0x46: {  	_ =	shalt  }
0x47: {  	_ =	shalt  }
0x48: {  	_ =	shalt  }
0x49: {  	_ =	shalt  }
0x4a: {  	_ =	shalt  }
0x4b: {  	_ =	shalt  }
0x4c: {  	_ =	shalt  }
0x4d: {  	_ =	shalt  }
0x4e: {  	_ =	shalt  }
0x4f: {  	_ =	shalt  }
0x50: {  	_ =	shalt  }
0x51: {  	_ =	shalt  }
0x52: {  	_ =	shalt  }
0x53: {  	_ =	shalt  }
0x54: {  	_ =	shalt  }
0x55: {  	_ =	shalt  }
0x56: {  	_ =	shalt  }
0x57: {  	_ =	shalt  }
0x58: {  	_ =	shalt  }
0x59: {  	_ =	shalt  }
0x5a: {  	_ =	shalt  }
0x5b: {  	_ =	shalt  }
0x5c: {  	_ =	shalt  }
0x5d: {  	_ =	shalt  }
0x5e: {  	_ =	shalt  }
0x5f: {  	_ =	shalt  }
0x60: {  	_ =	shalt  }
0x61: {  	_ =	shalt  }
0x62: {  	_ =	shalt  }
0x63: {  	_ =	shalt  }
0x64: {  	_ =	shalt  }
0x65: {  	_ =	shalt  }
0x66: {  	_ =	shalt  }
0x67: {  	_ =	shalt  }
0x68: {  	_ =	shalt  }
0x69: {  	_ =	shalt  }
0x6a: {  	_ =	shalt  }
0x6b: {  	_ =	shalt  }
0x6c: {  	_ =	shalt  }
0x6d: {  	_ =	shalt  }
0x6e: {  	_ =	shalt  }
0x6f: {  	_ =	shalt  }
0x70: {  	_ =	shalt  }
0x71: {  	_ =	shalt  }
0x72: {  	_ =	shalt  }
0x73: {  	_ =	shalt  }
0x74: {  	_ =	shalt  }
0x75: {  	_ =	shalt  }
0x76: {  	_ =	shalt  }
0x77: {  	_ =	shalt  }
0x78: {  	_ =	shalt  }
0x79: {  	_ =	shalt  }
0x7a: {  	_ =	shalt  }
0x7b: {  	_ =	shalt  }
0x7c: {  	_ =	shalt  }
0x7d: {  	_ =	shalt  }
0x7e: {  	_ =	shalt  }
0x7f: {  	_ =	shalt  }
0x80: {  	_ =	shalt  }
0x81: {  	_ =	shalt  }
0x82: {  	_ =	shalt  }
0x83: {  	_ =	shalt  }
0x84: {  	_ =	shalt  }
0x85: {  	_ =	shalt  }
0x86: {  	_ =	shalt  }
0x87: {  	_ =	shalt  }
.Lfunc_end0:
.L_simem_size_0:
called_computation_lowered:
.L_overlay_start_0:
0x88: {  	s2 =	sld [smem:$0x3FD9]  }
0x89: {  	s3 =	sld [smem:$0x3FFE];
	_ =	sdelay $0x1  }
0x8a: {  	s1 =	srdreg.scid  }
0x8b: {  	s0 =	sand.u32 $0x1, s1  }
0x8c: {  	s17 =	sshll.u32 s0, $0xA;
	s2 =	sadd.s32 s3, s2  }
0x8d: {  	s2 =	sadd.s32 s2, s17  }
0x8e: {  	[smem:$0x3FC2] =	sst s2  }
0x8f: {  	_ = 	snop  }
0x90: {  	s2 =	sld [smem:$0x3FD0];
	(tm) =	ssettm $0x1  }
0x91: {  	s18 =	sld [smem:$0x3FFB];
	_ =	sdelay $0x3  }
0x92: {  	_ =	strace s18  }
0x93: {  	s3 =	sld [smem:$0x3FFC];
	_ =	sdelay $0x3  }
0x94: {  	_ =	strace s3  }
0x95: {  	s3 =	sld [smem:$0x3FFD];
	_ =	sdelay $0x3  }
0x96: {  	_ =	strace s3  }
0x97: {  	_ =	strace $0x8FFFFFFF  }
0x98: {  	s19 =	sld [smem:$0x3FDB];
	_ =	sdelay $0x1  }
0x99: {  	s4 =	simm.s32 $_scs_section_size  }
0x9a: {  	s5 =	simm.s32 $_size__tile_overlayer_lowered;
	s6 =	simm.s32 $_tile_overlayer_lowered  }
0x9b: {  	s22 =	simm.s32 $0x1BFF;
	s21 =	sshll.u32 s6, $0x1;
	s3 =	sadd.s32 s4, s19  }
0x9c: {  	s7 =	simm.s32 $0x0;
	s20 =	sshll.u32 s5, $0x1;
	s5 =	sadd.s32 s21, s3  }
0x9d: {  	[timem:s7], [sflag:s22] =	dma.local [hbm:s5], s20  }
0x9e: {  	_ =	swait.ge [sflag:s22], s20  }
0x9f: {  	s4 =	ssub.s32 $0x0, s20;
	[sflag:s22] =	ssyncset.done $0x0  }
0xa0: {  	[sflag:s22] =	ssyncadd.s32 s4;
	_ =	sdelay $0x1  }
0xa1: {  	s23 =	simm.s32 $0x1B8B  }
0xa2: {  	_ =	swait.ge [sflag:s23], $0x1  }
0xa3: {  	[sflag:s23] =	ssyncset.done $0x0  }
0xa4: {  	s25 =	simm.s32 $0x1B8E;
	s24 =	sld [smem:$0x3FFE];
	[sflag:s23] =	ssyncadd.s32 $0xFFFFFFFF  }
0xa5: {  	s26 =	simm.s32 $execute0_lowered;
	[smem:$0x3FD2] =	sst s25  }
0xa6: {  	s5 =	sshll.u32 s26, $0x1;
	_ =	strace $0x80000046;
	[dreg:$0x1] =	wrdreg $0xFFFFFFFF  }
0xa7: {  	s28 =	simm.s32 $_size_execute0_lowered;
	s3 =	sadd.s32 s3, s5;
	[dreg:$0x0] =	wrdreg $0x0  }
0xa8: {  	s5 =	sshll.u32 s28, $0x1;
	[dreg:$0x2] =	wrdreg s3  }
0xa9: {  	[dreg:$0x3] =	wrdreg s5  }
0xaa: {  	[dreg:$0x4] =	wrdreg $0xC0  }
0xab: {  	_ =	task [dreg:s7], $0x5FFFF  }
0xac: {  	[dreg:$0x1] =	wrdreg $0xFFFFFFFF  }
0xad: {  	[dreg:$0x0] =	wrdreg $0x60  }
0xae: {  	[dreg:$0x2] =	wrdreg s2  }
0xaf: {  	[dreg:$0x3] =	wrdreg s24  }
0xb0: {  	[dreg:$0x4] =	wrdreg $0x9  }
0xb1: {  	_ =	task.clear_ibuf [dreg:s7], $0x5FFFF;
	_ =	strace $0x90000046  }
0xb2: {  	s29 =	simm.s32 $0x9;
	_ =	strace $0x80000048  }
0xb3: {  	_ =	swait.ge [sflag:s29], $0x1  }
0xb4: {  	[sflag:s29] =	ssyncadd.s32 $0xFFFFFFFF  }
0xb5: {  	_ =	strace $0x90000048  }
0xb6: {  	_ =	sfence  }
0xb7: {  	s30 =	sld [smem:$0x0];
	_ =	sdelay $0x2  }
0xb8: {  	s31 =	sshll.u32 s1, $0xD;
	s1 =	sshrl.u32 s1, $0x2  }
0xb9: {  	s3 =	sand.u32 $0x4000, s31;
	s1 =	sadd.s32 s1, s30  }
0xba: {  	s0 =	sor.u32 s3, s0;
	s1 =	sshll.u32 s1, $0x11  }
0xbb: {  	s0 =	sor.u32 s1, s0  }
0xbc: {  	s0 =	sadd.s32 $0x8F2B, s0  }
0xbd: {  	[sflag:s0] =	ssyncadd.remote.s32 $0x1  }
0xbe: {  	_ =	sfence.sel $0xFFFF  }
0xbf: {  	[dreg:$0x0] =	wrdreg $0xFFFFFFFF;
	(pc) =	sbr.abs _section_cstart, $3  }
0xc0: {  	[dreg:$0x1] =	wrdreg $0xFFFFFFFF  }
0xc1: {  	_ =	task.clear_ibuf [dreg:s7], $0x2FFFF;
	_ =	strace $0x9FFFFFFF  }
0xc2: {  	(tm) =	ssettm $0x7FFFFFFF  }
0xc3: {  	_ =	shalt  }
tec
execute0_lowered:
.L_overlay_start_1:
0x0: {  	(tag) =	ssettag $0x1  }
0x1: {  	s0 =	rddreg [dreg:$0x0]  }
0x2: {  	s17 =	rddreg [dreg:$0x1];
	s1 =	simm.s32 $0x0;
	s2 =	srdreg.scid  }
0x3: {  	s5 =	stileid.u32;
	s29 =	simm.s32 $0x3;
	s30 =	simm.s32 $0x2000  }
0x4: {  	s31 =	simm.s32 $0x7E20;
	s28 =	simm.s32 $0x1000;
	[smem:$0x7FF] =	sst s1  }
0x5: {  	s19 =	sadd.s32 $0x14000, s17;
	s4 =	sadd.s32 $0xA000, s17;
	s20 =	sadd.s32 $0x16800, s17  }
0x6: {  	s3 =	sadd.s32 $0x3EA00, s17;
	_ =	strace $0x80000047;
	[dreg:$0x3] =	wrdreg s19  }
0x7: {  	s2 =	sand.u32 $0x1, s2;
	s21 =	sadd.s32 $0xDAE00, s17;
	[dreg:$0x4] =	wrdreg s20  }
0x8: {  	s22 =	sadd.s32 $0x16A00, s17;
	s10 =	smul.u32 $0x2710, s5;
	[dreg:$0x5] =	wrdreg s21  }
0x9: {  	s8 =	smul.u32 $0x50, s5;
	s25 =	sadd.s32 $0x149C4, s17;
	[dreg:$0x6] =	wrdreg s22  }
0xa: {  	s26 =	sadd.s32 $0x20A00, s17;
	s11 =	sadd.s32 $0xDB2E2, s17;
	[dreg:$0x8] =	wrdreg s25  }
0xb: {  	s14 =	sadd.s32 $0x15388, s17;
	s15 =	sadd.s32 $0x2AA00, s17;
	[dreg:$0x9] =	wrdreg s26  }
0xc: {  	p1 =	sne.s32 s5, $0x0;
	p2 =	seq.s32 s5, $0x0;
	[dreg:$0xb] =	wrdreg s11  }
0xd: {  	s6 =	ssub.s32 $0x2, s2;
	p0 =	seq.s32 s2, $0x1;
	[dreg:$0xc] =	wrdreg s14  }
0xe: {  	[dreg:$0xd] =	wrdreg s15;
	s19 =	sadd.s32 $0xDB7C4, s17;
	s26 =	sadd.s32 $0xDBCA6, s17  }
0xf: {  	s11 =	simm.s32 $0x1;
	s14 =	simm.s32 $0x2;
	s7 =	sshrl.u32 s6, $0x1  }
0x10: {  	s9 =	sadd.s32 s0, s10;
	s23 =	sadd.s32 s3, s10;
	s24 =	sadd.s32 $0x27100, s10  }
0x11: {  	s12 =	sadd.s32 $0x4E200, s10;
	[dreg:$0xf] =	wrdreg s19;
	s20 =	sadd.s32 $0x75300, s10  }
0x12: {  	[dreg:$0x14] =	wrdreg s26;
	s10 =	simm.s32 $0x7620;
	s6 =	ssub.s32 s6, s7  }
0x13: {  	[dreg:$0x7] =	wrdreg s23;
	s13 =	sadd.s32 s0, s24;
	s7 =	sadd.s32 s3, s24  }
0x14: {  	s18 =	sadd.s32 s0, s12;
	s16 =	sadd.s32 s3, s12;
	[dreg:$0xa] =	wrdreg s7  }
.Ltmp0:
0x15: {  	s22 =	sadd.s32 s3, s20;
	[dreg:$0xe] =	wrdreg s16;
	(pc) =	sbr.rel .LBB2_1-.Ltmp0, $4  }
0x16: {  	s21 =	sadd.s32 s0, s20;
	s23 =	sadd.s32 $0x15D4C, s17;
	[dreg:$0x10] =	wrdreg s22  }
0x17: {  	s24 =	sadd.s32 $0x34A00, s17;
	s0 =	simm.s32 $0x1DDB0;
	[dreg:$0x11] =	wrdreg s23  }
0x18: {  	v0 =	vlaneseq.u32;
	s3 =	simm.s32 $0x100;
	[dreg:$0x12] =	wrdreg s24;
	s25 =	smax.u32 s6, $0x1  }
0x19: {  	v1 =	vimm.f32 $0.0e+00;
	v0 =	vmul.u32 $0x8, v0;
	s6 =	simm.s32 $0x6E20;
	s7 =	simm.s32 $0x0;
	[dreg:$0x13] =	wrdreg s25  }
.LBB2_76:
0x1a: {  	s1 =	simm.s32 $0x0;
	s5 =	simm.s32 $0x1B6A0  }
0x1b: {  	[hbm4b:s2+s1] =	stream.linear.scatter [tilespmem:s5], [sflag:$0x3], $0x2710, $0x38;
	[tilespmem:$0x1EDC0] =	vst v63  }
0x1c: {  	_ =	swait.ge [sflag:s29], $0x2710  }
0x1d: {  	[sflag:s29] =	ssyncset.done $0x0  }
0x1e: {  	[sflag:s29] =	ssyncadd.s32 $0xFFFFD8F0  }
.LBB2_77:
0x1f: {  	s7 =	sadd.s32 $0x1, s7;
	s1 =	rddreg [dreg:$0x13]  }
0x20: {  	p3 =	sne.s32 s7, s1  }
.Ltmp1:
0x21: {  	_ = 	snop;
	(pc) =	sbr.rel @!p3 .LBB2_78-.Ltmp1, $1  }
0x22: {  	_ =	sdelay $0x3  }
.LBB2_1:
0x23: {  	[dreg:$0x15] =	wrdreg s7;
	s1 =	simm.s32 $0x0  }
.Ltmp2:
0x24: {  	s2 =	rddreg [dreg:$0x4];
	s5 =	simm.s32 $0x1EDB0;
	(pc) =	sbr.rel @!p0 .LBB2_2-.Ltmp2, $4  }
0x25: {  	[tilespmem:s5], [sflag:$0x3] =	stream.linear.gather [hbm4b:s2+s1], $0x10, $0x38;
	[tilespmem:$0x1EDC0] =	vst v63  }
0x26: {  	_ =	swait.ge [sflag:s29], $0x10  }
0x27: {  	[sflag:s29] =	ssyncset.done $0x0  }
0x28: {  	[sflag:s29] =	ssyncadd.s32 $0xFFFFFFF0  }
0x29: {  	s1 =	simm.s32 $0x0  }
0x2a: {  	v2 =	vmov s1  }
0x2b: {  	v2 =	vshll.u32 v2, $0x3  }
0x2c: {  	s2 =	rddreg [dreg:$0xc];
	v2 =	vor.u32 v0, v2  }
0x2d: {  	[tilespmem:s30], [sflag:$0x3] =	stream.linear.gather [hbm4b:s2+s1], $0x4E20, $0x38;
	v4 =	vor.u32 $0x1, v2;
	[tilespmem:$0x1EDC0] =	vst v63  }
0x2e: {  	_ =	swait.ge [sflag:s29], $0x4E20;
	v7 =	vor.u32 $0x2, v2  }
0x2f: {  	[sflag:s29] =	ssyncset.done $0x0;
	v5 =	vor.u32 $0x3, v2  }
0x30: {  	[sflag:s29] =	ssyncadd.s32 $0xFFFFB1E0;
	v6 =	vor.u32 $0x4, v2  }
0x31: {  	s2 =	simm.s32 $0x10;
	v3 =	vor.u32 $0x6, v2;
	v8 =	vor.u32 $0x5, v2;
	[tilespmem:v2+s31+$0x0] =	vst.idx.msk $0xffff, v1  }
.LBB2_40:
0x32: {  	v9 =	vmov s2;
	p3 =	sne.s32 s2, $0x2700;
	s2 =	sadd.s32 $0x10, s2;
	[tilespmem:v4+s31+$0x0] =	vst.idx.msk $0xffff, v1  }
0x33: {  	v4 =	vshll.u32 v9, $0x3;
	[tilespmem:v7+s31+$0x0] =	vst.idx.msk $0xffff, v1;
	v9 =	vor.u32 $0x7, v2  }
0x34: {  	v2 =	vor.u32 v0, v4;
	[tilespmem:v5+s31+$0x0] =	vst.idx.msk $0xffff, v1  }
.Ltmp3:
0x35: {  	v4 =	vor.u32 $0x1, v2;
	v10 =	vor.u32 $0x6, v2;
	[tilespmem:v6+s31+$0x0] =	vst.idx.msk $0xffff, v1;
	(pc) =	sbr.rel @p3 .LBB2_40-.Ltmp3, $4  }
0x36: {  	v7 =	vor.u32 $0x2, v2;
	[tilespmem:v8+s31+$0x0] =	vst.idx.msk $0xffff, v1  }
0x37: {  	v5 =	vor.u32 $0x3, v2;
	[tilespmem:v3+s31+$0x0] =	vst.idx.msk $0xffff, v1;
	v3 =	vmov v10  }
0x38: {  	v6 =	vor.u32 $0x4, v2;
	[tilespmem:v9+s31+$0x0] =	vst.idx.msk $0xffff, v1  }
0x39: {  	v8 =	vor.u32 $0x5, v2;
	[tilespmem:v2+s31+$0x0] =	vst.idx.msk $0xffff, v1  }
0x3a: {  	_ =	sdelay $0x3  }
0x3b: {  	[tilespmem:v4+s31+$0x0] =	vst.idx.msk $0xffff, v1  }
0x3c: {  	v2 =	vor.u32 $0x7, v2;
	[tilespmem:v7+s31+$0x0] =	vst.idx.msk $0xffff, v1  }
0x3d: {  	[tilespmem:v5+s31+$0x0] =	vst.idx.msk $0xffff, v1  }
0x3e: {  	[tilespmem:v6+s31+$0x0] =	vst.idx.msk $0xffff, v1  }
0x3f: {  	[tilespmem:v8+s31+$0x0] =	vst.idx.msk $0xffff, v1  }
0x40: {  	[tilespmem:v3+s31+$0x0] =	vst.idx.msk $0xffff, v1  }
0x41: {  	s2 =	simm.s32 $0x40;
	s5 =	simm.s32 $0x0;
	[tilespmem:v2+s31+$0x0] =	vst.idx.msk $0xffff, v1  }
.LBB2_42:
0x42: {  	p3 =	sne.s32 s2, $0x9C00;
	[tilespmem:s5+$0x1B6A0] =	vst v1;
	s1 =	smov.u32 s2;
	s2 =	sadd.s32 $0x40, s2  }
.Ltmp4:
0x43: {  	(pc) =	sbr.rel @p3 .LBB2_42-.Ltmp4, $2  }
0x44: {  	_ =	sdelay $0x2  }
0x45: {  	s5 =	sshra.s32 s1, $0x2  }
0x46: {  	[tilespmem:s5+$0x1B6A0] =	vst v1  }
0x47: {  	s5 =	simm.s32 $0x0;
	s7 =	simm.s32 $0x0;
	v2 =	vld [tilespmem:$0x1EDB0]  }
.LBB2_44:
0x48: {  	s1 =	sshll.u32 s7, $0x4  }
0x49: {  	s15 =	sadd.s32 s8, s1  }
0x4a: {  	s12 =	sshll.u32 s15, $0x5  }
0x4b: {  	s25 =	sadd.s32 s4, s12  }
0x4c: {  	[tilespmem:s5], [sflag:$0x3] =	stream.linear.gather [hbm4b:s25+s5], $0x1000, $0x38;
	[tilespmem:$0x1EDC0] =	vst v63  }
0x4d: {  	_ =	swait.ge [sflag:s29], $0x1000  }
0x4e: {  	[sflag:s29] =	ssyncset.done $0x0  }
0x4f: {  	s16 =	simm.s32 $0x1000;
	s26 =	sadd.s32 s17, s12;
	[sflag:s29] =	ssyncadd.s32 $0xFFFFF000  }
0x50: {  	[tilespmem:s16], [sflag:$0x3] =	stream.linear.gather [hbm4b:s26+s5], $0x1000, $0x38;
	[tilespmem:$0x1EDC0] =	vst v63  }
0x51: {  	_ =	swait.ge [sflag:s29], $0x1000  }
0x52: {  	s19 =	simm.s32 $0x1DDB0;
	[sflag:s29] =	ssyncset.done $0x0  }
0x53: {  	s20 =	simm.s32 $0x0;
	s22 =	simm.s32 $0x0;
	[sflag:s29] =	ssyncadd.s32 $0xFFFFF000  }
.LBB2_45:
0x54: {  	v3 =	vld [tilespmem:s16+$0x0]  }
0x55: {  	v4 =	vld [tilespmem:s20+$0x0];
	_ =	sdelay $0x3  }
0x56: {  	v3 =	vadd.s32 $0x2710, v3;
	_ =	sdelay $0x3  }
0x57: {  	v4 =	vld.idx.msk [tilespmem:v4+s30+$0x0], $0xffff  }
0x58: {  	v3 =	vld.idx.msk [tilespmem:v3+s30+$0x0], $0xffff;
	_ =	sdelay $0x4  }
0x59: {  	v3 =	vadd.f32 v3, v4;
	_ =	sdelay $0x1  }
0x5a: {  	v4 =	vmul.f32 $2.000000030e-01, v3;
	_ =	sdelay $0x1  }
0x5b: {  	v3 =	vmax.f32 v3, v4  }
0x5c: {  	v3 =	vsub.f32 v3, v2;
	_ =	sdelay $0x1  }
0x5d: {  	v3 =	vmul.f32 $1.442695020e+00, v3;
	_ =	sdelay $0x1  }
0x5e: {  	(erf) = vpow2.f32 v3;
	_ =	sdelay $0x5  }
0x5f: {  	s1 =	sadd.s32 s15, s22  }
0x60: {  	s26 =	simm.s32 $0x0;
	s23 =	sshll.u32 s1, $0x8  }
0x61: {  	s1 =	sor.u32 s23, s26  }
0x62: {  	p3 =	slt.u32 s1, $0x4E200;
	v3 =	vpop (erf)  }
0x63: {  	v3 =	vpsel !p3, $0x0, v3  }
0x64: {  	s17 =	sadd.s32 $0x10, s16;
	s2 =	simm.s32 $0x20;
	[tilespmem:s19+$0x0] =	vst v3  }
0x65: {  	s24 =	sadd.s32 $0x10, s20;
	s25 =	smov.u32 s19;
	s26 =	simm.s32 $0x10;
	v3 =	vld [tilespmem:s17+$0x0]  }
.LBB2_46:
0x66: {  	p3 =	sne.s32 s2, $0xF0;
	v4 =	vld [tilespmem:s24+$0x0];
	_ =	sdelay $0x3  }
0x67: {  	v3 =	vadd.s32 $0x2710, v3;
	_ =	sdelay $0x3  }
0x68: {  	v4 =	vld.idx.msk [tilespmem:v4+s30+$0x0], $0xffff  }
0x69: {  	v3 =	vld.idx.msk [tilespmem:v3+s30+$0x0], $0xffff;
	_ =	sdelay $0x5  }
0x6a: {  	v3 =	vadd.f32 v3, v4;
	_ =	sdelay $0x1  }
0x6b: {  	v4 =	vmul.f32 $2.000000030e-01, v3;
	_ =	sdelay $0x1  }
0x6c: {  	v3 =	vmax.f32 v3, v4  }
0x6d: {  	v3 =	vsub.f32 v3, v2;
	_ =	sdelay $0x1  }
0x6e: {  	v3 =	vmul.f32 $1.442695020e+00, v3;
	_ =	sdelay $0x1  }
0x6f: {  	(erf) = vpow2.f32 v3;
	_ =	sdelay $0x7  }
.Ltmp5:
0x70: {  	s1 =	sor.u32 s23, s26;
	s26 =	smov.u32 s2;
	(pc) =	sbr.rel @p3 .LBB2_46-.Ltmp5, $4  }
0x71: {  	p4 =	slt.u32 s1, $0x4E200;
	v3 =	vpop (erf)  }
0x72: {  	s25 =	sadd.s32 $0x10, s25;
	v3 =	vpsel !p4, $0x0, v3  }
0x73: {  	s17 =	sadd.s32 $0x10, s17;
	[tilespmem:s25+$0x0] =	vst v3  }
0x74: {  	s2 =	sadd.s32 $0x10, s2;
	s24 =	sadd.s32 $0x10, s24;
	v3 =	vld [tilespmem:s17+$0x0]  }
0x75: {  	v4 =	vld [tilespmem:s24+$0x0];
	_ =	sdelay $0x3  }
0x76: {  	v3 =	vadd.s32 $0x2710, v3;
	_ =	sdelay $0x3  }
0x77: {  	v4 =	vld.idx.msk [tilespmem:v4+s30+$0x0], $0xffff  }
0x78: {  	v3 =	vld.idx.msk [tilespmem:v3+s30+$0x0], $0xffff;
	_ =	sdelay $0x4  }
0x79: {  	v3 =	vadd.f32 v3, v4;
	_ =	sdelay $0x1  }
0x7a: {  	v4 =	vmul.f32 $2.000000030e-01, v3;
	_ =	sdelay $0x1  }
0x7b: {  	v3 =	vmax.f32 v3, v4  }
0x7c: {  	v3 =	vsub.f32 v3, v2;
	_ =	sdelay $0x1  }
0x7d: {  	v3 =	vmul.f32 $1.442695020e+00, v3;
	_ =	sdelay $0x1  }
0x7e: {  	(erf) = vpow2.f32 v3;
	_ =	sdelay $0x7  }
0x7f: {  	s1 =	sor.u32 s23, s26  }
0x80: {  	s22 =	sadd.s32 $0x1, s22;
	p3 =	slt.u32 s1, $0x4E200;
	v3 =	vpop (erf)  }
0x81: {  	v3 =	vpsel !p3, $0x0, v3;
	p3 =	sne.s32 s22, $0x10  }
.Ltmp6:
0x82: {  	_ = 	snop;
	(pc) =	sbr.rel @p3 .LBB2_45-.Ltmp6, $3  }
0x83: {  	_ =	sdelay $0x1  }
0x84: {  	s26 =	sadd.s32 $0x10, s25  }
0x85: {  	s20 =	sadd.s32 $0x100, s20;
	s16 =	sadd.s32 $0x100, s16;
	s19 =	sadd.s32 $0x100, s19;
	[tilespmem:s26+$0x0] =	vst v3  }
0x86: {  	s1 =	rddreg [dreg:$0xd];
	s7 =	sadd.s32 $0x1, s7  }
0x87: {  	s2 =	simm.s32 $0x0;
	s1 =	sadd.s32 s12, s1;
	p3 =	sne.s32 s7, $0x5  }
0x88: {  	[hbm4b:s1+s2] =	stream.linear.scatter [tilespmem:s0], [sflag:$0x3], $0x1000, $0x38;
	[tilespmem:$0x1EDC0] =	vst v63  }
.Ltmp7:
0x89: {  	_ = 	snop;
	(pc) =	sbr.rel @p3 .LBB2_44-.Ltmp7, $4  }
0x8a: {  	_ =	swait.ge [sflag:s29], $0x1000  }
0x8b: {  	[sflag:s29] =	ssyncset.done $0x0  }
0x8c: {  	[sflag:s29] =	ssyncadd.s32 $0xFFFFF000  }
0x8d: {  	s17 =	rddreg [dreg:$0x1]  }
0x8e: {  	[bflag:$0x0] =	sbarrier.arrive $0xFFFF;
	s19 =	simm.s32 $0x0;
	s20 =	simm.s32 $0x0  }
.LBB2_50:
0x8f: {  	s1 =	sshll.u32 s20, $0x9  }
0x90: {  	s2 =	sadd.s32 s4, s1  }
0x91: {  	[tilespmem:s19], [sflag:$0x3] =	stream.linear.gather [hbm4b:s2+s19], $0x1000, $0x38;
	[tilespmem:$0x1EDC0] =	vst v63  }
0x92: {  	_ =	swait.ge [sflag:s29], $0x1000  }
0x93: {  	[sflag:s29] =	ssyncset.done $0x0  }
0x94: {  	s25 =	sadd.s32 s17, s1;
	[sflag:s29] =	ssyncadd.s32 $0xFFFFF000  }
0x95: {  	[tilespmem:s28], [sflag:$0x3] =	stream.linear.gather [hbm4b:s25+s19], $0x1000, $0x38;
	[tilespmem:$0x1EDC0] =	vst v63  }
0x96: {  	_ =	swait.ge [sflag:s29], $0x1000  }
0x97: {  	[sflag:s29] =	ssyncset.done $0x0;
	s26 =	rddreg [dreg:$0xd]  }
0x98: {  	[sflag:s29] =	ssyncadd.s32 $0xFFFFF000;
	s1 =	sadd.s32 s1, s26  }
0x99: {  	[tilespmem:s0], [sflag:$0x3] =	stream.linear.gather [hbm4b:s1+s19], $0x1000, $0x38;
	[tilespmem:$0x1EDC0] =	vst v63  }
0x9a: {  	s22 =	simm.s32 $0x20;
	_ =	swait.ge [sflag:s29], $0x1000  }
0x9b: {  	s23 =	simm.s32 $0x1DDD0;
	s15 =	simm.s32 $0x130;
	[sflag:s29] =	ssyncset.done $0x0  }
0x9c: {  	s5 =	simm.s32 $0x0;
	s26 =	simm.s32 $0x1DEE0;
	[sflag:s29] =	ssyncadd.s32 $0xFFFFF000  }
0x9d: {  	[tilespmem:s6], [sflag:$0x1] =	stream.indirect.gather [hbm4b:s18+s3], $0x8, s28, s3, $0xb8;
	[tilespmem:$0x1EDC0] =	vst v63  }
.LBB2_51:
0x9e: {  	s1 =	sshll.u32 s5, $0x9  }
0x9f: {  	s1 =	sadd.s32 $0x1100, s1  }
0xa0: {  	[tilespmem:s10], [sflag:$0x2] =	stream.indirect.gather [hbm4b:s18+s3], $0x8, s1, s3, $0xb8;
	[tilespmem:$0x1EDC0] =	vst v63  }
0xa1: {  	_ =	swait.ge [sflag:s11], $0x800  }
0xa2: {  	s25 =	simm.s32 $0x0;
	[sflag:s11] =	ssyncset.done $0x0  }
0xa3: {  	s16 =	smov.u32 s23;
	s7 =	smov.u32 s22;
	[sflag:s11] =	ssyncadd.s32 $0xFFFFF800  }
.LBB2_52:
0xa4: {  	v2 =	vld [tilespmem:s7+$0xFFFFFFE0];
	_ =	sdelay $0x1  }
0xa5: {  	v3 =	vmov s25  }
0xa6: {  	v4 =	vld [tilespmem:s16+$0xFFFFFFE0];
	v3 =	vshll.u32 v3, $0x3  }
0xa7: {  	v3 =	vor.u32 v0, v3;
	_ =	sdelay $0x2  }
0xa8: {  	s12 =	simm.s32 @!p1 $0x1B6A0  }
0xa9: {  	[tilespmem:v2+s12+$0x0] =	vst.idx.add.f32.msk @!p1 $0xffff, v4  }
0xaa: {  	v5 =	vld.idx.msk [tilespmem:v3+s6+$0x0], $0xffff;
	_ =	sdelay $0x1  }
0xab: {  	v2 =	vshll.u32 v2, $0x3  }
0xac: {  	v6 =	vor.u32 $0x1, v3;
	_ =	sdelay $0x1  }
0xad: {  	v5 =	vmul.f32 v5, v4;
	_ =	sdelay $0x1  }
0xae: {  	[tilespmem:v2+s31+$0x0] =	vst.idx.add.f32.msk $0xffff, v5  }
0xaf: {  	v5 =	vld.idx.msk [tilespmem:v6+s6+$0x0], $0xffff;
	_ =	sdelay $0x1  }
0xb0: {  	v18 =	vor.u32 $0x1, v2  }
0xb1: {  	v7 =	vor.u32 $0x2, v3;
	_ =	sdelay $0x1  }
0xb2: {  	v5 =	vmul.f32 v5, v4;
	_ =	sdelay $0x1  }
0xb3: {  	[tilespmem:v18+s31+$0x0] =	vst.idx.add.f32.msk $0xffff, v5  }
0xb4: {  	v5 =	vld.idx.msk [tilespmem:v7+s6+$0x0], $0xffff;
	_ =	sdelay $0x1  }
0xb5: {  	v19 =	vor.u32 $0x2, v2  }
0xb6: {  	v20 =	vor.u32 $0x3, v3;
	_ =	sdelay $0x1  }
0xb7: {  	v5 =	vmul.f32 v5, v4;
	_ =	sdelay $0x1  }
0xb8: {  	[tilespmem:v19+s31+$0x0] =	vst.idx.add.f32.msk $0xffff, v5  }
0xb9: {  	v5 =	vld.idx.msk [tilespmem:v20+s6+$0x0], $0xffff;
	_ =	sdelay $0x1  }
0xba: {  	v21 =	vor.u32 $0x3, v2  }
0xbb: {  	v22 =	vor.u32 $0x4, v3;
	_ =	sdelay $0x1  }
0xbc: {  	v5 =	vmul.f32 v5, v4;
	_ =	sdelay $0x1  }
0xbd: {  	[tilespmem:v21+s31+$0x0] =	vst.idx.add.f32.msk $0xffff, v5  }
0xbe: {  	v5 =	vld.idx.msk [tilespmem:v22+s6+$0x0], $0xffff;
	_ =	sdelay $0x1  }
0xbf: {  	v23 =	vor.u32 $0x4, v2  }
0xc0: {  	v24 =	vor.u32 $0x5, v3;
	_ =	sdelay $0x1  }
0xc1: {  	v5 =	vmul.f32 v5, v4;
	_ =	sdelay $0x1  }
0xc2: {  	[tilespmem:v23+s31+$0x0] =	vst.idx.add.f32.msk $0xffff, v5  }
0xc3: {  	v5 =	vld.idx.msk [tilespmem:v24+s6+$0x0], $0xffff;
	_ =	sdelay $0x1  }
0xc4: {  	v25 =	vor.u32 $0x5, v2  }
0xc5: {  	v26 =	vor.u32 $0x6, v3;
	_ =	sdelay $0x1  }
0xc6: {  	v5 =	vmul.f32 v5, v4;
	_ =	sdelay $0x1  }
0xc7: {  	[tilespmem:v25+s31+$0x0] =	vst.idx.add.f32.msk $0xffff, v5  }
0xc8: {  	v5 =	vld.idx.msk [tilespmem:v26+s6+$0x0], $0xffff;
	_ =	sdelay $0x1  }
0xc9: {  	v27 =	vor.u32 $0x6, v2  }
0xca: {  	v3 =	vor.u32 $0x7, v3;
	_ =	sdelay $0x1  }
0xcb: {  	v5 =	vmul.f32 v5, v4;
	_ =	sdelay $0x1  }
0xcc: {  	[tilespmem:v27+s31+$0x0] =	vst.idx.add.f32.msk $0xffff, v5  }
0xcd: {  	v3 =	vld.idx.msk [tilespmem:v3+s6+$0x0], $0xffff;
	_ =	sdelay $0x1  }
0xce: {  	v2 =	vor.u32 $0x7, v2;
	_ =	sdelay $0x2  }
0xcf: {  	v3 =	vmul.f32 v3, v4;
	_ =	sdelay $0x1  }
0xd0: {  	[tilespmem:v2+s31+$0x0] =	vst.idx.add.f32.msk $0xffff, v3  }
0xd1: {  	v2 =	vld [tilespmem:s7+$0xFFFFFFF0]  }
0xd2: {  	s1 =	sadd.s32 $0x10, s25  }
0xd3: {  	v3 =	vmov s1  }
0xd4: {  	v4 =	vld [tilespmem:s16+$0xFFFFFFF0];
	v3 =	vshll.u32 v3, $0x3  }
0xd5: {  	v3 =	vor.u32 v0, v3;
	_ =	sdelay $0x3  }
0xd6: {  	[tilespmem:v2+s12+$0x0] =	vst.idx.add.f32.msk @!p1 $0xffff, v4  }
0xd7: {  	v5 =	vld.idx.msk [tilespmem:v3+s6+$0x0], $0xffff;
	_ =	sdelay $0x1  }
0xd8: {  	v2 =	vshll.u32 v2, $0x3  }
0xd9: {  	v28 =	vor.u32 $0x1, v3;
	_ =	sdelay $0x1  }
0xda: {  	v5 =	vmul.f32 v5, v4;
	_ =	sdelay $0x1  }
0xdb: {  	[tilespmem:v2+s31+$0x0] =	vst.idx.add.f32.msk $0xffff, v5  }
0xdc: {  	v5 =	vld.idx.msk [tilespmem:v28+s6+$0x0], $0xffff;
	_ =	sdelay $0x1  }
0xdd: {  	v29 =	vor.u32 $0x1, v2  }
0xde: {  	v30 =	vor.u32 $0x2, v3;
	_ =	sdelay $0x1  }
0xdf: {  	v5 =	vmul.f32 v5, v4;
	_ =	sdelay $0x1  }
0xe0: {  	[tilespmem:v29+s31+$0x0] =	vst.idx.add.f32.msk $0xffff, v5  }
0xe1: {  	v5 =	vld.idx.msk [tilespmem:v30+s6+$0x0], $0xffff;
	_ =	sdelay $0x1  }
0xe2: {  	v31 =	vor.u32 $0x2, v2  }
0xe3: {  	v32 =	vor.u32 $0x3, v3;
	_ =	sdelay $0x1  }
0xe4: {  	v5 =	vmul.f32 v5, v4;
	_ =	sdelay $0x1  }
0xe5: {  	[tilespmem:v31+s31+$0x0] =	vst.idx.add.f32.msk $0xffff, v5  }
0xe6: {  	v5 =	vld.idx.msk [tilespmem:v32+s6+$0x0], $0xffff;
	_ =	sdelay $0x1  }
0xe7: {  	v33 =	vor.u32 $0x3, v2  }
0xe8: {  	v34 =	vor.u32 $0x4, v3;
	_ =	sdelay $0x1  }
0xe9: {  	v5 =	vmul.f32 v5, v4;
	_ =	sdelay $0x1  }
0xea: {  	[tilespmem:v33+s31+$0x0] =	vst.idx.add.f32.msk $0xffff, v5  }
0xeb: {  	v5 =	vld.idx.msk [tilespmem:v34+s6+$0x0], $0xffff;
	_ =	sdelay $0x1  }
0xec: {  	v35 =	vor.u32 $0x4, v2  }
0xed: {  	v36 =	vor.u32 $0x5, v3;
	_ =	sdelay $0x1  }
0xee: {  	v5 =	vmul.f32 v5, v4;
	_ =	sdelay $0x1  }
0xef: {  	[tilespmem:v35+s31+$0x0] =	vst.idx.add.f32.msk $0xffff, v5  }
0xf0: {  	v5 =	vld.idx.msk [tilespmem:v36+s6+$0x0], $0xffff;
	_ =	sdelay $0x1  }
0xf1: {  	v37 =	vor.u32 $0x5, v2  }
0xf2: {  	v38 =	vor.u32 $0x6, v3;
	_ =	sdelay $0x1  }
0xf3: {  	v5 =	vmul.f32 v5, v4;
	_ =	sdelay $0x1  }
0xf4: {  	[tilespmem:v37+s31+$0x0] =	vst.idx.add.f32.msk $0xffff, v5  }
0xf5: {  	v5 =	vld.idx.msk [tilespmem:v38+s6+$0x0], $0xffff;
	_ =	sdelay $0x1  }
0xf6: {  	v39 =	vor.u32 $0x6, v2  }
0xf7: {  	v3 =	vor.u32 $0x7, v3;
	_ =	sdelay $0x1  }
0xf8: {  	v5 =	vmul.f32 v5, v4;
	_ =	sdelay $0x1  }
0xf9: {  	[tilespmem:v39+s31+$0x0] =	vst.idx.add.f32.msk $0xffff, v5  }
0xfa: {  	v3 =	vld.idx.msk [tilespmem:v3+s6+$0x0], $0xffff;
	_ =	sdelay $0x1  }
0xfb: {  	v2 =	vor.u32 $0x7, v2;
	_ =	sdelay $0x2  }
0xfc: {  	v3 =	vmul.f32 v3, v4;
	_ =	sdelay $0x1  }
0xfd: {  	[tilespmem:v2+s31+$0x0] =	vst.idx.add.f32.msk $0xffff, v3  }
0xfe: {  	v2 =	vld [tilespmem:s7+$0x0]  }
0xff: {  	s2 =	sadd.s32 $0x20, s25  }
0x100: {  	v3 =	vmov s2  }
0x101: {  	v4 =	vld [tilespmem:s16+$0x0];
	v3 =	vshll.u32 v3, $0x3  }
0x102: {  	v3 =	vor.u32 v0, v3;
	_ =	sdelay $0x3  }
0x103: {  	[tilespmem:v2+s12+$0x0] =	vst.idx.add.f32.msk @!p1 $0xffff, v4  }
0x104: {  	v5 =	vld.idx.msk [tilespmem:v3+s6+$0x0], $0xffff;
	_ =	sdelay $0x1  }
0x105: {  	v2 =	vshll.u32 v2, $0x3  }
0x106: {  	v40 =	vor.u32 $0x1, v3;
	_ =	sdelay $0x1  }
0x107: {  	v5 =	vmul.f32 v5, v4;
	_ =	sdelay $0x1  }
0x108: {  	[tilespmem:v2+s31+$0x0] =	vst.idx.add.f32.msk $0xffff, v5  }
0x109: {  	v5 =	vld.idx.msk [tilespmem:v40+s6+$0x0], $0xffff;
	_ =	sdelay $0x1  }
0x10a: {  	v41 =	vor.u32 $0x1, v2  }
0x10b: {  	v42 =	vor.u32 $0x2, v3;
	_ =	sdelay $0x1  }
0x10c: {  	v5 =	vmul.f32 v5, v4;
	_ =	sdelay $0x1  }
0x10d: {  	[tilespmem:v41+s31+$0x0] =	vst.idx.add.f32.msk $0xffff, v5  }
0x10e: {  	v5 =	vld.idx.msk [tilespmem:v42+s6+$0x0], $0xffff;
	_ =	sdelay $0x1  }
0x10f: {  	v43 =	vor.u32 $0x2, v2  }
0x110: {  	v44 =	vor.u32 $0x3, v3;
	_ =	sdelay $0x1  }
0x111: {  	v5 =	vmul.f32 v5, v4;
	_ =	sdelay $0x1  }
0x112: {  	[tilespmem:v43+s31+$0x0] =	vst.idx.add.f32.msk $0xffff, v5  }
0x113: {  	v5 =	vld.idx.msk [tilespmem:v44+s6+$0x0], $0xffff;
	_ =	sdelay $0x1  }
0x114: {  	v45 =	vor.u32 $0x3, v2  }
0x115: {  	v46 =	vor.u32 $0x4, v3;
	_ =	sdelay $0x1  }
0x116: {  	v5 =	vmul.f32 v5, v4;
	_ =	sdelay $0x1  }
0x117: {  	[tilespmem:v45+s31+$0x0] =	vst.idx.add.f32.msk $0xffff, v5  }
0x118: {  	v5 =	vld.idx.msk [tilespmem:v46+s6+$0x0], $0xffff;
	_ =	sdelay $0x1  }
0x119: {  	v47 =	vor.u32 $0x4, v2  }
0x11a: {  	v48 =	vor.u32 $0x5, v3;
	_ =	sdelay $0x1  }
0x11b: {  	v5 =	vmul.f32 v5, v4;
	_ =	sdelay $0x1  }
0x11c: {  	[tilespmem:v47+s31+$0x0] =	vst.idx.add.f32.msk $0xffff, v5  }
0x11d: {  	v5 =	vld.idx.msk [tilespmem:v48+s6+$0x0], $0xffff;
	_ =	sdelay $0x1  }
0x11e: {  	v49 =	vor.u32 $0x5, v2  }
0x11f: {  	v50 =	vor.u32 $0x6, v3;
	_ =	sdelay $0x1  }
0x120: {  	v5 =	vmul.f32 v5, v4;
	_ =	sdelay $0x1  }
0x121: {  	[tilespmem:v49+s31+$0x0] =	vst.idx.add.f32.msk $0xffff, v5  }
0x122: {  	v5 =	vld.idx.msk [tilespmem:v50+s6+$0x0], $0xffff;
	_ =	sdelay $0x1  }
0x123: {  	v51 =	vor.u32 $0x6, v2  }
0x124: {  	v3 =	vor.u32 $0x7, v3;
	_ =	sdelay $0x1  }
0x125: {  	v5 =	vmul.f32 v5, v4;
	_ =	sdelay $0x1  }
0x126: {  	[tilespmem:v51+s31+$0x0] =	vst.idx.add.f32.msk $0xffff, v5  }
0x127: {  	v3 =	vld.idx.msk [tilespmem:v3+s6+$0x0], $0xffff;
	_ =	sdelay $0x1  }
0x128: {  	v2 =	vor.u32 $0x7, v2;
	_ =	sdelay $0x2  }
0x129: {  	v3 =	vmul.f32 v3, v4;
	_ =	sdelay $0x1  }
0x12a: {  	[tilespmem:v2+s31+$0x0] =	vst.idx.add.f32.msk $0xffff, v3  }
0x12b: {  	v2 =	vld [tilespmem:s7+$0x10]  }
0x12c: {  	s24 =	sadd.s32 $0x30, s25  }
0x12d: {  	v3 =	vmov s24  }
0x12e: {  	v4 =	vld [tilespmem:s16+$0x10];
	v3 =	vshll.u32 v3, $0x3  }
0x12f: {  	v3 =	vor.u32 v0, v3;
	_ =	sdelay $0x3  }
0x130: {  	[tilespmem:v2+s12+$0x0] =	vst.idx.add.f32.msk @!p1 $0xffff, v4  }
0x131: {  	v5 =	vld.idx.msk [tilespmem:v3+s6+$0x0], $0xffff;
	_ =	sdelay $0x1  }
0x132: {  	v2 =	vshll.u32 v2, $0x3  }
0x133: {  	v52 =	vor.u32 $0x1, v3;
	_ =	sdelay $0x1  }
0x134: {  	v5 =	vmul.f32 v5, v4;
	_ =	sdelay $0x1  }
0x135: {  	[tilespmem:v2+s31+$0x0] =	vst.idx.add.f32.msk $0xffff, v5  }
0x136: {  	v5 =	vld.idx.msk [tilespmem:v52+s6+$0x0], $0xffff;
	_ =	sdelay $0x1  }
0x137: {  	v53 =	vor.u32 $0x1, v2  }
0x138: {  	v54 =	vor.u32 $0x2, v3;
	_ =	sdelay $0x1  }
0x139: {  	v5 =	vmul.f32 v5, v4;
	_ =	sdelay $0x1  }
0x13a: {  	[tilespmem:v53+s31+$0x0] =	vst.idx.add.f32.msk $0xffff, v5  }
0x13b: {  	v5 =	vld.idx.msk [tilespmem:v54+s6+$0x0], $0xffff;
	_ =	sdelay $0x1  }
0x13c: {  	v55 =	vor.u32 $0x2, v2  }
0x13d: {  	v56 =	vor.u32 $0x3, v3;
	_ =	sdelay $0x1  }
0x13e: {  	v5 =	vmul.f32 v5, v4;
	_ =	sdelay $0x1  }
0x13f: {  	[tilespmem:v55+s31+$0x0] =	vst.idx.add.f32.msk $0xffff, v5  }
0x140: {  	v5 =	vld.idx.msk [tilespmem:v56+s6+$0x0], $0xffff;
	_ =	sdelay $0x1  }
0x141: {  	v57 =	vor.u32 $0x3, v2  }
0x142: {  	v58 =	vor.u32 $0x4, v3;
	_ =	sdelay $0x1  }
0x143: {  	v5 =	vmul.f32 v5, v4;
	_ =	sdelay $0x1  }
0x144: {  	[tilespmem:v57+s31+$0x0] =	vst.idx.add.f32.msk $0xffff, v5  }
0x145: {  	v5 =	vld.idx.msk [tilespmem:v58+s6+$0x0], $0xffff;
	_ =	sdelay $0x1  }
0x146: {  	v59 =	vor.u32 $0x4, v2  }
0x147: {  	v60 =	vor.u32 $0x5, v3;
	_ =	sdelay $0x1  }
0x148: {  	v5 =	vmul.f32 v5, v4;
	_ =	sdelay $0x1  }
0x149: {  	[tilespmem:v59+s31+$0x0] =	vst.idx.add.f32.msk $0xffff, v5  }
0x14a: {  	v5 =	vld.idx.msk [tilespmem:v60+s6+$0x0], $0xffff;
	_ =	sdelay $0x1  }
0x14b: {  	v61 =	vor.u32 $0x5, v2  }
0x14c: {  	v62 =	vor.u32 $0x6, v3;
	_ =	sdelay $0x1  }
0x14d: {  	v5 =	vmul.f32 v5, v4;
	_ =	sdelay $0x1  }
0x14e: {  	[tilespmem:v61+s31+$0x0] =	vst.idx.add.f32.msk $0xffff, v5  }
0x14f: {  	v5 =	vld.idx.msk [tilespmem:v62+s6+$0x0], $0xffff;
	_ =	sdelay $0x1  }
0x150: {  	v63 =	vor.u32 $0x6, v2  }
0x151: {  	v3 =	vor.u32 $0x7, v3;
	_ =	sdelay $0x1  }
0x152: {  	v5 =	vmul.f32 v5, v4;
	_ =	sdelay $0x1  }
0x153: {  	[tilespmem:v63+s31+$0x0] =	vst.idx.add.f32.msk $0xffff, v5  }
0x154: {  	v3 =	vld.idx.msk [tilespmem:v3+s6+$0x0], $0xffff  }
0x155: {  	s25 =	sadd.s32 $0x40, s25  }
0x156: {  	p3 =	sne.s32 s25, $0x100;
	v2 =	vor.u32 $0x7, v2  }
.Ltmp8:
0x157: {  	_ = 	snop;
	(pc) =	sbr.rel @p3 .LBB2_52-.Ltmp8, $3  }
0x158: {  	_ = 	snop  }
0x159: {  	v3 =	vmul.f32 v3, v4;
	_ =	sdelay $0x1  }
0x15a: {  	s7 =	sadd.s32 $0x40, s7;
	s16 =	sadd.s32 $0x40, s16;
	[tilespmem:v2+s31+$0x0] =	vst.idx.add.f32.msk $0xffff, v3  }
0x15b: {  	p3 =	seq.s32 s5, $0x7  }
0x15c: {  	s1 =	sshll.u32 @!p3 s5, $0x9  }
0x15d: {  	s1 =	sand.u32 @!p3 $0x3FFFFE00, s1  }
0x15e: {  	s2 =	simm.s32 @!p3 $0x100;
	s7 =	simm.s32 @!p3 $0x6E20;
	s1 =	sadd.s32 @!p3 $0x1200, s1  }
0x15f: {  	[tilespmem:s7], [sflag:$0x1] =	stream.indirect.gather @!p3 [hbm4b:s18+s2], $0x8, s1, s2, $0xb8;
	[tilespmem:$0x1EDC0] =	vst v63  }
0x160: {  	_ =	swait.ge [sflag:s14], $0x800  }
0x161: {  	s25 =	simm.s32 $0x0;
	[sflag:s14] =	ssyncset.done $0x0  }
0x162: {  	s16 =	smov.u32 s26;
	s7 =	smov.u32 s15;
	[sflag:s14] =	ssyncadd.s32 $0xFFFFF800  }
.LBB2_54:
0x163: {  	v2 =	vld [tilespmem:s7+$0xFFFFFFD0];
	_ =	sdelay $0x1  }
0x164: {  	v3 =	vmov s25  }
0x165: {  	v4 =	vld [tilespmem:s16+$0xFFFFFFD0];
	v3 =	vshll.u32 v3, $0x3  }
0x166: {  	v3 =	vor.u32 v0, v3;
	_ =	sdelay $0x2  }
0x167: {  	s12 =	simm.s32 @!p1 $0x1B6A0  }
0x168: {  	[tilespmem:v2+s12+$0x0] =	vst.idx.add.f32.msk @!p1 $0xffff, v4  }
0x169: {  	v5 =	vld.idx.msk [tilespmem:v3+s10+$0x0], $0xffff;
	_ =	sdelay $0x1  }
0x16a: {  	v2 =	vshll.u32 v2, $0x3  }
0x16b: {  	v6 =	vor.u32 $0x1, v3;
	_ =	sdelay $0x1  }
0x16c: {  	v5 =	vmul.f32 v5, v4;
	_ =	sdelay $0x1  }
0x16d: {  	[tilespmem:v2+s31+$0x0] =	vst.idx.add.f32.msk $0xffff, v5  }
0x16e: {  	v5 =	vld.idx.msk [tilespmem:v6+s10+$0x0], $0xffff;
	_ =	sdelay $0x1  }
0x16f: {  	v18 =	vor.u32 $0x1, v2  }
0x170: {  	v7 =	vor.u32 $0x2, v3;
	_ =	sdelay $0x1  }
0x171: {  	v5 =	vmul.f32 v5, v4;
	_ =	sdelay $0x1  }
0x172: {  	[tilespmem:v18+s31+$0x0] =	vst.idx.add.f32.msk $0xffff, v5  }
0x173: {  	v5 =	vld.idx.msk [tilespmem:v7+s10+$0x0], $0xffff;
	_ =	sdelay $0x1  }
0x174: {  	v19 =	vor.u32 $0x2, v2  }
0x175: {  	v20 =	vor.u32 $0x3, v3;
	_ =	sdelay $0x1  }
0x176: {  	v5 =	vmul.f32 v5, v4;
	_ =	sdelay $0x1  }
0x177: {  	[tilespmem:v19+s31+$0x0] =	vst.idx.add.f32.msk $0xffff, v5  }
0x178: {  	v5 =	vld.idx.msk [tilespmem:v20+s10+$0x0], $0xffff;
	_ =	sdelay $0x1  }
0x179: {  	v21 =	vor.u32 $0x3, v2  }
0x17a: {  	v22 =	vor.u32 $0x4, v3;
	_ =	sdelay $0x1  }
0x17b: {  	v5 =	vmul.f32 v5, v4;
	_ =	sdelay $0x1  }
0x17c: {  	[tilespmem:v21+s31+$0x0] =	vst.idx.add.f32.msk $0xffff, v5  }
0x17d: {  	v5 =	vld.idx.msk [tilespmem:v22+s10+$0x0], $0xffff;
	_ =	sdelay $0x1  }
0x17e: {  	v23 =	vor.u32 $0x4, v2  }
0x17f: {  	v24 =	vor.u32 $0x5, v3;
	_ =	sdelay $0x1  }
0x180: {  	v5 =	vmul.f32 v5, v4;
	_ =	sdelay $0x1  }
0x181: {  	[tilespmem:v23+s31+$0x0] =	vst.idx.add.f32.msk $0xffff, v5  }
0x182: {  	v5 =	vld.idx.msk [tilespmem:v24+s10+$0x0], $0xffff;
	_ =	sdelay $0x1  }
0x183: {  	v25 =	vor.u32 $0x5, v2  }
0x184: {  	v26 =	vor.u32 $0x6, v3;
	_ =	sdelay $0x1  }
0x185: {  	v5 =	vmul.f32 v5, v4;
	_ =	sdelay $0x1  }
0x186: {  	[tilespmem:v25+s31+$0x0] =	vst.idx.add.f32.msk $0xffff, v5  }
0x187: {  	v5 =	vld.idx.msk [tilespmem:v26+s10+$0x0], $0xffff;
	_ =	sdelay $0x1  }
0x188: {  	v27 =	vor.u32 $0x6, v2  }
0x189: {  	v3 =	vor.u32 $0x7, v3;
	_ =	sdelay $0x1  }
0x18a: {  	v5 =	vmul.f32 v5, v4;
	_ =	sdelay $0x1  }
0x18b: {  	[tilespmem:v27+s31+$0x0] =	vst.idx.add.f32.msk $0xffff, v5  }
0x18c: {  	v3 =	vld.idx.msk [tilespmem:v3+s10+$0x0], $0xffff;
	_ =	sdelay $0x1  }
0x18d: {  	v2 =	vor.u32 $0x7, v2;
	_ =	sdelay $0x2  }
0x18e: {  	v3 =	vmul.f32 v3, v4;
	_ =	sdelay $0x1  }
0x18f: {  	[tilespmem:v2+s31+$0x0] =	vst.idx.add.f32.msk $0xffff, v3  }
0x190: {  	v2 =	vld [tilespmem:s7+$0xFFFFFFE0]  }
0x191: {  	s1 =	sadd.s32 $0x10, s25  }
0x192: {  	v3 =	vmov s1  }
0x193: {  	v4 =	vld [tilespmem:s16+$0xFFFFFFE0];
	v3 =	vshll.u32 v3, $0x3  }
0x194: {  	v3 =	vor.u32 v0, v3;
	_ =	sdelay $0x3  }
0x195: {  	[tilespmem:v2+s12+$0x0] =	vst.idx.add.f32.msk @!p1 $0xffff, v4  }
0x196: {  	v5 =	vld.idx.msk [tilespmem:v3+s10+$0x0], $0xffff;
	_ =	sdelay $0x1  }
0x197: {  	v2 =	vshll.u32 v2, $0x3  }
0x198: {  	v28 =	vor.u32 $0x1, v3;
	_ =	sdelay $0x1  }
0x199: {  	v5 =	vmul.f32 v5, v4;
	_ =	sdelay $0x1  }
0x19a: {  	[tilespmem:v2+s31+$0x0] =	vst.idx.add.f32.msk $0xffff, v5  }
0x19b: {  	v5 =	vld.idx.msk [tilespmem:v28+s10+$0x0], $0xffff;
	_ =	sdelay $0x1  }
0x19c: {  	v29 =	vor.u32 $0x1, v2  }
0x19d: {  	v30 =	vor.u32 $0x2, v3;
	_ =	sdelay $0x1  }
0x19e: {  	v5 =	vmul.f32 v5, v4;
	_ =	sdelay $0x1  }
0x19f: {  	[tilespmem:v29+s31+$0x0] =	vst.idx.add.f32.msk $0xffff, v5  }
0x1a0: {  	v5 =	vld.idx.msk [tilespmem:v30+s10+$0x0], $0xffff;
	_ =	sdelay $0x1  }
0x1a1: {  	v31 =	vor.u32 $0x2, v2  }
0x1a2: {  	v32 =	vor.u32 $0x3, v3;
	_ =	sdelay $0x1  }
0x1a3: {  	v5 =	vmul.f32 v5, v4;
	_ =	sdelay $0x1  }
0x1a4: {  	[tilespmem:v31+s31+$0x0] =	vst.idx.add.f32.msk $0xffff, v5  }
0x1a5: {  	v5 =	vld.idx.msk [tilespmem:v32+s10+$0x0], $0xffff;
	_ =	sdelay $0x1  }
0x1a6: {  	v33 =	vor.u32 $0x3, v2  }
0x1a7: {  	v34 =	vor.u32 $0x4, v3;
	_ =	sdelay $0x1  }
0x1a8: {  	v5 =	vmul.f32 v5, v4;
	_ =	sdelay $0x1  }
0x1a9: {  	[tilespmem:v33+s31+$0x0] =	vst.idx.add.f32.msk $0xffff, v5  }
0x1aa: {  	v5 =	vld.idx.msk [tilespmem:v34+s10+$0x0], $0xffff;
	_ =	sdelay $0x1  }
0x1ab: {  	v35 =	vor.u32 $0x4, v2  }
0x1ac: {  	v36 =	vor.u32 $0x5, v3;
	_ =	sdelay $0x1  }
0x1ad: {  	v5 =	vmul.f32 v5, v4;
	_ =	sdelay $0x1  }
0x1ae: {  	[tilespmem:v35+s31+$0x0] =	vst.idx.add.f32.msk $0xffff, v5  }
0x1af: {  	v5 =	vld.idx.msk [tilespmem:v36+s10+$0x0], $0xffff;
	_ =	sdelay $0x1  }
0x1b0: {  	v37 =	vor.u32 $0x5, v2  }
0x1b1: {  	v38 =	vor.u32 $0x6, v3;
	_ =	sdelay $0x1  }
0x1b2: {  	v5 =	vmul.f32 v5, v4;
	_ =	sdelay $0x1  }
0x1b3: {  	[tilespmem:v37+s31+$0x0] =	vst.idx.add.f32.msk $0xffff, v5  }
0x1b4: {  	v5 =	vld.idx.msk [tilespmem:v38+s10+$0x0], $0xffff;
	_ =	sdelay $0x1  }
0x1b5: {  	v39 =	vor.u32 $0x6, v2  }
0x1b6: {  	v3 =	vor.u32 $0x7, v3;
	_ =	sdelay $0x1  }
0x1b7: {  	v5 =	vmul.f32 v5, v4;
	_ =	sdelay $0x1  }
0x1b8: {  	[tilespmem:v39+s31+$0x0] =	vst.idx.add.f32.msk $0xffff, v5  }
0x1b9: {  	v3 =	vld.idx.msk [tilespmem:v3+s10+$0x0], $0xffff;
	_ =	sdelay $0x1  }
0x1ba: {  	v2 =	vor.u32 $0x7, v2;
	_ =	sdelay $0x2  }
0x1bb: {  	v3 =	vmul.f32 v3, v4;
	_ =	sdelay $0x1  }
0x1bc: {  	[tilespmem:v2+s31+$0x0] =	vst.idx.add.f32.msk $0xffff, v3  }
0x1bd: {  	v2 =	vld [tilespmem:s7+$0xFFFFFFF0]  }
0x1be: {  	s2 =	sadd.s32 $0x20, s25  }
0x1bf: {  	v3 =	vmov s2  }
0x1c0: {  	v4 =	vld [tilespmem:s16+$0xFFFFFFF0];
	v3 =	vshll.u32 v3, $0x3  }
0x1c1: {  	v3 =	vor.u32 v0, v3;
	_ =	sdelay $0x3  }
0x1c2: {  	[tilespmem:v2+s12+$0x0] =	vst.idx.add.f32.msk @!p1 $0xffff, v4  }
0x1c3: {  	v5 =	vld.idx.msk [tilespmem:v3+s10+$0x0], $0xffff;
	_ =	sdelay $0x1  }
0x1c4: {  	v2 =	vshll.u32 v2, $0x3  }
0x1c5: {  	v40 =	vor.u32 $0x1, v3;
	_ =	sdelay $0x1  }
0x1c6: {  	v5 =	vmul.f32 v5, v4;
	_ =	sdelay $0x1  }
0x1c7: {  	[tilespmem:v2+s31+$0x0] =	vst.idx.add.f32.msk $0xffff, v5  }
0x1c8: {  	v5 =	vld.idx.msk [tilespmem:v40+s10+$0x0], $0xffff;
	_ =	sdelay $0x1  }
0x1c9: {  	v41 =	vor.u32 $0x1, v2  }
0x1ca: {  	v42 =	vor.u32 $0x2, v3;
	_ =	sdelay $0x1  }
0x1cb: {  	v5 =	vmul.f32 v5, v4;
	_ =	sdelay $0x1  }
0x1cc: {  	[tilespmem:v41+s31+$0x0] =	vst.idx.add.f32.msk $0xffff, v5  }
0x1cd: {  	v5 =	vld.idx.msk [tilespmem:v42+s10+$0x0], $0xffff;
	_ =	sdelay $0x1  }
0x1ce: {  	v43 =	vor.u32 $0x2, v2  }
0x1cf: {  	v44 =	vor.u32 $0x3, v3;
	_ =	sdelay $0x1  }
0x1d0: {  	v5 =	vmul.f32 v5, v4;
	_ =	sdelay $0x1  }
0x1d1: {  	[tilespmem:v43+s31+$0x0] =	vst.idx.add.f32.msk $0xffff, v5  }
0x1d2: {  	v5 =	vld.idx.msk [tilespmem:v44+s10+$0x0], $0xffff;
	_ =	sdelay $0x1  }
0x1d3: {  	v45 =	vor.u32 $0x3, v2  }
0x1d4: {  	v46 =	vor.u32 $0x4, v3;
	_ =	sdelay $0x1  }
0x1d5: {  	v5 =	vmul.f32 v5, v4;
	_ =	sdelay $0x1  }
0x1d6: {  	[tilespmem:v45+s31+$0x0] =	vst.idx.add.f32.msk $0xffff, v5  }
0x1d7: {  	v5 =	vld.idx.msk [tilespmem:v46+s10+$0x0], $0xffff;
	_ =	sdelay $0x1  }
0x1d8: {  	v47 =	vor.u32 $0x4, v2  }
0x1d9: {  	v48 =	vor.u32 $0x5, v3;
	_ =	sdelay $0x1  }
0x1da: {  	v5 =	vmul.f32 v5, v4;
	_ =	sdelay $0x1  }
0x1db: {  	[tilespmem:v47+s31+$0x0] =	vst.idx.add.f32.msk $0xffff, v5  }
0x1dc: {  	v5 =	vld.idx.msk [tilespmem:v48+s10+$0x0], $0xffff;
	_ =	sdelay $0x1  }
0x1dd: {  	v49 =	vor.u32 $0x5, v2  }
0x1de: {  	v50 =	vor.u32 $0x6, v3;
	_ =	sdelay $0x1  }
0x1df: {  	v5 =	vmul.f32 v5, v4;
	_ =	sdelay $0x1  }
0x1e0: {  	[tilespmem:v49+s31+$0x0] =	vst.idx.add.f32.msk $0xffff, v5  }
0x1e1: {  	v5 =	vld.idx.msk [tilespmem:v50+s10+$0x0], $0xffff;
	_ =	sdelay $0x1  }
0x1e2: {  	v51 =	vor.u32 $0x6, v2  }
0x1e3: {  	v3 =	vor.u32 $0x7, v3;
	_ =	sdelay $0x1  }
0x1e4: {  	v5 =	vmul.f32 v5, v4;
	_ =	sdelay $0x1  }
0x1e5: {  	[tilespmem:v51+s31+$0x0] =	vst.idx.add.f32.msk $0xffff, v5  }
0x1e6: {  	v3 =	vld.idx.msk [tilespmem:v3+s10+$0x0], $0xffff;
	_ =	sdelay $0x1  }
0x1e7: {  	v2 =	vor.u32 $0x7, v2;
	_ =	sdelay $0x2  }
0x1e8: {  	v3 =	vmul.f32 v3, v4;
	_ =	sdelay $0x1  }
0x1e9: {  	[tilespmem:v2+s31+$0x0] =	vst.idx.add.f32.msk $0xffff, v3  }
0x1ea: {  	v2 =	vld [tilespmem:s7+$0x0]  }
0x1eb: {  	s24 =	sadd.s32 $0x30, s25  }
0x1ec: {  	v3 =	vmov s24  }
0x1ed: {  	v4 =	vld [tilespmem:s16+$0x0];
	v3 =	vshll.u32 v3, $0x3  }
0x1ee: {  	v3 =	vor.u32 v0, v3;
	_ =	sdelay $0x3  }
0x1ef: {  	[tilespmem:v2+s12+$0x0] =	vst.idx.add.f32.msk @!p1 $0xffff, v4  }
0x1f0: {  	v5 =	vld.idx.msk [tilespmem:v3+s10+$0x0], $0xffff;
	_ =	sdelay $0x1  }
0x1f1: {  	v2 =	vshll.u32 v2, $0x3  }
0x1f2: {  	v52 =	vor.u32 $0x1, v3;
	_ =	sdelay $0x1  }
0x1f3: {  	v5 =	vmul.f32 v5, v4;
	_ =	sdelay $0x1  }
0x1f4: {  	[tilespmem:v2+s31+$0x0] =	vst.idx.add.f32.msk $0xffff, v5  }
0x1f5: {  	v5 =	vld.idx.msk [tilespmem:v52+s10+$0x0], $0xffff;
	_ =	sdelay $0x1  }
0x1f6: {  	v53 =	vor.u32 $0x1, v2  }
0x1f7: {  	v54 =	vor.u32 $0x2, v3;
	_ =	sdelay $0x1  }
0x1f8: {  	v5 =	vmul.f32 v5, v4;
	_ =	sdelay $0x1  }
0x1f9: {  	[tilespmem:v53+s31+$0x0] =	vst.idx.add.f32.msk $0xffff, v5  }
0x1fa: {  	v5 =	vld.idx.msk [tilespmem:v54+s10+$0x0], $0xffff;
	_ =	sdelay $0x1  }
0x1fb: {  	v55 =	vor.u32 $0x2, v2  }
0x1fc: {  	v56 =	vor.u32 $0x3, v3;
	_ =	sdelay $0x1  }
0x1fd: {  	v5 =	vmul.f32 v5, v4;
	_ =	sdelay $0x1  }
0x1fe: {  	[tilespmem:v55+s31+$0x0] =	vst.idx.add.f32.msk $0xffff, v5  }
0x1ff: {  	v5 =	vld.idx.msk [tilespmem:v56+s10+$0x0], $0xffff;
	_ =	sdelay $0x1  }
0x200: {  	v57 =	vor.u32 $0x3, v2  }
0x201: {  	v58 =	vor.u32 $0x4, v3;
	_ =	sdelay $0x1  }
0x202: {  	v5 =	vmul.f32 v5, v4;
	_ =	sdelay $0x1  }
0x203: {  	[tilespmem:v57+s31+$0x0] =	vst.idx.add.f32.msk $0xffff, v5  }
0x204: {  	v5 =	vld.idx.msk [tilespmem:v58+s10+$0x0], $0xffff;
	_ =	sdelay $0x1  }
0x205: {  	v59 =	vor.u32 $0x4, v2  }
0x206: {  	v60 =	vor.u32 $0x5, v3;
	_ =	sdelay $0x1  }
0x207: {  	v5 =	vmul.f32 v5, v4;
	_ =	sdelay $0x1  }
0x208: {  	[tilespmem:v59+s31+$0x0] =	vst.idx.add.f32.msk $0xffff, v5  }
0x209: {  	v5 =	vld.idx.msk [tilespmem:v60+s10+$0x0], $0xffff;
	_ =	sdelay $0x1  }
0x20a: {  	v61 =	vor.u32 $0x5, v2  }
0x20b: {  	v62 =	vor.u32 $0x6, v3;
	_ =	sdelay $0x1  }
0x20c: {  	v5 =	vmul.f32 v5, v4;
	_ =	sdelay $0x1  }
0x20d: {  	[tilespmem:v61+s31+$0x0] =	vst.idx.add.f32.msk $0xffff, v5  }
0x20e: {  	v5 =	vld.idx.msk [tilespmem:v62+s10+$0x0], $0xffff;
	_ =	sdelay $0x1  }
0x20f: {  	v63 =	vor.u32 $0x6, v2  }
0x210: {  	v3 =	vor.u32 $0x7, v3;
	_ =	sdelay $0x1  }
0x211: {  	v5 =	vmul.f32 v5, v4;
	_ =	sdelay $0x1  }
0x212: {  	[tilespmem:v63+s31+$0x0] =	vst.idx.add.f32.msk $0xffff, v5  }
0x213: {  	v3 =	vld.idx.msk [tilespmem:v3+s10+$0x0], $0xffff  }
0x214: {  	s25 =	sadd.s32 $0x40, s25  }
0x215: {  	p3 =	sne.s32 s25, $0x100;
	v2 =	vor.u32 $0x7, v2  }
.Ltmp9:
0x216: {  	_ = 	snop;
	(pc) =	sbr.rel @p3 .LBB2_54-.Ltmp9, $3  }
0x217: {  	_ = 	snop  }
0x218: {  	v3 =	vmul.f32 v3, v4;
	_ =	sdelay $0x1  }
0x219: {  	s7 =	sadd.s32 $0x40, s7;
	s16 =	sadd.s32 $0x40, s16;
	[tilespmem:v2+s31+$0x0] =	vst.idx.add.f32.msk $0xffff, v3  }
0x21a: {  	s5 =	sadd.s32 $0x1, s5  }
0x21b: {  	p3 =	sne.s32 s5, $0x8  }
.Ltmp10:
0x21c: {  	_ = 	snop;
	(pc) =	sbr.rel @p3 .LBB2_51-.Ltmp10, $3  }
0x21d: {  	_ =	sdelay $0x1  }
0x21e: {  	s22 =	sadd.s32 $0x200, s22  }
0x21f: {  	s23 =	sadd.s32 $0x200, s23;
	s15 =	sadd.s32 $0x200, s15;
	s26 =	sadd.s32 $0x200, s26  }
0x220: {  	s20 =	sadd.s32 $0x1, s20  }
0x221: {  	p3 =	sne.s32 s20, $0x50  }
.Ltmp11:
0x222: {  	_ = 	snop;
	(pc) =	sbr.rel @p3 .LBB2_50-.Ltmp11, $1  }
0x223: {  	_ =	sdelay $0x3  }
0x224: {  	s1 =	simm.s32 $0x0;
	s2 =	rddreg [dreg:$0xe]  }
0x225: {  	[hbm4b:s2+s1] =	stream.linear.scatter [tilespmem:s31], [sflag:$0x3], $0x13880, $0x38;
	[tilespmem:$0x1EDC0] =	vst v63  }
0x226: {  	_ =	swait.ge [sflag:s29], $0x13880  }
0x227: {  	s1 =	simm.s32 @!p1 $0x0;
	[sflag:s29] =	ssyncset.done $0x0  }
0x228: {  	s2 =	simm.s32 @!p1 $0x1B6A0;
	s5 =	rddreg [dreg:$0xf];
	[sflag:s29] =	ssyncadd.s32 $0xFFFEC780  }
0x229: {  	[hbm4b:s5+s1] =	stream.linear.scatter @!p1 [tilespmem:s2], [sflag:$0x3], $0x2710, $0x38;
	[tilespmem:$0x1EDC0] =	vst v63  }
0x22a: {  	s25 =	simm.s32 $0x0;
	s1 =	simm.s32 @!p1 $0x3  }
0x22b: {  	v2 =	vmov s25;
	_ =	swait.ge @!p1 [sflag:s1], $0x2710  }
0x22c: {  	v2 =	vshll.u32 v2, $0x3;
	[sflag:s1] =	ssyncset.done @!p1 $0x0  }
0x22d: {  	v2 =	vor.u32 v0, v2;
	s26 =	rddreg [dreg:$0x11];
	[sflag:s1] =	ssyncadd.s32 @!p1 $0xFFFFD8F0  }
0x22e: {  	v4 =	vor.u32 $0x1, v2;
	[tilespmem:s30], [sflag:$0x3] =	stream.linear.gather [hbm4b:s26+s25], $0x4E20, $0x38;
	[tilespmem:$0x1EDC0] =	vst v63  }
0x22f: {  	v7 =	vor.u32 $0x2, v2;
	_ =	swait.ge [sflag:s29], $0x4E20  }
0x230: {  	v5 =	vor.u32 $0x3, v2;
	[sflag:s29] =	ssyncset.done $0x0  }
0x231: {  	v6 =	vor.u32 $0x4, v2;
	[sflag:s29] =	ssyncadd.s32 $0xFFFFB1E0  }
0x232: {  	v3 =	vor.u32 $0x6, v2;
	v8 =	vor.u32 $0x5, v2;
	s2 =	simm.s32 $0x10;
	[tilespmem:v2+s31+$0x0] =	vst.idx.msk $0xffff, v1  }
.LBB2_58:
0x233: {  	v9 =	vmov s2;
	p3 =	sne.s32 s2, $0x2700;
	s2 =	sadd.s32 $0x10, s2;
	[tilespmem:v4+s31+$0x0] =	vst.idx.msk $0xffff, v1  }
0x234: {  	v4 =	vshll.u32 v9, $0x3;
	[tilespmem:v7+s31+$0x0] =	vst.idx.msk $0xffff, v1;
	v9 =	vor.u32 $0x7, v2  }
0x235: {  	v2 =	vor.u32 v0, v4;
	[tilespmem:v5+s31+$0x0] =	vst.idx.msk $0xffff, v1  }
.Ltmp12:
0x236: {  	v4 =	vor.u32 $0x1, v2;
	v10 =	vor.u32 $0x6, v2;
	[tilespmem:v6+s31+$0x0] =	vst.idx.msk $0xffff, v1;
	(pc) =	sbr.rel @p3 .LBB2_58-.Ltmp12, $4  }
0x237: {  	v7 =	vor.u32 $0x2, v2;
	[tilespmem:v8+s31+$0x0] =	vst.idx.msk $0xffff, v1  }
0x238: {  	v5 =	vor.u32 $0x3, v2;
	[tilespmem:v3+s31+$0x0] =	vst.idx.msk $0xffff, v1;
	v3 =	vmov v10  }
0x239: {  	v6 =	vor.u32 $0x4, v2;
	[tilespmem:v9+s31+$0x0] =	vst.idx.msk $0xffff, v1  }
0x23a: {  	v8 =	vor.u32 $0x5, v2;
	[tilespmem:v2+s31+$0x0] =	vst.idx.msk $0xffff, v1  }
0x23b: {  	_ =	sdelay $0x3  }
0x23c: {  	[tilespmem:v4+s31+$0x0] =	vst.idx.msk $0xffff, v1  }
0x23d: {  	v2 =	vor.u32 $0x7, v2;
	[tilespmem:v7+s31+$0x0] =	vst.idx.msk $0xffff, v1  }
0x23e: {  	[tilespmem:v5+s31+$0x0] =	vst.idx.msk $0xffff, v1  }
0x23f: {  	[tilespmem:v6+s31+$0x0] =	vst.idx.msk $0xffff, v1  }
0x240: {  	[tilespmem:v8+s31+$0x0] =	vst.idx.msk $0xffff, v1  }
0x241: {  	[tilespmem:v3+s31+$0x0] =	vst.idx.msk $0xffff, v1  }
0x242: {  	s2 =	simm.s32 $0x40;
	s5 =	simm.s32 $0x0;
	[tilespmem:v2+s31+$0x0] =	vst.idx.msk $0xffff, v1  }
.LBB2_60:
0x243: {  	p3 =	sne.s32 s2, $0x9C00;
	[tilespmem:s5+$0x1B6A0] =	vst v1;
	s1 =	smov.u32 s2;
	s2 =	sadd.s32 $0x40, s2  }
.Ltmp13:
0x244: {  	(pc) =	sbr.rel @p3 .LBB2_60-.Ltmp13, $2  }
0x245: {  	_ =	sdelay $0x2  }
0x246: {  	s5 =	sshra.s32 s1, $0x2  }
0x247: {  	[tilespmem:s5+$0x1B6A0] =	vst v1  }
0x248: {  	s5 =	simm.s32 $0x0;
	s7 =	simm.s32 $0x0;
	v2 =	vld [tilespmem:$0x1EDB0]  }
.LBB2_62:
0x249: {  	s1 =	sshll.u32 s7, $0x4  }
0x24a: {  	s15 =	sadd.s32 s8, s1  }
0x24b: {  	s12 =	sshll.u32 s15, $0x5  }
0x24c: {  	s25 =	sadd.s32 s4, s12  }
0x24d: {  	[tilespmem:s5], [sflag:$0x3] =	stream.linear.gather [hbm4b:s25+s5], $0x1000, $0x38;
	[tilespmem:$0x1EDC0] =	vst v63  }
0x24e: {  	_ =	swait.ge [sflag:s29], $0x1000  }
0x24f: {  	[sflag:s29] =	ssyncset.done $0x0  }
0x250: {  	s16 =	simm.s32 $0x1000;
	s26 =	sadd.s32 s17, s12;
	[sflag:s29] =	ssyncadd.s32 $0xFFFFF000  }
0x251: {  	[tilespmem:s16], [sflag:$0x3] =	stream.linear.gather [hbm4b:s26+s5], $0x1000, $0x38;
	[tilespmem:$0x1EDC0] =	vst v63  }
0x252: {  	_ =	swait.ge [sflag:s29], $0x1000  }
0x253: {  	s19 =	simm.s32 $0x1DDB0;
	[sflag:s29] =	ssyncset.done $0x0  }
0x254: {  	s20 =	simm.s32 $0x0;
	s22 =	simm.s32 $0x0;
	[sflag:s29] =	ssyncadd.s32 $0xFFFFF000  }
.LBB2_63:
0x255: {  	v3 =	vld [tilespmem:s16+$0x0]  }
0x256: {  	v4 =	vld [tilespmem:s20+$0x0];
	_ =	sdelay $0x3  }
0x257: {  	v3 =	vadd.s32 $0x2710, v3;
	_ =	sdelay $0x3  }
0x258: {  	v4 =	vld.idx.msk [tilespmem:v4+s30+$0x0], $0xffff  }
0x259: {  	v3 =	vld.idx.msk [tilespmem:v3+s30+$0x0], $0xffff;
	_ =	sdelay $0x4  }
0x25a: {  	v3 =	vadd.f32 v3, v4;
	_ =	sdelay $0x1  }
0x25b: {  	v4 =	vmul.f32 $2.000000030e-01, v3;
	_ =	sdelay $0x1  }
0x25c: {  	v3 =	vmax.f32 v3, v4  }
0x25d: {  	v3 =	vsub.f32 v3, v2;
	_ =	sdelay $0x1  }
0x25e: {  	v3 =	vmul.f32 $1.442695020e+00, v3;
	_ =	sdelay $0x1  }
0x25f: {  	(erf) = vpow2.f32 v3;
	_ =	sdelay $0x5  }
0x260: {  	s1 =	sadd.s32 s15, s22  }
0x261: {  	s26 =	simm.s32 $0x0;
	s23 =	sshll.u32 s1, $0x8  }
0x262: {  	s1 =	sor.u32 s23, s26  }
0x263: {  	p3 =	slt.u32 s1, $0x4E200;
	v3 =	vpop (erf)  }
0x264: {  	v3 =	vpsel !p3, $0x0, v3  }
0x265: {  	s17 =	sadd.s32 $0x10, s16;
	s2 =	simm.s32 $0x20;
	[tilespmem:s19+$0x0] =	vst v3  }
0x266: {  	s24 =	sadd.s32 $0x10, s20;
	s25 =	smov.u32 s19;
	s26 =	simm.s32 $0x10;
	v3 =	vld [tilespmem:s17+$0x0]  }
.LBB2_64:
0x267: {  	p3 =	sne.s32 s2, $0xF0;
	v4 =	vld [tilespmem:s24+$0x0];
	_ =	sdelay $0x3  }
0x268: {  	v3 =	vadd.s32 $0x2710, v3;
	_ =	sdelay $0x3  }
0x269: {  	v4 =	vld.idx.msk [tilespmem:v4+s30+$0x0], $0xffff  }
0x26a: {  	v3 =	vld.idx.msk [tilespmem:v3+s30+$0x0], $0xffff;
	_ =	sdelay $0x5  }
0x26b: {  	v3 =	vadd.f32 v3, v4;
	_ =	sdelay $0x1  }
0x26c: {  	v4 =	vmul.f32 $2.000000030e-01, v3;
	_ =	sdelay $0x1  }
0x26d: {  	v3 =	vmax.f32 v3, v4  }
0x26e: {  	v3 =	vsub.f32 v3, v2;
	_ =	sdelay $0x1  }
0x26f: {  	v3 =	vmul.f32 $1.442695020e+00, v3;
	_ =	sdelay $0x1  }
0x270: {  	(erf) = vpow2.f32 v3;
	_ =	sdelay $0x7  }
.Ltmp14:
0x271: {  	s1 =	sor.u32 s23, s26;
	s26 =	smov.u32 s2;
	(pc) =	sbr.rel @p3 .LBB2_64-.Ltmp14, $4  }
0x272: {  	p4 =	slt.u32 s1, $0x4E200;
	v3 =	vpop (erf)  }
0x273: {  	s25 =	sadd.s32 $0x10, s25;
	v3 =	vpsel !p4, $0x0, v3  }
0x274: {  	s17 =	sadd.s32 $0x10, s17;
	[tilespmem:s25+$0x0] =	vst v3  }
0x275: {  	s2 =	sadd.s32 $0x10, s2;
	s24 =	sadd.s32 $0x10, s24;
	v3 =	vld [tilespmem:s17+$0x0]  }
0x276: {  	v4 =	vld [tilespmem:s24+$0x0];
	_ =	sdelay $0x3  }
0x277: {  	v3 =	vadd.s32 $0x2710, v3;
	_ =	sdelay $0x3  }
0x278: {  	v4 =	vld.idx.msk [tilespmem:v4+s30+$0x0], $0xffff  }
0x279: {  	v3 =	vld.idx.msk [tilespmem:v3+s30+$0x0], $0xffff;
	_ =	sdelay $0x4  }
0x27a: {  	v3 =	vadd.f32 v3, v4;
	_ =	sdelay $0x1  }
0x27b: {  	v4 =	vmul.f32 $2.000000030e-01, v3;
	_ =	sdelay $0x1  }
0x27c: {  	v3 =	vmax.f32 v3, v4  }
0x27d: {  	v3 =	vsub.f32 v3, v2;
	_ =	sdelay $0x1  }
0x27e: {  	v3 =	vmul.f32 $1.442695020e+00, v3;
	_ =	sdelay $0x1  }
0x27f: {  	(erf) = vpow2.f32 v3;
	_ =	sdelay $0x7  }
0x280: {  	s1 =	sor.u32 s23, s26  }
0x281: {  	s22 =	sadd.s32 $0x1, s22;
	p3 =	slt.u32 s1, $0x4E200;
	v3 =	vpop (erf)  }
0x282: {  	v3 =	vpsel !p3, $0x0, v3;
	p3 =	sne.s32 s22, $0x10  }
.Ltmp15:
0x283: {  	_ = 	snop;
	(pc) =	sbr.rel @p3 .LBB2_63-.Ltmp15, $3  }
0x284: {  	_ =	sdelay $0x1  }
0x285: {  	s26 =	sadd.s32 $0x10, s25  }
0x286: {  	s20 =	sadd.s32 $0x100, s20;
	s16 =	sadd.s32 $0x100, s16;
	s19 =	sadd.s32 $0x100, s19;
	[tilespmem:s26+$0x0] =	vst v3  }
0x287: {  	s1 =	rddreg [dreg:$0x12];
	s7 =	sadd.s32 $0x1, s7  }
0x288: {  	s2 =	simm.s32 $0x0;
	s1 =	sadd.s32 s12, s1;
	p3 =	sne.s32 s7, $0x5  }
0x289: {  	[hbm4b:s1+s2] =	stream.linear.scatter [tilespmem:s0], [sflag:$0x3], $0x1000, $0x38;
	[tilespmem:$0x1EDC0] =	vst v63  }
.Ltmp16:
0x28a: {  	_ = 	snop;
	(pc) =	sbr.rel @p3 .LBB2_62-.Ltmp16, $4  }
0x28b: {  	_ =	swait.ge [sflag:s29], $0x1000  }
0x28c: {  	[sflag:s29] =	ssyncset.done $0x0  }
0x28d: {  	[sflag:s29] =	ssyncadd.s32 $0xFFFFF000  }
0x28e: {  	s17 =	rddreg [dreg:$0x1]  }
0x28f: {  	[bflag:$0x0] =	sbarrier.arrive $0xFFFF;
	s19 =	simm.s32 $0x0;
	s20 =	simm.s32 $0x0  }
.LBB2_68:
0x290: {  	s1 =	sshll.u32 s20, $0x9  }
0x291: {  	s2 =	sadd.s32 s4, s1  }
0x292: {  	[tilespmem:s19], [sflag:$0x3] =	stream.linear.gather [hbm4b:s2+s19], $0x1000, $0x38;
	[tilespmem:$0x1EDC0] =	vst v63  }
0x293: {  	_ =	swait.ge [sflag:s29], $0x1000  }
0x294: {  	[sflag:s29] =	ssyncset.done $0x0  }
0x295: {  	s25 =	sadd.s32 s17, s1;
	[sflag:s29] =	ssyncadd.s32 $0xFFFFF000  }
0x296: {  	[tilespmem:s28], [sflag:$0x3] =	stream.linear.gather [hbm4b:s25+s19], $0x1000, $0x38;
	[tilespmem:$0x1EDC0] =	vst v63  }
0x297: {  	_ =	swait.ge [sflag:s29], $0x1000  }
0x298: {  	[sflag:s29] =	ssyncset.done $0x0;
	s26 =	rddreg [dreg:$0x12]  }
0x299: {  	[sflag:s29] =	ssyncadd.s32 $0xFFFFF000;
	s1 =	sadd.s32 s1, s26  }
0x29a: {  	[tilespmem:s0], [sflag:$0x3] =	stream.linear.gather [hbm4b:s1+s19], $0x1000, $0x38;
	[tilespmem:$0x1EDC0] =	vst v63  }
0x29b: {  	s22 =	simm.s32 $0x20;
	_ =	swait.ge [sflag:s29], $0x1000  }
0x29c: {  	s23 =	simm.s32 $0x1DDD0;
	s15 =	simm.s32 $0x130;
	[sflag:s29] =	ssyncset.done $0x0  }
0x29d: {  	s5 =	simm.s32 $0x0;
	s26 =	simm.s32 $0x1DEE0;
	[sflag:s29] =	ssyncadd.s32 $0xFFFFF000  }
0x29e: {  	[tilespmem:s6], [sflag:$0x1] =	stream.indirect.gather [hbm4b:s21+s3], $0x8, s28, s3, $0xb8;
	[tilespmem:$0x1EDC0] =	vst v63  }
.LBB2_69:
0x29f: {  	s1 =	sshll.u32 s5, $0x9  }
0x2a0: {  	s1 =	sadd.s32 $0x1100, s1  }
0x2a1: {  	[tilespmem:s10], [sflag:$0x2] =	stream.indirect.gather [hbm4b:s21+s3], $0x8, s1, s3, $0xb8;
	[tilespmem:$0x1EDC0] =	vst v63  }
0x2a2: {  	_ =	swait.ge [sflag:s11], $0x800  }
0x2a3: {  	s25 =	simm.s32 $0x0;
	[sflag:s11] =	ssyncset.done $0x0  }
0x2a4: {  	s16 =	smov.u32 s23;
	s7 =	smov.u32 s22;
	[sflag:s11] =	ssyncadd.s32 $0xFFFFF800  }
.LBB2_70:
0x2a5: {  	v2 =	vld [tilespmem:s7+$0xFFFFFFE0];
	_ =	sdelay $0x1  }
0x2a6: {  	v3 =	vmov s25  }
0x2a7: {  	v4 =	vld [tilespmem:s16+$0xFFFFFFE0];
	v3 =	vshll.u32 v3, $0x3  }
0x2a8: {  	v3 =	vor.u32 v0, v3;
	_ =	sdelay $0x2  }
0x2a9: {  	s12 =	simm.s32 @!p1 $0x1B6A0  }
0x2aa: {  	[tilespmem:v2+s12+$0x0] =	vst.idx.add.f32.msk @!p1 $0xffff, v4  }
0x2ab: {  	v5 =	vld.idx.msk [tilespmem:v3+s6+$0x0], $0xffff;
	_ =	sdelay $0x1  }
0x2ac: {  	v2 =	vshll.u32 v2, $0x3  }
0x2ad: {  	v6 =	vor.u32 $0x1, v3;
	_ =	sdelay $0x1  }
0x2ae: {  	v5 =	vmul.f32 v5, v4;
	_ =	sdelay $0x1  }
0x2af: {  	[tilespmem:v2+s31+$0x0] =	vst.idx.add.f32.msk $0xffff, v5  }
0x2b0: {  	v5 =	vld.idx.msk [tilespmem:v6+s6+$0x0], $0xffff;
	_ =	sdelay $0x1  }
0x2b1: {  	v18 =	vor.u32 $0x1, v2  }
0x2b2: {  	v7 =	vor.u32 $0x2, v3;
	_ =	sdelay $0x1  }
0x2b3: {  	v5 =	vmul.f32 v5, v4;
	_ =	sdelay $0x1  }
0x2b4: {  	[tilespmem:v18+s31+$0x0] =	vst.idx.add.f32.msk $0xffff, v5  }
0x2b5: {  	v5 =	vld.idx.msk [tilespmem:v7+s6+$0x0], $0xffff;
	_ =	sdelay $0x1  }
0x2b6: {  	v19 =	vor.u32 $0x2, v2  }
0x2b7: {  	v20 =	vor.u32 $0x3, v3;
	_ =	sdelay $0x1  }
0x2b8: {  	v5 =	vmul.f32 v5, v4;
	_ =	sdelay $0x1  }
0x2b9: {  	[tilespmem:v19+s31+$0x0] =	vst.idx.add.f32.msk $0xffff, v5  }
0x2ba: {  	v5 =	vld.idx.msk [tilespmem:v20+s6+$0x0], $0xffff;
	_ =	sdelay $0x1  }
0x2bb: {  	v21 =	vor.u32 $0x3, v2  }
0x2bc: {  	v22 =	vor.u32 $0x4, v3;
	_ =	sdelay $0x1  }
0x2bd: {  	v5 =	vmul.f32 v5, v4;
	_ =	sdelay $0x1  }
0x2be: {  	[tilespmem:v21+s31+$0x0] =	vst.idx.add.f32.msk $0xffff, v5  }
0x2bf: {  	v5 =	vld.idx.msk [tilespmem:v22+s6+$0x0], $0xffff;
	_ =	sdelay $0x1  }
0x2c0: {  	v23 =	vor.u32 $0x4, v2  }
0x2c1: {  	v24 =	vor.u32 $0x5, v3;
	_ =	sdelay $0x1  }
0x2c2: {  	v5 =	vmul.f32 v5, v4;
	_ =	sdelay $0x1  }
0x2c3: {  	[tilespmem:v23+s31+$0x0] =	vst.idx.add.f32.msk $0xffff, v5  }
0x2c4: {  	v5 =	vld.idx.msk [tilespmem:v24+s6+$0x0], $0xffff;
	_ =	sdelay $0x1  }
0x2c5: {  	v25 =	vor.u32 $0x5, v2  }
0x2c6: {  	v26 =	vor.u32 $0x6, v3;
	_ =	sdelay $0x1  }
0x2c7: {  	v5 =	vmul.f32 v5, v4;
	_ =	sdelay $0x1  }
0x2c8: {  	[tilespmem:v25+s31+$0x0] =	vst.idx.add.f32.msk $0xffff, v5  }
0x2c9: {  	v5 =	vld.idx.msk [tilespmem:v26+s6+$0x0], $0xffff;
	_ =	sdelay $0x1  }
0x2ca: {  	v27 =	vor.u32 $0x6, v2  }
0x2cb: {  	v3 =	vor.u32 $0x7, v3;
	_ =	sdelay $0x1  }
0x2cc: {  	v5 =	vmul.f32 v5, v4;
	_ =	sdelay $0x1  }
0x2cd: {  	[tilespmem:v27+s31+$0x0] =	vst.idx.add.f32.msk $0xffff, v5  }
0x2ce: {  	v3 =	vld.idx.msk [tilespmem:v3+s6+$0x0], $0xffff;
	_ =	sdelay $0x1  }
0x2cf: {  	v2 =	vor.u32 $0x7, v2;
	_ =	sdelay $0x2  }
0x2d0: {  	v3 =	vmul.f32 v3, v4;
	_ =	sdelay $0x1  }
0x2d1: {  	[tilespmem:v2+s31+$0x0] =	vst.idx.add.f32.msk $0xffff, v3  }
0x2d2: {  	v2 =	vld [tilespmem:s7+$0xFFFFFFF0]  }
0x2d3: {  	s1 =	sadd.s32 $0x10, s25  }
0x2d4: {  	v3 =	vmov s1  }
0x2d5: {  	v4 =	vld [tilespmem:s16+$0xFFFFFFF0];
	v3 =	vshll.u32 v3, $0x3  }
0x2d6: {  	v3 =	vor.u32 v0, v3;
	_ =	sdelay $0x3  }
0x2d7: {  	[tilespmem:v2+s12+$0x0] =	vst.idx.add.f32.msk @!p1 $0xffff, v4  }
0x2d8: {  	v5 =	vld.idx.msk [tilespmem:v3+s6+$0x0], $0xffff;
	_ =	sdelay $0x1  }
0x2d9: {  	v2 =	vshll.u32 v2, $0x3  }
0x2da: {  	v28 =	vor.u32 $0x1, v3;
	_ =	sdelay $0x1  }
0x2db: {  	v5 =	vmul.f32 v5, v4;
	_ =	sdelay $0x1  }
0x2dc: {  	[tilespmem:v2+s31+$0x0] =	vst.idx.add.f32.msk $0xffff, v5  }
0x2dd: {  	v5 =	vld.idx.msk [tilespmem:v28+s6+$0x0], $0xffff;
	_ =	sdelay $0x1  }
0x2de: {  	v29 =	vor.u32 $0x1, v2  }
0x2df: {  	v30 =	vor.u32 $0x2, v3;
	_ =	sdelay $0x1  }
0x2e0: {  	v5 =	vmul.f32 v5, v4;
	_ =	sdelay $0x1  }
0x2e1: {  	[tilespmem:v29+s31+$0x0] =	vst.idx.add.f32.msk $0xffff, v5  }
0x2e2: {  	v5 =	vld.idx.msk [tilespmem:v30+s6+$0x0], $0xffff;
	_ =	sdelay $0x1  }
0x2e3: {  	v31 =	vor.u32 $0x2, v2  }
0x2e4: {  	v32 =	vor.u32 $0x3, v3;
	_ =	sdelay $0x1  }
0x2e5: {  	v5 =	vmul.f32 v5, v4;
	_ =	sdelay $0x1  }
0x2e6: {  	[tilespmem:v31+s31+$0x0] =	vst.idx.add.f32.msk $0xffff, v5  }
0x2e7: {  	v5 =	vld.idx.msk [tilespmem:v32+s6+$0x0], $0xffff;
	_ =	sdelay $0x1  }
0x2e8: {  	v33 =	vor.u32 $0x3, v2  }
0x2e9: {  	v34 =	vor.u32 $0x4, v3;
	_ =	sdelay $0x1  }
0x2ea: {  	v5 =	vmul.f32 v5, v4;
	_ =	sdelay $0x1  }
0x2eb: {  	[tilespmem:v33+s31+$0x0] =	vst.idx.add.f32.msk $0xffff, v5  }
0x2ec: {  	v5 =	vld.idx.msk [tilespmem:v34+s6+$0x0], $0xffff;
	_ =	sdelay $0x1  }
0x2ed: {  	v35 =	vor.u32 $0x4, v2  }
0x2ee: {  	v36 =	vor.u32 $0x5, v3;
	_ =	sdelay $0x1  }
0x2ef: {  	v5 =	vmul.f32 v5, v4;
	_ =	sdelay $0x1  }
0x2f0: {  	[tilespmem:v35+s31+$0x0] =	vst.idx.add.f32.msk $0xffff, v5  }
0x2f1: {  	v5 =	vld.idx.msk [tilespmem:v36+s6+$0x0], $0xffff;
	_ =	sdelay $0x1  }
0x2f2: {  	v37 =	vor.u32 $0x5, v2  }
0x2f3: {  	v38 =	vor.u32 $0x6, v3;
	_ =	sdelay $0x1  }
0x2f4: {  	v5 =	vmul.f32 v5, v4;
	_ =	sdelay $0x1  }
0x2f5: {  	[tilespmem:v37+s31+$0x0] =	vst.idx.add.f32.msk $0xffff, v5  }
0x2f6: {  	v5 =	vld.idx.msk [tilespmem:v38+s6+$0x0], $0xffff;
	_ =	sdelay $0x1  }
0x2f7: {  	v39 =	vor.u32 $0x6, v2  }
0x2f8: {  	v3 =	vor.u32 $0x7, v3;
	_ =	sdelay $0x1  }
0x2f9: {  	v5 =	vmul.f32 v5, v4;
	_ =	sdelay $0x1  }
0x2fa: {  	[tilespmem:v39+s31+$0x0] =	vst.idx.add.f32.msk $0xffff, v5  }
0x2fb: {  	v3 =	vld.idx.msk [tilespmem:v3+s6+$0x0], $0xffff;
	_ =	sdelay $0x1  }
0x2fc: {  	v2 =	vor.u32 $0x7, v2;
	_ =	sdelay $0x2  }
0x2fd: {  	v3 =	vmul.f32 v3, v4;
	_ =	sdelay $0x1  }
0x2fe: {  	[tilespmem:v2+s31+$0x0] =	vst.idx.add.f32.msk $0xffff, v3  }
0x2ff: {  	v2 =	vld [tilespmem:s7+$0x0]  }
0x300: {  	s2 =	sadd.s32 $0x20, s25  }
0x301: {  	v3 =	vmov s2  }
0x302: {  	v4 =	vld [tilespmem:s16+$0x0];
	v3 =	vshll.u32 v3, $0x3  }
0x303: {  	v3 =	vor.u32 v0, v3;
	_ =	sdelay $0x3  }
0x304: {  	[tilespmem:v2+s12+$0x0] =	vst.idx.add.f32.msk @!p1 $0xffff, v4  }
0x305: {  	v5 =	vld.idx.msk [tilespmem:v3+s6+$0x0], $0xffff;
	_ =	sdelay $0x1  }
0x306: {  	v2 =	vshll.u32 v2, $0x3  }
0x307: {  	v40 =	vor.u32 $0x1, v3;
	_ =	sdelay $0x1  }
0x308: {  	v5 =	vmul.f32 v5, v4;
	_ =	sdelay $0x1  }
0x309: {  	[tilespmem:v2+s31+$0x0] =	vst.idx.add.f32.msk $0xffff, v5  }
0x30a: {  	v5 =	vld.idx.msk [tilespmem:v40+s6+$0x0], $0xffff;
	_ =	sdelay $0x1  }
0x30b: {  	v41 =	vor.u32 $0x1, v2  }
0x30c: {  	v42 =	vor.u32 $0x2, v3;
	_ =	sdelay $0x1  }
0x30d: {  	v5 =	vmul.f32 v5, v4;
	_ =	sdelay $0x1  }
0x30e: {  	[tilespmem:v41+s31+$0x0] =	vst.idx.add.f32.msk $0xffff, v5  }
0x30f: {  	v5 =	vld.idx.msk [tilespmem:v42+s6+$0x0], $0xffff;
	_ =	sdelay $0x1  }
0x310: {  	v43 =	vor.u32 $0x2, v2  }
0x311: {  	v44 =	vor.u32 $0x3, v3;
	_ =	sdelay $0x1  }
0x312: {  	v5 =	vmul.f32 v5, v4;
	_ =	sdelay $0x1  }
0x313: {  	[tilespmem:v43+s31+$0x0] =	vst.idx.add.f32.msk $0xffff, v5  }
0x314: {  	v5 =	vld.idx.msk [tilespmem:v44+s6+$0x0], $0xffff;
	_ =	sdelay $0x1  }
0x315: {  	v45 =	vor.u32 $0x3, v2  }
0x316: {  	v46 =	vor.u32 $0x4, v3;
	_ =	sdelay $0x1  }
0x317: {  	v5 =	vmul.f32 v5, v4;
	_ =	sdelay $0x1  }
0x318: {  	[tilespmem:v45+s31+$0x0] =	vst.idx.add.f32.msk $0xffff, v5  }
0x319: {  	v5 =	vld.idx.msk [tilespmem:v46+s6+$0x0], $0xffff;
	_ =	sdelay $0x1  }
0x31a: {  	v47 =	vor.u32 $0x4, v2  }
0x31b: {  	v48 =	vor.u32 $0x5, v3;
	_ =	sdelay $0x1  }
0x31c: {  	v5 =	vmul.f32 v5, v4;
	_ =	sdelay $0x1  }
0x31d: {  	[tilespmem:v47+s31+$0x0] =	vst.idx.add.f32.msk $0xffff, v5  }
0x31e: {  	v5 =	vld.idx.msk [tilespmem:v48+s6+$0x0], $0xffff;
	_ =	sdelay $0x1  }
0x31f: {  	v49 =	vor.u32 $0x5, v2  }
0x320: {  	v50 =	vor.u32 $0x6, v3;
	_ =	sdelay $0x1  }
0x321: {  	v5 =	vmul.f32 v5, v4;
	_ =	sdelay $0x1  }
0x322: {  	[tilespmem:v49+s31+$0x0] =	vst.idx.add.f32.msk $0xffff, v5  }
0x323: {  	v5 =	vld.idx.msk [tilespmem:v50+s6+$0x0], $0xffff;
	_ =	sdelay $0x1  }
0x324: {  	v51 =	vor.u32 $0x6, v2  }
0x325: {  	v3 =	vor.u32 $0x7, v3;
	_ =	sdelay $0x1  }
0x326: {  	v5 =	vmul.f32 v5, v4;
	_ =	sdelay $0x1  }
0x327: {  	[tilespmem:v51+s31+$0x0] =	vst.idx.add.f32.msk $0xffff, v5  }
0x328: {  	v3 =	vld.idx.msk [tilespmem:v3+s6+$0x0], $0xffff;
	_ =	sdelay $0x1  }
0x329: {  	v2 =	vor.u32 $0x7, v2;
	_ =	sdelay $0x2  }
0x32a: {  	v3 =	vmul.f32 v3, v4;
	_ =	sdelay $0x1  }
0x32b: {  	[tilespmem:v2+s31+$0x0] =	vst.idx.add.f32.msk $0xffff, v3  }
0x32c: {  	v2 =	vld [tilespmem:s7+$0x10]  }
0x32d: {  	s24 =	sadd.s32 $0x30, s25  }
0x32e: {  	v3 =	vmov s24  }
0x32f: {  	v4 =	vld [tilespmem:s16+$0x10];
	v3 =	vshll.u32 v3, $0x3  }
0x330: {  	v3 =	vor.u32 v0, v3;
	_ =	sdelay $0x3  }
0x331: {  	[tilespmem:v2+s12+$0x0] =	vst.idx.add.f32.msk @!p1 $0xffff, v4  }
0x332: {  	v5 =	vld.idx.msk [tilespmem:v3+s6+$0x0], $0xffff;
	_ =	sdelay $0x1  }
0x333: {  	v2 =	vshll.u32 v2, $0x3  }
0x334: {  	v52 =	vor.u32 $0x1, v3;
	_ =	sdelay $0x1  }
0x335: {  	v5 =	vmul.f32 v5, v4;
	_ =	sdelay $0x1  }
0x336: {  	[tilespmem:v2+s31+$0x0] =	vst.idx.add.f32.msk $0xffff, v5  }
0x337: {  	v5 =	vld.idx.msk [tilespmem:v52+s6+$0x0], $0xffff;
	_ =	sdelay $0x1  }
0x338: {  	v53 =	vor.u32 $0x1, v2  }
0x339: {  	v54 =	vor.u32 $0x2, v3;
	_ =	sdelay $0x1  }
0x33a: {  	v5 =	vmul.f32 v5, v4;
	_ =	sdelay $0x1  }
0x33b: {  	[tilespmem:v53+s31+$0x0] =	vst.idx.add.f32.msk $0xffff, v5  }
0x33c: {  	v5 =	vld.idx.msk [tilespmem:v54+s6+$0x0], $0xffff;
	_ =	sdelay $0x1  }
0x33d: {  	v55 =	vor.u32 $0x2, v2  }
0x33e: {  	v56 =	vor.u32 $0x3, v3;
	_ =	sdelay $0x1  }
0x33f: {  	v5 =	vmul.f32 v5, v4;
	_ =	sdelay $0x1  }
0x340: {  	[tilespmem:v55+s31+$0x0] =	vst.idx.add.f32.msk $0xffff, v5  }
0x341: {  	v5 =	vld.idx.msk [tilespmem:v56+s6+$0x0], $0xffff;
	_ =	sdelay $0x1  }
0x342: {  	v57 =	vor.u32 $0x3, v2  }
0x343: {  	v58 =	vor.u32 $0x4, v3;
	_ =	sdelay $0x1  }
0x344: {  	v5 =	vmul.f32 v5, v4;
	_ =	sdelay $0x1  }
0x345: {  	[tilespmem:v57+s31+$0x0] =	vst.idx.add.f32.msk $0xffff, v5  }
0x346: {  	v5 =	vld.idx.msk [tilespmem:v58+s6+$0x0], $0xffff;
	_ =	sdelay $0x1  }
0x347: {  	v59 =	vor.u32 $0x4, v2  }
0x348: {  	v60 =	vor.u32 $0x5, v3;
	_ =	sdelay $0x1  }
0x349: {  	v5 =	vmul.f32 v5, v4;
	_ =	sdelay $0x1  }
0x34a: {  	[tilespmem:v59+s31+$0x0] =	vst.idx.add.f32.msk $0xffff, v5  }
0x34b: {  	v5 =	vld.idx.msk [tilespmem:v60+s6+$0x0], $0xffff;
	_ =	sdelay $0x1  }
0x34c: {  	v61 =	vor.u32 $0x5, v2  }
0x34d: {  	v62 =	vor.u32 $0x6, v3;
	_ =	sdelay $0x1  }
0x34e: {  	v5 =	vmul.f32 v5, v4;
	_ =	sdelay $0x1  }
0x34f: {  	[tilespmem:v61+s31+$0x0] =	vst.idx.add.f32.msk $0xffff, v5  }
0x350: {  	v5 =	vld.idx.msk [tilespmem:v62+s6+$0x0], $0xffff;
	_ =	sdelay $0x1  }
0x351: {  	v63 =	vor.u32 $0x6, v2  }
0x352: {  	v3 =	vor.u32 $0x7, v3;
	_ =	sdelay $0x1  }
0x353: {  	v5 =	vmul.f32 v5, v4;
	_ =	sdelay $0x1  }
0x354: {  	[tilespmem:v63+s31+$0x0] =	vst.idx.add.f32.msk $0xffff, v5  }
0x355: {  	v3 =	vld.idx.msk [tilespmem:v3+s6+$0x0], $0xffff  }
0x356: {  	s25 =	sadd.s32 $0x40, s25  }
0x357: {  	p3 =	sne.s32 s25, $0x100;
	v2 =	vor.u32 $0x7, v2  }
.Ltmp17:
0x358: {  	_ = 	snop;
	(pc) =	sbr.rel @p3 .LBB2_70-.Ltmp17, $3  }
0x359: {  	_ = 	snop  }
0x35a: {  	v3 =	vmul.f32 v3, v4;
	_ =	sdelay $0x1  }
0x35b: {  	s7 =	sadd.s32 $0x40, s7;
	s16 =	sadd.s32 $0x40, s16;
	[tilespmem:v2+s31+$0x0] =	vst.idx.add.f32.msk $0xffff, v3  }
0x35c: {  	p3 =	seq.s32 s5, $0x7  }
0x35d: {  	s1 =	sshll.u32 @!p3 s5, $0x9  }
0x35e: {  	s1 =	sand.u32 @!p3 $0x3FFFFE00, s1  }
0x35f: {  	s2 =	simm.s32 @!p3 $0x100;
	s7 =	simm.s32 @!p3 $0x6E20;
	s1 =	sadd.s32 @!p3 $0x1200, s1  }
0x360: {  	[tilespmem:s7], [sflag:$0x1] =	stream.indirect.gather @!p3 [hbm4b:s21+s2], $0x8, s1, s2, $0xb8;
	[tilespmem:$0x1EDC0] =	vst v63  }
0x361: {  	_ =	swait.ge [sflag:s14], $0x800  }
0x362: {  	s25 =	simm.s32 $0x0;
	[sflag:s14] =	ssyncset.done $0x0  }
0x363: {  	s16 =	smov.u32 s26;
	s7 =	smov.u32 s15;
	[sflag:s14] =	ssyncadd.s32 $0xFFFFF800  }
.LBB2_72:
0x364: {  	v2 =	vld [tilespmem:s7+$0xFFFFFFD0];
	_ =	sdelay $0x1  }
0x365: {  	v3 =	vmov s25  }
0x366: {  	v4 =	vld [tilespmem:s16+$0xFFFFFFD0];
	v3 =	vshll.u32 v3, $0x3  }
0x367: {  	v3 =	vor.u32 v0, v3;
	_ =	sdelay $0x2  }
0x368: {  	s12 =	simm.s32 @!p1 $0x1B6A0  }
0x369: {  	[tilespmem:v2+s12+$0x0] =	vst.idx.add.f32.msk @!p1 $0xffff, v4  }
0x36a: {  	v5 =	vld.idx.msk [tilespmem:v3+s10+$0x0], $0xffff;
	_ =	sdelay $0x1  }
0x36b: {  	v2 =	vshll.u32 v2, $0x3  }
0x36c: {  	v6 =	vor.u32 $0x1, v3;
	_ =	sdelay $0x1  }
0x36d: {  	v5 =	vmul.f32 v5, v4;
	_ =	sdelay $0x1  }
0x36e: {  	[tilespmem:v2+s31+$0x0] =	vst.idx.add.f32.msk $0xffff, v5  }
0x36f: {  	v5 =	vld.idx.msk [tilespmem:v6+s10+$0x0], $0xffff;
	_ =	sdelay $0x1  }
0x370: {  	v18 =	vor.u32 $0x1, v2  }
0x371: {  	v7 =	vor.u32 $0x2, v3;
	_ =	sdelay $0x1  }
0x372: {  	v5 =	vmul.f32 v5, v4;
	_ =	sdelay $0x1  }
0x373: {  	[tilespmem:v18+s31+$0x0] =	vst.idx.add.f32.msk $0xffff, v5  }
0x374: {  	v5 =	vld.idx.msk [tilespmem:v7+s10+$0x0], $0xffff;
	_ =	sdelay $0x1  }
0x375: {  	v19 =	vor.u32 $0x2, v2  }
0x376: {  	v20 =	vor.u32 $0x3, v3;
	_ =	sdelay $0x1  }
0x377: {  	v5 =	vmul.f32 v5, v4;
	_ =	sdelay $0x1  }
0x378: {  	[tilespmem:v19+s31+$0x0] =	vst.idx.add.f32.msk $0xffff, v5  }
0x379: {  	v5 =	vld.idx.msk [tilespmem:v20+s10+$0x0], $0xffff;
	_ =	sdelay $0x1  }
0x37a: {  	v21 =	vor.u32 $0x3, v2  }
0x37b: {  	v22 =	vor.u32 $0x4, v3;
	_ =	sdelay $0x1  }
0x37c: {  	v5 =	vmul.f32 v5, v4;
	_ =	sdelay $0x1  }
0x37d: {  	[tilespmem:v21+s31+$0x0] =	vst.idx.add.f32.msk $0xffff, v5  }
0x37e: {  	v5 =	vld.idx.msk [tilespmem:v22+s10+$0x0], $0xffff;
	_ =	sdelay $0x1  }
0x37f: {  	v23 =	vor.u32 $0x4, v2  }
0x380: {  	v24 =	vor.u32 $0x5, v3;
	_ =	sdelay $0x1  }
0x381: {  	v5 =	vmul.f32 v5, v4;
	_ =	sdelay $0x1  }
0x382: {  	[tilespmem:v23+s31+$0x0] =	vst.idx.add.f32.msk $0xffff, v5  }
0x383: {  	v5 =	vld.idx.msk [tilespmem:v24+s10+$0x0], $0xffff;
	_ =	sdelay $0x1  }
0x384: {  	v25 =	vor.u32 $0x5, v2  }
0x385: {  	v26 =	vor.u32 $0x6, v3;
	_ =	sdelay $0x1  }
0x386: {  	v5 =	vmul.f32 v5, v4;
	_ =	sdelay $0x1  }
0x387: {  	[tilespmem:v25+s31+$0x0] =	vst.idx.add.f32.msk $0xffff, v5  }
0x388: {  	v5 =	vld.idx.msk [tilespmem:v26+s10+$0x0], $0xffff;
	_ =	sdelay $0x1  }
0x389: {  	v27 =	vor.u32 $0x6, v2  }
0x38a: {  	v3 =	vor.u32 $0x7, v3;
	_ =	sdelay $0x1  }
0x38b: {  	v5 =	vmul.f32 v5, v4;
	_ =	sdelay $0x1  }
0x38c: {  	[tilespmem:v27+s31+$0x0] =	vst.idx.add.f32.msk $0xffff, v5  }
0x38d: {  	v3 =	vld.idx.msk [tilespmem:v3+s10+$0x0], $0xffff;
	_ =	sdelay $0x1  }
0x38e: {  	v2 =	vor.u32 $0x7, v2;
	_ =	sdelay $0x2  }
0x38f: {  	v3 =	vmul.f32 v3, v4;
	_ =	sdelay $0x1  }
0x390: {  	[tilespmem:v2+s31+$0x0] =	vst.idx.add.f32.msk $0xffff, v3  }
0x391: {  	v2 =	vld [tilespmem:s7+$0xFFFFFFE0]  }
0x392: {  	s1 =	sadd.s32 $0x10, s25  }
0x393: {  	v3 =	vmov s1  }
0x394: {  	v4 =	vld [tilespmem:s16+$0xFFFFFFE0];
	v3 =	vshll.u32 v3, $0x3  }
0x395: {  	v3 =	vor.u32 v0, v3;
	_ =	sdelay $0x3  }
0x396: {  	[tilespmem:v2+s12+$0x0] =	vst.idx.add.f32.msk @!p1 $0xffff, v4  }
0x397: {  	v5 =	vld.idx.msk [tilespmem:v3+s10+$0x0], $0xffff;
	_ =	sdelay $0x1  }
0x398: {  	v2 =	vshll.u32 v2, $0x3  }
0x399: {  	v28 =	vor.u32 $0x1, v3;
	_ =	sdelay $0x1  }
0x39a: {  	v5 =	vmul.f32 v5, v4;
	_ =	sdelay $0x1  }
0x39b: {  	[tilespmem:v2+s31+$0x0] =	vst.idx.add.f32.msk $0xffff, v5  }
0x39c: {  	v5 =	vld.idx.msk [tilespmem:v28+s10+$0x0], $0xffff;
	_ =	sdelay $0x1  }
0x39d: {  	v29 =	vor.u32 $0x1, v2  }
0x39e: {  	v30 =	vor.u32 $0x2, v3;
	_ =	sdelay $0x1  }
0x39f: {  	v5 =	vmul.f32 v5, v4;
	_ =	sdelay $0x1  }
0x3a0: {  	[tilespmem:v29+s31+$0x0] =	vst.idx.add.f32.msk $0xffff, v5  }
0x3a1: {  	v5 =	vld.idx.msk [tilespmem:v30+s10+$0x0], $0xffff;
	_ =	sdelay $0x1  }
0x3a2: {  	v31 =	vor.u32 $0x2, v2  }
0x3a3: {  	v32 =	vor.u32 $0x3, v3;
	_ =	sdelay $0x1  }
0x3a4: {  	v5 =	vmul.f32 v5, v4;
	_ =	sdelay $0x1  }
0x3a5: {  	[tilespmem:v31+s31+$0x0] =	vst.idx.add.f32.msk $0xffff, v5  }
0x3a6: {  	v5 =	vld.idx.msk [tilespmem:v32+s10+$0x0], $0xffff;
	_ =	sdelay $0x1  }
0x3a7: {  	v33 =	vor.u32 $0x3, v2  }
0x3a8: {  	v34 =	vor.u32 $0x4, v3;
	_ =	sdelay $0x1  }
0x3a9: {  	v5 =	vmul.f32 v5, v4;
	_ =	sdelay $0x1  }
0x3aa: {  	[tilespmem:v33+s31+$0x0] =	vst.idx.add.f32.msk $0xffff, v5  }
0x3ab: {  	v5 =	vld.idx.msk [tilespmem:v34+s10+$0x0], $0xffff;
	_ =	sdelay $0x1  }
0x3ac: {  	v35 =	vor.u32 $0x4, v2  }
0x3ad: {  	v36 =	vor.u32 $0x5, v3;
	_ =	sdelay $0x1  }
0x3ae: {  	v5 =	vmul.f32 v5, v4;
	_ =	sdelay $0x1  }
0x3af: {  	[tilespmem:v35+s31+$0x0] =	vst.idx.add.f32.msk $0xffff, v5  }
0x3b0: {  	v5 =	vld.idx.msk [tilespmem:v36+s10+$0x0], $0xffff;
	_ =	sdelay $0x1  }
0x3b1: {  	v37 =	vor.u32 $0x5, v2  }
0x3b2: {  	v38 =	vor.u32 $0x6, v3;
	_ =	sdelay $0x1  }
0x3b3: {  	v5 =	vmul.f32 v5, v4;
	_ =	sdelay $0x1  }
0x3b4: {  	[tilespmem:v37+s31+$0x0] =	vst.idx.add.f32.msk $0xffff, v5  }
0x3b5: {  	v5 =	vld.idx.msk [tilespmem:v38+s10+$0x0], $0xffff;
	_ =	sdelay $0x1  }
0x3b6: {  	v39 =	vor.u32 $0x6, v2  }
0x3b7: {  	v3 =	vor.u32 $0x7, v3;
	_ =	sdelay $0x1  }
0x3b8: {  	v5 =	vmul.f32 v5, v4;
	_ =	sdelay $0x1  }
0x3b9: {  	[tilespmem:v39+s31+$0x0] =	vst.idx.add.f32.msk $0xffff, v5  }
0x3ba: {  	v3 =	vld.idx.msk [tilespmem:v3+s10+$0x0], $0xffff;
	_ =	sdelay $0x1  }
0x3bb: {  	v2 =	vor.u32 $0x7, v2;
	_ =	sdelay $0x2  }
0x3bc: {  	v3 =	vmul.f32 v3, v4;
	_ =	sdelay $0x1  }
0x3bd: {  	[tilespmem:v2+s31+$0x0] =	vst.idx.add.f32.msk $0xffff, v3  }
0x3be: {  	v2 =	vld [tilespmem:s7+$0xFFFFFFF0]  }
0x3bf: {  	s2 =	sadd.s32 $0x20, s25  }
0x3c0: {  	v3 =	vmov s2  }
0x3c1: {  	v4 =	vld [tilespmem:s16+$0xFFFFFFF0];
	v3 =	vshll.u32 v3, $0x3  }
0x3c2: {  	v3 =	vor.u32 v0, v3;
	_ =	sdelay $0x3  }
0x3c3: {  	[tilespmem:v2+s12+$0x0] =	vst.idx.add.f32.msk @!p1 $0xffff, v4  }
0x3c4: {  	v5 =	vld.idx.msk [tilespmem:v3+s10+$0x0], $0xffff;
	_ =	sdelay $0x1  }
0x3c5: {  	v2 =	vshll.u32 v2, $0x3  }
0x3c6: {  	v40 =	vor.u32 $0x1, v3;
	_ =	sdelay $0x1  }
0x3c7: {  	v5 =	vmul.f32 v5, v4;
	_ =	sdelay $0x1  }
0x3c8: {  	[tilespmem:v2+s31+$0x0] =	vst.idx.add.f32.msk $0xffff, v5  }
0x3c9: {  	v5 =	vld.idx.msk [tilespmem:v40+s10+$0x0], $0xffff;
	_ =	sdelay $0x1  }
0x3ca: {  	v41 =	vor.u32 $0x1, v2  }
0x3cb: {  	v42 =	vor.u32 $0x2, v3;
	_ =	sdelay $0x1  }
0x3cc: {  	v5 =	vmul.f32 v5, v4;
	_ =	sdelay $0x1  }
0x3cd: {  	[tilespmem:v41+s31+$0x0] =	vst.idx.add.f32.msk $0xffff, v5  }
0x3ce: {  	v5 =	vld.idx.msk [tilespmem:v42+s10+$0x0], $0xffff;
	_ =	sdelay $0x1  }
0x3cf: {  	v43 =	vor.u32 $0x2, v2  }
0x3d0: {  	v44 =	vor.u32 $0x3, v3;
	_ =	sdelay $0x1  }
0x3d1: {  	v5 =	vmul.f32 v5, v4;
	_ =	sdelay $0x1  }
0x3d2: {  	[tilespmem:v43+s31+$0x0] =	vst.idx.add.f32.msk $0xffff, v5  }
0x3d3: {  	v5 =	vld.idx.msk [tilespmem:v44+s10+$0x0], $0xffff;
	_ =	sdelay $0x1  }
0x3d4: {  	v45 =	vor.u32 $0x3, v2  }
0x3d5: {  	v46 =	vor.u32 $0x4, v3;
	_ =	sdelay $0x1  }
0x3d6: {  	v5 =	vmul.f32 v5, v4;
	_ =	sdelay $0x1  }
0x3d7: {  	[tilespmem:v45+s31+$0x0] =	vst.idx.add.f32.msk $0xffff, v5  }
0x3d8: {  	v5 =	vld.idx.msk [tilespmem:v46+s10+$0x0], $0xffff;
	_ =	sdelay $0x1  }
0x3d9: {  	v47 =	vor.u32 $0x4, v2  }
0x3da: {  	v48 =	vor.u32 $0x5, v3;
	_ =	sdelay $0x1  }
0x3db: {  	v5 =	vmul.f32 v5, v4;
	_ =	sdelay $0x1  }
0x3dc: {  	[tilespmem:v47+s31+$0x0] =	vst.idx.add.f32.msk $0xffff, v5  }
0x3dd: {  	v5 =	vld.idx.msk [tilespmem:v48+s10+$0x0], $0xffff;
	_ =	sdelay $0x1  }
0x3de: {  	v49 =	vor.u32 $0x5, v2  }
0x3df: {  	v50 =	vor.u32 $0x6, v3;
	_ =	sdelay $0x1  }
0x3e0: {  	v5 =	vmul.f32 v5, v4;
	_ =	sdelay $0x1  }
0x3e1: {  	[tilespmem:v49+s31+$0x0] =	vst.idx.add.f32.msk $0xffff, v5  }
0x3e2: {  	v5 =	vld.idx.msk [tilespmem:v50+s10+$0x0], $0xffff;
	_ =	sdelay $0x1  }
0x3e3: {  	v51 =	vor.u32 $0x6, v2  }
0x3e4: {  	v3 =	vor.u32 $0x7, v3;
	_ =	sdelay $0x1  }
0x3e5: {  	v5 =	vmul.f32 v5, v4;
	_ =	sdelay $0x1  }
0x3e6: {  	[tilespmem:v51+s31+$0x0] =	vst.idx.add.f32.msk $0xffff, v5  }
0x3e7: {  	v3 =	vld.idx.msk [tilespmem:v3+s10+$0x0], $0xffff;
	_ =	sdelay $0x1  }
0x3e8: {  	v2 =	vor.u32 $0x7, v2;
	_ =	sdelay $0x2  }
0x3e9: {  	v3 =	vmul.f32 v3, v4;
	_ =	sdelay $0x1  }
0x3ea: {  	[tilespmem:v2+s31+$0x0] =	vst.idx.add.f32.msk $0xffff, v3  }
0x3eb: {  	v2 =	vld [tilespmem:s7+$0x0]  }
0x3ec: {  	s24 =	sadd.s32 $0x30, s25  }
0x3ed: {  	v3 =	vmov s24  }
0x3ee: {  	v4 =	vld [tilespmem:s16+$0x0];
	v3 =	vshll.u32 v3, $0x3  }
0x3ef: {  	v3 =	vor.u32 v0, v3;
	_ =	sdelay $0x3  }
0x3f0: {  	[tilespmem:v2+s12+$0x0] =	vst.idx.add.f32.msk @!p1 $0xffff, v4  }
0x3f1: {  	v5 =	vld.idx.msk [tilespmem:v3+s10+$0x0], $0xffff;
	_ =	sdelay $0x1  }
0x3f2: {  	v2 =	vshll.u32 v2, $0x3  }
0x3f3: {  	v52 =	vor.u32 $0x1, v3;
	_ =	sdelay $0x1  }
0x3f4: {  	v5 =	vmul.f32 v5, v4;
	_ =	sdelay $0x1  }
0x3f5: {  	[tilespmem:v2+s31+$0x0] =	vst.idx.add.f32.msk $0xffff, v5  }
0x3f6: {  	v5 =	vld.idx.msk [tilespmem:v52+s10+$0x0], $0xffff;
	_ =	sdelay $0x1  }
0x3f7: {  	v53 =	vor.u32 $0x1, v2  }
0x3f8: {  	v54 =	vor.u32 $0x2, v3;
	_ =	sdelay $0x1  }
0x3f9: {  	v5 =	vmul.f32 v5, v4;
	_ =	sdelay $0x1  }
0x3fa: {  	[tilespmem:v53+s31+$0x0] =	vst.idx.add.f32.msk $0xffff, v5  }
0x3fb: {  	v5 =	vld.idx.msk [tilespmem:v54+s10+$0x0], $0xffff;
	_ =	sdelay $0x1  }
0x3fc: {  	v55 =	vor.u32 $0x2, v2  }
0x3fd: {  	v56 =	vor.u32 $0x3, v3;
	_ =	sdelay $0x1  }
0x3fe: {  	v5 =	vmul.f32 v5, v4;
	_ =	sdelay $0x1  }
0x3ff: {  	[tilespmem:v55+s31+$0x0] =	vst.idx.add.f32.msk $0xffff, v5  }
0x400: {  	v5 =	vld.idx.msk [tilespmem:v56+s10+$0x0], $0xffff;
	_ =	sdelay $0x1  }
0x401: {  	v57 =	vor.u32 $0x3, v2  }
0x402: {  	v58 =	vor.u32 $0x4, v3;
	_ =	sdelay $0x1  }
0x403: {  	v5 =	vmul.f32 v5, v4;
	_ =	sdelay $0x1  }
0x404: {  	[tilespmem:v57+s31+$0x0] =	vst.idx.add.f32.msk $0xffff, v5  }
0x405: {  	v5 =	vld.idx.msk [tilespmem:v58+s10+$0x0], $0xffff;
	_ =	sdelay $0x1  }
0x406: {  	v59 =	vor.u32 $0x4, v2  }
0x407: {  	v60 =	vor.u32 $0x5, v3;
	_ =	sdelay $0x1  }
0x408: {  	v5 =	vmul.f32 v5, v4;
	_ =	sdelay $0x1  }
0x409: {  	[tilespmem:v59+s31+$0x0] =	vst.idx.add.f32.msk $0xffff, v5  }
0x40a: {  	v5 =	vld.idx.msk [tilespmem:v60+s10+$0x0], $0xffff;
	_ =	sdelay $0x1  }
0x40b: {  	v61 =	vor.u32 $0x5, v2  }
0x40c: {  	v62 =	vor.u32 $0x6, v3;
	_ =	sdelay $0x1  }
0x40d: {  	v5 =	vmul.f32 v5, v4;
	_ =	sdelay $0x1  }
0x40e: {  	[tilespmem:v61+s31+$0x0] =	vst.idx.add.f32.msk $0xffff, v5  }
0x40f: {  	v5 =	vld.idx.msk [tilespmem:v62+s10+$0x0], $0xffff;
	_ =	sdelay $0x1  }
0x410: {  	v63 =	vor.u32 $0x6, v2  }
0x411: {  	v3 =	vor.u32 $0x7, v3;
	_ =	sdelay $0x1  }
0x412: {  	v5 =	vmul.f32 v5, v4;
	_ =	sdelay $0x1  }
0x413: {  	[tilespmem:v63+s31+$0x0] =	vst.idx.add.f32.msk $0xffff, v5  }
0x414: {  	v3 =	vld.idx.msk [tilespmem:v3+s10+$0x0], $0xffff  }
0x415: {  	s25 =	sadd.s32 $0x40, s25  }
0x416: {  	p3 =	sne.s32 s25, $0x100;
	v2 =	vor.u32 $0x7, v2  }
.Ltmp18:
0x417: {  	_ = 	snop;
	(pc) =	sbr.rel @p3 .LBB2_72-.Ltmp18, $3  }
0x418: {  	_ = 	snop  }
0x419: {  	v3 =	vmul.f32 v3, v4;
	_ =	sdelay $0x1  }
0x41a: {  	s7 =	sadd.s32 $0x40, s7;
	s16 =	sadd.s32 $0x40, s16;
	[tilespmem:v2+s31+$0x0] =	vst.idx.add.f32.msk $0xffff, v3  }
0x41b: {  	s5 =	sadd.s32 $0x1, s5  }
0x41c: {  	p3 =	sne.s32 s5, $0x8  }
.Ltmp19:
0x41d: {  	_ = 	snop;
	(pc) =	sbr.rel @p3 .LBB2_69-.Ltmp19, $3  }
0x41e: {  	_ =	sdelay $0x1  }
0x41f: {  	s22 =	sadd.s32 $0x200, s22  }
0x420: {  	s23 =	sadd.s32 $0x200, s23;
	s15 =	sadd.s32 $0x200, s15;
	s26 =	sadd.s32 $0x200, s26  }
0x421: {  	s20 =	sadd.s32 $0x1, s20  }
0x422: {  	p3 =	sne.s32 s20, $0x50  }
.Ltmp20:
0x423: {  	_ = 	snop;
	(pc) =	sbr.rel @p3 .LBB2_68-.Ltmp20, $1  }
0x424: {  	_ =	sdelay $0x3  }
0x425: {  	s1 =	simm.s32 $0x0;
	s2 =	rddreg [dreg:$0x10]  }
0x426: {  	[hbm4b:s2+s1] =	stream.linear.scatter [tilespmem:s31], [sflag:$0x3], $0x13880, $0x38;
	[tilespmem:$0x1EDC0] =	vst v63  }
.Ltmp21:
0x427: {  	_ = 	snop;
	(pc) =	sbr.rel @p1 .LBB2_77-.Ltmp21, $4  }
.Ltmp22:
0x428: {  	_ = 	snop;
	(pc) =	sbr.rel @!p1 .LBB2_76-.Ltmp22, $4  }
0x429: {  	_ =	swait.ge [sflag:s29], $0x13880  }
0x42a: {  	[sflag:s29] =	ssyncset.done $0x0;
	s2 =	rddreg [dreg:$0x14]  }
0x42b: {  	s7 =	rddreg [dreg:$0x15];
	[sflag:s29] =	ssyncadd.s32 $0xFFFEC780  }
0x42c: {  	_ = 	snop  }
.LBB2_2:
0x42d: {  	s2 =	simm.s32 $0x0  }
0x42e: {  	v2 =	vmov s2  }
0x42f: {  	v2 =	vshll.u32 v2, $0x3  }
0x430: {  	s1 =	rddreg [dreg:$0x3];
	v2 =	vor.u32 v0, v2  }
0x431: {  	[tilespmem:s30], [sflag:$0x3] =	stream.linear.gather [hbm4b:s1+s2], $0x4E20, $0x38;
	v4 =	vor.u32 $0x1, v2;
	[tilespmem:$0x1EDC0] =	vst v63  }
0x432: {  	_ =	swait.ge [sflag:s29], $0x4E20;
	v7 =	vor.u32 $0x2, v2  }
0x433: {  	[sflag:s29] =	ssyncset.done $0x0;
	v5 =	vor.u32 $0x3, v2  }
0x434: {  	[sflag:s29] =	ssyncadd.s32 $0xFFFFB1E0;
	v6 =	vor.u32 $0x4, v2  }
0x435: {  	s2 =	simm.s32 $0x10;
	v3 =	vor.u32 $0x6, v2;
	v8 =	vor.u32 $0x5, v2;
	[tilespmem:v2+s31+$0x0] =	vst.idx.msk $0xffff, v1  }
.LBB2_3:
0x436: {  	v9 =	vmov s2;
	p3 =	sne.s32 s2, $0x2700;
	s2 =	sadd.s32 $0x10, s2;
	[tilespmem:v4+s31+$0x0] =	vst.idx.msk $0xffff, v1  }
0x437: {  	v4 =	vshll.u32 v9, $0x3;
	[tilespmem:v7+s31+$0x0] =	vst.idx.msk $0xffff, v1;
	v9 =	vor.u32 $0x7, v2  }
0x438: {  	v2 =	vor.u32 v0, v4;
	[tilespmem:v5+s31+$0x0] =	vst.idx.msk $0xffff, v1  }
.Ltmp23:
0x439: {  	v4 =	vor.u32 $0x1, v2;
	v10 =	vor.u32 $0x6, v2;
	[tilespmem:v6+s31+$0x0] =	vst.idx.msk $0xffff, v1;
	(pc) =	sbr.rel @p3 .LBB2_3-.Ltmp23, $4  }
0x43a: {  	v7 =	vor.u32 $0x2, v2;
	[tilespmem:v8+s31+$0x0] =	vst.idx.msk $0xffff, v1  }
0x43b: {  	v5 =	vor.u32 $0x3, v2;
	[tilespmem:v3+s31+$0x0] =	vst.idx.msk $0xffff, v1;
	v3 =	vmov v10  }
0x43c: {  	v6 =	vor.u32 $0x4, v2;
	[tilespmem:v9+s31+$0x0] =	vst.idx.msk $0xffff, v1  }
0x43d: {  	v8 =	vor.u32 $0x5, v2;
	[tilespmem:v2+s31+$0x0] =	vst.idx.msk $0xffff, v1  }
0x43e: {  	_ =	sdelay $0x3  }
0x43f: {  	[tilespmem:v4+s31+$0x0] =	vst.idx.msk $0xffff, v1  }
0x440: {  	v2 =	vor.u32 $0x7, v2;
	[tilespmem:v7+s31+$0x0] =	vst.idx.msk $0xffff, v1  }
0x441: {  	[tilespmem:v5+s31+$0x0] =	vst.idx.msk $0xffff, v1  }
0x442: {  	[tilespmem:v6+s31+$0x0] =	vst.idx.msk $0xffff, v1  }
0x443: {  	[tilespmem:v8+s31+$0x0] =	vst.idx.msk $0xffff, v1  }
0x444: {  	[tilespmem:v3+s31+$0x0] =	vst.idx.msk $0xffff, v1  }
0x445: {  	s2 =	simm.s32 $0x40;
	s5 =	simm.s32 $0x0;
	[tilespmem:v2+s31+$0x0] =	vst.idx.msk $0xffff, v1  }
.LBB2_5:
0x446: {  	p3 =	sne.s32 s2, $0x9C00;
	[tilespmem:s5+$0x1B6A0] =	vst v1;
	s5 =	smov.u32 s2;
	s2 =	sadd.s32 $0x40, s2  }
.Ltmp24:
0x447: {  	(pc) =	sbr.rel @p3 .LBB2_5-.Ltmp24, $2  }
0x448: {  	_ =	sdelay $0x2  }
0x449: {  	s5 =	sshra.s32 s5, $0x2  }
0x44a: {  	[tilespmem:s5+$0x1B6A0] =	vst v1  }
0x44b: {  	s5 =	simm.s32 $0x0;
	s7 =	simm.s32 $0x0;
	v2 =	vld [tilespmem:$0x1EDB0]  }
.LBB2_7:
0x44c: {  	s2 =	sshll.u32 s7, $0x4  }
0x44d: {  	s15 =	sadd.s32 s8, s2  }
0x44e: {  	s12 =	sshll.u32 s15, $0x5  }
0x44f: {  	s25 =	sadd.s32 s4, s12  }
0x450: {  	[tilespmem:s5], [sflag:$0x3] =	stream.linear.gather [hbm4b:s25+s5], $0x1000, $0x38;
	[tilespmem:$0x1EDC0] =	vst v63  }
0x451: {  	_ =	swait.ge [sflag:s29], $0x1000  }
0x452: {  	[sflag:s29] =	ssyncset.done $0x0  }
0x453: {  	s16 =	simm.s32 $0x1000;
	s26 =	sadd.s32 s17, s12;
	[sflag:s29] =	ssyncadd.s32 $0xFFFFF000  }
0x454: {  	[tilespmem:s16], [sflag:$0x3] =	stream.linear.gather [hbm4b:s26+s5], $0x1000, $0x38;
	[tilespmem:$0x1EDC0] =	vst v63  }
0x455: {  	_ =	swait.ge [sflag:s29], $0x1000  }
0x456: {  	s19 =	simm.s32 $0x1DDB0;
	[sflag:s29] =	ssyncset.done $0x0  }
0x457: {  	s20 =	simm.s32 $0x0;
	s22 =	simm.s32 $0x0;
	[sflag:s29] =	ssyncadd.s32 $0xFFFFF000  }
.LBB2_8:
0x458: {  	v3 =	vld [tilespmem:s16+$0x0]  }
0x459: {  	v4 =	vld [tilespmem:s20+$0x0];
	_ =	sdelay $0x3  }
0x45a: {  	v3 =	vadd.s32 $0x2710, v3;
	_ =	sdelay $0x3  }
0x45b: {  	v4 =	vld.idx.msk [tilespmem:v4+s30+$0x0], $0xffff  }
0x45c: {  	v3 =	vld.idx.msk [tilespmem:v3+s30+$0x0], $0xffff;
	_ =	sdelay $0x4  }
0x45d: {  	v3 =	vadd.f32 v3, v4;
	_ =	sdelay $0x1  }
0x45e: {  	v4 =	vmul.f32 $2.000000030e-01, v3;
	_ =	sdelay $0x1  }
0x45f: {  	v3 =	vmax.f32 v3, v4  }
0x460: {  	v3 =	vsub.f32 v3, v2;
	_ =	sdelay $0x1  }
0x461: {  	v3 =	vmul.f32 $1.442695020e+00, v3;
	_ =	sdelay $0x1  }
0x462: {  	(erf) = vpow2.f32 v3;
	_ =	sdelay $0x5  }
0x463: {  	s2 =	sadd.s32 s15, s22  }
0x464: {  	s26 =	simm.s32 $0x0;
	s23 =	sshll.u32 s2, $0x8  }
0x465: {  	s2 =	sor.u32 s23, s26  }
0x466: {  	p3 =	slt.u32 s2, $0x4E200;
	v3 =	vpop (erf)  }
0x467: {  	v3 =	vpsel !p3, $0x0, v3  }
0x468: {  	s17 =	sadd.s32 $0x10, s16;
	s24 =	sadd.s32 $0x10, s20;
	[tilespmem:s19+$0x0] =	vst v3  }
0x469: {  	s25 =	smov.u32 s19;
	s26 =	simm.s32 $0x10;
	s2 =	simm.s32 $0x20;
	v3 =	vld [tilespmem:s17+$0x0]  }
.LBB2_9:
0x46a: {  	p3 =	sne.s32 s2, $0xF0;
	v4 =	vld [tilespmem:s24+$0x0];
	_ =	sdelay $0x3  }
0x46b: {  	v3 =	vadd.s32 $0x2710, v3;
	_ =	sdelay $0x3  }
0x46c: {  	v4 =	vld.idx.msk [tilespmem:v4+s30+$0x0], $0xffff  }
0x46d: {  	v3 =	vld.idx.msk [tilespmem:v3+s30+$0x0], $0xffff;
	_ =	sdelay $0x5  }
0x46e: {  	v3 =	vadd.f32 v3, v4;
	_ =	sdelay $0x1  }
0x46f: {  	v4 =	vmul.f32 $2.000000030e-01, v3;
	_ =	sdelay $0x1  }
0x470: {  	v3 =	vmax.f32 v3, v4  }
0x471: {  	v3 =	vsub.f32 v3, v2;
	_ =	sdelay $0x1  }
0x472: {  	v3 =	vmul.f32 $1.442695020e+00, v3;
	_ =	sdelay $0x1  }
0x473: {  	(erf) = vpow2.f32 v3;
	_ =	sdelay $0x7  }
.Ltmp25:
0x474: {  	s1 =	sor.u32 s23, s26;
	s26 =	smov.u32 s2;
	(pc) =	sbr.rel @p3 .LBB2_9-.Ltmp25, $4  }
0x475: {  	p4 =	slt.u32 s1, $0x4E200;
	v3 =	vpop (erf)  }
0x476: {  	s25 =	sadd.s32 $0x10, s25;
	v3 =	vpsel !p4, $0x0, v3  }
0x477: {  	s17 =	sadd.s32 $0x10, s17;
	[tilespmem:s25+$0x0] =	vst v3  }
0x478: {  	s2 =	sadd.s32 $0x10, s2;
	s24 =	sadd.s32 $0x10, s24;
	v3 =	vld [tilespmem:s17+$0x0]  }
0x479: {  	v4 =	vld [tilespmem:s24+$0x0];
	_ =	sdelay $0x3  }
0x47a: {  	v3 =	vadd.s32 $0x2710, v3;
	_ =	sdelay $0x3  }
0x47b: {  	v4 =	vld.idx.msk [tilespmem:v4+s30+$0x0], $0xffff  }
0x47c: {  	v3 =	vld.idx.msk [tilespmem:v3+s30+$0x0], $0xffff;
	_ =	sdelay $0x4  }
0x47d: {  	v3 =	vadd.f32 v3, v4;
	_ =	sdelay $0x1  }
0x47e: {  	v4 =	vmul.f32 $2.000000030e-01, v3;
	_ =	sdelay $0x1  }
0x47f: {  	v3 =	vmax.f32 v3, v4  }
0x480: {  	v3 =	vsub.f32 v3, v2;
	_ =	sdelay $0x1  }
0x481: {  	v3 =	vmul.f32 $1.442695020e+00, v3;
	_ =	sdelay $0x1  }
0x482: {  	(erf) = vpow2.f32 v3;
	_ =	sdelay $0x7  }
0x483: {  	s1 =	sor.u32 s23, s26  }
0x484: {  	s22 =	sadd.s32 $0x1, s22;
	p3 =	slt.u32 s1, $0x4E200;
	v3 =	vpop (erf)  }
0x485: {  	v3 =	vpsel !p3, $0x0, v3;
	p3 =	sne.s32 s22, $0x10  }
.Ltmp26:
0x486: {  	_ = 	snop;
	(pc) =	sbr.rel @p3 .LBB2_8-.Ltmp26, $3  }
0x487: {  	_ =	sdelay $0x1  }
0x488: {  	s26 =	sadd.s32 $0x10, s25  }
0x489: {  	s20 =	sadd.s32 $0x100, s20;
	s16 =	sadd.s32 $0x100, s16;
	s19 =	sadd.s32 $0x100, s19;
	[tilespmem:s26+$0x0] =	vst v3  }
0x48a: {  	s1 =	rddreg [dreg:$0x6];
	s7 =	sadd.s32 $0x1, s7  }
0x48b: {  	s2 =	simm.s32 $0x0;
	s1 =	sadd.s32 s1, s12;
	p3 =	sne.s32 s7, $0x5  }
0x48c: {  	[hbm4b:s1+s2] =	stream.linear.scatter [tilespmem:s0], [sflag:$0x3], $0x1000, $0x38;
	[tilespmem:$0x1EDC0] =	vst v63  }
.Ltmp27:
0x48d: {  	_ = 	snop;
	(pc) =	sbr.rel @p3 .LBB2_7-.Ltmp27, $4  }
0x48e: {  	_ =	swait.ge [sflag:s29], $0x1000  }
0x48f: {  	[sflag:s29] =	ssyncset.done $0x0  }
0x490: {  	[sflag:s29] =	ssyncadd.s32 $0xFFFFF000  }
0x491: {  	s17 =	rddreg [dreg:$0x1]  }
0x492: {  	[bflag:$0x0] =	sbarrier.arrive $0xFFFF;
	s19 =	simm.s32 $0x0;
	s20 =	simm.s32 $0x0  }
.LBB2_13:
0x493: {  	s1 =	sshll.u32 s20, $0x9  }
0x494: {  	s2 =	sadd.s32 s4, s1  }
0x495: {  	[tilespmem:s19], [sflag:$0x3] =	stream.linear.gather [hbm4b:s2+s19], $0x1000, $0x38;
	[tilespmem:$0x1EDC0] =	vst v63  }
0x496: {  	_ =	swait.ge [sflag:s29], $0x1000  }
0x497: {  	[sflag:s29] =	ssyncset.done $0x0  }
0x498: {  	s25 =	sadd.s32 s17, s1;
	[sflag:s29] =	ssyncadd.s32 $0xFFFFF000  }
0x499: {  	[tilespmem:s28], [sflag:$0x3] =	stream.linear.gather [hbm4b:s25+s19], $0x1000, $0x38;
	[tilespmem:$0x1EDC0] =	vst v63  }
0x49a: {  	_ =	swait.ge [sflag:s29], $0x1000  }
0x49b: {  	[sflag:s29] =	ssyncset.done $0x0;
	s26 =	rddreg [dreg:$0x6]  }
0x49c: {  	[sflag:s29] =	ssyncadd.s32 $0xFFFFF000;
	s1 =	sadd.s32 s26, s1  }
0x49d: {  	[tilespmem:s0], [sflag:$0x3] =	stream.linear.gather [hbm4b:s1+s19], $0x1000, $0x38;
	[tilespmem:$0x1EDC0] =	vst v63  }
0x49e: {  	s7 =	simm.s32 $0x20;
	_ =	swait.ge [sflag:s29], $0x1000  }
0x49f: {  	s16 =	simm.s32 $0x1DDD0;
	s15 =	simm.s32 $0x130;
	[sflag:s29] =	ssyncset.done $0x0  }
0x4a0: {  	s5 =	simm.s32 $0x0;
	s26 =	simm.s32 $0x1DEE0;
	[sflag:s29] =	ssyncadd.s32 $0xFFFFF000  }
0x4a1: {  	[tilespmem:s6], [sflag:$0x1] =	stream.indirect.gather [hbm4b:s9+s3], $0x8, s28, s3, $0xb8;
	[tilespmem:$0x1EDC0] =	vst v63  }
.LBB2_14:
0x4a2: {  	s1 =	sshll.u32 s5, $0x9  }
0x4a3: {  	s1 =	sadd.s32 $0x1100, s1  }
0x4a4: {  	[tilespmem:s10], [sflag:$0x2] =	stream.indirect.gather [hbm4b:s9+s3], $0x8, s1, s3, $0xb8;
	[tilespmem:$0x1EDC0] =	vst v63  }
0x4a5: {  	_ =	swait.ge [sflag:s11], $0x800  }
0x4a6: {  	s25 =	simm.s32 $0x0;
	[sflag:s11] =	ssyncset.done $0x0  }
0x4a7: {  	s23 =	smov.u32 s16;
	s22 =	smov.u32 s7;
	[sflag:s11] =	ssyncadd.s32 $0xFFFFF800  }
.LBB2_15:
0x4a8: {  	v2 =	vld [tilespmem:s22+$0xFFFFFFE0];
	_ =	sdelay $0x1  }
0x4a9: {  	v3 =	vmov s25  }
0x4aa: {  	v4 =	vld [tilespmem:s23+$0xFFFFFFE0];
	v3 =	vshll.u32 v3, $0x3  }
0x4ab: {  	v3 =	vor.u32 v0, v3;
	_ =	sdelay $0x2  }
0x4ac: {  	s12 =	simm.s32 @!p1 $0x1B6A0  }
0x4ad: {  	[tilespmem:v2+s12+$0x0] =	vst.idx.add.f32.msk @!p1 $0xffff, v4  }
0x4ae: {  	v5 =	vld.idx.msk [tilespmem:v3+s6+$0x0], $0xffff;
	_ =	sdelay $0x1  }
0x4af: {  	v2 =	vshll.u32 v2, $0x3  }
0x4b0: {  	v6 =	vor.u32 $0x1, v3;
	_ =	sdelay $0x1  }
0x4b1: {  	v5 =	vmul.f32 v5, v4;
	_ =	sdelay $0x1  }
0x4b2: {  	[tilespmem:v2+s31+$0x0] =	vst.idx.add.f32.msk $0xffff, v5  }
0x4b3: {  	v5 =	vld.idx.msk [tilespmem:v6+s6+$0x0], $0xffff;
	_ =	sdelay $0x1  }
0x4b4: {  	v18 =	vor.u32 $0x1, v2  }
0x4b5: {  	v7 =	vor.u32 $0x2, v3;
	_ =	sdelay $0x1  }
0x4b6: {  	v5 =	vmul.f32 v5, v4;
	_ =	sdelay $0x1  }
0x4b7: {  	[tilespmem:v18+s31+$0x0] =	vst.idx.add.f32.msk $0xffff, v5  }
0x4b8: {  	v5 =	vld.idx.msk [tilespmem:v7+s6+$0x0], $0xffff;
	_ =	sdelay $0x1  }
0x4b9: {  	v19 =	vor.u32 $0x2, v2  }
0x4ba: {  	v20 =	vor.u32 $0x3, v3;
	_ =	sdelay $0x1  }
0x4bb: {  	v5 =	vmul.f32 v5, v4;
	_ =	sdelay $0x1  }
0x4bc: {  	[tilespmem:v19+s31+$0x0] =	vst.idx.add.f32.msk $0xffff, v5  }
0x4bd: {  	v5 =	vld.idx.msk [tilespmem:v20+s6+$0x0], $0xffff;
	_ =	sdelay $0x1  }
0x4be: {  	v21 =	vor.u32 $0x3, v2  }
0x4bf: {  	v22 =	vor.u32 $0x4, v3;
	_ =	sdelay $0x1  }
0x4c0: {  	v5 =	vmul.f32 v5, v4;
	_ =	sdelay $0x1  }
0x4c1: {  	[tilespmem:v21+s31+$0x0] =	vst.idx.add.f32.msk $0xffff, v5  }
0x4c2: {  	v5 =	vld.idx.msk [tilespmem:v22+s6+$0x0], $0xffff;
	_ =	sdelay $0x1  }
0x4c3: {  	v23 =	vor.u32 $0x4, v2  }
0x4c4: {  	v24 =	vor.u32 $0x5, v3;
	_ =	sdelay $0x1  }
0x4c5: {  	v5 =	vmul.f32 v5, v4;
	_ =	sdelay $0x1  }
0x4c6: {  	[tilespmem:v23+s31+$0x0] =	vst.idx.add.f32.msk $0xffff, v5  }
0x4c7: {  	v5 =	vld.idx.msk [tilespmem:v24+s6+$0x0], $0xffff;
	_ =	sdelay $0x1  }
0x4c8: {  	v25 =	vor.u32 $0x5, v2  }
0x4c9: {  	v26 =	vor.u32 $0x6, v3;
	_ =	sdelay $0x1  }
0x4ca: {  	v5 =	vmul.f32 v5, v4;
	_ =	sdelay $0x1  }
0x4cb: {  	[tilespmem:v25+s31+$0x0] =	vst.idx.add.f32.msk $0xffff, v5  }
0x4cc: {  	v5 =	vld.idx.msk [tilespmem:v26+s6+$0x0], $0xffff;
	_ =	sdelay $0x1  }
0x4cd: {  	v27 =	vor.u32 $0x6, v2  }
0x4ce: {  	v3 =	vor.u32 $0x7, v3;
	_ =	sdelay $0x1  }
0x4cf: {  	v5 =	vmul.f32 v5, v4;
	_ =	sdelay $0x1  }
0x4d0: {  	[tilespmem:v27+s31+$0x0] =	vst.idx.add.f32.msk $0xffff, v5  }
0x4d1: {  	v3 =	vld.idx.msk [tilespmem:v3+s6+$0x0], $0xffff;
	_ =	sdelay $0x1  }
0x4d2: {  	v2 =	vor.u32 $0x7, v2;
	_ =	sdelay $0x2  }
0x4d3: {  	v3 =	vmul.f32 v3, v4;
	_ =	sdelay $0x1  }
0x4d4: {  	[tilespmem:v2+s31+$0x0] =	vst.idx.add.f32.msk $0xffff, v3  }
0x4d5: {  	v2 =	vld [tilespmem:s22+$0xFFFFFFF0]  }
0x4d6: {  	s1 =	sadd.s32 $0x10, s25  }
0x4d7: {  	v3 =	vmov s1  }
0x4d8: {  	v4 =	vld [tilespmem:s23+$0xFFFFFFF0];
	v3 =	vshll.u32 v3, $0x3  }
0x4d9: {  	v3 =	vor.u32 v0, v3;
	_ =	sdelay $0x3  }
0x4da: {  	[tilespmem:v2+s12+$0x0] =	vst.idx.add.f32.msk @!p1 $0xffff, v4  }
0x4db: {  	v5 =	vld.idx.msk [tilespmem:v3+s6+$0x0], $0xffff;
	_ =	sdelay $0x1  }
0x4dc: {  	v2 =	vshll.u32 v2, $0x3  }
0x4dd: {  	v28 =	vor.u32 $0x1, v3;
	_ =	sdelay $0x1  }
0x4de: {  	v5 =	vmul.f32 v5, v4;
	_ =	sdelay $0x1  }
0x4df: {  	[tilespmem:v2+s31+$0x0] =	vst.idx.add.f32.msk $0xffff, v5  }
0x4e0: {  	v5 =	vld.idx.msk [tilespmem:v28+s6+$0x0], $0xffff;
	_ =	sdelay $0x1  }
0x4e1: {  	v29 =	vor.u32 $0x1, v2  }
0x4e2: {  	v30 =	vor.u32 $0x2, v3;
	_ =	sdelay $0x1  }
0x4e3: {  	v5 =	vmul.f32 v5, v4;
	_ =	sdelay $0x1  }
0x4e4: {  	[tilespmem:v29+s31+$0x0] =	vst.idx.add.f32.msk $0xffff, v5  }
0x4e5: {  	v5 =	vld.idx.msk [tilespmem:v30+s6+$0x0], $0xffff;
	_ =	sdelay $0x1  }
0x4e6: {  	v31 =	vor.u32 $0x2, v2  }
0x4e7: {  	v32 =	vor.u32 $0x3, v3;
	_ =	sdelay $0x1  }
0x4e8: {  	v5 =	vmul.f32 v5, v4;
	_ =	sdelay $0x1  }
0x4e9: {  	[tilespmem:v31+s31+$0x0] =	vst.idx.add.f32.msk $0xffff, v5  }
0x4ea: {  	v5 =	vld.idx.msk [tilespmem:v32+s6+$0x0], $0xffff;
	_ =	sdelay $0x1  }
0x4eb: {  	v33 =	vor.u32 $0x3, v2  }
0x4ec: {  	v34 =	vor.u32 $0x4, v3;
	_ =	sdelay $0x1  }
0x4ed: {  	v5 =	vmul.f32 v5, v4;
	_ =	sdelay $0x1  }
0x4ee: {  	[tilespmem:v33+s31+$0x0] =	vst.idx.add.f32.msk $0xffff, v5  }
0x4ef: {  	v5 =	vld.idx.msk [tilespmem:v34+s6+$0x0], $0xffff;
	_ =	sdelay $0x1  }
0x4f0: {  	v35 =	vor.u32 $0x4, v2  }
0x4f1: {  	v36 =	vor.u32 $0x5, v3;
	_ =	sdelay $0x1  }
0x4f2: {  	v5 =	vmul.f32 v5, v4;
	_ =	sdelay $0x1  }
0x4f3: {  	[tilespmem:v35+s31+$0x0] =	vst.idx.add.f32.msk $0xffff, v5  }
0x4f4: {  	v5 =	vld.idx.msk [tilespmem:v36+s6+$0x0], $0xffff;
	_ =	sdelay $0x1  }
0x4f5: {  	v37 =	vor.u32 $0x5, v2  }
0x4f6: {  	v38 =	vor.u32 $0x6, v3;
	_ =	sdelay $0x1  }
0x4f7: {  	v5 =	vmul.f32 v5, v4;
	_ =	sdelay $0x1  }
0x4f8: {  	[tilespmem:v37+s31+$0x0] =	vst.idx.add.f32.msk $0xffff, v5  }
0x4f9: {  	v5 =	vld.idx.msk [tilespmem:v38+s6+$0x0], $0xffff;
	_ =	sdelay $0x1  }
0x4fa: {  	v39 =	vor.u32 $0x6, v2  }
0x4fb: {  	v3 =	vor.u32 $0x7, v3;
	_ =	sdelay $0x1  }
0x4fc: {  	v5 =	vmul.f32 v5, v4;
	_ =	sdelay $0x1  }
0x4fd: {  	[tilespmem:v39+s31+$0x0] =	vst.idx.add.f32.msk $0xffff, v5  }
0x4fe: {  	v3 =	vld.idx.msk [tilespmem:v3+s6+$0x0], $0xffff;
	_ =	sdelay $0x1  }
0x4ff: {  	v2 =	vor.u32 $0x7, v2;
	_ =	sdelay $0x2  }
0x500: {  	v3 =	vmul.f32 v3, v4;
	_ =	sdelay $0x1  }
0x501: {  	[tilespmem:v2+s31+$0x0] =	vst.idx.add.f32.msk $0xffff, v3  }
0x502: {  	v2 =	vld [tilespmem:s22+$0x0]  }
0x503: {  	s2 =	sadd.s32 $0x20, s25  }
0x504: {  	v3 =	vmov s2  }
0x505: {  	v4 =	vld [tilespmem:s23+$0x0];
	v3 =	vshll.u32 v3, $0x3  }
0x506: {  	v3 =	vor.u32 v0, v3;
	_ =	sdelay $0x3  }
0x507: {  	[tilespmem:v2+s12+$0x0] =	vst.idx.add.f32.msk @!p1 $0xffff, v4  }
0x508: {  	v5 =	vld.idx.msk [tilespmem:v3+s6+$0x0], $0xffff;
	_ =	sdelay $0x1  }
0x509: {  	v2 =	vshll.u32 v2, $0x3  }
0x50a: {  	v40 =	vor.u32 $0x1, v3;
	_ =	sdelay $0x1  }
0x50b: {  	v5 =	vmul.f32 v5, v4;
	_ =	sdelay $0x1  }
0x50c: {  	[tilespmem:v2+s31+$0x0] =	vst.idx.add.f32.msk $0xffff, v5  }
0x50d: {  	v5 =	vld.idx.msk [tilespmem:v40+s6+$0x0], $0xffff;
	_ =	sdelay $0x1  }
0x50e: {  	v41 =	vor.u32 $0x1, v2  }
0x50f: {  	v42 =	vor.u32 $0x2, v3;
	_ =	sdelay $0x1  }
0x510: {  	v5 =	vmul.f32 v5, v4;
	_ =	sdelay $0x1  }
0x511: {  	[tilespmem:v41+s31+$0x0] =	vst.idx.add.f32.msk $0xffff, v5  }
0x512: {  	v5 =	vld.idx.msk [tilespmem:v42+s6+$0x0], $0xffff;
	_ =	sdelay $0x1  }
0x513: {  	v43 =	vor.u32 $0x2, v2  }
0x514: {  	v44 =	vor.u32 $0x3, v3;
	_ =	sdelay $0x1  }
0x515: {  	v5 =	vmul.f32 v5, v4;
	_ =	sdelay $0x1  }
0x516: {  	[tilespmem:v43+s31+$0x0] =	vst.idx.add.f32.msk $0xffff, v5  }
0x517: {  	v5 =	vld.idx.msk [tilespmem:v44+s6+$0x0], $0xffff;
	_ =	sdelay $0x1  }
0x518: {  	v45 =	vor.u32 $0x3, v2  }
0x519: {  	v46 =	vor.u32 $0x4, v3;
	_ =	sdelay $0x1  }
0x51a: {  	v5 =	vmul.f32 v5, v4;
	_ =	sdelay $0x1  }
0x51b: {  	[tilespmem:v45+s31+$0x0] =	vst.idx.add.f32.msk $0xffff, v5  }
0x51c: {  	v5 =	vld.idx.msk [tilespmem:v46+s6+$0x0], $0xffff;
	_ =	sdelay $0x1  }
0x51d: {  	v47 =	vor.u32 $0x4, v2  }
0x51e: {  	v48 =	vor.u32 $0x5, v3;
	_ =	sdelay $0x1  }
0x51f: {  	v5 =	vmul.f32 v5, v4;
	_ =	sdelay $0x1  }
0x520: {  	[tilespmem:v47+s31+$0x0] =	vst.idx.add.f32.msk $0xffff, v5  }
0x521: {  	v5 =	vld.idx.msk [tilespmem:v48+s6+$0x0], $0xffff;
	_ =	sdelay $0x1  }
0x522: {  	v49 =	vor.u32 $0x5, v2  }
0x523: {  	v50 =	vor.u32 $0x6, v3;
	_ =	sdelay $0x1  }
0x524: {  	v5 =	vmul.f32 v5, v4;
	_ =	sdelay $0x1  }
0x525: {  	[tilespmem:v49+s31+$0x0] =	vst.idx.add.f32.msk $0xffff, v5  }
0x526: {  	v5 =	vld.idx.msk [tilespmem:v50+s6+$0x0], $0xffff;
	_ =	sdelay $0x1  }
0x527: {  	v51 =	vor.u32 $0x6, v2  }
0x528: {  	v3 =	vor.u32 $0x7, v3;
	_ =	sdelay $0x1  }
0x529: {  	v5 =	vmul.f32 v5, v4;
	_ =	sdelay $0x1  }
0x52a: {  	[tilespmem:v51+s31+$0x0] =	vst.idx.add.f32.msk $0xffff, v5  }
0x52b: {  	v3 =	vld.idx.msk [tilespmem:v3+s6+$0x0], $0xffff;
	_ =	sdelay $0x1  }
0x52c: {  	v2 =	vor.u32 $0x7, v2;
	_ =	sdelay $0x2  }
0x52d: {  	v3 =	vmul.f32 v3, v4;
	_ =	sdelay $0x1  }
0x52e: {  	[tilespmem:v2+s31+$0x0] =	vst.idx.add.f32.msk $0xffff, v3  }
0x52f: {  	v2 =	vld [tilespmem:s22+$0x10]  }
0x530: {  	s24 =	sadd.s32 $0x30, s25  }
0x531: {  	v3 =	vmov s24  }
0x532: {  	v4 =	vld [tilespmem:s23+$0x10];
	v3 =	vshll.u32 v3, $0x3  }
0x533: {  	v3 =	vor.u32 v0, v3;
	_ =	sdelay $0x3  }
0x534: {  	[tilespmem:v2+s12+$0x0] =	vst.idx.add.f32.msk @!p1 $0xffff, v4  }
0x535: {  	v5 =	vld.idx.msk [tilespmem:v3+s6+$0x0], $0xffff;
	_ =	sdelay $0x1  }
0x536: {  	v2 =	vshll.u32 v2, $0x3  }
0x537: {  	v52 =	vor.u32 $0x1, v3;
	_ =	sdelay $0x1  }
0x538: {  	v5 =	vmul.f32 v5, v4;
	_ =	sdelay $0x1  }
0x539: {  	[tilespmem:v2+s31+$0x0] =	vst.idx.add.f32.msk $0xffff, v5  }
0x53a: {  	v5 =	vld.idx.msk [tilespmem:v52+s6+$0x0], $0xffff;
	_ =	sdelay $0x1  }
0x53b: {  	v53 =	vor.u32 $0x1, v2  }
0x53c: {  	v54 =	vor.u32 $0x2, v3;
	_ =	sdelay $0x1  }
0x53d: {  	v5 =	vmul.f32 v5, v4;
	_ =	sdelay $0x1  }
0x53e: {  	[tilespmem:v53+s31+$0x0] =	vst.idx.add.f32.msk $0xffff, v5  }
0x53f: {  	v5 =	vld.idx.msk [tilespmem:v54+s6+$0x0], $0xffff;
	_ =	sdelay $0x1  }
0x540: {  	v55 =	vor.u32 $0x2, v2  }
0x541: {  	v56 =	vor.u32 $0x3, v3;
	_ =	sdelay $0x1  }
0x542: {  	v5 =	vmul.f32 v5, v4;
	_ =	sdelay $0x1  }
0x543: {  	[tilespmem:v55+s31+$0x0] =	vst.idx.add.f32.msk $0xffff, v5  }
0x544: {  	v5 =	vld.idx.msk [tilespmem:v56+s6+$0x0], $0xffff;
	_ =	sdelay $0x1  }
0x545: {  	v57 =	vor.u32 $0x3, v2  }
0x546: {  	v58 =	vor.u32 $0x4, v3;
	_ =	sdelay $0x1  }
0x547: {  	v5 =	vmul.f32 v5, v4;
	_ =	sdelay $0x1  }
0x548: {  	[tilespmem:v57+s31+$0x0] =	vst.idx.add.f32.msk $0xffff, v5  }
0x549: {  	v5 =	vld.idx.msk [tilespmem:v58+s6+$0x0], $0xffff;
	_ =	sdelay $0x1  }
0x54a: {  	v59 =	vor.u32 $0x4, v2  }
0x54b: {  	v60 =	vor.u32 $0x5, v3;
	_ =	sdelay $0x1  }
0x54c: {  	v5 =	vmul.f32 v5, v4;
	_ =	sdelay $0x1  }
0x54d: {  	[tilespmem:v59+s31+$0x0] =	vst.idx.add.f32.msk $0xffff, v5  }
0x54e: {  	v5 =	vld.idx.msk [tilespmem:v60+s6+$0x0], $0xffff;
	_ =	sdelay $0x1  }
0x54f: {  	v61 =	vor.u32 $0x5, v2  }
0x550: {  	v62 =	vor.u32 $0x6, v3;
	_ =	sdelay $0x1  }
0x551: {  	v5 =	vmul.f32 v5, v4;
	_ =	sdelay $0x1  }
0x552: {  	[tilespmem:v61+s31+$0x0] =	vst.idx.add.f32.msk $0xffff, v5  }
0x553: {  	v5 =	vld.idx.msk [tilespmem:v62+s6+$0x0], $0xffff;
	_ =	sdelay $0x1  }
0x554: {  	v63 =	vor.u32 $0x6, v2  }
0x555: {  	v3 =	vor.u32 $0x7, v3;
	_ =	sdelay $0x1  }
0x556: {  	v5 =	vmul.f32 v5, v4;
	_ =	sdelay $0x1  }
0x557: {  	[tilespmem:v63+s31+$0x0] =	vst.idx.add.f32.msk $0xffff, v5  }
0x558: {  	v3 =	vld.idx.msk [tilespmem:v3+s6+$0x0], $0xffff  }
0x559: {  	s25 =	sadd.s32 $0x40, s25  }
0x55a: {  	p3 =	sne.s32 s25, $0x100;
	v2 =	vor.u32 $0x7, v2  }
.Ltmp28:
0x55b: {  	_ = 	snop;
	(pc) =	sbr.rel @p3 .LBB2_15-.Ltmp28, $3  }
0x55c: {  	_ = 	snop  }
0x55d: {  	v3 =	vmul.f32 v3, v4;
	_ =	sdelay $0x1  }
0x55e: {  	s22 =	sadd.s32 $0x40, s22;
	s23 =	sadd.s32 $0x40, s23;
	[tilespmem:v2+s31+$0x0] =	vst.idx.add.f32.msk $0xffff, v3  }
0x55f: {  	p3 =	seq.s32 s5, $0x7  }
0x560: {  	s1 =	sshll.u32 @!p3 s5, $0x9  }
0x561: {  	s1 =	sand.u32 @!p3 $0x3FFFFE00, s1  }
0x562: {  	s2 =	simm.s32 @!p3 $0x100;
	s12 =	simm.s32 @!p3 $0x6E20;
	s1 =	sadd.s32 @!p3 $0x1200, s1  }
0x563: {  	[tilespmem:s12], [sflag:$0x1] =	stream.indirect.gather @!p3 [hbm4b:s9+s2], $0x8, s1, s2, $0xb8;
	[tilespmem:$0x1EDC0] =	vst v63  }
0x564: {  	_ =	swait.ge [sflag:s14], $0x800  }
0x565: {  	s25 =	simm.s32 $0x0;
	[sflag:s14] =	ssyncset.done $0x0  }
0x566: {  	s23 =	smov.u32 s26;
	s22 =	smov.u32 s15;
	[sflag:s14] =	ssyncadd.s32 $0xFFFFF800  }
.LBB2_17:
0x567: {  	v2 =	vld [tilespmem:s22+$0xFFFFFFD0];
	_ =	sdelay $0x1  }
0x568: {  	v3 =	vmov s25  }
0x569: {  	v4 =	vld [tilespmem:s23+$0xFFFFFFD0];
	v3 =	vshll.u32 v3, $0x3  }
0x56a: {  	v3 =	vor.u32 v0, v3;
	_ =	sdelay $0x2  }
0x56b: {  	s12 =	simm.s32 @!p1 $0x1B6A0  }
0x56c: {  	[tilespmem:v2+s12+$0x0] =	vst.idx.add.f32.msk @!p1 $0xffff, v4  }
0x56d: {  	v5 =	vld.idx.msk [tilespmem:v3+s10+$0x0], $0xffff;
	_ =	sdelay $0x1  }
0x56e: {  	v2 =	vshll.u32 v2, $0x3  }
0x56f: {  	v6 =	vor.u32 $0x1, v3;
	_ =	sdelay $0x1  }
0x570: {  	v5 =	vmul.f32 v5, v4;
	_ =	sdelay $0x1  }
0x571: {  	[tilespmem:v2+s31+$0x0] =	vst.idx.add.f32.msk $0xffff, v5  }
0x572: {  	v5 =	vld.idx.msk [tilespmem:v6+s10+$0x0], $0xffff;
	_ =	sdelay $0x1  }
0x573: {  	v18 =	vor.u32 $0x1, v2  }
0x574: {  	v7 =	vor.u32 $0x2, v3;
	_ =	sdelay $0x1  }
0x575: {  	v5 =	vmul.f32 v5, v4;
	_ =	sdelay $0x1  }
0x576: {  	[tilespmem:v18+s31+$0x0] =	vst.idx.add.f32.msk $0xffff, v5  }
0x577: {  	v5 =	vld.idx.msk [tilespmem:v7+s10+$0x0], $0xffff;
	_ =	sdelay $0x1  }
0x578: {  	v19 =	vor.u32 $0x2, v2  }
0x579: {  	v20 =	vor.u32 $0x3, v3;
	_ =	sdelay $0x1  }
0x57a: {  	v5 =	vmul.f32 v5, v4;
	_ =	sdelay $0x1  }
0x57b: {  	[tilespmem:v19+s31+$0x0] =	vst.idx.add.f32.msk $0xffff, v5  }
0x57c: {  	v5 =	vld.idx.msk [tilespmem:v20+s10+$0x0], $0xffff;
	_ =	sdelay $0x1  }
0x57d: {  	v21 =	vor.u32 $0x3, v2  }
0x57e: {  	v22 =	vor.u32 $0x4, v3;
	_ =	sdelay $0x1  }
0x57f: {  	v5 =	vmul.f32 v5, v4;
	_ =	sdelay $0x1  }
0x580: {  	[tilespmem:v21+s31+$0x0] =	vst.idx.add.f32.msk $0xffff, v5  }
0x581: {  	v5 =	vld.idx.msk [tilespmem:v22+s10+$0x0], $0xffff;
	_ =	sdelay $0x1  }
0x582: {  	v23 =	vor.u32 $0x4, v2  }
0x583: {  	v24 =	vor.u32 $0x5, v3;
	_ =	sdelay $0x1  }
0x584: {  	v5 =	vmul.f32 v5, v4;
	_ =	sdelay $0x1  }
0x585: {  	[tilespmem:v23+s31+$0x0] =	vst.idx.add.f32.msk $0xffff, v5  }
0x586: {  	v5 =	vld.idx.msk [tilespmem:v24+s10+$0x0], $0xffff;
	_ =	sdelay $0x1  }
0x587: {  	v25 =	vor.u32 $0x5, v2  }
0x588: {  	v26 =	vor.u32 $0x6, v3;
	_ =	sdelay $0x1  }
0x589: {  	v5 =	vmul.f32 v5, v4;
	_ =	sdelay $0x1  }
0x58a: {  	[tilespmem:v25+s31+$0x0] =	vst.idx.add.f32.msk $0xffff, v5  }
0x58b: {  	v5 =	vld.idx.msk [tilespmem:v26+s10+$0x0], $0xffff;
	_ =	sdelay $0x1  }
0x58c: {  	v27 =	vor.u32 $0x6, v2  }
0x58d: {  	v3 =	vor.u32 $0x7, v3;
	_ =	sdelay $0x1  }
0x58e: {  	v5 =	vmul.f32 v5, v4;
	_ =	sdelay $0x1  }
0x58f: {  	[tilespmem:v27+s31+$0x0] =	vst.idx.add.f32.msk $0xffff, v5  }
0x590: {  	v3 =	vld.idx.msk [tilespmem:v3+s10+$0x0], $0xffff;
	_ =	sdelay $0x1  }
0x591: {  	v2 =	vor.u32 $0x7, v2;
	_ =	sdelay $0x2  }
0x592: {  	v3 =	vmul.f32 v3, v4;
	_ =	sdelay $0x1  }
0x593: {  	[tilespmem:v2+s31+$0x0] =	vst.idx.add.f32.msk $0xffff, v3  }
0x594: {  	v2 =	vld [tilespmem:s22+$0xFFFFFFE0]  }
0x595: {  	s1 =	sadd.s32 $0x10, s25  }
0x596: {  	v3 =	vmov s1  }
0x597: {  	v4 =	vld [tilespmem:s23+$0xFFFFFFE0];
	v3 =	vshll.u32 v3, $0x3  }
0x598: {  	v3 =	vor.u32 v0, v3;
	_ =	sdelay $0x3  }
0x599: {  	[tilespmem:v2+s12+$0x0] =	vst.idx.add.f32.msk @!p1 $0xffff, v4  }
0x59a: {  	v5 =	vld.idx.msk [tilespmem:v3+s10+$0x0], $0xffff;
	_ =	sdelay $0x1  }
0x59b: {  	v2 =	vshll.u32 v2, $0x3  }
0x59c: {  	v28 =	vor.u32 $0x1, v3;
	_ =	sdelay $0x1  }
0x59d: {  	v5 =	vmul.f32 v5, v4;
	_ =	sdelay $0x1  }
0x59e: {  	[tilespmem:v2+s31+$0x0] =	vst.idx.add.f32.msk $0xffff, v5  }
0x59f: {  	v5 =	vld.idx.msk [tilespmem:v28+s10+$0x0], $0xffff;
	_ =	sdelay $0x1  }
0x5a0: {  	v29 =	vor.u32 $0x1, v2  }
0x5a1: {  	v30 =	vor.u32 $0x2, v3;
	_ =	sdelay $0x1  }
0x5a2: {  	v5 =	vmul.f32 v5, v4;
	_ =	sdelay $0x1  }
0x5a3: {  	[tilespmem:v29+s31+$0x0] =	vst.idx.add.f32.msk $0xffff, v5  }
0x5a4: {  	v5 =	vld.idx.msk [tilespmem:v30+s10+$0x0], $0xffff;
	_ =	sdelay $0x1  }
0x5a5: {  	v31 =	vor.u32 $0x2, v2  }
0x5a6: {  	v32 =	vor.u32 $0x3, v3;
	_ =	sdelay $0x1  }
0x5a7: {  	v5 =	vmul.f32 v5, v4;
	_ =	sdelay $0x1  }
0x5a8: {  	[tilespmem:v31+s31+$0x0] =	vst.idx.add.f32.msk $0xffff, v5  }
0x5a9: {  	v5 =	vld.idx.msk [tilespmem:v32+s10+$0x0], $0xffff;
	_ =	sdelay $0x1  }
0x5aa: {  	v33 =	vor.u32 $0x3, v2  }
0x5ab: {  	v34 =	vor.u32 $0x4, v3;
	_ =	sdelay $0x1  }
0x5ac: {  	v5 =	vmul.f32 v5, v4;
	_ =	sdelay $0x1  }
0x5ad: {  	[tilespmem:v33+s31+$0x0] =	vst.idx.add.f32.msk $0xffff, v5  }
0x5ae: {  	v5 =	vld.idx.msk [tilespmem:v34+s10+$0x0], $0xffff;
	_ =	sdelay $0x1  }
0x5af: {  	v35 =	vor.u32 $0x4, v2  }
0x5b0: {  	v36 =	vor.u32 $0x5, v3;
	_ =	sdelay $0x1  }
0x5b1: {  	v5 =	vmul.f32 v5, v4;
	_ =	sdelay $0x1  }
0x5b2: {  	[tilespmem:v35+s31+$0x0] =	vst.idx.add.f32.msk $0xffff, v5  }
0x5b3: {  	v5 =	vld.idx.msk [tilespmem:v36+s10+$0x0], $0xffff;
	_ =	sdelay $0x1  }
0x5b4: {  	v37 =	vor.u32 $0x5, v2  }
0x5b5: {  	v38 =	vor.u32 $0x6, v3;
	_ =	sdelay $0x1  }
0x5b6: {  	v5 =	vmul.f32 v5, v4;
	_ =	sdelay $0x1  }
0x5b7: {  	[tilespmem:v37+s31+$0x0] =	vst.idx.add.f32.msk $0xffff, v5  }
0x5b8: {  	v5 =	vld.idx.msk [tilespmem:v38+s10+$0x0], $0xffff;
	_ =	sdelay $0x1  }
0x5b9: {  	v39 =	vor.u32 $0x6, v2  }
0x5ba: {  	v3 =	vor.u32 $0x7, v3;
	_ =	sdelay $0x1  }
0x5bb: {  	v5 =	vmul.f32 v5, v4;
	_ =	sdelay $0x1  }
0x5bc: {  	[tilespmem:v39+s31+$0x0] =	vst.idx.add.f32.msk $0xffff, v5  }
0x5bd: {  	v3 =	vld.idx.msk [tilespmem:v3+s10+$0x0], $0xffff;
	_ =	sdelay $0x1  }
0x5be: {  	v2 =	vor.u32 $0x7, v2;
	_ =	sdelay $0x2  }
0x5bf: {  	v3 =	vmul.f32 v3, v4;
	_ =	sdelay $0x1  }
0x5c0: {  	[tilespmem:v2+s31+$0x0] =	vst.idx.add.f32.msk $0xffff, v3  }
0x5c1: {  	v2 =	vld [tilespmem:s22+$0xFFFFFFF0]  }
0x5c2: {  	s2 =	sadd.s32 $0x20, s25  }
0x5c3: {  	v3 =	vmov s2  }
0x5c4: {  	v4 =	vld [tilespmem:s23+$0xFFFFFFF0];
	v3 =	vshll.u32 v3, $0x3  }
0x5c5: {  	v3 =	vor.u32 v0, v3;
	_ =	sdelay $0x3  }
0x5c6: {  	[tilespmem:v2+s12+$0x0] =	vst.idx.add.f32.msk @!p1 $0xffff, v4  }
0x5c7: {  	v5 =	vld.idx.msk [tilespmem:v3+s10+$0x0], $0xffff;
	_ =	sdelay $0x1  }
0x5c8: {  	v2 =	vshll.u32 v2, $0x3  }
0x5c9: {  	v40 =	vor.u32 $0x1, v3;
	_ =	sdelay $0x1  }
0x5ca: {  	v5 =	vmul.f32 v5, v4;
	_ =	sdelay $0x1  }
0x5cb: {  	[tilespmem:v2+s31+$0x0] =	vst.idx.add.f32.msk $0xffff, v5  }
0x5cc: {  	v5 =	vld.idx.msk [tilespmem:v40+s10+$0x0], $0xffff;
	_ =	sdelay $0x1  }
0x5cd: {  	v41 =	vor.u32 $0x1, v2  }
0x5ce: {  	v42 =	vor.u32 $0x2, v3;
	_ =	sdelay $0x1  }
0x5cf: {  	v5 =	vmul.f32 v5, v4;
	_ =	sdelay $0x1  }
0x5d0: {  	[tilespmem:v41+s31+$0x0] =	vst.idx.add.f32.msk $0xffff, v5  }
0x5d1: {  	v5 =	vld.idx.msk [tilespmem:v42+s10+$0x0], $0xffff;
	_ =	sdelay $0x1  }
0x5d2: {  	v43 =	vor.u32 $0x2, v2  }
0x5d3: {  	v44 =	vor.u32 $0x3, v3;
	_ =	sdelay $0x1  }
0x5d4: {  	v5 =	vmul.f32 v5, v4;
	_ =	sdelay $0x1  }
0x5d5: {  	[tilespmem:v43+s31+$0x0] =	vst.idx.add.f32.msk $0xffff, v5  }
0x5d6: {  	v5 =	vld.idx.msk [tilespmem:v44+s10+$0x0], $0xffff;
	_ =	sdelay $0x1  }
0x5d7: {  	v45 =	vor.u32 $0x3, v2  }
0x5d8: {  	v46 =	vor.u32 $0x4, v3;
	_ =	sdelay $0x1  }
0x5d9: {  	v5 =	vmul.f32 v5, v4;
	_ =	sdelay $0x1  }
0x5da: {  	[tilespmem:v45+s31+$0x0] =	vst.idx.add.f32.msk $0xffff, v5  }
0x5db: {  	v5 =	vld.idx.msk [tilespmem:v46+s10+$0x0], $0xffff;
	_ =	sdelay $0x1  }
0x5dc: {  	v47 =	vor.u32 $0x4, v2  }
0x5dd: {  	v48 =	vor.u32 $0x5, v3;
	_ =	sdelay $0x1  }
0x5de: {  	v5 =	vmul.f32 v5, v4;
	_ =	sdelay $0x1  }
0x5df: {  	[tilespmem:v47+s31+$0x0] =	vst.idx.add.f32.msk $0xffff, v5  }
0x5e0: {  	v5 =	vld.idx.msk [tilespmem:v48+s10+$0x0], $0xffff;
	_ =	sdelay $0x1  }
0x5e1: {  	v49 =	vor.u32 $0x5, v2  }
0x5e2: {  	v50 =	vor.u32 $0x6, v3;
	_ =	sdelay $0x1  }
0x5e3: {  	v5 =	vmul.f32 v5, v4;
	_ =	sdelay $0x1  }
0x5e4: {  	[tilespmem:v49+s31+$0x0] =	vst.idx.add.f32.msk $0xffff, v5  }
0x5e5: {  	v5 =	vld.idx.msk [tilespmem:v50+s10+$0x0], $0xffff;
	_ =	sdelay $0x1  }
0x5e6: {  	v51 =	vor.u32 $0x6, v2  }
0x5e7: {  	v3 =	vor.u32 $0x7, v3;
	_ =	sdelay $0x1  }
0x5e8: {  	v5 =	vmul.f32 v5, v4;
	_ =	sdelay $0x1  }
0x5e9: {  	[tilespmem:v51+s31+$0x0] =	vst.idx.add.f32.msk $0xffff, v5  }
0x5ea: {  	v3 =	vld.idx.msk [tilespmem:v3+s10+$0x0], $0xffff;
	_ =	sdelay $0x1  }
0x5eb: {  	v2 =	vor.u32 $0x7, v2;
	_ =	sdelay $0x2  }
0x5ec: {  	v3 =	vmul.f32 v3, v4;
	_ =	sdelay $0x1  }
0x5ed: {  	[tilespmem:v2+s31+$0x0] =	vst.idx.add.f32.msk $0xffff, v3  }
0x5ee: {  	v2 =	vld [tilespmem:s22+$0x0]  }
0x5ef: {  	s24 =	sadd.s32 $0x30, s25  }
0x5f0: {  	v3 =	vmov s24  }
0x5f1: {  	v4 =	vld [tilespmem:s23+$0x0];
	v3 =	vshll.u32 v3, $0x3  }
0x5f2: {  	v3 =	vor.u32 v0, v3;
	_ =	sdelay $0x3  }
0x5f3: {  	[tilespmem:v2+s12+$0x0] =	vst.idx.add.f32.msk @!p1 $0xffff, v4  }
0x5f4: {  	v5 =	vld.idx.msk [tilespmem:v3+s10+$0x0], $0xffff;
	_ =	sdelay $0x1  }
0x5f5: {  	v2 =	vshll.u32 v2, $0x3  }
0x5f6: {  	v52 =	vor.u32 $0x1, v3;
	_ =	sdelay $0x1  }
0x5f7: {  	v5 =	vmul.f32 v5, v4;
	_ =	sdelay $0x1  }
0x5f8: {  	[tilespmem:v2+s31+$0x0] =	vst.idx.add.f32.msk $0xffff, v5  }
0x5f9: {  	v5 =	vld.idx.msk [tilespmem:v52+s10+$0x0], $0xffff;
	_ =	sdelay $0x1  }
0x5fa: {  	v53 =	vor.u32 $0x1, v2  }
0x5fb: {  	v54 =	vor.u32 $0x2, v3;
	_ =	sdelay $0x1  }
0x5fc: {  	v5 =	vmul.f32 v5, v4;
	_ =	sdelay $0x1  }
0x5fd: {  	[tilespmem:v53+s31+$0x0] =	vst.idx.add.f32.msk $0xffff, v5  }
0x5fe: {  	v5 =	vld.idx.msk [tilespmem:v54+s10+$0x0], $0xffff;
	_ =	sdelay $0x1  }
0x5ff: {  	v55 =	vor.u32 $0x2, v2  }
0x600: {  	v56 =	vor.u32 $0x3, v3;
	_ =	sdelay $0x1  }
0x601: {  	v5 =	vmul.f32 v5, v4;
	_ =	sdelay $0x1  }
0x602: {  	[tilespmem:v55+s31+$0x0] =	vst.idx.add.f32.msk $0xffff, v5  }
0x603: {  	v5 =	vld.idx.msk [tilespmem:v56+s10+$0x0], $0xffff;
	_ =	sdelay $0x1  }
0x604: {  	v57 =	vor.u32 $0x3, v2  }
0x605: {  	v58 =	vor.u32 $0x4, v3;
	_ =	sdelay $0x1  }
0x606: {  	v5 =	vmul.f32 v5, v4;
	_ =	sdelay $0x1  }
0x607: {  	[tilespmem:v57+s31+$0x0] =	vst.idx.add.f32.msk $0xffff, v5  }
0x608: {  	v5 =	vld.idx.msk [tilespmem:v58+s10+$0x0], $0xffff;
	_ =	sdelay $0x1  }
0x609: {  	v59 =	vor.u32 $0x4, v2  }
0x60a: {  	v60 =	vor.u32 $0x5, v3;
	_ =	sdelay $0x1  }
0x60b: {  	v5 =	vmul.f32 v5, v4;
	_ =	sdelay $0x1  }
0x60c: {  	[tilespmem:v59+s31+$0x0] =	vst.idx.add.f32.msk $0xffff, v5  }
0x60d: {  	v5 =	vld.idx.msk [tilespmem:v60+s10+$0x0], $0xffff;
	_ =	sdelay $0x1  }
0x60e: {  	v61 =	vor.u32 $0x5, v2  }
0x60f: {  	v62 =	vor.u32 $0x6, v3;
	_ =	sdelay $0x1  }
0x610: {  	v5 =	vmul.f32 v5, v4;
	_ =	sdelay $0x1  }
0x611: {  	[tilespmem:v61+s31+$0x0] =	vst.idx.add.f32.msk $0xffff, v5  }
0x612: {  	v5 =	vld.idx.msk [tilespmem:v62+s10+$0x0], $0xffff;
	_ =	sdelay $0x1  }
0x613: {  	v63 =	vor.u32 $0x6, v2  }
0x614: {  	v3 =	vor.u32 $0x7, v3;
	_ =	sdelay $0x1  }
0x615: {  	v5 =	vmul.f32 v5, v4;
	_ =	sdelay $0x1  }
0x616: {  	[tilespmem:v63+s31+$0x0] =	vst.idx.add.f32.msk $0xffff, v5  }
0x617: {  	v3 =	vld.idx.msk [tilespmem:v3+s10+$0x0], $0xffff  }
0x618: {  	s25 =	sadd.s32 $0x40, s25  }
0x619: {  	p3 =	sne.s32 s25, $0x100;
	v2 =	vor.u32 $0x7, v2  }
.Ltmp29:
0x61a: {  	_ = 	snop;
	(pc) =	sbr.rel @p3 .LBB2_17-.Ltmp29, $3  }
0x61b: {  	_ = 	snop  }
0x61c: {  	v3 =	vmul.f32 v3, v4;
	_ =	sdelay $0x1  }
0x61d: {  	s22 =	sadd.s32 $0x40, s22;
	s23 =	sadd.s32 $0x40, s23;
	[tilespmem:v2+s31+$0x0] =	vst.idx.add.f32.msk $0xffff, v3  }
0x61e: {  	s5 =	sadd.s32 $0x1, s5  }
0x61f: {  	p3 =	sne.s32 s5, $0x8  }
.Ltmp30:
0x620: {  	_ = 	snop;
	(pc) =	sbr.rel @p3 .LBB2_14-.Ltmp30, $3  }
0x621: {  	_ =	sdelay $0x1  }
0x622: {  	s7 =	sadd.s32 $0x200, s7  }
0x623: {  	s16 =	sadd.s32 $0x200, s16;
	s15 =	sadd.s32 $0x200, s15;
	s26 =	sadd.s32 $0x200, s26  }
0x624: {  	s20 =	sadd.s32 $0x1, s20  }
0x625: {  	p3 =	sne.s32 s20, $0x50  }
.Ltmp31:
0x626: {  	_ = 	snop;
	(pc) =	sbr.rel @p3 .LBB2_13-.Ltmp31, $1  }
0x627: {  	_ =	sdelay $0x3  }
0x628: {  	s1 =	simm.s32 $0x0;
	s2 =	rddreg [dreg:$0x7]  }
0x629: {  	[hbm4b:s2+s1] =	stream.linear.scatter [tilespmem:s31], [sflag:$0x3], $0x13880, $0x38;
	[tilespmem:$0x1EDC0] =	vst v63  }
0x62a: {  	_ =	swait.ge [sflag:s29], $0x13880  }
0x62b: {  	s1 =	simm.s32 @!p1 $0x0;
	[sflag:s29] =	ssyncset.done $0x0  }
0x62c: {  	s2 =	simm.s32 @!p1 $0x1B6A0;
	s5 =	rddreg [dreg:$0x5];
	[sflag:s29] =	ssyncadd.s32 $0xFFFEC780  }
0x62d: {  	[hbm4b:s5+s1] =	stream.linear.scatter @!p1 [tilespmem:s2], [sflag:$0x3], $0x2710, $0x38;
	[tilespmem:$0x1EDC0] =	vst v63  }
0x62e: {  	s25 =	simm.s32 $0x0;
	s1 =	simm.s32 @!p1 $0x3  }
0x62f: {  	v2 =	vmov s25;
	_ =	swait.ge @!p1 [sflag:s1], $0x2710  }
0x630: {  	v2 =	vshll.u32 v2, $0x3;
	[sflag:s1] =	ssyncset.done @!p1 $0x0  }
0x631: {  	v2 =	vor.u32 v0, v2;
	s26 =	rddreg [dreg:$0x8];
	[sflag:s1] =	ssyncadd.s32 @!p1 $0xFFFFD8F0  }
0x632: {  	v4 =	vor.u32 $0x1, v2;
	[tilespmem:s30], [sflag:$0x3] =	stream.linear.gather [hbm4b:s26+s25], $0x4E20, $0x38;
	[tilespmem:$0x1EDC0] =	vst v63  }
0x633: {  	v7 =	vor.u32 $0x2, v2;
	_ =	swait.ge [sflag:s29], $0x4E20  }
0x634: {  	v5 =	vor.u32 $0x3, v2;
	[sflag:s29] =	ssyncset.done $0x0  }
0x635: {  	v6 =	vor.u32 $0x4, v2;
	[sflag:s29] =	ssyncadd.s32 $0xFFFFB1E0  }
0x636: {  	v3 =	vor.u32 $0x6, v2;
	v8 =	vor.u32 $0x5, v2;
	s2 =	simm.s32 $0x10;
	[tilespmem:v2+s31+$0x0] =	vst.idx.msk $0xffff, v1  }
.LBB2_21:
0x637: {  	v9 =	vmov s2;
	p3 =	sne.s32 s2, $0x2700;
	s2 =	sadd.s32 $0x10, s2;
	[tilespmem:v4+s31+$0x0] =	vst.idx.msk $0xffff, v1  }
0x638: {  	v4 =	vshll.u32 v9, $0x3;
	[tilespmem:v7+s31+$0x0] =	vst.idx.msk $0xffff, v1;
	v9 =	vor.u32 $0x7, v2  }
0x639: {  	v2 =	vor.u32 v0, v4;
	[tilespmem:v5+s31+$0x0] =	vst.idx.msk $0xffff, v1  }
.Ltmp32:
0x63a: {  	v4 =	vor.u32 $0x1, v2;
	v10 =	vor.u32 $0x6, v2;
	[tilespmem:v6+s31+$0x0] =	vst.idx.msk $0xffff, v1;
	(pc) =	sbr.rel @p3 .LBB2_21-.Ltmp32, $4  }
0x63b: {  	v7 =	vor.u32 $0x2, v2;
	[tilespmem:v8+s31+$0x0] =	vst.idx.msk $0xffff, v1  }
0x63c: {  	v5 =	vor.u32 $0x3, v2;
	[tilespmem:v3+s31+$0x0] =	vst.idx.msk $0xffff, v1;
	v3 =	vmov v10  }
0x63d: {  	v6 =	vor.u32 $0x4, v2;
	[tilespmem:v9+s31+$0x0] =	vst.idx.msk $0xffff, v1  }
0x63e: {  	v8 =	vor.u32 $0x5, v2;
	[tilespmem:v2+s31+$0x0] =	vst.idx.msk $0xffff, v1  }
0x63f: {  	_ =	sdelay $0x3  }
0x640: {  	[tilespmem:v4+s31+$0x0] =	vst.idx.msk $0xffff, v1  }
0x641: {  	v2 =	vor.u32 $0x7, v2;
	[tilespmem:v7+s31+$0x0] =	vst.idx.msk $0xffff, v1  }
0x642: {  	[tilespmem:v5+s31+$0x0] =	vst.idx.msk $0xffff, v1  }
0x643: {  	[tilespmem:v6+s31+$0x0] =	vst.idx.msk $0xffff, v1  }
0x644: {  	[tilespmem:v8+s31+$0x0] =	vst.idx.msk $0xffff, v1  }
0x645: {  	[tilespmem:v3+s31+$0x0] =	vst.idx.msk $0xffff, v1  }
0x646: {  	s2 =	simm.s32 $0x40;
	s5 =	simm.s32 $0x0;
	[tilespmem:v2+s31+$0x0] =	vst.idx.msk $0xffff, v1  }
.LBB2_23:
0x647: {  	p3 =	sne.s32 s2, $0x9C00;
	[tilespmem:s5+$0x1B6A0] =	vst v1;
	s1 =	smov.u32 s2;
	s2 =	sadd.s32 $0x40, s2  }
.Ltmp33:
0x648: {  	(pc) =	sbr.rel @p3 .LBB2_23-.Ltmp33, $2  }
0x649: {  	_ =	sdelay $0x2  }
0x64a: {  	s5 =	sshra.s32 s1, $0x2  }
0x64b: {  	[tilespmem:s5+$0x1B6A0] =	vst v1  }
0x64c: {  	s5 =	simm.s32 $0x0;
	s7 =	simm.s32 $0x0;
	v2 =	vld [tilespmem:$0x1EDB0]  }
.LBB2_25:
0x64d: {  	s1 =	sshll.u32 s7, $0x4  }
0x64e: {  	s15 =	sadd.s32 s8, s1  }
0x64f: {  	s12 =	sshll.u32 s15, $0x5  }
0x650: {  	s25 =	sadd.s32 s4, s12  }
0x651: {  	[tilespmem:s5], [sflag:$0x3] =	stream.linear.gather [hbm4b:s25+s5], $0x1000, $0x38;
	[tilespmem:$0x1EDC0] =	vst v63  }
0x652: {  	_ =	swait.ge [sflag:s29], $0x1000  }
0x653: {  	[sflag:s29] =	ssyncset.done $0x0  }
0x654: {  	s16 =	simm.s32 $0x1000;
	s26 =	sadd.s32 s17, s12;
	[sflag:s29] =	ssyncadd.s32 $0xFFFFF000  }
0x655: {  	[tilespmem:s16], [sflag:$0x3] =	stream.linear.gather [hbm4b:s26+s5], $0x1000, $0x38;
	[tilespmem:$0x1EDC0] =	vst v63  }
0x656: {  	_ =	swait.ge [sflag:s29], $0x1000  }
0x657: {  	s19 =	simm.s32 $0x1DDB0;
	[sflag:s29] =	ssyncset.done $0x0  }
0x658: {  	s20 =	simm.s32 $0x0;
	s22 =	simm.s32 $0x0;
	[sflag:s29] =	ssyncadd.s32 $0xFFFFF000  }
.LBB2_26:
0x659: {  	v3 =	vld [tilespmem:s16+$0x0]  }
0x65a: {  	v4 =	vld [tilespmem:s20+$0x0];
	_ =	sdelay $0x3  }
0x65b: {  	v3 =	vadd.s32 $0x2710, v3;
	_ =	sdelay $0x3  }
0x65c: {  	v4 =	vld.idx.msk [tilespmem:v4+s30+$0x0], $0xffff  }
0x65d: {  	v3 =	vld.idx.msk [tilespmem:v3+s30+$0x0], $0xffff;
	_ =	sdelay $0x4  }
0x65e: {  	v3 =	vadd.f32 v3, v4;
	_ =	sdelay $0x1  }
0x65f: {  	v4 =	vmul.f32 $2.000000030e-01, v3;
	_ =	sdelay $0x1  }
0x660: {  	v3 =	vmax.f32 v3, v4  }
0x661: {  	v3 =	vsub.f32 v3, v2;
	_ =	sdelay $0x1  }
0x662: {  	v3 =	vmul.f32 $1.442695020e+00, v3;
	_ =	sdelay $0x1  }
0x663: {  	(erf) = vpow2.f32 v3;
	_ =	sdelay $0x5  }
0x664: {  	s1 =	sadd.s32 s15, s22  }
0x665: {  	s26 =	simm.s32 $0x0;
	s23 =	sshll.u32 s1, $0x8  }
0x666: {  	s1 =	sor.u32 s23, s26  }
0x667: {  	p3 =	slt.u32 s1, $0x4E200;
	v3 =	vpop (erf)  }
0x668: {  	v3 =	vpsel !p3, $0x0, v3  }
0x669: {  	s17 =	sadd.s32 $0x10, s16;
	s2 =	simm.s32 $0x20;
	[tilespmem:s19+$0x0] =	vst v3  }
0x66a: {  	s24 =	sadd.s32 $0x10, s20;
	s25 =	smov.u32 s19;
	s26 =	simm.s32 $0x10;
	v3 =	vld [tilespmem:s17+$0x0]  }
.LBB2_27:
0x66b: {  	p3 =	sne.s32 s2, $0xF0;
	v4 =	vld [tilespmem:s24+$0x0];
	_ =	sdelay $0x3  }
0x66c: {  	v3 =	vadd.s32 $0x2710, v3;
	_ =	sdelay $0x3  }
0x66d: {  	v4 =	vld.idx.msk [tilespmem:v4+s30+$0x0], $0xffff  }
0x66e: {  	v3 =	vld.idx.msk [tilespmem:v3+s30+$0x0], $0xffff;
	_ =	sdelay $0x5  }
0x66f: {  	v3 =	vadd.f32 v3, v4;
	_ =	sdelay $0x1  }
0x670: {  	v4 =	vmul.f32 $2.000000030e-01, v3;
	_ =	sdelay $0x1  }
0x671: {  	v3 =	vmax.f32 v3, v4  }
0x672: {  	v3 =	vsub.f32 v3, v2;
	_ =	sdelay $0x1  }
0x673: {  	v3 =	vmul.f32 $1.442695020e+00, v3;
	_ =	sdelay $0x1  }
0x674: {  	(erf) = vpow2.f32 v3;
	_ =	sdelay $0x7  }
.Ltmp34:
0x675: {  	s1 =	sor.u32 s23, s26;
	s26 =	smov.u32 s2;
	(pc) =	sbr.rel @p3 .LBB2_27-.Ltmp34, $4  }
0x676: {  	p4 =	slt.u32 s1, $0x4E200;
	v3 =	vpop (erf)  }
0x677: {  	s25 =	sadd.s32 $0x10, s25;
	v3 =	vpsel !p4, $0x0, v3  }
0x678: {  	s17 =	sadd.s32 $0x10, s17;
	[tilespmem:s25+$0x0] =	vst v3  }
0x679: {  	s2 =	sadd.s32 $0x10, s2;
	s24 =	sadd.s32 $0x10, s24;
	v3 =	vld [tilespmem:s17+$0x0]  }
0x67a: {  	v4 =	vld [tilespmem:s24+$0x0];
	_ =	sdelay $0x3  }
0x67b: {  	v3 =	vadd.s32 $0x2710, v3;
	_ =	sdelay $0x3  }
0x67c: {  	v4 =	vld.idx.msk [tilespmem:v4+s30+$0x0], $0xffff  }
0x67d: {  	v3 =	vld.idx.msk [tilespmem:v3+s30+$0x0], $0xffff;
	_ =	sdelay $0x4  }
0x67e: {  	v3 =	vadd.f32 v3, v4;
	_ =	sdelay $0x1  }
0x67f: {  	v4 =	vmul.f32 $2.000000030e-01, v3;
	_ =	sdelay $0x1  }
0x680: {  	v3 =	vmax.f32 v3, v4  }
0x681: {  	v3 =	vsub.f32 v3, v2;
	_ =	sdelay $0x1  }
0x682: {  	v3 =	vmul.f32 $1.442695020e+00, v3;
	_ =	sdelay $0x1  }
0x683: {  	(erf) = vpow2.f32 v3;
	_ =	sdelay $0x7  }
0x684: {  	s1 =	sor.u32 s23, s26  }
0x685: {  	s22 =	sadd.s32 $0x1, s22;
	p3 =	slt.u32 s1, $0x4E200;
	v3 =	vpop (erf)  }
0x686: {  	v3 =	vpsel !p3, $0x0, v3;
	p3 =	sne.s32 s22, $0x10  }
.Ltmp35:
0x687: {  	_ = 	snop;
	(pc) =	sbr.rel @p3 .LBB2_26-.Ltmp35, $3  }
0x688: {  	_ =	sdelay $0x1  }
0x689: {  	s26 =	sadd.s32 $0x10, s25  }
0x68a: {  	s20 =	sadd.s32 $0x100, s20;
	s16 =	sadd.s32 $0x100, s16;
	s19 =	sadd.s32 $0x100, s19;
	[tilespmem:s26+$0x0] =	vst v3  }
0x68b: {  	s1 =	rddreg [dreg:$0x9];
	s7 =	sadd.s32 $0x1, s7  }
0x68c: {  	s2 =	simm.s32 $0x0;
	s1 =	sadd.s32 s12, s1;
	p3 =	sne.s32 s7, $0x5  }
0x68d: {  	[hbm4b:s1+s2] =	stream.linear.scatter [tilespmem:s0], [sflag:$0x3], $0x1000, $0x38;
	[tilespmem:$0x1EDC0] =	vst v63  }
.Ltmp36:
0x68e: {  	_ = 	snop;
	(pc) =	sbr.rel @p3 .LBB2_25-.Ltmp36, $4  }
0x68f: {  	_ =	swait.ge [sflag:s29], $0x1000  }
0x690: {  	[sflag:s29] =	ssyncset.done $0x0  }
0x691: {  	[sflag:s29] =	ssyncadd.s32 $0xFFFFF000  }
0x692: {  	s17 =	rddreg [dreg:$0x1]  }
0x693: {  	[bflag:$0x0] =	sbarrier.arrive $0xFFFF;
	s19 =	simm.s32 $0x0;
	s20 =	simm.s32 $0x0  }
.LBB2_31:
0x694: {  	s1 =	sshll.u32 s20, $0x9  }
0x695: {  	s2 =	sadd.s32 s4, s1  }
0x696: {  	[tilespmem:s19], [sflag:$0x3] =	stream.linear.gather [hbm4b:s2+s19], $0x1000, $0x38;
	[tilespmem:$0x1EDC0] =	vst v63  }
0x697: {  	_ =	swait.ge [sflag:s29], $0x1000  }
0x698: {  	[sflag:s29] =	ssyncset.done $0x0  }
0x699: {  	s25 =	sadd.s32 s17, s1;
	[sflag:s29] =	ssyncadd.s32 $0xFFFFF000  }
0x69a: {  	[tilespmem:s28], [sflag:$0x3] =	stream.linear.gather [hbm4b:s25+s19], $0x1000, $0x38;
	[tilespmem:$0x1EDC0] =	vst v63  }
0x69b: {  	_ =	swait.ge [sflag:s29], $0x1000  }
0x69c: {  	[sflag:s29] =	ssyncset.done $0x0;
	s26 =	rddreg [dreg:$0x9]  }
0x69d: {  	[sflag:s29] =	ssyncadd.s32 $0xFFFFF000;
	s1 =	sadd.s32 s1, s26  }
0x69e: {  	[tilespmem:s0], [sflag:$0x3] =	stream.linear.gather [hbm4b:s1+s19], $0x1000, $0x38;
	[tilespmem:$0x1EDC0] =	vst v63  }
0x69f: {  	s22 =	simm.s32 $0x20;
	_ =	swait.ge [sflag:s29], $0x1000  }
0x6a0: {  	s23 =	simm.s32 $0x1DDD0;
	s15 =	simm.s32 $0x130;
	[sflag:s29] =	ssyncset.done $0x0  }
0x6a1: {  	s5 =	simm.s32 $0x0;
	s26 =	simm.s32 $0x1DEE0;
	[sflag:s29] =	ssyncadd.s32 $0xFFFFF000  }
0x6a2: {  	[tilespmem:s6], [sflag:$0x1] =	stream.indirect.gather [hbm4b:s13+s3], $0x8, s28, s3, $0xb8;
	[tilespmem:$0x1EDC0] =	vst v63  }
.LBB2_32:
0x6a3: {  	s1 =	sshll.u32 s5, $0x9  }
0x6a4: {  	s1 =	sadd.s32 $0x1100, s1  }
0x6a5: {  	[tilespmem:s10], [sflag:$0x2] =	stream.indirect.gather [hbm4b:s13+s3], $0x8, s1, s3, $0xb8;
	[tilespmem:$0x1EDC0] =	vst v63  }
0x6a6: {  	_ =	swait.ge [sflag:s11], $0x800  }
0x6a7: {  	s25 =	simm.s32 $0x0;
	[sflag:s11] =	ssyncset.done $0x0  }
0x6a8: {  	s16 =	smov.u32 s23;
	s7 =	smov.u32 s22;
	[sflag:s11] =	ssyncadd.s32 $0xFFFFF800  }
.LBB2_33:
0x6a9: {  	v2 =	vld [tilespmem:s7+$0xFFFFFFE0];
	_ =	sdelay $0x1  }
0x6aa: {  	v3 =	vmov s25  }
0x6ab: {  	v4 =	vld [tilespmem:s16+$0xFFFFFFE0];
	v3 =	vshll.u32 v3, $0x3  }
0x6ac: {  	v3 =	vor.u32 v0, v3;
	_ =	sdelay $0x2  }
0x6ad: {  	s12 =	simm.s32 @!p1 $0x1B6A0  }
0x6ae: {  	[tilespmem:v2+s12+$0x0] =	vst.idx.add.f32.msk @!p1 $0xffff, v4  }
0x6af: {  	v5 =	vld.idx.msk [tilespmem:v3+s6+$0x0], $0xffff;
	_ =	sdelay $0x1  }
0x6b0: {  	v2 =	vshll.u32 v2, $0x3  }
0x6b1: {  	v6 =	vor.u32 $0x1, v3;
	_ =	sdelay $0x1  }
0x6b2: {  	v5 =	vmul.f32 v5, v4;
	_ =	sdelay $0x1  }
0x6b3: {  	[tilespmem:v2+s31+$0x0] =	vst.idx.add.f32.msk $0xffff, v5  }
0x6b4: {  	v5 =	vld.idx.msk [tilespmem:v6+s6+$0x0], $0xffff;
	_ =	sdelay $0x1  }
0x6b5: {  	v18 =	vor.u32 $0x1, v2  }
0x6b6: {  	v7 =	vor.u32 $0x2, v3;
	_ =	sdelay $0x1  }
0x6b7: {  	v5 =	vmul.f32 v5, v4;
	_ =	sdelay $0x1  }
0x6b8: {  	[tilespmem:v18+s31+$0x0] =	vst.idx.add.f32.msk $0xffff, v5  }
0x6b9: {  	v5 =	vld.idx.msk [tilespmem:v7+s6+$0x0], $0xffff;
	_ =	sdelay $0x1  }
0x6ba: {  	v19 =	vor.u32 $0x2, v2  }
0x6bb: {  	v20 =	vor.u32 $0x3, v3;
	_ =	sdelay $0x1  }
0x6bc: {  	v5 =	vmul.f32 v5, v4;
	_ =	sdelay $0x1  }
0x6bd: {  	[tilespmem:v19+s31+$0x0] =	vst.idx.add.f32.msk $0xffff, v5  }
0x6be: {  	v5 =	vld.idx.msk [tilespmem:v20+s6+$0x0], $0xffff;
	_ =	sdelay $0x1  }
0x6bf: {  	v21 =	vor.u32 $0x3, v2  }
0x6c0: {  	v22 =	vor.u32 $0x4, v3;
	_ =	sdelay $0x1  }
0x6c1: {  	v5 =	vmul.f32 v5, v4;
	_ =	sdelay $0x1  }
0x6c2: {  	[tilespmem:v21+s31+$0x0] =	vst.idx.add.f32.msk $0xffff, v5  }
0x6c3: {  	v5 =	vld.idx.msk [tilespmem:v22+s6+$0x0], $0xffff;
	_ =	sdelay $0x1  }
0x6c4: {  	v23 =	vor.u32 $0x4, v2  }
0x6c5: {  	v24 =	vor.u32 $0x5, v3;
	_ =	sdelay $0x1  }
0x6c6: {  	v5 =	vmul.f32 v5, v4;
	_ =	sdelay $0x1  }
0x6c7: {  	[tilespmem:v23+s31+$0x0] =	vst.idx.add.f32.msk $0xffff, v5  }
0x6c8: {  	v5 =	vld.idx.msk [tilespmem:v24+s6+$0x0], $0xffff;
	_ =	sdelay $0x1  }
0x6c9: {  	v25 =	vor.u32 $0x5, v2  }
0x6ca: {  	v26 =	vor.u32 $0x6, v3;
	_ =	sdelay $0x1  }
0x6cb: {  	v5 =	vmul.f32 v5, v4;
	_ =	sdelay $0x1  }
0x6cc: {  	[tilespmem:v25+s31+$0x0] =	vst.idx.add.f32.msk $0xffff, v5  }
0x6cd: {  	v5 =	vld.idx.msk [tilespmem:v26+s6+$0x0], $0xffff;
	_ =	sdelay $0x1  }
0x6ce: {  	v27 =	vor.u32 $0x6, v2  }
0x6cf: {  	v3 =	vor.u32 $0x7, v3;
	_ =	sdelay $0x1  }
0x6d0: {  	v5 =	vmul.f32 v5, v4;
	_ =	sdelay $0x1  }
0x6d1: {  	[tilespmem:v27+s31+$0x0] =	vst.idx.add.f32.msk $0xffff, v5  }
0x6d2: {  	v3 =	vld.idx.msk [tilespmem:v3+s6+$0x0], $0xffff;
	_ =	sdelay $0x1  }
0x6d3: {  	v2 =	vor.u32 $0x7, v2;
	_ =	sdelay $0x2  }
0x6d4: {  	v3 =	vmul.f32 v3, v4;
	_ =	sdelay $0x1  }
0x6d5: {  	[tilespmem:v2+s31+$0x0] =	vst.idx.add.f32.msk $0xffff, v3  }
0x6d6: {  	v2 =	vld [tilespmem:s7+$0xFFFFFFF0]  }
0x6d7: {  	s1 =	sadd.s32 $0x10, s25  }
0x6d8: {  	v3 =	vmov s1  }
0x6d9: {  	v4 =	vld [tilespmem:s16+$0xFFFFFFF0];
	v3 =	vshll.u32 v3, $0x3  }
0x6da: {  	v3 =	vor.u32 v0, v3;
	_ =	sdelay $0x3  }
0x6db: {  	[tilespmem:v2+s12+$0x0] =	vst.idx.add.f32.msk @!p1 $0xffff, v4  }
0x6dc: {  	v5 =	vld.idx.msk [tilespmem:v3+s6+$0x0], $0xffff;
	_ =	sdelay $0x1  }
0x6dd: {  	v2 =	vshll.u32 v2, $0x3  }
0x6de: {  	v28 =	vor.u32 $0x1, v3;
	_ =	sdelay $0x1  }
0x6df: {  	v5 =	vmul.f32 v5, v4;
	_ =	sdelay $0x1  }
0x6e0: {  	[tilespmem:v2+s31+$0x0] =	vst.idx.add.f32.msk $0xffff, v5  }
0x6e1: {  	v5 =	vld.idx.msk [tilespmem:v28+s6+$0x0], $0xffff;
	_ =	sdelay $0x1  }
0x6e2: {  	v29 =	vor.u32 $0x1, v2  }
0x6e3: {  	v30 =	vor.u32 $0x2, v3;
	_ =	sdelay $0x1  }
0x6e4: {  	v5 =	vmul.f32 v5, v4;
	_ =	sdelay $0x1  }
0x6e5: {  	[tilespmem:v29+s31+$0x0] =	vst.idx.add.f32.msk $0xffff, v5  }
0x6e6: {  	v5 =	vld.idx.msk [tilespmem:v30+s6+$0x0], $0xffff;
	_ =	sdelay $0x1  }
0x6e7: {  	v31 =	vor.u32 $0x2, v2  }
0x6e8: {  	v32 =	vor.u32 $0x3, v3;
	_ =	sdelay $0x1  }
0x6e9: {  	v5 =	vmul.f32 v5, v4;
	_ =	sdelay $0x1  }
0x6ea: {  	[tilespmem:v31+s31+$0x0] =	vst.idx.add.f32.msk $0xffff, v5  }
0x6eb: {  	v5 =	vld.idx.msk [tilespmem:v32+s6+$0x0], $0xffff;
	_ =	sdelay $0x1  }
0x6ec: {  	v33 =	vor.u32 $0x3, v2  }
0x6ed: {  	v34 =	vor.u32 $0x4, v3;
	_ =	sdelay $0x1  }
0x6ee: {  	v5 =	vmul.f32 v5, v4;
	_ =	sdelay $0x1  }
0x6ef: {  	[tilespmem:v33+s31+$0x0] =	vst.idx.add.f32.msk $0xffff, v5  }
0x6f0: {  	v5 =	vld.idx.msk [tilespmem:v34+s6+$0x0], $0xffff;
	_ =	sdelay $0x1  }
0x6f1: {  	v35 =	vor.u32 $0x4, v2  }
0x6f2: {  	v36 =	vor.u32 $0x5, v3;
	_ =	sdelay $0x1  }
0x6f3: {  	v5 =	vmul.f32 v5, v4;
	_ =	sdelay $0x1  }
0x6f4: {  	[tilespmem:v35+s31+$0x0] =	vst.idx.add.f32.msk $0xffff, v5  }
0x6f5: {  	v5 =	vld.idx.msk [tilespmem:v36+s6+$0x0], $0xffff;
	_ =	sdelay $0x1  }
0x6f6: {  	v37 =	vor.u32 $0x5, v2  }
0x6f7: {  	v38 =	vor.u32 $0x6, v3;
	_ =	sdelay $0x1  }
0x6f8: {  	v5 =	vmul.f32 v5, v4;
	_ =	sdelay $0x1  }
0x6f9: {  	[tilespmem:v37+s31+$0x0] =	vst.idx.add.f32.msk $0xffff, v5  }
0x6fa: {  	v5 =	vld.idx.msk [tilespmem:v38+s6+$0x0], $0xffff;
	_ =	sdelay $0x1  }
0x6fb: {  	v39 =	vor.u32 $0x6, v2  }
0x6fc: {  	v3 =	vor.u32 $0x7, v3;
	_ =	sdelay $0x1  }
0x6fd: {  	v5 =	vmul.f32 v5, v4;
	_ =	sdelay $0x1  }
0x6fe: {  	[tilespmem:v39+s31+$0x0] =	vst.idx.add.f32.msk $0xffff, v5  }
0x6ff: {  	v3 =	vld.idx.msk [tilespmem:v3+s6+$0x0], $0xffff;
	_ =	sdelay $0x1  }
0x700: {  	v2 =	vor.u32 $0x7, v2;
	_ =	sdelay $0x2  }
0x701: {  	v3 =	vmul.f32 v3, v4;
	_ =	sdelay $0x1  }
0x702: {  	[tilespmem:v2+s31+$0x0] =	vst.idx.add.f32.msk $0xffff, v3  }
0x703: {  	v2 =	vld [tilespmem:s7+$0x0]  }
0x704: {  	s2 =	sadd.s32 $0x20, s25  }
0x705: {  	v3 =	vmov s2  }
0x706: {  	v4 =	vld [tilespmem:s16+$0x0];
	v3 =	vshll.u32 v3, $0x3  }
0x707: {  	v3 =	vor.u32 v0, v3;
	_ =	sdelay $0x3  }
0x708: {  	[tilespmem:v2+s12+$0x0] =	vst.idx.add.f32.msk @!p1 $0xffff, v4  }
0x709: {  	v5 =	vld.idx.msk [tilespmem:v3+s6+$0x0], $0xffff;
	_ =	sdelay $0x1  }
0x70a: {  	v2 =	vshll.u32 v2, $0x3  }
0x70b: {  	v40 =	vor.u32 $0x1, v3;
	_ =	sdelay $0x1  }
0x70c: {  	v5 =	vmul.f32 v5, v4;
	_ =	sdelay $0x1  }
0x70d: {  	[tilespmem:v2+s31+$0x0] =	vst.idx.add.f32.msk $0xffff, v5  }
0x70e: {  	v5 =	vld.idx.msk [tilespmem:v40+s6+$0x0], $0xffff;
	_ =	sdelay $0x1  }
0x70f: {  	v41 =	vor.u32 $0x1, v2  }
0x710: {  	v42 =	vor.u32 $0x2, v3;
	_ =	sdelay $0x1  }
0x711: {  	v5 =	vmul.f32 v5, v4;
	_ =	sdelay $0x1  }
0x712: {  	[tilespmem:v41+s31+$0x0] =	vst.idx.add.f32.msk $0xffff, v5  }
0x713: {  	v5 =	vld.idx.msk [tilespmem:v42+s6+$0x0], $0xffff;
	_ =	sdelay $0x1  }
0x714: {  	v43 =	vor.u32 $0x2, v2  }
0x715: {  	v44 =	vor.u32 $0x3, v3;
	_ =	sdelay $0x1  }
0x716: {  	v5 =	vmul.f32 v5, v4;
	_ =	sdelay $0x1  }
0x717: {  	[tilespmem:v43+s31+$0x0] =	vst.idx.add.f32.msk $0xffff, v5  }
0x718: {  	v5 =	vld.idx.msk [tilespmem:v44+s6+$0x0], $0xffff;
	_ =	sdelay $0x1  }
0x719: {  	v45 =	vor.u32 $0x3, v2  }
0x71a: {  	v46 =	vor.u32 $0x4, v3;
	_ =	sdelay $0x1  }
0x71b: {  	v5 =	vmul.f32 v5, v4;
	_ =	sdelay $0x1  }
0x71c: {  	[tilespmem:v45+s31+$0x0] =	vst.idx.add.f32.msk $0xffff, v5  }
0x71d: {  	v5 =	vld.idx.msk [tilespmem:v46+s6+$0x0], $0xffff;
	_ =	sdelay $0x1  }
0x71e: {  	v47 =	vor.u32 $0x4, v2  }
0x71f: {  	v48 =	vor.u32 $0x5, v3;
	_ =	sdelay $0x1  }
0x720: {  	v5 =	vmul.f32 v5, v4;
	_ =	sdelay $0x1  }
0x721: {  	[tilespmem:v47+s31+$0x0] =	vst.idx.add.f32.msk $0xffff, v5  }
0x722: {  	v5 =	vld.idx.msk [tilespmem:v48+s6+$0x0], $0xffff;
	_ =	sdelay $0x1  }
0x723: {  	v49 =	vor.u32 $0x5, v2  }
0x724: {  	v50 =	vor.u32 $0x6, v3;
	_ =	sdelay $0x1  }
0x725: {  	v5 =	vmul.f32 v5, v4;
	_ =	sdelay $0x1  }
0x726: {  	[tilespmem:v49+s31+$0x0] =	vst.idx.add.f32.msk $0xffff, v5  }
0x727: {  	v5 =	vld.idx.msk [tilespmem:v50+s6+$0x0], $0xffff;
	_ =	sdelay $0x1  }
0x728: {  	v51 =	vor.u32 $0x6, v2  }
0x729: {  	v3 =	vor.u32 $0x7, v3;
	_ =	sdelay $0x1  }
0x72a: {  	v5 =	vmul.f32 v5, v4;
	_ =	sdelay $0x1  }
0x72b: {  	[tilespmem:v51+s31+$0x0] =	vst.idx.add.f32.msk $0xffff, v5  }
0x72c: {  	v3 =	vld.idx.msk [tilespmem:v3+s6+$0x0], $0xffff;
	_ =	sdelay $0x1  }
0x72d: {  	v2 =	vor.u32 $0x7, v2;
	_ =	sdelay $0x2  }
0x72e: {  	v3 =	vmul.f32 v3, v4;
	_ =	sdelay $0x1  }
0x72f: {  	[tilespmem:v2+s31+$0x0] =	vst.idx.add.f32.msk $0xffff, v3  }
0x730: {  	v2 =	vld [tilespmem:s7+$0x10]  }
0x731: {  	s24 =	sadd.s32 $0x30, s25  }
0x732: {  	v3 =	vmov s24  }
0x733: {  	v4 =	vld [tilespmem:s16+$0x10];
	v3 =	vshll.u32 v3, $0x3  }
0x734: {  	v3 =	vor.u32 v0, v3;
	_ =	sdelay $0x3  }
0x735: {  	[tilespmem:v2+s12+$0x0] =	vst.idx.add.f32.msk @!p1 $0xffff, v4  }
0x736: {  	v5 =	vld.idx.msk [tilespmem:v3+s6+$0x0], $0xffff;
	_ =	sdelay $0x1  }
0x737: {  	v2 =	vshll.u32 v2, $0x3  }
0x738: {  	v52 =	vor.u32 $0x1, v3;
	_ =	sdelay $0x1  }
0x739: {  	v5 =	vmul.f32 v5, v4;
	_ =	sdelay $0x1  }
0x73a: {  	[tilespmem:v2+s31+$0x0] =	vst.idx.add.f32.msk $0xffff, v5  }
0x73b: {  	v5 =	vld.idx.msk [tilespmem:v52+s6+$0x0], $0xffff;
	_ =	sdelay $0x1  }
0x73c: {  	v53 =	vor.u32 $0x1, v2  }
0x73d: {  	v54 =	vor.u32 $0x2, v3;
	_ =	sdelay $0x1  }
0x73e: {  	v5 =	vmul.f32 v5, v4;
	_ =	sdelay $0x1  }
0x73f: {  	[tilespmem:v53+s31+$0x0] =	vst.idx.add.f32.msk $0xffff, v5  }
0x740: {  	v5 =	vld.idx.msk [tilespmem:v54+s6+$0x0], $0xffff;
	_ =	sdelay $0x1  }
0x741: {  	v55 =	vor.u32 $0x2, v2  }
0x742: {  	v56 =	vor.u32 $0x3, v3;
	_ =	sdelay $0x1  }
0x743: {  	v5 =	vmul.f32 v5, v4;
	_ =	sdelay $0x1  }
0x744: {  	[tilespmem:v55+s31+$0x0] =	vst.idx.add.f32.msk $0xffff, v5  }
0x745: {  	v5 =	vld.idx.msk [tilespmem:v56+s6+$0x0], $0xffff;
	_ =	sdelay $0x1  }
0x746: {  	v57 =	vor.u32 $0x3, v2  }
0x747: {  	v58 =	vor.u32 $0x4, v3;
	_ =	sdelay $0x1  }
0x748: {  	v5 =	vmul.f32 v5, v4;
	_ =	sdelay $0x1  }
0x749: {  	[tilespmem:v57+s31+$0x0] =	vst.idx.add.f32.msk $0xffff, v5  }
0x74a: {  	v5 =	vld.idx.msk [tilespmem:v58+s6+$0x0], $0xffff;
	_ =	sdelay $0x1  }
0x74b: {  	v59 =	vor.u32 $0x4, v2  }
0x74c: {  	v60 =	vor.u32 $0x5, v3;
	_ =	sdelay $0x1  }
0x74d: {  	v5 =	vmul.f32 v5, v4;
	_ =	sdelay $0x1  }
0x74e: {  	[tilespmem:v59+s31+$0x0] =	vst.idx.add.f32.msk $0xffff, v5  }
0x74f: {  	v5 =	vld.idx.msk [tilespmem:v60+s6+$0x0], $0xffff;
	_ =	sdelay $0x1  }
0x750: {  	v61 =	vor.u32 $0x5, v2  }
0x751: {  	v62 =	vor.u32 $0x6, v3;
	_ =	sdelay $0x1  }
0x752: {  	v5 =	vmul.f32 v5, v4;
	_ =	sdelay $0x1  }
0x753: {  	[tilespmem:v61+s31+$0x0] =	vst.idx.add.f32.msk $0xffff, v5  }
0x754: {  	v5 =	vld.idx.msk [tilespmem:v62+s6+$0x0], $0xffff;
	_ =	sdelay $0x1  }
0x755: {  	v63 =	vor.u32 $0x6, v2  }
0x756: {  	v3 =	vor.u32 $0x7, v3;
	_ =	sdelay $0x1  }
0x757: {  	v5 =	vmul.f32 v5, v4;
	_ =	sdelay $0x1  }
0x758: {  	[tilespmem:v63+s31+$0x0] =	vst.idx.add.f32.msk $0xffff, v5  }
0x759: {  	v3 =	vld.idx.msk [tilespmem:v3+s6+$0x0], $0xffff  }
0x75a: {  	s25 =	sadd.s32 $0x40, s25  }
0x75b: {  	p3 =	sne.s32 s25, $0x100;
	v2 =	vor.u32 $0x7, v2  }
.Ltmp37:
0x75c: {  	_ = 	snop;
	(pc) =	sbr.rel @p3 .LBB2_33-.Ltmp37, $3  }
0x75d: {  	_ = 	snop  }
0x75e: {  	v3 =	vmul.f32 v3, v4;
	_ =	sdelay $0x1  }
0x75f: {  	s7 =	sadd.s32 $0x40, s7;
	s16 =	sadd.s32 $0x40, s16;
	[tilespmem:v2+s31+$0x0] =	vst.idx.add.f32.msk $0xffff, v3  }
0x760: {  	p3 =	seq.s32 s5, $0x7  }
0x761: {  	s1 =	sshll.u32 @!p3 s5, $0x9  }
0x762: {  	s1 =	sand.u32 @!p3 $0x3FFFFE00, s1  }
0x763: {  	s2 =	simm.s32 @!p3 $0x100;
	s7 =	simm.s32 @!p3 $0x6E20;
	s1 =	sadd.s32 @!p3 $0x1200, s1  }
0x764: {  	[tilespmem:s7], [sflag:$0x1] =	stream.indirect.gather @!p3 [hbm4b:s13+s2], $0x8, s1, s2, $0xb8;
	[tilespmem:$0x1EDC0] =	vst v63  }
0x765: {  	_ =	swait.ge [sflag:s14], $0x800  }
0x766: {  	s25 =	simm.s32 $0x0;
	[sflag:s14] =	ssyncset.done $0x0  }
0x767: {  	s16 =	smov.u32 s26;
	s7 =	smov.u32 s15;
	[sflag:s14] =	ssyncadd.s32 $0xFFFFF800  }
.LBB2_35:
0x768: {  	v2 =	vld [tilespmem:s7+$0xFFFFFFD0];
	_ =	sdelay $0x1  }
0x769: {  	v3 =	vmov s25  }
0x76a: {  	v4 =	vld [tilespmem:s16+$0xFFFFFFD0];
	v3 =	vshll.u32 v3, $0x3  }
0x76b: {  	v3 =	vor.u32 v0, v3;
	_ =	sdelay $0x2  }
0x76c: {  	s12 =	simm.s32 @!p1 $0x1B6A0  }
0x76d: {  	[tilespmem:v2+s12+$0x0] =	vst.idx.add.f32.msk @!p1 $0xffff, v4  }
0x76e: {  	v5 =	vld.idx.msk [tilespmem:v3+s10+$0x0], $0xffff;
	_ =	sdelay $0x1  }
0x76f: {  	v2 =	vshll.u32 v2, $0x3  }
0x770: {  	v6 =	vor.u32 $0x1, v3;
	_ =	sdelay $0x1  }
0x771: {  	v5 =	vmul.f32 v5, v4;
	_ =	sdelay $0x1  }
0x772: {  	[tilespmem:v2+s31+$0x0] =	vst.idx.add.f32.msk $0xffff, v5  }
0x773: {  	v5 =	vld.idx.msk [tilespmem:v6+s10+$0x0], $0xffff;
	_ =	sdelay $0x1  }
0x774: {  	v18 =	vor.u32 $0x1, v2  }
0x775: {  	v7 =	vor.u32 $0x2, v3;
	_ =	sdelay $0x1  }
0x776: {  	v5 =	vmul.f32 v5, v4;
	_ =	sdelay $0x1  }
0x777: {  	[tilespmem:v18+s31+$0x0] =	vst.idx.add.f32.msk $0xffff, v5  }
0x778: {  	v5 =	vld.idx.msk [tilespmem:v7+s10+$0x0], $0xffff;
	_ =	sdelay $0x1  }
0x779: {  	v19 =	vor.u32 $0x2, v2  }
0x77a: {  	v20 =	vor.u32 $0x3, v3;
	_ =	sdelay $0x1  }
0x77b: {  	v5 =	vmul.f32 v5, v4;
	_ =	sdelay $0x1  }
0x77c: {  	[tilespmem:v19+s31+$0x0] =	vst.idx.add.f32.msk $0xffff, v5  }
0x77d: {  	v5 =	vld.idx.msk [tilespmem:v20+s10+$0x0], $0xffff;
	_ =	sdelay $0x1  }
0x77e: {  	v21 =	vor.u32 $0x3, v2  }
0x77f: {  	v22 =	vor.u32 $0x4, v3;
	_ =	sdelay $0x1  }
0x780: {  	v5 =	vmul.f32 v5, v4;
	_ =	sdelay $0x1  }
0x781: {  	[tilespmem:v21+s31+$0x0] =	vst.idx.add.f32.msk $0xffff, v5  }
0x782: {  	v5 =	vld.idx.msk [tilespmem:v22+s10+$0x0], $0xffff;
	_ =	sdelay $0x1  }
0x783: {  	v23 =	vor.u32 $0x4, v2  }
0x784: {  	v24 =	vor.u32 $0x5, v3;
	_ =	sdelay $0x1  }
0x785: {  	v5 =	vmul.f32 v5, v4;
	_ =	sdelay $0x1  }
0x786: {  	[tilespmem:v23+s31+$0x0] =	vst.idx.add.f32.msk $0xffff, v5  }
0x787: {  	v5 =	vld.idx.msk [tilespmem:v24+s10+$0x0], $0xffff;
	_ =	sdelay $0x1  }
0x788: {  	v25 =	vor.u32 $0x5, v2  }
0x789: {  	v26 =	vor.u32 $0x6, v3;
	_ =	sdelay $0x1  }
0x78a: {  	v5 =	vmul.f32 v5, v4;
	_ =	sdelay $0x1  }
0x78b: {  	[tilespmem:v25+s31+$0x0] =	vst.idx.add.f32.msk $0xffff, v5  }
0x78c: {  	v5 =	vld.idx.msk [tilespmem:v26+s10+$0x0], $0xffff;
	_ =	sdelay $0x1  }
0x78d: {  	v27 =	vor.u32 $0x6, v2  }
0x78e: {  	v3 =	vor.u32 $0x7, v3;
	_ =	sdelay $0x1  }
0x78f: {  	v5 =	vmul.f32 v5, v4;
	_ =	sdelay $0x1  }
0x790: {  	[tilespmem:v27+s31+$0x0] =	vst.idx.add.f32.msk $0xffff, v5  }
0x791: {  	v3 =	vld.idx.msk [tilespmem:v3+s10+$0x0], $0xffff;
	_ =	sdelay $0x1  }
0x792: {  	v2 =	vor.u32 $0x7, v2;
	_ =	sdelay $0x2  }
0x793: {  	v3 =	vmul.f32 v3, v4;
	_ =	sdelay $0x1  }
0x794: {  	[tilespmem:v2+s31+$0x0] =	vst.idx.add.f32.msk $0xffff, v3  }
0x795: {  	v2 =	vld [tilespmem:s7+$0xFFFFFFE0]  }
0x796: {  	s1 =	sadd.s32 $0x10, s25  }
0x797: {  	v3 =	vmov s1  }
0x798: {  	v4 =	vld [tilespmem:s16+$0xFFFFFFE0];
	v3 =	vshll.u32 v3, $0x3  }
0x799: {  	v3 =	vor.u32 v0, v3;
	_ =	sdelay $0x3  }
0x79a: {  	[tilespmem:v2+s12+$0x0] =	vst.idx.add.f32.msk @!p1 $0xffff, v4  }
0x79b: {  	v5 =	vld.idx.msk [tilespmem:v3+s10+$0x0], $0xffff;
	_ =	sdelay $0x1  }
0x79c: {  	v2 =	vshll.u32 v2, $0x3  }
0x79d: {  	v28 =	vor.u32 $0x1, v3;
	_ =	sdelay $0x1  }
0x79e: {  	v5 =	vmul.f32 v5, v4;
	_ =	sdelay $0x1  }
0x79f: {  	[tilespmem:v2+s31+$0x0] =	vst.idx.add.f32.msk $0xffff, v5  }
0x7a0: {  	v5 =	vld.idx.msk [tilespmem:v28+s10+$0x0], $0xffff;
	_ =	sdelay $0x1  }
0x7a1: {  	v29 =	vor.u32 $0x1, v2  }
0x7a2: {  	v30 =	vor.u32 $0x2, v3;
	_ =	sdelay $0x1  }
0x7a3: {  	v5 =	vmul.f32 v5, v4;
	_ =	sdelay $0x1  }
0x7a4: {  	[tilespmem:v29+s31+$0x0] =	vst.idx.add.f32.msk $0xffff, v5  }
0x7a5: {  	v5 =	vld.idx.msk [tilespmem:v30+s10+$0x0], $0xffff;
	_ =	sdelay $0x1  }
0x7a6: {  	v31 =	vor.u32 $0x2, v2  }
0x7a7: {  	v32 =	vor.u32 $0x3, v3;
	_ =	sdelay $0x1  }
0x7a8: {  	v5 =	vmul.f32 v5, v4;
	_ =	sdelay $0x1  }
0x7a9: {  	[tilespmem:v31+s31+$0x0] =	vst.idx.add.f32.msk $0xffff, v5  }
0x7aa: {  	v5 =	vld.idx.msk [tilespmem:v32+s10+$0x0], $0xffff;
	_ =	sdelay $0x1  }
0x7ab: {  	v33 =	vor.u32 $0x3, v2  }
0x7ac: {  	v34 =	vor.u32 $0x4, v3;
	_ =	sdelay $0x1  }
0x7ad: {  	v5 =	vmul.f32 v5, v4;
	_ =	sdelay $0x1  }
0x7ae: {  	[tilespmem:v33+s31+$0x0] =	vst.idx.add.f32.msk $0xffff, v5  }
0x7af: {  	v5 =	vld.idx.msk [tilespmem:v34+s10+$0x0], $0xffff;
	_ =	sdelay $0x1  }
0x7b0: {  	v35 =	vor.u32 $0x4, v2  }
0x7b1: {  	v36 =	vor.u32 $0x5, v3;
	_ =	sdelay $0x1  }
0x7b2: {  	v5 =	vmul.f32 v5, v4;
	_ =	sdelay $0x1  }
0x7b3: {  	[tilespmem:v35+s31+$0x0] =	vst.idx.add.f32.msk $0xffff, v5  }
0x7b4: {  	v5 =	vld.idx.msk [tilespmem:v36+s10+$0x0], $0xffff;
	_ =	sdelay $0x1  }
0x7b5: {  	v37 =	vor.u32 $0x5, v2  }
0x7b6: {  	v38 =	vor.u32 $0x6, v3;
	_ =	sdelay $0x1  }
0x7b7: {  	v5 =	vmul.f32 v5, v4;
	_ =	sdelay $0x1  }
0x7b8: {  	[tilespmem:v37+s31+$0x0] =	vst.idx.add.f32.msk $0xffff, v5  }
0x7b9: {  	v5 =	vld.idx.msk [tilespmem:v38+s10+$0x0], $0xffff;
	_ =	sdelay $0x1  }
0x7ba: {  	v39 =	vor.u32 $0x6, v2  }
0x7bb: {  	v3 =	vor.u32 $0x7, v3;
	_ =	sdelay $0x1  }
0x7bc: {  	v5 =	vmul.f32 v5, v4;
	_ =	sdelay $0x1  }
0x7bd: {  	[tilespmem:v39+s31+$0x0] =	vst.idx.add.f32.msk $0xffff, v5  }
0x7be: {  	v3 =	vld.idx.msk [tilespmem:v3+s10+$0x0], $0xffff;
	_ =	sdelay $0x1  }
0x7bf: {  	v2 =	vor.u32 $0x7, v2;
	_ =	sdelay $0x2  }
0x7c0: {  	v3 =	vmul.f32 v3, v4;
	_ =	sdelay $0x1  }
0x7c1: {  	[tilespmem:v2+s31+$0x0] =	vst.idx.add.f32.msk $0xffff, v3  }
0x7c2: {  	v2 =	vld [tilespmem:s7+$0xFFFFFFF0]  }
0x7c3: {  	s2 =	sadd.s32 $0x20, s25  }
0x7c4: {  	v3 =	vmov s2  }
0x7c5: {  	v4 =	vld [tilespmem:s16+$0xFFFFFFF0];
	v3 =	vshll.u32 v3, $0x3  }
0x7c6: {  	v3 =	vor.u32 v0, v3;
	_ =	sdelay $0x3  }
0x7c7: {  	[tilespmem:v2+s12+$0x0] =	vst.idx.add.f32.msk @!p1 $0xffff, v4  }
0x7c8: {  	v5 =	vld.idx.msk [tilespmem:v3+s10+$0x0], $0xffff;
	_ =	sdelay $0x1  }
0x7c9: {  	v2 =	vshll.u32 v2, $0x3  }
0x7ca: {  	v40 =	vor.u32 $0x1, v3;
	_ =	sdelay $0x1  }
0x7cb: {  	v5 =	vmul.f32 v5, v4;
	_ =	sdelay $0x1  }
0x7cc: {  	[tilespmem:v2+s31+$0x0] =	vst.idx.add.f32.msk $0xffff, v5  }
0x7cd: {  	v5 =	vld.idx.msk [tilespmem:v40+s10+$0x0], $0xffff;
	_ =	sdelay $0x1  }
0x7ce: {  	v41 =	vor.u32 $0x1, v2  }
0x7cf: {  	v42 =	vor.u32 $0x2, v3;
	_ =	sdelay $0x1  }
0x7d0: {  	v5 =	vmul.f32 v5, v4;
	_ =	sdelay $0x1  }
0x7d1: {  	[tilespmem:v41+s31+$0x0] =	vst.idx.add.f32.msk $0xffff, v5  }
0x7d2: {  	v5 =	vld.idx.msk [tilespmem:v42+s10+$0x0], $0xffff;
	_ =	sdelay $0x1  }
0x7d3: {  	v43 =	vor.u32 $0x2, v2  }
0x7d4: {  	v44 =	vor.u32 $0x3, v3;
	_ =	sdelay $0x1  }
0x7d5: {  	v5 =	vmul.f32 v5, v4;
	_ =	sdelay $0x1  }
0x7d6: {  	[tilespmem:v43+s31+$0x0] =	vst.idx.add.f32.msk $0xffff, v5  }
0x7d7: {  	v5 =	vld.idx.msk [tilespmem:v44+s10+$0x0], $0xffff;
	_ =	sdelay $0x1  }
0x7d8: {  	v45 =	vor.u32 $0x3, v2  }
0x7d9: {  	v46 =	vor.u32 $0x4, v3;
	_ =	sdelay $0x1  }
0x7da: {  	v5 =	vmul.f32 v5, v4;
	_ =	sdelay $0x1  }
0x7db: {  	[tilespmem:v45+s31+$0x0] =	vst.idx.add.f32.msk $0xffff, v5  }
0x7dc: {  	v5 =	vld.idx.msk [tilespmem:v46+s10+$0x0], $0xffff;
	_ =	sdelay $0x1  }
0x7dd: {  	v47 =	vor.u32 $0x4, v2  }
0x7de: {  	v48 =	vor.u32 $0x5, v3;
	_ =	sdelay $0x1  }
0x7df: {  	v5 =	vmul.f32 v5, v4;
	_ =	sdelay $0x1  }
0x7e0: {  	[tilespmem:v47+s31+$0x0] =	vst.idx.add.f32.msk $0xffff, v5  }
0x7e1: {  	v5 =	vld.idx.msk [tilespmem:v48+s10+$0x0], $0xffff;
	_ =	sdelay $0x1  }
0x7e2: {  	v49 =	vor.u32 $0x5, v2  }
0x7e3: {  	v50 =	vor.u32 $0x6, v3;
	_ =	sdelay $0x1  }
0x7e4: {  	v5 =	vmul.f32 v5, v4;
	_ =	sdelay $0x1  }
0x7e5: {  	[tilespmem:v49+s31+$0x0] =	vst.idx.add.f32.msk $0xffff, v5  }
0x7e6: {  	v5 =	vld.idx.msk [tilespmem:v50+s10+$0x0], $0xffff;
	_ =	sdelay $0x1  }
0x7e7: {  	v51 =	vor.u32 $0x6, v2  }
0x7e8: {  	v3 =	vor.u32 $0x7, v3;
	_ =	sdelay $0x1  }
0x7e9: {  	v5 =	vmul.f32 v5, v4;
	_ =	sdelay $0x1  }
0x7ea: {  	[tilespmem:v51+s31+$0x0] =	vst.idx.add.f32.msk $0xffff, v5  }
0x7eb: {  	v3 =	vld.idx.msk [tilespmem:v3+s10+$0x0], $0xffff;
	_ =	sdelay $0x1  }
0x7ec: {  	v2 =	vor.u32 $0x7, v2;
	_ =	sdelay $0x2  }
0x7ed: {  	v3 =	vmul.f32 v3, v4;
	_ =	sdelay $0x1  }
0x7ee: {  	[tilespmem:v2+s31+$0x0] =	vst.idx.add.f32.msk $0xffff, v3  }
0x7ef: {  	v2 =	vld [tilespmem:s7+$0x0]  }
0x7f0: {  	s24 =	sadd.s32 $0x30, s25  }
0x7f1: {  	v3 =	vmov s24  }
0x7f2: {  	v4 =	vld [tilespmem:s16+$0x0];
	v3 =	vshll.u32 v3, $0x3  }
0x7f3: {  	v3 =	vor.u32 v0, v3;
	_ =	sdelay $0x3  }
0x7f4: {  	[tilespmem:v2+s12+$0x0] =	vst.idx.add.f32.msk @!p1 $0xffff, v4  }
0x7f5: {  	v5 =	vld.idx.msk [tilespmem:v3+s10+$0x0], $0xffff;
	_ =	sdelay $0x1  }
0x7f6: {  	v2 =	vshll.u32 v2, $0x3  }
0x7f7: {  	v52 =	vor.u32 $0x1, v3;
	_ =	sdelay $0x1  }
0x7f8: {  	v5 =	vmul.f32 v5, v4;
	_ =	sdelay $0x1  }
0x7f9: {  	[tilespmem:v2+s31+$0x0] =	vst.idx.add.f32.msk $0xffff, v5  }
0x7fa: {  	v5 =	vld.idx.msk [tilespmem:v52+s10+$0x0], $0xffff;
	_ =	sdelay $0x1  }
0x7fb: {  	v53 =	vor.u32 $0x1, v2  }
0x7fc: {  	v54 =	vor.u32 $0x2, v3;
	_ =	sdelay $0x1  }
0x7fd: {  	v5 =	vmul.f32 v5, v4;
	_ =	sdelay $0x1  }
0x7fe: {  	[tilespmem:v53+s31+$0x0] =	vst.idx.add.f32.msk $0xffff, v5  }
0x7ff: {  	v5 =	vld.idx.msk [tilespmem:v54+s10+$0x0], $0xffff;
	_ =	sdelay $0x1  }
0x800: {  	v55 =	vor.u32 $0x2, v2  }
0x801: {  	v56 =	vor.u32 $0x3, v3;
	_ =	sdelay $0x1  }
0x802: {  	v5 =	vmul.f32 v5, v4;
	_ =	sdelay $0x1  }
0x803: {  	[tilespmem:v55+s31+$0x0] =	vst.idx.add.f32.msk $0xffff, v5  }
0x804: {  	v5 =	vld.idx.msk [tilespmem:v56+s10+$0x0], $0xffff;
	_ =	sdelay $0x1  }
0x805: {  	v57 =	vor.u32 $0x3, v2  }
0x806: {  	v58 =	vor.u32 $0x4, v3;
	_ =	sdelay $0x1  }
0x807: {  	v5 =	vmul.f32 v5, v4;
	_ =	sdelay $0x1  }
0x808: {  	[tilespmem:v57+s31+$0x0] =	vst.idx.add.f32.msk $0xffff, v5  }
0x809: {  	v5 =	vld.idx.msk [tilespmem:v58+s10+$0x0], $0xffff;
	_ =	sdelay $0x1  }
0x80a: {  	v59 =	vor.u32 $0x4, v2  }
0x80b: {  	v60 =	vor.u32 $0x5, v3;
	_ =	sdelay $0x1  }
0x80c: {  	v5 =	vmul.f32 v5, v4;
	_ =	sdelay $0x1  }
0x80d: {  	[tilespmem:v59+s31+$0x0] =	vst.idx.add.f32.msk $0xffff, v5  }
0x80e: {  	v5 =	vld.idx.msk [tilespmem:v60+s10+$0x0], $0xffff;
	_ =	sdelay $0x1  }
0x80f: {  	v61 =	vor.u32 $0x5, v2  }
0x810: {  	v62 =	vor.u32 $0x6, v3;
	_ =	sdelay $0x1  }
0x811: {  	v5 =	vmul.f32 v5, v4;
	_ =	sdelay $0x1  }
0x812: {  	[tilespmem:v61+s31+$0x0] =	vst.idx.add.f32.msk $0xffff, v5  }
0x813: {  	v5 =	vld.idx.msk [tilespmem:v62+s10+$0x0], $0xffff;
	_ =	sdelay $0x1  }
0x814: {  	v63 =	vor.u32 $0x6, v2  }
0x815: {  	v3 =	vor.u32 $0x7, v3;
	_ =	sdelay $0x1  }
0x816: {  	v5 =	vmul.f32 v5, v4;
	_ =	sdelay $0x1  }
0x817: {  	[tilespmem:v63+s31+$0x0] =	vst.idx.add.f32.msk $0xffff, v5  }
0x818: {  	v3 =	vld.idx.msk [tilespmem:v3+s10+$0x0], $0xffff  }
0x819: {  	s25 =	sadd.s32 $0x40, s25  }
0x81a: {  	p3 =	sne.s32 s25, $0x100;
	v2 =	vor.u32 $0x7, v2  }
.Ltmp38:
0x81b: {  	_ = 	snop;
	(pc) =	sbr.rel @p3 .LBB2_35-.Ltmp38, $3  }
0x81c: {  	_ = 	snop  }
0x81d: {  	v3 =	vmul.f32 v3, v4;
	_ =	sdelay $0x1  }
0x81e: {  	s7 =	sadd.s32 $0x40, s7;
	s16 =	sadd.s32 $0x40, s16;
	[tilespmem:v2+s31+$0x0] =	vst.idx.add.f32.msk $0xffff, v3  }
0x81f: {  	s5 =	sadd.s32 $0x1, s5  }
0x820: {  	p3 =	sne.s32 s5, $0x8  }
.Ltmp39:
0x821: {  	_ = 	snop;
	(pc) =	sbr.rel @p3 .LBB2_32-.Ltmp39, $3  }
0x822: {  	_ =	sdelay $0x1  }
0x823: {  	s22 =	sadd.s32 $0x200, s22  }
0x824: {  	s23 =	sadd.s32 $0x200, s23;
	s15 =	sadd.s32 $0x200, s15;
	s26 =	sadd.s32 $0x200, s26  }
0x825: {  	s20 =	sadd.s32 $0x1, s20  }
0x826: {  	p3 =	sne.s32 s20, $0x50  }
.Ltmp40:
0x827: {  	_ = 	snop;
	(pc) =	sbr.rel @p3 .LBB2_31-.Ltmp40, $1  }
0x828: {  	_ =	sdelay $0x3  }
0x829: {  	s1 =	simm.s32 $0x0;
	s2 =	rddreg [dreg:$0xa]  }
0x82a: {  	[hbm4b:s2+s1] =	stream.linear.scatter [tilespmem:s31], [sflag:$0x3], $0x13880, $0x38;
	[tilespmem:$0x1EDC0] =	vst v63  }
.Ltmp41:
0x82b: {  	_ = 	snop;
	(pc) =	sbr.rel @!p2 .LBB2_77-.Ltmp41, $4  }
.Ltmp42:
0x82c: {  	_ = 	snop;
	(pc) =	sbr.rel @p2 .LBB2_76-.Ltmp42, $4  }
0x82d: {  	_ =	swait.ge [sflag:s29], $0x13880  }
0x82e: {  	[sflag:s29] =	ssyncset.done $0x0;
	s2 =	rddreg [dreg:$0xb]  }
0x82f: {  	s7 =	rddreg [dreg:$0x15];
	[sflag:s29] =	ssyncadd.s32 $0xFFFEC780  }
0x830: {  	_ = 	snop  }
.LBB2_78:
0x831: {  	_ =	sfence.sel $0x180000  }
0x832: {  	[bflag:$0x0] =	sbarrier.arrive $0xFFFF  }
0x833: {  	_ =	strace $0x90000047  }
0x834: {  	[bflag:$0x2] =	sbarrier.arrive $0xFFFF  }
0x835: {  	s0 =	rddreg [dreg:$0x2]  }
0x836: {  	s0 =	sadd.s32 @!p1 $0x100000, s0  }
0x837: {  	[sflag:s0] =	ssyncadd.tile.s32 @!p1 $0x1;
	_ =	shalt  }
.Lfunc_end2:
_tile_overlayer_lowered:
.L_overlay_start_2:
0x838: {  	(tag) =	ssettag $0x2  }
0x839: {  	s0 =	rddreg [dreg:$0x0];
	s2 =	stileid.u32  }
0x83a: {  	s1 =	rddreg [dreg:$0x1];
	p0 =	sne.s32 s2, $0x0  }
0x83b: {  	s3 =	rddreg [dreg:$0x2];
	[bflag:$0x3] =	sbarrier.arrive $0xFFFF;
	s2 =	simm.s32 @!p0 $0x1C03  }
0x83c: {  	[timem:s3], [sflag:s2] =	dma.local @!p0 [hbm:s0], s1  }
0x83d: {  	s0 =	simm.s32 @!p0 $0x3  }
0x83e: {  	_ =	swait.ge @!p0 [sflag:s0], s1  }
0x83f: {  	s1 =	ssub.s32 @!p0 $0x0, s1;
	[sflag:s0] =	ssyncset.done @!p0 $0x0  }
0x840: {  	[sflag:s0] =	ssyncadd.s32 @!p0 s1  }
0x841: {  	[bflag:$0x3] =	sbarrier.arrive $0xFFFF  }
0x842: {  	_ =	shalt  }

</sc_bundles>
